<compile_context>
chip_gen: v7x
topology: tpu7x:2x2x1
jax: 0.10.2.dev20260603
libtpu: 0.0.44.dev20260713+nightly
codegen_flags: <defaults>
</compile_context>

<pallas_src>
import jax
import jax.numpy as jnp
from jax import lax
from jax.experimental import pallas as pl
from jax.experimental.pallas import tpu as pltpu
from jax.experimental.pallas import tpu_sc as plsc

B = 16384
D = 32
H1 = 256
H2 = 64
V = 1000001

_NC = 2
_NS = 16
_NW = _NC * _NS
_BPW = B // _NW
_CH = 128
_NCH = _BPW // _CH

_VBLK = 32768
_PBLK = _VBLK // 4
_NBLK = (V + _VBLK - 1) // _VBLK
_PROWS = _NBLK * _PBLK


def _pack_body(t_ref, p_ref):
    p_ref[...] = jnp.concatenate(
        [jnp.transpose(
            t_ref[:, j * _PBLK:(j + 1) * _PBLK].astype(jnp.bfloat16)
         ).astype(jnp.float32)
         for j in range(4)], axis=1)


def _pack_table(tabT):
    return pl.pallas_call(
        _pack_body,
        grid=(_NBLK,),
        in_specs=[pl.BlockSpec((D, _VBLK), lambda i: (0, i))],
        out_specs=pl.BlockSpec((_PBLK, 4 * D), lambda i: (i, 0)),
        out_shape=jax.ShapeDtypeStruct((_PROWS, 4 * D), jnp.float32),
    )(tabT)


def _gather_body(id_ref, pk_ref, out_ref,
                 idx_v, pr_v, ja_v, slot_a, slot_b, slot_c, slot_d,
                 xbuf_v, sem):
    wid = lax.axis_index("s") * _NC + lax.axis_index("c")
    base = wid * _BPW
    pltpu.sync_copy(id_ref.at[pl.ds(base, _BPW)], idx_v)

    for g in range(_BPW // 16):
        rv = idx_v[pl.ds(16 * g, 16)]
        pr_v[pl.ds(16 * g, 16)] = ((rv >> 15) << 13) | (rv & 8191)
        ja_v[pl.ds(16 * g, 16)] = ((rv >> 13) & 3) * D

    slots = (slot_a, slot_b, slot_c, slot_d)
    nbuf = len(slots)

    def fire(ch, slot):
        return pltpu.async_copy(
            pk_ref.at[pr_v.at[pl.ds(ch * _CH, _CH)]], slot, sem)

    def extract(ch, slot):
        def per_f(f, _):
            for g2 in range(_CH // 16):
                e_vec = lax.iota(jnp.int32, 16) + (16 * g2)
                ja = ja_v[pl.ds(ch * _CH + 16 * g2, 16)]
                vals = plsc.load_gather(slot, [e_vec, ja + f])
                xbuf_v[f, pl.ds(ch * _CH + 16 * g2, 16)] = vals
            return 0

        lax.fori_loop(0, D, per_f, 0)

    copies = {ch: fire(ch, slots[ch]) for ch in range(min(nbuf, _NCH))}
    for ch in range(_NCH):
        copies[ch].wait()
        extract(ch, slots[ch % nbuf])
        if ch + nbuf < _NCH:
            copies[ch + nbuf] = fire(ch + nbuf, slots[ch % nbuf])

    pltpu.sync_copy(xbuf_v, out_ref.at[:, pl.ds(base, _BPW)])


def _sc_gather(ids, pk):
    mesh = plsc.VectorSubcoreMesh(core_axis_name="c", subcore_axis_name="s")
    f = pl.kernel(
        _gather_body,
        mesh=mesh,
        compiler_params=pltpu.CompilerParams(needs_layout_passes=False),
        out_type=jax.ShapeDtypeStruct((D, B), jnp.float32),
        scratch_types=[
            pltpu.VMEM((_BPW,), jnp.int32),
            pltpu.VMEM((_BPW,), jnp.int32),
            pltpu.VMEM((_BPW,), jnp.int32),
            pltpu.VMEM((_CH, 4 * D), jnp.float32),
            pltpu.VMEM((_CH, 4 * D), jnp.float32),
            pltpu.VMEM((_CH, 4 * D), jnp.float32),
            pltpu.VMEM((_CH, 4 * D), jnp.float32),
            pltpu.VMEM((D, _BPW), jnp.float32),
            pltpu.SemaphoreType.DMA,
        ],
    )
    return f(ids, pk)


_BN = 2048


def _mlp_body(xu_ref, xi_ref, w1ut_ref, w1it_ref, b1_ref, w2t_ref, b2_ref,
              w3t_ref, b3_ref, o_ref):
    h = jnp.dot(w1ut_ref[...], xu_ref[...],
                preferred_element_type=jnp.float32)
    h = h + jnp.dot(w1it_ref[...], xi_ref[...],
                    preferred_element_type=jnp.float32)
    h = jnp.maximum(h + b1_ref[...], 0.0)
    h = jnp.dot(w2t_ref[...], h, preferred_element_type=jnp.float32)
    h = jnp.maximum(h + b2_ref[...], 0.0)
    o_ref[...] = jnp.dot(w3t_ref[...], h,
                         preferred_element_type=jnp.float32) + b3_ref[...]


def _tc_mlp(xu, xi, W1ut, W1it, b1c, W2t, b2c, W3t, b3c):
    return pl.pallas_call(
        _mlp_body,
        grid=(B // _BN,),
        in_specs=[
            pl.BlockSpec((D, _BN), lambda i: (0, i)),
            pl.BlockSpec((D, _BN), lambda i: (0, i)),
            pl.BlockSpec((H1, D), lambda i: (0, 0)),
            pl.BlockSpec((H1, D), lambda i: (0, 0)),
            pl.BlockSpec((H1, 1), lambda i: (0, 0)),
            pl.BlockSpec((H2, H1), lambda i: (0, 0)),
            pl.BlockSpec((H2, 1), lambda i: (0, 0)),
            pl.BlockSpec((1, H2), lambda i: (0, 0)),
            pl.BlockSpec((1, 1), lambda i: (0, 0)),
        ],
        out_specs=pl.BlockSpec((1, _BN), lambda i: (0, i)),
        out_shape=jax.ShapeDtypeStruct((1, B), jnp.float32),
    )(xu, xi, W1ut, W1it, b1c, W2t, b2c, W3t, b3c)


def kernel(user_id, item_name, user_table, item_table, W1, b1, W2, b2, W3, b3):
    upk = _pack_table(user_table.T)
    ipk = _pack_table(item_table.T)
    xu = _sc_gather(user_id, upk)
    xi = _sc_gather(item_name, ipk)
    out_row = _tc_mlp(xu, xi, W1[:D].T, W1[D:].T, b1.reshape(H1, 1),
                      W2.T, b2.reshape(H2, 1), W3.reshape(1, H2),
                      b3.reshape(1, 1))
    return out_row.reshape(B, 1)

# --- scband reference (transcript-rebuilt; emitter-appended) ---
"""Pipeline reference for scband-ranking-model-54571854463565 (READ-ONLY COPY).

The authoritative reference and input builder live on the scoring server;
editing this copy changes nothing except your own understanding.
"""

import jax, jax.numpy as jnp
import numpy as np

B = 16384
VOCAB_USERS = 1000001  # len(unique_user_ids) + 1 (StringLookup OOV slot)
VOCAB_ITEMS = 1000001  # len(unique_item_names) + 1
D = 32


def setup_inputs(seed: int = 0) -> dict:
    key = jax.random.key(seed)
    ks = jax.random.split(key, 12)
    user_id = jax.random.randint(ks[0], (B,), 0, VOCAB_USERS, dtype=jnp.int32)
    item_name = jax.random.randint(ks[1], (B,), 0, VOCAB_ITEMS, dtype=jnp.int32)
    user_table = jax.random.normal(ks[2], (VOCAB_USERS, D), dtype=jnp.float32) * 0.05
    item_table = jax.random.normal(ks[3], (VOCAB_ITEMS, D), dtype=jnp.float32) * 0.05
    W1 = jax.random.normal(ks[4], (2 * D, 256), dtype=jnp.float32) * (1.0 / np.sqrt(2 * D))
    b1 = jnp.zeros((256,), dtype=jnp.float32)
    W2 = jax.random.normal(ks[5], (256, 64), dtype=jnp.float32) * (1.0 / np.sqrt(256))
    b2 = jnp.zeros((64,), dtype=jnp.float32)
    W3 = jax.random.normal(ks[6], (64, 1), dtype=jnp.float32) * (1.0 / np.sqrt(64))
    b3 = jnp.zeros((1,), dtype=jnp.float32)
    return {
        "user_id": user_id,
        "item_name": item_name,
        "user_table": user_table,
        "item_table": item_table,
        "W1": W1, "b1": b1,
        "W2": W2, "b2": b2,
        "W3": W3, "b3": b3,
    }


def reference(user_id, item_name, user_table, item_table, W1, b1, W2, b2, W3, b3):
    # Embedding lookups (StringLookup is precomputed: ids are already integer indices)
    user_embedding = jnp.take(user_table, user_id, axis=0)  # [B, D]
    item_embedding = jnp.take(item_table, item_name, axis=0)  # [B, D]
    h = jnp.concatenate([user_embedding, item_embedding], axis=1)  # [B, 2D]
    h = jax.nn.relu(h @ W1 + b1)
    h = jax.nn.relu(h @ W2 + b2)
    out = h @ W3 + b3  # [B, 1]
    return out

if __name__ == "__main__":
    import jax
    _d = setup_inputs()
    print(jax.jit(kernel)(*tuple(_d.values())))

</pallas_src>

<mosaic_0001>
#map = affine_map<(d0, d1) -> (0)>
#map1 = affine_map<(d0, d1) -> (0, 0)>
module attributes {stable_mosaic.version = 14 : i64} {
  func.func @_gather_body(%arg0: i32, %arg1: i32, %arg2: memref<16384xi32, #tpu.memory_space<hbm>>, %arg3: memref<253952x128xf32, #tpu.memory_space<hbm>>, %arg4: memref<32x16384xf32, #tpu.memory_space<hbm>>, %arg5: memref<512xi32, #tpu.memory_space<vmem>>, %arg6: memref<512xi32, #tpu.memory_space<vmem>>, %arg7: memref<512xi32, #tpu.memory_space<vmem>>, %arg8: memref<128x128xf32, #tpu.memory_space<vmem>>, %arg9: memref<128x128xf32, #tpu.memory_space<vmem>>, %arg10: memref<128x128xf32, #tpu.memory_space<vmem>>, %arg11: memref<128x128xf32, #tpu.memory_space<vmem>>, %arg12: memref<32x512xf32, #tpu.memory_space<vmem>>, %arg13: memref<!tpu.dma_semaphore, #tpu.memory_space<semaphore_mem>>) attributes {dimension_semantics = [#tpu.dimension_semantics<core_parallel>, #tpu.dimension_semantics<subcore_parallel>], iteration_bounds = array<i64: 2, 16>, scalar_prefetch = 0 : i64, scratch_operands = 9 : i64, tpu.core_type = #tpu.core_type<sc_vector_subcore>, window_params = [{transform_indices = #map}, {transform_indices = #map1}, {transform_indices = #map1}]} {
    %mul3A = arith.constant 2 : i32
    %mul3A_0 = arith.muli %arg1, %mul3A : i32
    %add3A = arith.addi %mul3A_0, %arg0 : i32
    %mul3A_1 = arith.constant 512 : i32
    %mul3A_2 = arith.muli %add3A, %mul3A_1 : i32
    "tpu.region"() ({
      %run_scoped3A = tpu.sem_alloc : memref<!tpu.dma_semaphore, #tpu.memory_space<semaphore_mem>>
      %dma_start3A_862 = tpu.memref_slice %arg2[%mul3A_2] : memref<16384xi32, #tpu.memory_space<hbm>> -> memref<512xi32, #tpu.memory_space<hbm>>
      %dma_start3A_863 = tpu.memref_slice %arg2[%mul3A_2] : memref<16384xi32, #tpu.memory_space<hbm>> -> memref<512xi32, #tpu.memory_space<hbm>>
      tpu.enqueue_dma source(%dma_start3A_863 : memref<512xi32, #tpu.memory_space<hbm>>) target(%arg5 : memref<512xi32, #tpu.memory_space<vmem>>) target_semaphore(%run_scoped3A : memref<!tpu.dma_semaphore, #tpu.memory_space<semaphore_mem>>)
      %dma_wait3A_864 = tpu.memref_slice %arg2[%mul3A_2] : memref<16384xi32, #tpu.memory_space<hbm>> -> memref<512xi32, #tpu.memory_space<hbm>>
      %dma_wait3A_865 = tpu.memref_slice %arg2[%mul3A_2] : memref<16384xi32, #tpu.memory_space<hbm>> -> memref<512xi32, #tpu.memory_space<hbm>>
      tpu.wait_dma2 semaphore(%run_scoped3A : memref<!tpu.dma_semaphore, #tpu.memory_space<semaphore_mem>>) src(%dma_wait3A_865 : memref<512xi32, #tpu.memory_space<hbm>>) dst(%arg5 : memref<512xi32, #tpu.memory_space<vmem>>)
      tpu.yield
    }) : () -> ()
    %get3A = arith.constant 0 : index
    %get3A_3 = tpu.vector_load %arg5[%get3A] {strides = array<i32>} : memref<512xi32, #tpu.memory_space<vmem>>, vector<16xi32>,
    %shift_right_arithmetic3A = arith.constant 15 : i32
    %shift_right_arithmetic3A_4 = vector.broadcast %shift_right_arithmetic3A : i32 to vector<16xi32>
    %shift_right_arithmetic3A_5 = arith.shrsi %get3A_3, %shift_right_arithmetic3A_4 : vector<16xi32>
    %shift_left3A = arith.constant 13 : i32
    %shift_left3A_6 = vector.broadcast %shift_left3A : i32 to vector<16xi32>
    %shift_left3A_7 = arith.shli %shift_right_arithmetic3A_5, %shift_left3A_6 : vector<16xi32>
    %and3A = arith.constant 8191 : i32
    %and3A_8 = vector.broadcast %and3A : i32 to vector<16xi32>
    %and3A_9 = arith.andi %get3A_3, %and3A_8 : vector<16xi32>
    %or3A = arith.ori %shift_left3A_7, %and3A_9 : vector<16xi32>
    %swap3A = arith.constant 0 : index
    %swap3A_10 = tpu.vector_load %arg6[%swap3A] {strides = array<i32>} : memref<512xi32, #tpu.memory_space<vmem>>, vector<16xi32>,
    tpu.vector_store %arg6[%swap3A], %or3A {strides = array<i32>} : memref<512xi32, #tpu.memory_space<vmem>>, vector<16xi32>,
    %shift_right_arithmetic3A_11 = arith.constant 13 : i32
    %shift_right_arithmetic3A_12 = vector.broadcast %shift_right_arithmetic3A_11 : i32 to vector<16xi32>
    %shift_right_arithmetic3A_13 = arith.shrsi %get3A_3, %shift_right_arithmetic3A_12 : vector<16xi32>
    %and3A_14 = arith.constant 3 : i32
    %and3A_15 = vector.broadcast %and3A_14 : i32 to vector<16xi32>
    %and3A_16 = arith.andi %shift_right_arithmetic3A_13, %and3A_15 : vector<16xi32>
    %mul3A_17 = arith.constant 32 : i32
    %mul3A_18 = vector.broadcast %mul3A_17 : i32 to vector<16xi32>
    %mul3A_19 = arith.muli %and3A_16, %mul3A_18 : vector<16xi32>
    %swap3A_20 = arith.constant 0 : index
    %swap3A_21 = tpu.vector_load %arg7[%swap3A_20] {strides = array<i32>} : memref<512xi32, #tpu.memory_space<vmem>>, vector<16xi32>,
    tpu.vector_store %arg7[%swap3A_20], %mul3A_19 {strides = array<i32>} : memref<512xi32, #tpu.memory_space<vmem>>, vector<16xi32>,
    %get3A_22 = arith.constant 16 : index
    %get3A_23 = tpu.vector_load %arg5[%get3A_22] {strides = array<i32>} : memref<512xi32, #tpu.memory_space<vmem>>, vector<16xi32>,
    %shift_right_arithmetic3A_24 = arith.constant 15 : i32
    %shift_right_arithmetic3A_25 = vector.broadcast %shift_right_arithmetic3A_24 : i32 to vector<16xi32>
    %shift_right_arithmetic3A_26 = arith.shrsi %get3A_23, %shift_right_arithmetic3A_25 : vector<16xi32>
    %shift_left3A_27 = arith.constant 13 : i32
    %shift_left3A_28 = vector.broadcast %shift_left3A_27 : i32 to vector<16xi32>
    %shift_left3A_29 = arith.shli %shift_right_arithmetic3A_26, %shift_left3A_28 : vector<16xi32>
    %and3A_30 = arith.constant 8191 : i32
    %and3A_31 = vector.broadcast %and3A_30 : i32 to vector<16xi32>
    %and3A_32 = arith.andi %get3A_23, %and3A_31 : vector<16xi32>
    %or3A_33 = arith.ori %shift_left3A_29, %and3A_32 : vector<16xi32>
    %swap3A_34 = arith.constant 16 : index
    %swap3A_35 = tpu.vector_load %arg6[%swap3A_34] {strides = array<i32>} : memref<512xi32, #tpu.memory_space<vmem>>, vector<16xi32>,
    tpu.vector_store %arg6[%swap3A_34], %or3A_33 {strides = array<i32>} : memref<512xi32, #tpu.memory_space<vmem>>, vector<16xi32>,
    %shift_right_arithmetic3A_36 = arith.constant 13 : i32
    %shift_right_arithmetic3A_37 = vector.broadcast %shift_right_arithmetic3A_36 : i32 to vector<16xi32>
    %shift_right_arithmetic3A_38 = arith.shrsi %get3A_23, %shift_right_arithmetic3A_37 : vector<16xi32>
    %and3A_39 = arith.constant 3 : i32
    %and3A_40 = vector.broadcast %and3A_39 : i32 to vector<16xi32>
    %and3A_41 = arith.andi %shift_right_arithmetic3A_38, %and3A_40 : vector<16xi32>
    %mul3A_42 = arith.constant 32 : i32
    %mul3A_43 = vector.broadcast %mul3A_42 : i32 to vector<16xi32>
    %mul3A_44 = arith.muli %and3A_41, %mul3A_43 : vector<16xi32>
    %swap3A_45 = arith.constant 16 : index
    %swap3A_46 = tpu.vector_load %arg7[%swap3A_45] {strides = array<i32>} : memref<512xi32, #tpu.memory_space<vmem>>, vector<16xi32>,
    tpu.vector_store %arg7[%swap3A_45], %mul3A_44 {strides = array<i32>} : memref<512xi32, #tpu.memory_space<vmem>>, vector<16xi32>,
    %get3A_47 = arith.constant 32 : index
    %get3A_48 = tpu.vector_load %arg5[%get3A_47] {strides = array<i32>} : memref<512xi32, #tpu.memory_space<vmem>>, vector<16xi32>,
    %shift_right_arithmetic3A_49 = arith.constant 15 : i32
    %shift_right_arithmetic3A_50 = vector.broadcast %shift_right_arithmetic3A_49 : i32 to vector<16xi32>
    %shift_right_arithmetic3A_51 = arith.shrsi %get3A_48, %shift_right_arithmetic3A_50 : vector<16xi32>
    %shift_left3A_52 = arith.constant 13 : i32
    %shift_left3A_53 = vector.broadcast %shift_left3A_52 : i32 to vector<16xi32>
    %shift_left3A_54 = arith.shli %shift_right_arithmetic3A_51, %shift_left3A_53 : vector<16xi32>
    %and3A_55 = arith.constant 8191 : i32
    %and3A_56 = vector.broadcast %and3A_55 : i32 to vector<16xi32>
    %and3A_57 = arith.andi %get3A_48, %and3A_56 : vector<16xi32>
    %or3A_58 = arith.ori %shift_left3A_54, %and3A_57 : vector<16xi32>
    %swap3A_59 = arith.constant 32 : index
    %swap3A_60 = tpu.vector_load %arg6[%swap3A_59] {strides = array<i32>} : memref<512xi32, #tpu.memory_space<vmem>>, vector<16xi32>,
    tpu.vector_store %arg6[%swap3A_59], %or3A_58 {strides = array<i32>} : memref<512xi32, #tpu.memory_space<vmem>>, vector<16xi32>,
    %shift_right_arithmetic3A_61 = arith.constant 13 : i32
    %shift_right_arithmetic3A_62 = vector.broadcast %shift_right_arithmetic3A_61 : i32 to vector<16xi32>
    %shift_right_arithmetic3A_63 = arith.shrsi %get3A_48, %shift_right_arithmetic3A_62 : vector<16xi32>
    %and3A_64 = arith.constant 3 : i32
    %and3A_65 = vector.broadcast %and3A_64 : i32 to vector<16xi32>
    %and3A_66 = arith.andi %shift_right_arithmetic3A_63, %and3A_65 : vector<16xi32>
    %mul3A_67 = arith.constant 32 : i32
    %mul3A_68 = vector.broadcast %mul3A_67 : i32 to vector<16xi32>
    %mul3A_69 = arith.muli %and3A_66, %mul3A_68 : vector<16xi32>
    %swap3A_70 = arith.constant 32 : index
    %swap3A_71 = tpu.vector_load %arg7[%swap3A_70] {strides = array<i32>} : memref<512xi32, #tpu.memory_space<vmem>>, vector<16xi32>,
    tpu.vector_store %arg7[%swap3A_70], %mul3A_69 {strides = array<i32>} : memref<512xi32, #tpu.memory_space<vmem>>, vector<16xi32>,
    %get3A_72 = arith.constant 48 : index
    %get3A_73 = tpu.vector_load %arg5[%get3A_72] {strides = array<i32>} : memref<512xi32, #tpu.memory_space<vmem>>, vector<16xi32>,
    %shift_right_arithmetic3A_74 = arith.constant 15 : i32
    %shift_right_arithmetic3A_75 = vector.broadcast %shift_right_arithmetic3A_74 : i32 to vector<16xi32>
    %shift_right_arithmetic3A_76 = arith.shrsi %get3A_73, %shift_right_arithmetic3A_75 : vector<16xi32>
    %shift_left3A_77 = arith.constant 13 : i32
    %shift_left3A_78 = vector.broadcast %shift_left3A_77 : i32 to vector<16xi32>
    %shift_left3A_79 = arith.shli %shift_right_arithmetic3A_76, %shift_left3A_78 : vector<16xi32>
    %and3A_80 = arith.constant 8191 : i32
    %and3A_81 = vector.broadcast %and3A_80 : i32 to vector<16xi32>
    %and3A_82 = arith.andi %get3A_73, %and3A_81 : vector<16xi32>
    %or3A_83 = arith.ori %shift_left3A_79, %and3A_82 : vector<16xi32>
    %swap3A_84 = arith.constant 48 : index
    %swap3A_85 = tpu.vector_load %arg6[%swap3A_84] {strides = array<i32>} : memref<512xi32, #tpu.memory_space<vmem>>, vector<16xi32>,
    tpu.vector_store %arg6[%swap3A_84], %or3A_83 {strides = array<i32>} : memref<512xi32, #tpu.memory_space<vmem>>, vector<16xi32>,
    %shift_right_arithmetic3A_86 = arith.constant 13 : i32
    %shift_right_arithmetic3A_87 = vector.broadcast %shift_right_arithmetic3A_86 : i32 to vector<16xi32>
    %shift_right_arithmetic3A_88 = arith.shrsi %get3A_73, %shift_right_arithmetic3A_87 : vector<16xi32>
    %and3A_89 = arith.constant 3 : i32
    %and3A_90 = vector.broadcast %and3A_89 : i32 to vector<16xi32>
    %and3A_91 = arith.andi %shift_right_arithmetic3A_88, %and3A_90 : vector<16xi32>
    %mul3A_92 = arith.constant 32 : i32
    %mul3A_93 = vector.broadcast %mul3A_92 : i32 to vector<16xi32>
    %mul3A_94 = arith.muli %and3A_91, %mul3A_93 : vector<16xi32>
    %swap3A_95 = arith.constant 48 : index
    %swap3A_96 = tpu.vector_load %arg7[%swap3A_95] {strides = array<i32>} : memref<512xi32, #tpu.memory_space<vmem>>, vector<16xi32>,
    tpu.vector_store %arg7[%swap3A_95], %mul3A_94 {strides = array<i32>} : memref<512xi32, #tpu.memory_space<vmem>>, vector<16xi32>,
    %get3A_97 = arith.constant 64 : index
    %get3A_98 = tpu.vector_load %arg5[%get3A_97] {strides = array<i32>} : memref<512xi32, #tpu.memory_space<vmem>>, vector<16xi32>,
    %shift_right_arithmetic3A_99 = arith.constant 15 : i32
    %shift_right_arithmetic3A_100 = vector.broadcast %shift_right_arithmetic3A_99 : i32 to vector<16xi32>
    %shift_right_arithmetic3A_101 = arith.shrsi %get3A_98, %shift_right_arithmetic3A_100 : vector<16xi32>
    %shift_left3A_102 = arith.constant 13 : i32
    %shift_left3A_103 = vector.broadcast %shift_left3A_102 : i32 to vector<16xi32>
    %shift_left3A_104 = arith.shli %shift_right_arithmetic3A_101, %shift_left3A_103 : vector<16xi32>
    %and3A_105 = arith.constant 8191 : i32
    %and3A_106 = vector.broadcast %and3A_105 : i32 to vector<16xi32>
    %and3A_107 = arith.andi %get3A_98, %and3A_106 : vector<16xi32>
    %or3A_108 = arith.ori %shift_left3A_104, %and3A_107 : vector<16xi32>
    %swap3A_109 = arith.constant 64 : index
    %swap3A_110 = tpu.vector_load %arg6[%swap3A_109] {strides = array<i32>} : memref<512xi32, #tpu.memory_space<vmem>>, vector<16xi32>,
    tpu.vector_store %arg6[%swap3A_109], %or3A_108 {strides = array<i32>} : memref<512xi32, #tpu.memory_space<vmem>>, vector<16xi32>,
    %shift_right_arithmetic3A_111 = arith.constant 13 : i32
    %shift_right_arithmetic3A_112 = vector.broadcast %shift_right_arithmetic3A_111 : i32 to vector<16xi32>
    %shift_right_arithmetic3A_113 = arith.shrsi %get3A_98, %shift_right_arithmetic3A_112 : vector<16xi32>
    %and3A_114 = arith.constant 3 : i32
    %and3A_115 = vector.broadcast %and3A_114 : i32 to vector<16xi32>
    %and3A_116 = arith.andi %shift_right_arithmetic3A_113, %and3A_115 : vector<16xi32>
    %mul3A_117 = arith.constant 32 : i32
    %mul3A_118 = vector.broadcast %mul3A_117 : i32 to vector<16xi32>
    %mul3A_119 = arith.muli %and3A_116, %mul3A_118 : vector<16xi32>
    %swap3A_120 = arith.constant 64 : index
    %swap3A_121 = tpu.vector_load %arg7[%swap3A_120] {strides = array<i32>} : memref<512xi32, #tpu.memory_space<vmem>>, vector<16xi32>,
    tpu.vector_store %arg7[%swap3A_120], %mul3A_119 {strides = array<i32>} : memref<512xi32, #tpu.memory_space<vmem>>, vector<16xi32>,
    %get3A_122 = arith.constant 80 : index
    %get3A_123 = tpu.vector_load %arg5[%get3A_122] {strides = array<i32>} : memref<512xi32, #tpu.memory_space<vmem>>, vector<16xi32>,
    %shift_right_arithmetic3A_124 = arith.constant 15 : i32
    %shift_right_arithmetic3A_125 = vector.broadcast %shift_right_arithmetic3A_124 : i32 to vector<16xi32>
    %shift_right_arithmetic3A_126 = arith.shrsi %get3A_123, %shift_right_arithmetic3A_125 : vector<16xi32>
    %shift_left3A_127 = arith.constant 13 : i32
    %shift_left3A_128 = vector.broadcast %shift_left3A_127 : i32 to vector<16xi32>
    %shift_left3A_129 = arith.shli %shift_right_arithmetic3A_126, %shift_left3A_128 : vector<16xi32>
    %and3A_130 = arith.constant 8191 : i32
    %and3A_131 = vector.broadcast %and3A_130 : i32 to vector<16xi32>
    %and3A_132 = arith.andi %get3A_123, %and3A_131 : vector<16xi32>
    %or3A_133 = arith.ori %shift_left3A_129, %and3A_132 : vector<16xi32>
    %swap3A_134 = arith.constant 80 : index
    %swap3A_135 = tpu.vector_load %arg6[%swap3A_134] {strides = array<i32>} : memref<512xi32, #tpu.memory_space<vmem>>, vector<16xi32>,
    tpu.vector_store %arg6[%swap3A_134], %or3A_133 {strides = array<i32>} : memref<512xi32, #tpu.memory_space<vmem>>, vector<16xi32>,
    %shift_right_arithmetic3A_136 = arith.constant 13 : i32
    %shift_right_arithmetic3A_137 = vector.broadcast %shift_right_arithmetic3A_136 : i32 to vector<16xi32>
    %shift_right_arithmetic3A_138 = arith.shrsi %get3A_123, %shift_right_arithmetic3A_137 : vector<16xi32>
    %and3A_139 = arith.constant 3 : i32
    %and3A_140 = vector.broadcast %and3A_139 : i32 to vector<16xi32>
    %and3A_141 = arith.andi %shift_right_arithmetic3A_138, %and3A_140 : vector<16xi32>
    %mul3A_142 = arith.constant 32 : i32
    %mul3A_143 = vector.broadcast %mul3A_142 : i32 to vector<16xi32>
    %mul3A_144 = arith.muli %and3A_141, %mul3A_143 : vector<16xi32>
    %swap3A_145 = arith.constant 80 : index
    %swap3A_146 = tpu.vector_load %arg7[%swap3A_145] {strides = array<i32>} : memref<512xi32, #tpu.memory_space<vmem>>, vector<16xi32>,
    tpu.vector_store %arg7[%swap3A_145], %mul3A_144 {strides = array<i32>} : memref<512xi32, #tpu.memory_space<vmem>>, vector<16xi32>,
    %get3A_147 = arith.constant 96 : index
    %get3A_148 = tpu.vector_load %arg5[%get3A_147] {strides = array<i32>} : memref<512xi32, #tpu.memory_space<vmem>>, vector<16xi32>,
    %shift_right_arithmetic3A_149 = arith.constant 15 : i32
    %shift_right_arithmetic3A_150 = vector.broadcast %shift_right_arithmetic3A_149 : i32 to vector<16xi32>
    %shift_right_arithmetic3A_151 = arith.shrsi %get3A_148, %shift_right_arithmetic3A_150 : vector<16xi32>
    %shift_left3A_152 = arith.constant 13 : i32
    %shift_left3A_153 = vector.broadcast %shift_left3A_152 : i32 to vector<16xi32>
    %shift_left3A_154 = arith.shli %shift_right_arithmetic3A_151, %shift_left3A_153 : vector<16xi32>
    %and3A_155 = arith.constant 8191 : i32
    %and3A_156 = vector.broadcast %and3A_155 : i32 to vector<16xi32>
    %and3A_157 = arith.andi %get3A_148, %and3A_156 : vector<16xi32>
    %or3A_158 = arith.ori %shift_left3A_154, %and3A_157 : vector<16xi32>
    %swap3A_159 = arith.constant 96 : index
    %swap3A_160 = tpu.vector_load %arg6[%swap3A_159] {strides = array<i32>} : memref<512xi32, #tpu.memory_space<vmem>>, vector<16xi32>,
    tpu.vector_store %arg6[%swap3A_159], %or3A_158 {strides = array<i32>} : memref<512xi32, #tpu.memory_space<vmem>>, vector<16xi32>,
    %shift_right_arithmetic3A_161 = arith.constant 13 : i32
    %shift_right_arithmetic3A_162 = vector.broadcast %shift_right_arithmetic3A_161 : i32 to vector<16xi32>
    %shift_right_arithmetic3A_163 = arith.shrsi %get3A_148, %shift_right_arithmetic3A_162 : vector<16xi32>
    %and3A_164 = arith.constant 3 : i32
    %and3A_165 = vector.broadcast %and3A_164 : i32 to vector<16xi32>
    %and3A_166 = arith.andi %shift_right_arithmetic3A_163, %and3A_165 : vector<16xi32>
    %mul3A_167 = arith.constant 32 : i32
    %mul3A_168 = vector.broadcast %mul3A_167 : i32 to vector<16xi32>
    %mul3A_169 = arith.muli %and3A_166, %mul3A_168 : vector<16xi32>
    %swap3A_170 = arith.constant 96 : index
    %swap3A_171 = tpu.vector_load %arg7[%swap3A_170] {strides = array<i32>} : memref<512xi32, #tpu.memory_space<vmem>>, vector<16xi32>,
    tpu.vector_store %arg7[%swap3A_170], %mul3A_169 {strides = array<i32>} : memref<512xi32, #tpu.memory_space<vmem>>, vector<16xi32>,
    %get3A_172 = arith.constant 112 : index
    %get3A_173 = tpu.vector_load %arg5[%get3A_172] {strides = array<i32>} : memref<512xi32, #tpu.memory_space<vmem>>, vector<16xi32>,
    %shift_right_arithmetic3A_174 = arith.constant 15 : i32
    %shift_right_arithmetic3A_175 = vector.broadcast %shift_right_arithmetic3A_174 : i32 to vector<16xi32>
    %shift_right_arithmetic3A_176 = arith.shrsi %get3A_173, %shift_right_arithmetic3A_175 : vector<16xi32>
    %shift_left3A_177 = arith.constant 13 : i32
    %shift_left3A_178 = vector.broadcast %shift_left3A_177 : i32 to vector<16xi32>
    %shift_left3A_179 = arith.shli %shift_right_arithmetic3A_176, %shift_left3A_178 : vector<16xi32>
    %and3A_180 = arith.constant 8191 : i32
    %and3A_181 = vector.broadcast %and3A_180 : i32 to vector<16xi32>
    %and3A_182 = arith.andi %get3A_173, %and3A_181 : vector<16xi32>
    %or3A_183 = arith.ori %shift_left3A_179, %and3A_182 : vector<16xi32>
    %swap3A_184 = arith.constant 112 : index
    %swap3A_185 = tpu.vector_load %arg6[%swap3A_184] {strides = array<i32>} : memref<512xi32, #tpu.memory_space<vmem>>, vector<16xi32>,
    tpu.vector_store %arg6[%swap3A_184], %or3A_183 {strides = array<i32>} : memref<512xi32, #tpu.memory_space<vmem>>, vector<16xi32>,
    %shift_right_arithmetic3A_186 = arith.constant 13 : i32
    %shift_right_arithmetic3A_187 = vector.broadcast %shift_right_arithmetic3A_186 : i32 to vector<16xi32>
    %shift_right_arithmetic3A_188 = arith.shrsi %get3A_173, %shift_right_arithmetic3A_187 : vector<16xi32>
    %and3A_189 = arith.constant 3 : i32
    %and3A_190 = vector.broadcast %and3A_189 : i32 to vector<16xi32>
    %and3A_191 = arith.andi %shift_right_arithmetic3A_188, %and3A_190 : vector<16xi32>
    %mul3A_192 = arith.constant 32 : i32
    %mul3A_193 = vector.broadcast %mul3A_192 : i32 to vector<16xi32>
    %mul3A_194 = arith.muli %and3A_191, %mul3A_193 : vector<16xi32>
    %swap3A_195 = arith.constant 112 : index
    %swap3A_196 = tpu.vector_load %arg7[%swap3A_195] {strides = array<i32>} : memref<512xi32, #tpu.memory_space<vmem>>, vector<16xi32>,
    tpu.vector_store %arg7[%swap3A_195], %mul3A_194 {strides = array<i32>} : memref<512xi32, #tpu.memory_space<vmem>>, vector<16xi32>,
    %get3A_197 = arith.constant 128 : index
    %get3A_198 = tpu.vector_load %arg5[%get3A_197] {strides = array<i32>} : memref<512xi32, #tpu.memory_space<vmem>>, vector<16xi32>,
    %shift_right_arithmetic3A_199 = arith.constant 15 : i32
    %shift_right_arithmetic3A_200 = vector.broadcast %shift_right_arithmetic3A_199 : i32 to vector<16xi32>
    %shift_right_arithmetic3A_201 = arith.shrsi %get3A_198, %shift_right_arithmetic3A_200 : vector<16xi32>
    %shift_left3A_202 = arith.constant 13 : i32
    %shift_left3A_203 = vector.broadcast %shift_left3A_202 : i32 to vector<16xi32>
    %shift_left3A_204 = arith.shli %shift_right_arithmetic3A_201, %shift_left3A_203 : vector<16xi32>
    %and3A_205 = arith.constant 8191 : i32
    %and3A_206 = vector.broadcast %and3A_205 : i32 to vector<16xi32>
    %and3A_207 = arith.andi %get3A_198, %and3A_206 : vector<16xi32>
    %or3A_208 = arith.ori %shift_left3A_204, %and3A_207 : vector<16xi32>
    %swap3A_209 = arith.constant 128 : index
    %swap3A_210 = tpu.vector_load %arg6[%swap3A_209] {strides = array<i32>} : memref<512xi32, #tpu.memory_space<vmem>>, vector<16xi32>,
    tpu.vector_store %arg6[%swap3A_209], %or3A_208 {strides = array<i32>} : memref<512xi32, #tpu.memory_space<vmem>>, vector<16xi32>,
    %shift_right_arithmetic3A_211 = arith.constant 13 : i32
    %shift_right_arithmetic3A_212 = vector.broadcast %shift_right_arithmetic3A_211 : i32 to vector<16xi32>
    %shift_right_arithmetic3A_213 = arith.shrsi %get3A_198, %shift_right_arithmetic3A_212 : vector<16xi32>
    %and3A_214 = arith.constant 3 : i32
    %and3A_215 = vector.broadcast %and3A_214 : i32 to vector<16xi32>
    %and3A_216 = arith.andi %shift_right_arithmetic3A_213, %and3A_215 : vector<16xi32>
    %mul3A_217 = arith.constant 32 : i32
    %mul3A_218 = vector.broadcast %mul3A_217 : i32 to vector<16xi32>
    %mul3A_219 = arith.muli %and3A_216, %mul3A_218 : vector<16xi32>
    %swap3A_220 = arith.constant 128 : index
    %swap3A_221 = tpu.vector_load %arg7[%swap3A_220] {strides = array<i32>} : memref<512xi32, #tpu.memory_space<vmem>>, vector<16xi32>,
    tpu.vector_store %arg7[%swap3A_220], %mul3A_219 {strides = array<i32>} : memref<512xi32, #tpu.memory_space<vmem>>, vector<16xi32>,
    %get3A_222 = arith.constant 144 : index
    %get3A_223 = tpu.vector_load %arg5[%get3A_222] {strides = array<i32>} : memref<512xi32, #tpu.memory_space<vmem>>, vector<16xi32>,
    %shift_right_arithmetic3A_224 = arith.constant 15 : i32
    %shift_right_arithmetic3A_225 = vector.broadcast %shift_right_arithmetic3A_224 : i32 to vector<16xi32>
    %shift_right_arithmetic3A_226 = arith.shrsi %get3A_223, %shift_right_arithmetic3A_225 : vector<16xi32>
    %shift_left3A_227 = arith.constant 13 : i32
    %shift_left3A_228 = vector.broadcast %shift_left3A_227 : i32 to vector<16xi32>
    %shift_left3A_229 = arith.shli %shift_right_arithmetic3A_226, %shift_left3A_228 : vector<16xi32>
    %and3A_230 = arith.constant 8191 : i32
    %and3A_231 = vector.broadcast %and3A_230 : i32 to vector<16xi32>
    %and3A_232 = arith.andi %get3A_223, %and3A_231 : vector<16xi32>
    %or3A_233 = arith.ori %shift_left3A_229, %and3A_232 : vector<16xi32>
    %swap3A_234 = arith.constant 144 : index
    %swap3A_235 = tpu.vector_load %arg6[%swap3A_234] {strides = array<i32>} : memref<512xi32, #tpu.memory_space<vmem>>, vector<16xi32>,
    tpu.vector_store %arg6[%swap3A_234], %or3A_233 {strides = array<i32>} : memref<512xi32, #tpu.memory_space<vmem>>, vector<16xi32>,
    %shift_right_arithmetic3A_236 = arith.constant 13 : i32
    %shift_right_arithmetic3A_237 = vector.broadcast %shift_right_arithmetic3A_236 : i32 to vector<16xi32>
    %shift_right_arithmetic3A_238 = arith.shrsi %get3A_223, %shift_right_arithmetic3A_237 : vector<16xi32>
    %and3A_239 = arith.constant 3 : i32
    %and3A_240 = vector.broadcast %and3A_239 : i32 to vector<16xi32>
    %and3A_241 = arith.andi %shift_right_arithmetic3A_238, %and3A_240 : vector<16xi32>
    %mul3A_242 = arith.constant 32 : i32
    %mul3A_243 = vector.broadcast %mul3A_242 : i32 to vector<16xi32>
    %mul3A_244 = arith.muli %and3A_241, %mul3A_243 : vector<16xi32>
    %swap3A_245 = arith.constant 144 : index
    %swap3A_246 = tpu.vector_load %arg7[%swap3A_245] {strides = array<i32>} : memref<512xi32, #tpu.memory_space<vmem>>, vector<16xi32>,
    tpu.vector_store %arg7[%swap3A_245], %mul3A_244 {strides = array<i32>} : memref<512xi32, #tpu.memory_space<vmem>>, vector<16xi32>,
    %get3A_247 = arith.constant 160 : index
    %get3A_248 = tpu.vector_load %arg5[%get3A_247] {strides = array<i32>} : memref<512xi32, #tpu.memory_space<vmem>>, vector<16xi32>,
    %shift_right_arithmetic3A_249 = arith.constant 15 : i32
    %shift_right_arithmetic3A_250 = vector.broadcast %shift_right_arithmetic3A_249 : i32 to vector<16xi32>
    %shift_right_arithmetic3A_251 = arith.shrsi %get3A_248, %shift_right_arithmetic3A_250 : vector<16xi32>
    %shift_left3A_252 = arith.constant 13 : i32
    %shift_left3A_253 = vector.broadcast %shift_left3A_252 : i32 to vector<16xi32>
    %shift_left3A_254 = arith.shli %shift_right_arithmetic3A_251, %shift_left3A_253 : vector<16xi32>
    %and3A_255 = arith.constant 8191 : i32
    %and3A_256 = vector.broadcast %and3A_255 : i32 to vector<16xi32>
    %and3A_257 = arith.andi %get3A_248, %and3A_256 : vector<16xi32>
    %or3A_258 = arith.ori %shift_left3A_254, %and3A_257 : vector<16xi32>
    %swap3A_259 = arith.constant 160 : index
    %swap3A_260 = tpu.vector_load %arg6[%swap3A_259] {strides = array<i32>} : memref<512xi32, #tpu.memory_space<vmem>>, vector<16xi32>,
    tpu.vector_store %arg6[%swap3A_259], %or3A_258 {strides = array<i32>} : memref<512xi32, #tpu.memory_space<vmem>>, vector<16xi32>,
    %shift_right_arithmetic3A_261 = arith.constant 13 : i32
    %shift_right_arithmetic3A_262 = vector.broadcast %shift_right_arithmetic3A_261 : i32 to vector<16xi32>
    %shift_right_arithmetic3A_263 = arith.shrsi %get3A_248, %shift_right_arithmetic3A_262 : vector<16xi32>
    %and3A_264 = arith.constant 3 : i32
    %and3A_265 = vector.broadcast %and3A_264 : i32 to vector<16xi32>
    %and3A_266 = arith.andi %shift_right_arithmetic3A_263, %and3A_265 : vector<16xi32>
    %mul3A_267 = arith.constant 32 : i32
    %mul3A_268 = vector.broadcast %mul3A_267 : i32 to vector<16xi32>
    %mul3A_269 = arith.muli %and3A_266, %mul3A_268 : vector<16xi32>
    %swap3A_270 = arith.constant 160 : index
    %swap3A_271 = tpu.vector_load %arg7[%swap3A_270] {strides = array<i32>} : memref<512xi32, #tpu.memory_space<vmem>>, vector<16xi32>,
    tpu.vector_store %arg7[%swap3A_270], %mul3A_269 {strides = array<i32>} : memref<512xi32, #tpu.memory_space<vmem>>, vector<16xi32>,
    %get3A_272 = arith.constant 176 : index
    %get3A_273 = tpu.vector_load %arg5[%get3A_272] {strides = array<i32>} : memref<512xi32, #tpu.memory_space<vmem>>, vector<16xi32>,
    %shift_right_arithmetic3A_274 = arith.constant 15 : i32
    %shift_right_arithmetic3A_275 = vector.broadcast %shift_right_arithmetic3A_274 : i32 to vector<16xi32>
    %shift_right_arithmetic3A_276 = arith.shrsi %get3A_273, %shift_right_arithmetic3A_275 : vector<16xi32>
    %shift_left3A_277 = arith.constant 13 : i32
    %shift_left3A_278 = vector.broadcast %shift_left3A_277 : i32 to vector<16xi32>
    %shift_left3A_279 = arith.shli %shift_right_arithmetic3A_276, %shift_left3A_278 : vector<16xi32>
    %and3A_280 = arith.constant 8191 : i32
    %and3A_281 = vector.broadcast %and3A_280 : i32 to vector<16xi32>
    %and3A_282 = arith.andi %get3A_273, %and3A_281 : vector<16xi32>
    %or3A_283 = arith.ori %shift_left3A_279, %and3A_282 : vector<16xi32>
    %swap3A_284 = arith.constant 176 : index
    %swap3A_285 = tpu.vector_load %arg6[%swap3A_284] {strides = array<i32>} : memref<512xi32, #tpu.memory_space<vmem>>, vector<16xi32>,
    tpu.vector_store %arg6[%swap3A_284], %or3A_283 {strides = array<i32>} : memref<512xi32, #tpu.memory_space<vmem>>, vector<16xi32>,
    %shift_right_arithmetic3A_286 = arith.constant 13 : i32
    %shift_right_arithmetic3A_287 = vector.broadcast %shift_right_arithmetic3A_286 : i32 to vector<16xi32>
    %shift_right_arithmetic3A_288 = arith.shrsi %get3A_273, %shift_right_arithmetic3A_287 : vector<16xi32>
    %and3A_289 = arith.constant 3 : i32
    %and3A_290 = vector.broadcast %and3A_289 : i32 to vector<16xi32>
    %and3A_291 = arith.andi %shift_right_arithmetic3A_288, %and3A_290 : vector<16xi32>
    %mul3A_292 = arith.constant 32 : i32
    %mul3A_293 = vector.broadcast %mul3A_292 : i32 to vector<16xi32>
    %mul3A_294 = arith.muli %and3A_291, %mul3A_293 : vector<16xi32>
    %swap3A_295 = arith.constant 176 : index
    %swap3A_296 = tpu.vector_load %arg7[%swap3A_295] {strides = array<i32>} : memref<512xi32, #tpu.memory_space<vmem>>, vector<16xi32>,
    tpu.vector_store %arg7[%swap3A_295], %mul3A_294 {strides = array<i32>} : memref<512xi32, #tpu.memory_space<vmem>>, vector<16xi32>,
    %get3A_297 = arith.constant 192 : index
    %get3A_298 = tpu.vector_load %arg5[%get3A_297] {strides = array<i32>} : memref<512xi32, #tpu.memory_space<vmem>>, vector<16xi32>,
    %shift_right_arithmetic3A_299 = arith.constant 15 : i32
    %shift_right_arithmetic3A_300 = vector.broadcast %shift_right_arithmetic3A_299 : i32 to vector<16xi32>
    %shift_right_arithmetic3A_301 = arith.shrsi %get3A_298, %shift_right_arithmetic3A_300 : vector<16xi32>
    %shift_left3A_302 = arith.constant 13 : i32
    %shift_left3A_303 = vector.broadcast %shift_left3A_302 : i32 to vector<16xi32>
    %shift_left3A_304 = arith.shli %shift_right_arithmetic3A_301, %shift_left3A_303 : vector<16xi32>
    %and3A_305 = arith.constant 8191 : i32
    %and3A_306 = vector.broadcast %and3A_305 : i32 to vector<16xi32>
    %and3A_307 = arith.andi %get3A_298, %and3A_306 : vector<16xi32>
    %or3A_308 = arith.ori %shift_left3A_304, %and3A_307 : vector<16xi32>
    %swap3A_309 = arith.constant 192 : index
    %swap3A_310 = tpu.vector_load %arg6[%swap3A_309] {strides = array<i32>} : memref<512xi32, #tpu.memory_space<vmem>>, vector<16xi32>,
    tpu.vector_store %arg6[%swap3A_309], %or3A_308 {strides = array<i32>} : memref<512xi32, #tpu.memory_space<vmem>>, vector<16xi32>,
    %shift_right_arithmetic3A_311 = arith.constant 13 : i32
    %shift_right_arithmetic3A_312 = vector.broadcast %shift_right_arithmetic3A_311 : i32 to vector<16xi32>
    %shift_right_arithmetic3A_313 = arith.shrsi %get3A_298, %shift_right_arithmetic3A_312 : vector<16xi32>
    %and3A_314 = arith.constant 3 : i32
    %and3A_315 = vector.broadcast %and3A_314 : i32 to vector<16xi32>
    %and3A_316 = arith.andi %shift_right_arithmetic3A_313, %and3A_315 : vector<16xi32>
    %mul3A_317 = arith.constant 32 : i32
    %mul3A_318 = vector.broadcast %mul3A_317 : i32 to vector<16xi32>
    %mul3A_319 = arith.muli %and3A_316, %mul3A_318 : vector<16xi32>
    %swap3A_320 = arith.constant 192 : index
    %swap3A_321 = tpu.vector_load %arg7[%swap3A_320] {strides = array<i32>} : memref<512xi32, #tpu.memory_space<vmem>>, vector<16xi32>,
    tpu.vector_store %arg7[%swap3A_320], %mul3A_319 {strides = array<i32>} : memref<512xi32, #tpu.memory_space<vmem>>, vector<16xi32>,
    %get3A_322 = arith.constant 208 : index
    %get3A_323 = tpu.vector_load %arg5[%get3A_322] {strides = array<i32>} : memref<512xi32, #tpu.memory_space<vmem>>, vector<16xi32>,
    %shift_right_arithmetic3A_324 = arith.constant 15 : i32
    %shift_right_arithmetic3A_325 = vector.broadcast %shift_right_arithmetic3A_324 : i32 to vector<16xi32>
    %shift_right_arithmetic3A_326 = arith.shrsi %get3A_323, %shift_right_arithmetic3A_325 : vector<16xi32>
    %shift_left3A_327 = arith.constant 13 : i32
    %shift_left3A_328 = vector.broadcast %shift_left3A_327 : i32 to vector<16xi32>
    %shift_left3A_329 = arith.shli %shift_right_arithmetic3A_326, %shift_left3A_328 : vector<16xi32>
    %and3A_330 = arith.constant 8191 : i32
    %and3A_331 = vector.broadcast %and3A_330 : i32 to vector<16xi32>
    %and3A_332 = arith.andi %get3A_323, %and3A_331 : vector<16xi32>
    %or3A_333 = arith.ori %shift_left3A_329, %and3A_332 : vector<16xi32>
    %swap3A_334 = arith.constant 208 : index
    %swap3A_335 = tpu.vector_load %arg6[%swap3A_334] {strides = array<i32>} : memref<512xi32, #tpu.memory_space<vmem>>, vector<16xi32>,
    tpu.vector_store %arg6[%swap3A_334], %or3A_333 {strides = array<i32>} : memref<512xi32, #tpu.memory_space<vmem>>, vector<16xi32>,
    %shift_right_arithmetic3A_336 = arith.constant 13 : i32
    %shift_right_arithmetic3A_337 = vector.broadcast %shift_right_arithmetic3A_336 : i32 to vector<16xi32>
    %shift_right_arithmetic3A_338 = arith.shrsi %get3A_323, %shift_right_arithmetic3A_337 : vector<16xi32>
    %and3A_339 = arith.constant 3 : i32
    %and3A_340 = vector.broadcast %and3A_339 : i32 to vector<16xi32>
    %and3A_341 = arith.andi %shift_right_arithmetic3A_338, %and3A_340 : vector<16xi32>
    %mul3A_342 = arith.constant 32 : i32
    %mul3A_343 = vector.broadcast %mul3A_342 : i32 to vector<16xi32>
    %mul3A_344 = arith.muli %and3A_341, %mul3A_343 : vector<16xi32>
    %swap3A_345 = arith.constant 208 : index
    %swap3A_346 = tpu.vector_load %arg7[%swap3A_345] {strides = array<i32>} : memref<512xi32, #tpu.memory_space<vmem>>, vector<16xi32>,
    tpu.vector_store %arg7[%swap3A_345], %mul3A_344 {strides = array<i32>} : memref<512xi32, #tpu.memory_space<vmem>>, vector<16xi32>,
    %get3A_347 = arith.constant 224 : index
    %get3A_348 = tpu.vector_load %arg5[%get3A_347] {strides = array<i32>} : memref<512xi32, #tpu.memory_space<vmem>>, vector<16xi32>,
    %shift_right_arithmetic3A_349 = arith.constant 15 : i32
    %shift_right_arithmetic3A_350 = vector.broadcast %shift_right_arithmetic3A_349 : i32 to vector<16xi32>
    %shift_right_arithmetic3A_351 = arith.shrsi %get3A_348, %shift_right_arithmetic3A_350 : vector<16xi32>
    %shift_left3A_352 = arith.constant 13 : i32
    %shift_left3A_353 = vector.broadcast %shift_left3A_352 : i32 to vector<16xi32>
    %shift_left3A_354 = arith.shli %shift_right_arithmetic3A_351, %shift_left3A_353 : vector<16xi32>
    %and3A_355 = arith.constant 8191 : i32
    %and3A_356 = vector.broadcast %and3A_355 : i32 to vector<16xi32>
    %and3A_357 = arith.andi %get3A_348, %and3A_356 : vector<16xi32>
    %or3A_358 = arith.ori %shift_left3A_354, %and3A_357 : vector<16xi32>
    %swap3A_359 = arith.constant 224 : index
    %swap3A_360 = tpu.vector_load %arg6[%swap3A_359] {strides = array<i32>} : memref<512xi32, #tpu.memory_space<vmem>>, vector<16xi32>,
    tpu.vector_store %arg6[%swap3A_359], %or3A_358 {strides = array<i32>} : memref<512xi32, #tpu.memory_space<vmem>>, vector<16xi32>,
    %shift_right_arithmetic3A_361 = arith.constant 13 : i32
    %shift_right_arithmetic3A_362 = vector.broadcast %shift_right_arithmetic3A_361 : i32 to vector<16xi32>
    %shift_right_arithmetic3A_363 = arith.shrsi %get3A_348, %shift_right_arithmetic3A_362 : vector<16xi32>
    %and3A_364 = arith.constant 3 : i32
    %and3A_365 = vector.broadcast %and3A_364 : i32 to vector<16xi32>
    %and3A_366 = arith.andi %shift_right_arithmetic3A_363, %and3A_365 : vector<16xi32>
    %mul3A_367 = arith.constant 32 : i32
    %mul3A_368 = vector.broadcast %mul3A_367 : i32 to vector<16xi32>
    %mul3A_369 = arith.muli %and3A_366, %mul3A_368 : vector<16xi32>
    %swap3A_370 = arith.constant 224 : index
    %swap3A_371 = tpu.vector_load %arg7[%swap3A_370] {strides = array<i32>} : memref<512xi32, #tpu.memory_space<vmem>>, vector<16xi32>,
    tpu.vector_store %arg7[%swap3A_370], %mul3A_369 {strides = array<i32>} : memref<512xi32, #tpu.memory_space<vmem>>, vector<16xi32>,
    %get3A_372 = arith.constant 240 : index
    %get3A_373 = tpu.vector_load %arg5[%get3A_372] {strides = array<i32>} : memref<512xi32, #tpu.memory_space<vmem>>, vector<16xi32>,
    %shift_right_arithmetic3A_374 = arith.constant 15 : i32
    %shift_right_arithmetic3A_375 = vector.broadcast %shift_right_arithmetic3A_374 : i32 to vector<16xi32>
    %shift_right_arithmetic3A_376 = arith.shrsi %get3A_373, %shift_right_arithmetic3A_375 : vector<16xi32>
    %shift_left3A_377 = arith.constant 13 : i32
    %shift_left3A_378 = vector.broadcast %shift_left3A_377 : i32 to vector<16xi32>
    %shift_left3A_379 = arith.shli %shift_right_arithmetic3A_376, %shift_left3A_378 : vector<16xi32>
    %and3A_380 = arith.constant 8191 : i32
    %and3A_381 = vector.broadcast %and3A_380 : i32 to vector<16xi32>
    %and3A_382 = arith.andi %get3A_373, %and3A_381 : vector<16xi32>
    %or3A_383 = arith.ori %shift_left3A_379, %and3A_382 : vector<16xi32>
    %swap3A_384 = arith.constant 240 : index
    %swap3A_385 = tpu.vector_load %arg6[%swap3A_384] {strides = array<i32>} : memref<512xi32, #tpu.memory_space<vmem>>, vector<16xi32>,
    tpu.vector_store %arg6[%swap3A_384], %or3A_383 {strides = array<i32>} : memref<512xi32, #tpu.memory_space<vmem>>, vector<16xi32>,
    %shift_right_arithmetic3A_386 = arith.constant 13 : i32
    %shift_right_arithmetic3A_387 = vector.broadcast %shift_right_arithmetic3A_386 : i32 to vector<16xi32>
    %shift_right_arithmetic3A_388 = arith.shrsi %get3A_373, %shift_right_arithmetic3A_387 : vector<16xi32>
    %and3A_389 = arith.constant 3 : i32
    %and3A_390 = vector.broadcast %and3A_389 : i32 to vector<16xi32>
    %and3A_391 = arith.andi %shift_right_arithmetic3A_388, %and3A_390 : vector<16xi32>
    %mul3A_392 = arith.constant 32 : i32
    %mul3A_393 = vector.broadcast %mul3A_392 : i32 to vector<16xi32>
    %mul3A_394 = arith.muli %and3A_391, %mul3A_393 : vector<16xi32>
    %swap3A_395 = arith.constant 240 : index
    %swap3A_396 = tpu.vector_load %arg7[%swap3A_395] {strides = array<i32>} : memref<512xi32, #tpu.memory_space<vmem>>, vector<16xi32>,
    tpu.vector_store %arg7[%swap3A_395], %mul3A_394 {strides = array<i32>} : memref<512xi32, #tpu.memory_space<vmem>>, vector<16xi32>,
    %get3A_397 = arith.constant 256 : index
    %get3A_398 = tpu.vector_load %arg5[%get3A_397] {strides = array<i32>} : memref<512xi32, #tpu.memory_space<vmem>>, vector<16xi32>,
    %shift_right_arithmetic3A_399 = arith.constant 15 : i32
    %shift_right_arithmetic3A_400 = vector.broadcast %shift_right_arithmetic3A_399 : i32 to vector<16xi32>
    %shift_right_arithmetic3A_401 = arith.shrsi %get3A_398, %shift_right_arithmetic3A_400 : vector<16xi32>
    %shift_left3A_402 = arith.constant 13 : i32
    %shift_left3A_403 = vector.broadcast %shift_left3A_402 : i32 to vector<16xi32>
    %shift_left3A_404 = arith.shli %shift_right_arithmetic3A_401, %shift_left3A_403 : vector<16xi32>
    %and3A_405 = arith.constant 8191 : i32
    %and3A_406 = vector.broadcast %and3A_405 : i32 to vector<16xi32>
    %and3A_407 = arith.andi %get3A_398, %and3A_406 : vector<16xi32>
    %or3A_408 = arith.ori %shift_left3A_404, %and3A_407 : vector<16xi32>
    %swap3A_409 = arith.constant 256 : index
    %swap3A_410 = tpu.vector_load %arg6[%swap3A_409] {strides = array<i32>} : memref<512xi32, #tpu.memory_space<vmem>>, vector<16xi32>,
    tpu.vector_store %arg6[%swap3A_409], %or3A_408 {strides = array<i32>} : memref<512xi32, #tpu.memory_space<vmem>>, vector<16xi32>,
    %shift_right_arithmetic3A_411 = arith.constant 13 : i32
    %shift_right_arithmetic3A_412 = vector.broadcast %shift_right_arithmetic3A_411 : i32 to vector<16xi32>
    %shift_right_arithmetic3A_413 = arith.shrsi %get3A_398, %shift_right_arithmetic3A_412 : vector<16xi32>
    %and3A_414 = arith.constant 3 : i32
    %and3A_415 = vector.broadcast %and3A_414 : i32 to vector<16xi32>
    %and3A_416 = arith.andi %shift_right_arithmetic3A_413, %and3A_415 : vector<16xi32>
    %mul3A_417 = arith.constant 32 : i32
    %mul3A_418 = vector.broadcast %mul3A_417 : i32 to vector<16xi32>
    %mul3A_419 = arith.muli %and3A_416, %mul3A_418 : vector<16xi32>
    %swap3A_420 = arith.constant 256 : index
    %swap3A_421 = tpu.vector_load %arg7[%swap3A_420] {strides = array<i32>} : memref<512xi32, #tpu.memory_space<vmem>>, vector<16xi32>,
    tpu.vector_store %arg7[%swap3A_420], %mul3A_419 {strides = array<i32>} : memref<512xi32, #tpu.memory_space<vmem>>, vector<16xi32>,
    %get3A_422 = arith.constant 272 : index
    %get3A_423 = tpu.vector_load %arg5[%get3A_422] {strides = array<i32>} : memref<512xi32, #tpu.memory_space<vmem>>, vector<16xi32>,
    %shift_right_arithmetic3A_424 = arith.constant 15 : i32
    %shift_right_arithmetic3A_425 = vector.broadcast %shift_right_arithmetic3A_424 : i32 to vector<16xi32>
    %shift_right_arithmetic3A_426 = arith.shrsi %get3A_423, %shift_right_arithmetic3A_425 : vector<16xi32>
    %shift_left3A_427 = arith.constant 13 : i32
    %shift_left3A_428 = vector.broadcast %shift_left3A_427 : i32 to vector<16xi32>
    %shift_left3A_429 = arith.shli %shift_right_arithmetic3A_426, %shift_left3A_428 : vector<16xi32>
    %and3A_430 = arith.constant 8191 : i32
    %and3A_431 = vector.broadcast %and3A_430 : i32 to vector<16xi32>
    %and3A_432 = arith.andi %get3A_423, %and3A_431 : vector<16xi32>
    %or3A_433 = arith.ori %shift_left3A_429, %and3A_432 : vector<16xi32>
    %swap3A_434 = arith.constant 272 : index
    %swap3A_435 = tpu.vector_load %arg6[%swap3A_434] {strides = array<i32>} : memref<512xi32, #tpu.memory_space<vmem>>, vector<16xi32>,
    tpu.vector_store %arg6[%swap3A_434], %or3A_433 {strides = array<i32>} : memref<512xi32, #tpu.memory_space<vmem>>, vector<16xi32>,
    %shift_right_arithmetic3A_436 = arith.constant 13 : i32
    %shift_right_arithmetic3A_437 = vector.broadcast %shift_right_arithmetic3A_436 : i32 to vector<16xi32>
    %shift_right_arithmetic3A_438 = arith.shrsi %get3A_423, %shift_right_arithmetic3A_437 : vector<16xi32>
    %and3A_439 = arith.constant 3 : i32
    %and3A_440 = vector.broadcast %and3A_439 : i32 to vector<16xi32>
    %and3A_441 = arith.andi %shift_right_arithmetic3A_438, %and3A_440 : vector<16xi32>
    %mul3A_442 = arith.constant 32 : i32
    %mul3A_443 = vector.broadcast %mul3A_442 : i32 to vector<16xi32>
    %mul3A_444 = arith.muli %and3A_441, %mul3A_443 : vector<16xi32>
    %swap3A_445 = arith.constant 272 : index
    %swap3A_446 = tpu.vector_load %arg7[%swap3A_445] {strides = array<i32>} : memref<512xi32, #tpu.memory_space<vmem>>, vector<16xi32>,
    tpu.vector_store %arg7[%swap3A_445], %mul3A_444 {strides = array<i32>} : memref<512xi32, #tpu.memory_space<vmem>>, vector<16xi32>,
    %get3A_447 = arith.constant 288 : index
    %get3A_448 = tpu.vector_load %arg5[%get3A_447] {strides = array<i32>} : memref<512xi32, #tpu.memory_space<vmem>>, vector<16xi32>,
    %shift_right_arithmetic3A_449 = arith.constant 15 : i32
    %shift_right_arithmetic3A_450 = vector.broadcast %shift_right_arithmetic3A_449 : i32 to vector<16xi32>
    %shift_right_arithmetic3A_451 = arith.shrsi %get3A_448, %shift_right_arithmetic3A_450 : vector<16xi32>
    %shift_left3A_452 = arith.constant 13 : i32
    %shift_left3A_453 = vector.broadcast %shift_left3A_452 : i32 to vector<16xi32>
    %shift_left3A_454 = arith.shli %shift_right_arithmetic3A_451, %shift_left3A_453 : vector<16xi32>
    %and3A_455 = arith.constant 8191 : i32
    %and3A_456 = vector.broadcast %and3A_455 : i32 to vector<16xi32>
    %and3A_457 = arith.andi %get3A_448, %and3A_456 : vector<16xi32>
    %or3A_458 = arith.ori %shift_left3A_454, %and3A_457 : vector<16xi32>
    %swap3A_459 = arith.constant 288 : index
    %swap3A_460 = tpu.vector_load %arg6[%swap3A_459] {strides = array<i32>} : memref<512xi32, #tpu.memory_space<vmem>>, vector<16xi32>,
    tpu.vector_store %arg6[%swap3A_459], %or3A_458 {strides = array<i32>} : memref<512xi32, #tpu.memory_space<vmem>>, vector<16xi32>,
    %shift_right_arithmetic3A_461 = arith.constant 13 : i32
    %shift_right_arithmetic3A_462 = vector.broadcast %shift_right_arithmetic3A_461 : i32 to vector<16xi32>
    %shift_right_arithmetic3A_463 = arith.shrsi %get3A_448, %shift_right_arithmetic3A_462 : vector<16xi32>
    %and3A_464 = arith.constant 3 : i32
    %and3A_465 = vector.broadcast %and3A_464 : i32 to vector<16xi32>
    %and3A_466 = arith.andi %shift_right_arithmetic3A_463, %and3A_465 : vector<16xi32>
    %mul3A_467 = arith.constant 32 : i32
    %mul3A_468 = vector.broadcast %mul3A_467 : i32 to vector<16xi32>
    %mul3A_469 = arith.muli %and3A_466, %mul3A_468 : vector<16xi32>
    %swap3A_470 = arith.constant 288 : index
    %swap3A_471 = tpu.vector_load %arg7[%swap3A_470] {strides = array<i32>} : memref<512xi32, #tpu.memory_space<vmem>>, vector<16xi32>,
    tpu.vector_store %arg7[%swap3A_470], %mul3A_469 {strides = array<i32>} : memref<512xi32, #tpu.memory_space<vmem>>, vector<16xi32>,
    %get3A_472 = arith.constant 304 : index
    %get3A_473 = tpu.vector_load %arg5[%get3A_472] {strides = array<i32>} : memref<512xi32, #tpu.memory_space<vmem>>, vector<16xi32>,
    %shift_right_arithmetic3A_474 = arith.constant 15 : i32
    %shift_right_arithmetic3A_475 = vector.broadcast %shift_right_arithmetic3A_474 : i32 to vector<16xi32>
    %shift_right_arithmetic3A_476 = arith.shrsi %get3A_473, %shift_right_arithmetic3A_475 : vector<16xi32>
    %shift_left3A_477 = arith.constant 13 : i32
    %shift_left3A_478 = vector.broadcast %shift_left3A_477 : i32 to vector<16xi32>
    %shift_left3A_479 = arith.shli %shift_right_arithmetic3A_476, %shift_left3A_478 : vector<16xi32>
    %and3A_480 = arith.constant 8191 : i32
    %and3A_481 = vector.broadcast %and3A_480 : i32 to vector<16xi32>
    %and3A_482 = arith.andi %get3A_473, %and3A_481 : vector<16xi32>
    %or3A_483 = arith.ori %shift_left3A_479, %and3A_482 : vector<16xi32>
    %swap3A_484 = arith.constant 304 : index
    %swap3A_485 = tpu.vector_load %arg6[%swap3A_484] {strides = array<i32>} : memref<512xi32, #tpu.memory_space<vmem>>, vector<16xi32>,
    tpu.vector_store %arg6[%swap3A_484], %or3A_483 {strides = array<i32>} : memref<512xi32, #tpu.memory_space<vmem>>, vector<16xi32>,
    %shift_right_arithmetic3A_486 = arith.constant 13 : i32
    %shift_right_arithmetic3A_487 = vector.broadcast %shift_right_arithmetic3A_486 : i32 to vector<16xi32>
    %shift_right_arithmetic3A_488 = arith.shrsi %get3A_473, %shift_right_arithmetic3A_487 : vector<16xi32>
    %and3A_489 = arith.constant 3 : i32
    %and3A_490 = vector.broadcast %and3A_489 : i32 to vector<16xi32>
    %and3A_491 = arith.andi %shift_right_arithmetic3A_488, %and3A_490 : vector<16xi32>
    %mul3A_492 = arith.constant 32 : i32
    %mul3A_493 = vector.broadcast %mul3A_492 : i32 to vector<16xi32>
    %mul3A_494 = arith.muli %and3A_491, %mul3A_493 : vector<16xi32>
    %swap3A_495 = arith.constant 304 : index
    %swap3A_496 = tpu.vector_load %arg7[%swap3A_495] {strides = array<i32>} : memref<512xi32, #tpu.memory_space<vmem>>, vector<16xi32>,
    tpu.vector_store %arg7[%swap3A_495], %mul3A_494 {strides = array<i32>} : memref<512xi32, #tpu.memory_space<vmem>>, vector<16xi32>,
    %get3A_497 = arith.constant 320 : index
    %get3A_498 = tpu.vector_load %arg5[%get3A_497] {strides = array<i32>} : memref<512xi32, #tpu.memory_space<vmem>>, vector<16xi32>,
    %shift_right_arithmetic3A_499 = arith.constant 15 : i32
    %shift_right_arithmetic3A_500 = vector.broadcast %shift_right_arithmetic3A_499 : i32 to vector<16xi32>
    %shift_right_arithmetic3A_501 = arith.shrsi %get3A_498, %shift_right_arithmetic3A_500 : vector<16xi32>
    %shift_left3A_502 = arith.constant 13 : i32
    %shift_left3A_503 = vector.broadcast %shift_left3A_502 : i32 to vector<16xi32>
    %shift_left3A_504 = arith.shli %shift_right_arithmetic3A_501, %shift_left3A_503 : vector<16xi32>
    %and3A_505 = arith.constant 8191 : i32
    %and3A_506 = vector.broadcast %and3A_505 : i32 to vector<16xi32>
    %and3A_507 = arith.andi %get3A_498, %and3A_506 : vector<16xi32>
    %or3A_508 = arith.ori %shift_left3A_504, %and3A_507 : vector<16xi32>
    %swap3A_509 = arith.constant 320 : index
    %swap3A_510 = tpu.vector_load %arg6[%swap3A_509] {strides = array<i32>} : memref<512xi32, #tpu.memory_space<vmem>>, vector<16xi32>,
    tpu.vector_store %arg6[%swap3A_509], %or3A_508 {strides = array<i32>} : memref<512xi32, #tpu.memory_space<vmem>>, vector<16xi32>,
    %shift_right_arithmetic3A_511 = arith.constant 13 : i32
    %shift_right_arithmetic3A_512 = vector.broadcast %shift_right_arithmetic3A_511 : i32 to vector<16xi32>
    %shift_right_arithmetic3A_513 = arith.shrsi %get3A_498, %shift_right_arithmetic3A_512 : vector<16xi32>
    %and3A_514 = arith.constant 3 : i32
    %and3A_515 = vector.broadcast %and3A_514 : i32 to vector<16xi32>
    %and3A_516 = arith.andi %shift_right_arithmetic3A_513, %and3A_515 : vector<16xi32>
    %mul3A_517 = arith.constant 32 : i32
    %mul3A_518 = vector.broadcast %mul3A_517 : i32 to vector<16xi32>
    %mul3A_519 = arith.muli %and3A_516, %mul3A_518 : vector<16xi32>
    %swap3A_520 = arith.constant 320 : index
    %swap3A_521 = tpu.vector_load %arg7[%swap3A_520] {strides = array<i32>} : memref<512xi32, #tpu.memory_space<vmem>>, vector<16xi32>,
    tpu.vector_store %arg7[%swap3A_520], %mul3A_519 {strides = array<i32>} : memref<512xi32, #tpu.memory_space<vmem>>, vector<16xi32>,
    %get3A_522 = arith.constant 336 : index
    %get3A_523 = tpu.vector_load %arg5[%get3A_522] {strides = array<i32>} : memref<512xi32, #tpu.memory_space<vmem>>, vector<16xi32>,
    %shift_right_arithmetic3A_524 = arith.constant 15 : i32
    %shift_right_arithmetic3A_525 = vector.broadcast %shift_right_arithmetic3A_524 : i32 to vector<16xi32>
    %shift_right_arithmetic3A_526 = arith.shrsi %get3A_523, %shift_right_arithmetic3A_525 : vector<16xi32>
    %shift_left3A_527 = arith.constant 13 : i32
    %shift_left3A_528 = vector.broadcast %shift_left3A_527 : i32 to vector<16xi32>
    %shift_left3A_529 = arith.shli %shift_right_arithmetic3A_526, %shift_left3A_528 : vector<16xi32>
    %and3A_530 = arith.constant 8191 : i32
    %and3A_531 = vector.broadcast %and3A_530 : i32 to vector<16xi32>
    %and3A_532 = arith.andi %get3A_523, %and3A_531 : vector<16xi32>
    %or3A_533 = arith.ori %shift_left3A_529, %and3A_532 : vector<16xi32>
    %swap3A_534 = arith.constant 336 : index
    %swap3A_535 = tpu.vector_load %arg6[%swap3A_534] {strides = array<i32>} : memref<512xi32, #tpu.memory_space<vmem>>, vector<16xi32>,
    tpu.vector_store %arg6[%swap3A_534], %or3A_533 {strides = array<i32>} : memref<512xi32, #tpu.memory_space<vmem>>, vector<16xi32>,
    %shift_right_arithmetic3A_536 = arith.constant 13 : i32
    %shift_right_arithmetic3A_537 = vector.broadcast %shift_right_arithmetic3A_536 : i32 to vector<16xi32>
    %shift_right_arithmetic3A_538 = arith.shrsi %get3A_523, %shift_right_arithmetic3A_537 : vector<16xi32>
    %and3A_539 = arith.constant 3 : i32
    %and3A_540 = vector.broadcast %and3A_539 : i32 to vector<16xi32>
    %and3A_541 = arith.andi %shift_right_arithmetic3A_538, %and3A_540 : vector<16xi32>
    %mul3A_542 = arith.constant 32 : i32
    %mul3A_543 = vector.broadcast %mul3A_542 : i32 to vector<16xi32>
    %mul3A_544 = arith.muli %and3A_541, %mul3A_543 : vector<16xi32>
    %swap3A_545 = arith.constant 336 : index
    %swap3A_546 = tpu.vector_load %arg7[%swap3A_545] {strides = array<i32>} : memref<512xi32, #tpu.memory_space<vmem>>, vector<16xi32>,
    tpu.vector_store %arg7[%swap3A_545], %mul3A_544 {strides = array<i32>} : memref<512xi32, #tpu.memory_space<vmem>>, vector<16xi32>,
    %get3A_547 = arith.constant 352 : index
    %get3A_548 = tpu.vector_load %arg5[%get3A_547] {strides = array<i32>} : memref<512xi32, #tpu.memory_space<vmem>>, vector<16xi32>,
    %shift_right_arithmetic3A_549 = arith.constant 15 : i32
    %shift_right_arithmetic3A_550 = vector.broadcast %shift_right_arithmetic3A_549 : i32 to vector<16xi32>
    %shift_right_arithmetic3A_551 = arith.shrsi %get3A_548, %shift_right_arithmetic3A_550 : vector<16xi32>
    %shift_left3A_552 = arith.constant 13 : i32
    %shift_left3A_553 = vector.broadcast %shift_left3A_552 : i32 to vector<16xi32>
    %shift_left3A_554 = arith.shli %shift_right_arithmetic3A_551, %shift_left3A_553 : vector<16xi32>
    %and3A_555 = arith.constant 8191 : i32
    %and3A_556 = vector.broadcast %and3A_555 : i32 to vector<16xi32>
    %and3A_557 = arith.andi %get3A_548, %and3A_556 : vector<16xi32>
    %or3A_558 = arith.ori %shift_left3A_554, %and3A_557 : vector<16xi32>
    %swap3A_559 = arith.constant 352 : index
    %swap3A_560 = tpu.vector_load %arg6[%swap3A_559] {strides = array<i32>} : memref<512xi32, #tpu.memory_space<vmem>>, vector<16xi32>,
    tpu.vector_store %arg6[%swap3A_559], %or3A_558 {strides = array<i32>} : memref<512xi32, #tpu.memory_space<vmem>>, vector<16xi32>,
    %shift_right_arithmetic3A_561 = arith.constant 13 : i32
    %shift_right_arithmetic3A_562 = vector.broadcast %shift_right_arithmetic3A_561 : i32 to vector<16xi32>
    %shift_right_arithmetic3A_563 = arith.shrsi %get3A_548, %shift_right_arithmetic3A_562 : vector<16xi32>
    %and3A_564 = arith.constant 3 : i32
    %and3A_565 = vector.broadcast %and3A_564 : i32 to vector<16xi32>
    %and3A_566 = arith.andi %shift_right_arithmetic3A_563, %and3A_565 : vector<16xi32>
    %mul3A_567 = arith.constant 32 : i32
    %mul3A_568 = vector.broadcast %mul3A_567 : i32 to vector<16xi32>
    %mul3A_569 = arith.muli %and3A_566, %mul3A_568 : vector<16xi32>
    %swap3A_570 = arith.constant 352 : index
    %swap3A_571 = tpu.vector_load %arg7[%swap3A_570] {strides = array<i32>} : memref<512xi32, #tpu.memory_space<vmem>>, vector<16xi32>,
    tpu.vector_store %arg7[%swap3A_570], %mul3A_569 {strides = array<i32>} : memref<512xi32, #tpu.memory_space<vmem>>, vector<16xi32>,
    %get3A_572 = arith.constant 368 : index
    %get3A_573 = tpu.vector_load %arg5[%get3A_572] {strides = array<i32>} : memref<512xi32, #tpu.memory_space<vmem>>, vector<16xi32>,
    %shift_right_arithmetic3A_574 = arith.constant 15 : i32
    %shift_right_arithmetic3A_575 = vector.broadcast %shift_right_arithmetic3A_574 : i32 to vector<16xi32>
    %shift_right_arithmetic3A_576 = arith.shrsi %get3A_573, %shift_right_arithmetic3A_575 : vector<16xi32>
    %shift_left3A_577 = arith.constant 13 : i32
    %shift_left3A_578 = vector.broadcast %shift_left3A_577 : i32 to vector<16xi32>
    %shift_left3A_579 = arith.shli %shift_right_arithmetic3A_576, %shift_left3A_578 : vector<16xi32>
    %and3A_580 = arith.constant 8191 : i32
    %and3A_581 = vector.broadcast %and3A_580 : i32 to vector<16xi32>
    %and3A_582 = arith.andi %get3A_573, %and3A_581 : vector<16xi32>
    %or3A_583 = arith.ori %shift_left3A_579, %and3A_582 : vector<16xi32>
    %swap3A_584 = arith.constant 368 : index
    %swap3A_585 = tpu.vector_load %arg6[%swap3A_584] {strides = array<i32>} : memref<512xi32, #tpu.memory_space<vmem>>, vector<16xi32>,
    tpu.vector_store %arg6[%swap3A_584], %or3A_583 {strides = array<i32>} : memref<512xi32, #tpu.memory_space<vmem>>, vector<16xi32>,
    %shift_right_arithmetic3A_586 = arith.constant 13 : i32
    %shift_right_arithmetic3A_587 = vector.broadcast %shift_right_arithmetic3A_586 : i32 to vector<16xi32>
    %shift_right_arithmetic3A_588 = arith.shrsi %get3A_573, %shift_right_arithmetic3A_587 : vector<16xi32>
    %and3A_589 = arith.constant 3 : i32
    %and3A_590 = vector.broadcast %and3A_589 : i32 to vector<16xi32>
    %and3A_591 = arith.andi %shift_right_arithmetic3A_588, %and3A_590 : vector<16xi32>
    %mul3A_592 = arith.constant 32 : i32
    %mul3A_593 = vector.broadcast %mul3A_592 : i32 to vector<16xi32>
    %mul3A_594 = arith.muli %and3A_591, %mul3A_593 : vector<16xi32>
    %swap3A_595 = arith.constant 368 : index
    %swap3A_596 = tpu.vector_load %arg7[%swap3A_595] {strides = array<i32>} : memref<512xi32, #tpu.memory_space<vmem>>, vector<16xi32>,
    tpu.vector_store %arg7[%swap3A_595], %mul3A_594 {strides = array<i32>} : memref<512xi32, #tpu.memory_space<vmem>>, vector<16xi32>,
    %get3A_597 = arith.constant 384 : index
    %get3A_598 = tpu.vector_load %arg5[%get3A_597] {strides = array<i32>} : memref<512xi32, #tpu.memory_space<vmem>>, vector<16xi32>,
    %shift_right_arithmetic3A_599 = arith.constant 15 : i32
    %shift_right_arithmetic3A_600 = vector.broadcast %shift_right_arithmetic3A_599 : i32 to vector<16xi32>
    %shift_right_arithmetic3A_601 = arith.shrsi %get3A_598, %shift_right_arithmetic3A_600 : vector<16xi32>
    %shift_left3A_602 = arith.constant 13 : i32
    %shift_left3A_603 = vector.broadcast %shift_left3A_602 : i32 to vector<16xi32>
    %shift_left3A_604 = arith.shli %shift_right_arithmetic3A_601, %shift_left3A_603 : vector<16xi32>
    %and3A_605 = arith.constant 8191 : i32
    %and3A_606 = vector.broadcast %and3A_605 : i32 to vector<16xi32>
    %and3A_607 = arith.andi %get3A_598, %and3A_606 : vector<16xi32>
    %or3A_608 = arith.ori %shift_left3A_604, %and3A_607 : vector<16xi32>
    %swap3A_609 = arith.constant 384 : index
    %swap3A_610 = tpu.vector_load %arg6[%swap3A_609] {strides = array<i32>} : memref<512xi32, #tpu.memory_space<vmem>>, vector<16xi32>,
    tpu.vector_store %arg6[%swap3A_609], %or3A_608 {strides = array<i32>} : memref<512xi32, #tpu.memory_space<vmem>>, vector<16xi32>,
    %shift_right_arithmetic3A_611 = arith.constant 13 : i32
    %shift_right_arithmetic3A_612 = vector.broadcast %shift_right_arithmetic3A_611 : i32 to vector<16xi32>
    %shift_right_arithmetic3A_613 = arith.shrsi %get3A_598, %shift_right_arithmetic3A_612 : vector<16xi32>
    %and3A_614 = arith.constant 3 : i32
    %and3A_615 = vector.broadcast %and3A_614 : i32 to vector<16xi32>
    %and3A_616 = arith.andi %shift_right_arithmetic3A_613, %and3A_615 : vector<16xi32>
    %mul3A_617 = arith.constant 32 : i32
    %mul3A_618 = vector.broadcast %mul3A_617 : i32 to vector<16xi32>
    %mul3A_619 = arith.muli %and3A_616, %mul3A_618 : vector<16xi32>
    %swap3A_620 = arith.constant 384 : index
    %swap3A_621 = tpu.vector_load %arg7[%swap3A_620] {strides = array<i32>} : memref<512xi32, #tpu.memory_space<vmem>>, vector<16xi32>,
    tpu.vector_store %arg7[%swap3A_620], %mul3A_619 {strides = array<i32>} : memref<512xi32, #tpu.memory_space<vmem>>, vector<16xi32>,
    %get3A_622 = arith.constant 400 : index
    %get3A_623 = tpu.vector_load %arg5[%get3A_622] {strides = array<i32>} : memref<512xi32, #tpu.memory_space<vmem>>, vector<16xi32>,
    %shift_right_arithmetic3A_624 = arith.constant 15 : i32
    %shift_right_arithmetic3A_625 = vector.broadcast %shift_right_arithmetic3A_624 : i32 to vector<16xi32>
    %shift_right_arithmetic3A_626 = arith.shrsi %get3A_623, %shift_right_arithmetic3A_625 : vector<16xi32>
    %shift_left3A_627 = arith.constant 13 : i32
    %shift_left3A_628 = vector.broadcast %shift_left3A_627 : i32 to vector<16xi32>
    %shift_left3A_629 = arith.shli %shift_right_arithmetic3A_626, %shift_left3A_628 : vector<16xi32>
    %and3A_630 = arith.constant 8191 : i32
    %and3A_631 = vector.broadcast %and3A_630 : i32 to vector<16xi32>
    %and3A_632 = arith.andi %get3A_623, %and3A_631 : vector<16xi32>
    %or3A_633 = arith.ori %shift_left3A_629, %and3A_632 : vector<16xi32>
    %swap3A_634 = arith.constant 400 : index
    %swap3A_635 = tpu.vector_load %arg6[%swap3A_634] {strides = array<i32>} : memref<512xi32, #tpu.memory_space<vmem>>, vector<16xi32>,
    tpu.vector_store %arg6[%swap3A_634], %or3A_633 {strides = array<i32>} : memref<512xi32, #tpu.memory_space<vmem>>, vector<16xi32>,
    %shift_right_arithmetic3A_636 = arith.constant 13 : i32
    %shift_right_arithmetic3A_637 = vector.broadcast %shift_right_arithmetic3A_636 : i32 to vector<16xi32>
    %shift_right_arithmetic3A_638 = arith.shrsi %get3A_623, %shift_right_arithmetic3A_637 : vector<16xi32>
    %and3A_639 = arith.constant 3 : i32
    %and3A_640 = vector.broadcast %and3A_639 : i32 to vector<16xi32>
    %and3A_641 = arith.andi %shift_right_arithmetic3A_638, %and3A_640 : vector<16xi32>
    %mul3A_642 = arith.constant 32 : i32
    %mul3A_643 = vector.broadcast %mul3A_642 : i32 to vector<16xi32>
    %mul3A_644 = arith.muli %and3A_641, %mul3A_643 : vector<16xi32>
    %swap3A_645 = arith.constant 400 : index
    %swap3A_646 = tpu.vector_load %arg7[%swap3A_645] {strides = array<i32>} : memref<512xi32, #tpu.memory_space<vmem>>, vector<16xi32>,
    tpu.vector_store %arg7[%swap3A_645], %mul3A_644 {strides = array<i32>} : memref<512xi32, #tpu.memory_space<vmem>>, vector<16xi32>,
    %get3A_647 = arith.constant 416 : index
    %get3A_648 = tpu.vector_load %arg5[%get3A_647] {strides = array<i32>} : memref<512xi32, #tpu.memory_space<vmem>>, vector<16xi32>,
    %shift_right_arithmetic3A_649 = arith.constant 15 : i32
    %shift_right_arithmetic3A_650 = vector.broadcast %shift_right_arithmetic3A_649 : i32 to vector<16xi32>
    %shift_right_arithmetic3A_651 = arith.shrsi %get3A_648, %shift_right_arithmetic3A_650 : vector<16xi32>
    %shift_left3A_652 = arith.constant 13 : i32
    %shift_left3A_653 = vector.broadcast %shift_left3A_652 : i32 to vector<16xi32>
    %shift_left3A_654 = arith.shli %shift_right_arithmetic3A_651, %shift_left3A_653 : vector<16xi32>
    %and3A_655 = arith.constant 8191 : i32
    %and3A_656 = vector.broadcast %and3A_655 : i32 to vector<16xi32>
    %and3A_657 = arith.andi %get3A_648, %and3A_656 : vector<16xi32>
    %or3A_658 = arith.ori %shift_left3A_654, %and3A_657 : vector<16xi32>
    %swap3A_659 = arith.constant 416 : index
    %swap3A_660 = tpu.vector_load %arg6[%swap3A_659] {strides = array<i32>} : memref<512xi32, #tpu.memory_space<vmem>>, vector<16xi32>,
    tpu.vector_store %arg6[%swap3A_659], %or3A_658 {strides = array<i32>} : memref<512xi32, #tpu.memory_space<vmem>>, vector<16xi32>,
    %shift_right_arithmetic3A_661 = arith.constant 13 : i32
    %shift_right_arithmetic3A_662 = vector.broadcast %shift_right_arithmetic3A_661 : i32 to vector<16xi32>
    %shift_right_arithmetic3A_663 = arith.shrsi %get3A_648, %shift_right_arithmetic3A_662 : vector<16xi32>
    %and3A_664 = arith.constant 3 : i32
    %and3A_665 = vector.broadcast %and3A_664 : i32 to vector<16xi32>
    %and3A_666 = arith.andi %shift_right_arithmetic3A_663, %and3A_665 : vector<16xi32>
    %mul3A_667 = arith.constant 32 : i32
    %mul3A_668 = vector.broadcast %mul3A_667 : i32 to vector<16xi32>
    %mul3A_669 = arith.muli %and3A_666, %mul3A_668 : vector<16xi32>
    %swap3A_670 = arith.constant 416 : index
    %swap3A_671 = tpu.vector_load %arg7[%swap3A_670] {strides = array<i32>} : memref<512xi32, #tpu.memory_space<vmem>>, vector<16xi32>,
    tpu.vector_store %arg7[%swap3A_670], %mul3A_669 {strides = array<i32>} : memref<512xi32, #tpu.memory_space<vmem>>, vector<16xi32>,
    %get3A_672 = arith.constant 432 : index
    %get3A_673 = tpu.vector_load %arg5[%get3A_672] {strides = array<i32>} : memref<512xi32, #tpu.memory_space<vmem>>, vector<16xi32>,
    %shift_right_arithmetic3A_674 = arith.constant 15 : i32
    %shift_right_arithmetic3A_675 = vector.broadcast %shift_right_arithmetic3A_674 : i32 to vector<16xi32>
    %shift_right_arithmetic3A_676 = arith.shrsi %get3A_673, %shift_right_arithmetic3A_675 : vector<16xi32>
    %shift_left3A_677 = arith.constant 13 : i32
    %shift_left3A_678 = vector.broadcast %shift_left3A_677 : i32 to vector<16xi32>
    %shift_left3A_679 = arith.shli %shift_right_arithmetic3A_676, %shift_left3A_678 : vector<16xi32>
    %and3A_680 = arith.constant 8191 : i32
    %and3A_681 = vector.broadcast %and3A_680 : i32 to vector<16xi32>
    %and3A_682 = arith.andi %get3A_673, %and3A_681 : vector<16xi32>
    %or3A_683 = arith.ori %shift_left3A_679, %and3A_682 : vector<16xi32>
    %swap3A_684 = arith.constant 432 : index
    %swap3A_685 = tpu.vector_load %arg6[%swap3A_684] {strides = array<i32>} : memref<512xi32, #tpu.memory_space<vmem>>, vector<16xi32>,
    tpu.vector_store %arg6[%swap3A_684], %or3A_683 {strides = array<i32>} : memref<512xi32, #tpu.memory_space<vmem>>, vector<16xi32>,
    %shift_right_arithmetic3A_686 = arith.constant 13 : i32
    %shift_right_arithmetic3A_687 = vector.broadcast %shift_right_arithmetic3A_686 : i32 to vector<16xi32>
    %shift_right_arithmetic3A_688 = arith.shrsi %get3A_673, %shift_right_arithmetic3A_687 : vector<16xi32>
    %and3A_689 = arith.constant 3 : i32
    %and3A_690 = vector.broadcast %and3A_689 : i32 to vector<16xi32>
    %and3A_691 = arith.andi %shift_right_arithmetic3A_688, %and3A_690 : vector<16xi32>
    %mul3A_692 = arith.constant 32 : i32
    %mul3A_693 = vector.broadcast %mul3A_692 : i32 to vector<16xi32>
    %mul3A_694 = arith.muli %and3A_691, %mul3A_693 : vector<16xi32>
    %swap3A_695 = arith.constant 432 : index
    %swap3A_696 = tpu.vector_load %arg7[%swap3A_695] {strides = array<i32>} : memref<512xi32, #tpu.memory_space<vmem>>, vector<16xi32>,
    tpu.vector_store %arg7[%swap3A_695], %mul3A_694 {strides = array<i32>} : memref<512xi32, #tpu.memory_space<vmem>>, vector<16xi32>,
    %get3A_697 = arith.constant 448 : index
    %get3A_698 = tpu.vector_load %arg5[%get3A_697] {strides = array<i32>} : memref<512xi32, #tpu.memory_space<vmem>>, vector<16xi32>,
    %shift_right_arithmetic3A_699 = arith.constant 15 : i32
    %shift_right_arithmetic3A_700 = vector.broadcast %shift_right_arithmetic3A_699 : i32 to vector<16xi32>
    %shift_right_arithmetic3A_701 = arith.shrsi %get3A_698, %shift_right_arithmetic3A_700 : vector<16xi32>
    %shift_left3A_702 = arith.constant 13 : i32
    %shift_left3A_703 = vector.broadcast %shift_left3A_702 : i32 to vector<16xi32>
    %shift_left3A_704 = arith.shli %shift_right_arithmetic3A_701, %shift_left3A_703 : vector<16xi32>
    %and3A_705 = arith.constant 8191 : i32
    %and3A_706 = vector.broadcast %and3A_705 : i32 to vector<16xi32>
    %and3A_707 = arith.andi %get3A_698, %and3A_706 : vector<16xi32>
    %or3A_708 = arith.ori %shift_left3A_704, %and3A_707 : vector<16xi32>
    %swap3A_709 = arith.constant 448 : index
    %swap3A_710 = tpu.vector_load %arg6[%swap3A_709] {strides = array<i32>} : memref<512xi32, #tpu.memory_space<vmem>>, vector<16xi32>,
    tpu.vector_store %arg6[%swap3A_709], %or3A_708 {strides = array<i32>} : memref<512xi32, #tpu.memory_space<vmem>>, vector<16xi32>,
    %shift_right_arithmetic3A_711 = arith.constant 13 : i32
    %shift_right_arithmetic3A_712 = vector.broadcast %shift_right_arithmetic3A_711 : i32 to vector<16xi32>
    %shift_right_arithmetic3A_713 = arith.shrsi %get3A_698, %shift_right_arithmetic3A_712 : vector<16xi32>
    %and3A_714 = arith.constant 3 : i32
    %and3A_715 = vector.broadcast %and3A_714 : i32 to vector<16xi32>
    %and3A_716 = arith.andi %shift_right_arithmetic3A_713, %and3A_715 : vector<16xi32>
    %mul3A_717 = arith.constant 32 : i32
    %mul3A_718 = vector.broadcast %mul3A_717 : i32 to vector<16xi32>
    %mul3A_719 = arith.muli %and3A_716, %mul3A_718 : vector<16xi32>
    %swap3A_720 = arith.constant 448 : index
    %swap3A_721 = tpu.vector_load %arg7[%swap3A_720] {strides = array<i32>} : memref<512xi32, #tpu.memory_space<vmem>>, vector<16xi32>,
    tpu.vector_store %arg7[%swap3A_720], %mul3A_719 {strides = array<i32>} : memref<512xi32, #tpu.memory_space<vmem>>, vector<16xi32>,
    %get3A_722 = arith.constant 464 : index
    %get3A_723 = tpu.vector_load %arg5[%get3A_722] {strides = array<i32>} : memref<512xi32, #tpu.memory_space<vmem>>, vector<16xi32>,
    %shift_right_arithmetic3A_724 = arith.constant 15 : i32
    %shift_right_arithmetic3A_725 = vector.broadcast %shift_right_arithmetic3A_724 : i32 to vector<16xi32>
    %shift_right_arithmetic3A_726 = arith.shrsi %get3A_723, %shift_right_arithmetic3A_725 : vector<16xi32>
    %shift_left3A_727 = arith.constant 13 : i32
    %shift_left3A_728 = vector.broadcast %shift_left3A_727 : i32 to vector<16xi32>
    %shift_left3A_729 = arith.shli %shift_right_arithmetic3A_726, %shift_left3A_728 : vector<16xi32>
    %and3A_730 = arith.constant 8191 : i32
    %and3A_731 = vector.broadcast %and3A_730 : i32 to vector<16xi32>
    %and3A_732 = arith.andi %get3A_723, %and3A_731 : vector<16xi32>
    %or3A_733 = arith.ori %shift_left3A_729, %and3A_732 : vector<16xi32>
    %swap3A_734 = arith.constant 464 : index
    %swap3A_735 = tpu.vector_load %arg6[%swap3A_734] {strides = array<i32>} : memref<512xi32, #tpu.memory_space<vmem>>, vector<16xi32>,
    tpu.vector_store %arg6[%swap3A_734], %or3A_733 {strides = array<i32>} : memref<512xi32, #tpu.memory_space<vmem>>, vector<16xi32>,
    %shift_right_arithmetic3A_736 = arith.constant 13 : i32
    %shift_right_arithmetic3A_737 = vector.broadcast %shift_right_arithmetic3A_736 : i32 to vector<16xi32>
    %shift_right_arithmetic3A_738 = arith.shrsi %get3A_723, %shift_right_arithmetic3A_737 : vector<16xi32>
    %and3A_739 = arith.constant 3 : i32
    %and3A_740 = vector.broadcast %and3A_739 : i32 to vector<16xi32>
    %and3A_741 = arith.andi %shift_right_arithmetic3A_738, %and3A_740 : vector<16xi32>
    %mul3A_742 = arith.constant 32 : i32
    %mul3A_743 = vector.broadcast %mul3A_742 : i32 to vector<16xi32>
    %mul3A_744 = arith.muli %and3A_741, %mul3A_743 : vector<16xi32>
    %swap3A_745 = arith.constant 464 : index
    %swap3A_746 = tpu.vector_load %arg7[%swap3A_745] {strides = array<i32>} : memref<512xi32, #tpu.memory_space<vmem>>, vector<16xi32>,
    tpu.vector_store %arg7[%swap3A_745], %mul3A_744 {strides = array<i32>} : memref<512xi32, #tpu.memory_space<vmem>>, vector<16xi32>,
    %get3A_747 = arith.constant 480 : index
    %get3A_748 = tpu.vector_load %arg5[%get3A_747] {strides = array<i32>} : memref<512xi32, #tpu.memory_space<vmem>>, vector<16xi32>,
    %shift_right_arithmetic3A_749 = arith.constant 15 : i32
    %shift_right_arithmetic3A_750 = vector.broadcast %shift_right_arithmetic3A_749 : i32 to vector<16xi32>
    %shift_right_arithmetic3A_751 = arith.shrsi %get3A_748, %shift_right_arithmetic3A_750 : vector<16xi32>
    %shift_left3A_752 = arith.constant 13 : i32
    %shift_left3A_753 = vector.broadcast %shift_left3A_752 : i32 to vector<16xi32>
    %shift_left3A_754 = arith.shli %shift_right_arithmetic3A_751, %shift_left3A_753 : vector<16xi32>
    %and3A_755 = arith.constant 8191 : i32
    %and3A_756 = vector.broadcast %and3A_755 : i32 to vector<16xi32>
    %and3A_757 = arith.andi %get3A_748, %and3A_756 : vector<16xi32>
    %or3A_758 = arith.ori %shift_left3A_754, %and3A_757 : vector<16xi32>
    %swap3A_759 = arith.constant 480 : index
    %swap3A_760 = tpu.vector_load %arg6[%swap3A_759] {strides = array<i32>} : memref<512xi32, #tpu.memory_space<vmem>>, vector<16xi32>,
    tpu.vector_store %arg6[%swap3A_759], %or3A_758 {strides = array<i32>} : memref<512xi32, #tpu.memory_space<vmem>>, vector<16xi32>,
    %shift_right_arithmetic3A_761 = arith.constant 13 : i32
    %shift_right_arithmetic3A_762 = vector.broadcast %shift_right_arithmetic3A_761 : i32 to vector<16xi32>
    %shift_right_arithmetic3A_763 = arith.shrsi %get3A_748, %shift_right_arithmetic3A_762 : vector<16xi32>
    %and3A_764 = arith.constant 3 : i32
    %and3A_765 = vector.broadcast %and3A_764 : i32 to vector<16xi32>
    %and3A_766 = arith.andi %shift_right_arithmetic3A_763, %and3A_765 : vector<16xi32>
    %mul3A_767 = arith.constant 32 : i32
    %mul3A_768 = vector.broadcast %mul3A_767 : i32 to vector<16xi32>
    %mul3A_769 = arith.muli %and3A_766, %mul3A_768 : vector<16xi32>
    %swap3A_770 = arith.constant 480 : index
    %swap3A_771 = tpu.vector_load %arg7[%swap3A_770] {strides = array<i32>} : memref<512xi32, #tpu.memory_space<vmem>>, vector<16xi32>,
    tpu.vector_store %arg7[%swap3A_770], %mul3A_769 {strides = array<i32>} : memref<512xi32, #tpu.memory_space<vmem>>, vector<16xi32>,
    %get3A_772 = arith.constant 496 : index
    %get3A_773 = tpu.vector_load %arg5[%get3A_772] {strides = array<i32>} : memref<512xi32, #tpu.memory_space<vmem>>, vector<16xi32>,
    %shift_right_arithmetic3A_774 = arith.constant 15 : i32
    %shift_right_arithmetic3A_775 = vector.broadcast %shift_right_arithmetic3A_774 : i32 to vector<16xi32>
    %shift_right_arithmetic3A_776 = arith.shrsi %get3A_773, %shift_right_arithmetic3A_775 : vector<16xi32>
    %shift_left3A_777 = arith.constant 13 : i32
    %shift_left3A_778 = vector.broadcast %shift_left3A_777 : i32 to vector<16xi32>
    %shift_left3A_779 = arith.shli %shift_right_arithmetic3A_776, %shift_left3A_778 : vector<16xi32>
    %and3A_780 = arith.constant 8191 : i32
    %and3A_781 = vector.broadcast %and3A_780 : i32 to vector<16xi32>
    %and3A_782 = arith.andi %get3A_773, %and3A_781 : vector<16xi32>
    %or3A_783 = arith.ori %shift_left3A_779, %and3A_782 : vector<16xi32>
    %swap3A_784 = arith.constant 496 : index
    %swap3A_785 = tpu.vector_load %arg6[%swap3A_784] {strides = array<i32>} : memref<512xi32, #tpu.memory_space<vmem>>, vector<16xi32>,
    tpu.vector_store %arg6[%swap3A_784], %or3A_783 {strides = array<i32>} : memref<512xi32, #tpu.memory_space<vmem>>, vector<16xi32>,
    %shift_right_arithmetic3A_786 = arith.constant 13 : i32
    %shift_right_arithmetic3A_787 = vector.broadcast %shift_right_arithmetic3A_786 : i32 to vector<16xi32>
    %shift_right_arithmetic3A_788 = arith.shrsi %get3A_773, %shift_right_arithmetic3A_787 : vector<16xi32>
    %and3A_789 = arith.constant 3 : i32
    %and3A_790 = vector.broadcast %and3A_789 : i32 to vector<16xi32>
    %and3A_791 = arith.andi %shift_right_arithmetic3A_788, %and3A_790 : vector<16xi32>
    %mul3A_792 = arith.constant 32 : i32
    %mul3A_793 = vector.broadcast %mul3A_792 : i32 to vector<16xi32>
    %mul3A_794 = arith.muli %and3A_791, %mul3A_793 : vector<16xi32>
    %swap3A_795 = arith.constant 496 : index
    %swap3A_796 = tpu.vector_load %arg7[%swap3A_795] {strides = array<i32>} : memref<512xi32, #tpu.memory_space<vmem>>, vector<16xi32>,
    tpu.vector_store %arg7[%swap3A_795], %mul3A_794 {strides = array<i32>} : memref<512xi32, #tpu.memory_space<vmem>>, vector<16xi32>,
    %dma_start3A = arith.constant 0 : i32
    %dma_start3A_797 = tpu.memref_slice %arg6[%dma_start3A] : memref<512xi32, #tpu.memory_space<vmem>> -> memref<128xi32, #tpu.memory_space<vmem>>
    %dma_start3A_798 = arith.constant 0 : i32
    %dma_start3A_799 = arith.constant 0 : i32
    %dma_start3A_800 = tpu.memref_slice %arg3[%dma_start3A_798, %dma_start3A_799] : memref<253952x128xf32, #tpu.memory_space<hbm>> -> memref<253952x128xf32, #tpu.memory_space<hbm>>
    tpu.enqueue_indirect_dma source(%dma_start3A_800 : memref<253952x128xf32, #tpu.memory_space<hbm>>) target(%arg8 : memref<128x128xf32, #tpu.memory_space<vmem>>) offsets(%dma_start3A_797 : memref<128xi32, #tpu.memory_space<vmem>>) semaphore(%arg13 : memref<!tpu.dma_semaphore, #tpu.memory_space<semaphore_mem>>)
    %dma_start3A_801 = arith.constant 128 : i32
    %dma_start3A_802 = tpu.memref_slice %arg6[%dma_start3A_801] : memref<512xi32, #tpu.memory_space<vmem>> -> memref<128xi32, #tpu.memory_space<vmem>>
    %dma_start3A_803 = arith.constant 0 : i32
    %dma_start3A_804 = arith.constant 0 : i32
    %dma_start3A_805 = tpu.memref_slice %arg3[%dma_start3A_803, %dma_start3A_804] : memref<253952x128xf32, #tpu.memory_space<hbm>> -> memref<253952x128xf32, #tpu.memory_space<hbm>>
    tpu.enqueue_indirect_dma source(%dma_start3A_805 : memref<253952x128xf32, #tpu.memory_space<hbm>>) target(%arg9 : memref<128x128xf32, #tpu.memory_space<vmem>>) offsets(%dma_start3A_802 : memref<128xi32, #tpu.memory_space<vmem>>) semaphore(%arg13 : memref<!tpu.dma_semaphore, #tpu.memory_space<semaphore_mem>>)
    %dma_start3A_806 = arith.constant 256 : i32
    %dma_start3A_807 = tpu.memref_slice %arg6[%dma_start3A_806] : memref<512xi32, #tpu.memory_space<vmem>> -> memref<128xi32, #tpu.memory_space<vmem>>
    %dma_start3A_808 = arith.constant 0 : i32
    %dma_start3A_809 = arith.constant 0 : i32
    %dma_start3A_810 = tpu.memref_slice %arg3[%dma_start3A_808, %dma_start3A_809] : memref<253952x128xf32, #tpu.memory_space<hbm>> -> memref<253952x128xf32, #tpu.memory_space<hbm>>
    tpu.enqueue_indirect_dma source(%dma_start3A_810 : memref<253952x128xf32, #tpu.memory_space<hbm>>) target(%arg10 : memref<128x128xf32, #tpu.memory_space<vmem>>) offsets(%dma_start3A_807 : memref<128xi32, #tpu.memory_space<vmem>>) semaphore(%arg13 : memref<!tpu.dma_semaphore, #tpu.memory_space<semaphore_mem>>)
    %dma_start3A_811 = arith.constant 384 : i32
    %dma_start3A_812 = tpu.memref_slice %arg6[%dma_start3A_811] : memref<512xi32, #tpu.memory_space<vmem>> -> memref<128xi32, #tpu.memory_space<vmem>>
    %dma_start3A_813 = arith.constant 0 : i32
    %dma_start3A_814 = arith.constant 0 : i32
    %dma_start3A_815 = tpu.memref_slice %arg3[%dma_start3A_813, %dma_start3A_814] : memref<253952x128xf32, #tpu.memory_space<hbm>> -> memref<253952x128xf32, #tpu.memory_space<hbm>>
    tpu.enqueue_indirect_dma source(%dma_start3A_815 : memref<253952x128xf32, #tpu.memory_space<hbm>>) target(%arg11 : memref<128x128xf32, #tpu.memory_space<vmem>>) offsets(%dma_start3A_812 : memref<128xi32, #tpu.memory_space<vmem>>) semaphore(%arg13 : memref<!tpu.dma_semaphore, #tpu.memory_space<semaphore_mem>>)
    %dma_wait3A = arith.constant 0 : i32
    %dma_wait3A_816 = tpu.memref_slice %arg6[%dma_wait3A] : memref<512xi32, #tpu.memory_space<vmem>> -> memref<128xi32, #tpu.memory_space<vmem>>
    %dma_wait3A_817 = arith.constant 0 : i32
    %dma_wait3A_818 = arith.constant 0 : i32
    %dma_wait3A_819 = tpu.memref_slice %arg3[%dma_wait3A_817, %dma_wait3A_818] : memref<253952x128xf32, #tpu.memory_space<hbm>> -> memref<253952x128xf32, #tpu.memory_space<hbm>>
    tpu.wait_indirect_dma semaphore(%arg13 : memref<!tpu.dma_semaphore, #tpu.memory_space<semaphore_mem>>) src(%dma_wait3A_819 : memref<253952x128xf32, #tpu.memory_space<hbm>>) dst(%arg8 : memref<128x128xf32, #tpu.memory_space<vmem>>)
    %scan3A = arith.constant 0 : i32
    %scan3A_820 = arith.constant 0 : i32
    %scan3A_821 = arith.constant 32 : i32
    %scan3A_822 = arith.addi %scan3A_820, %scan3A_821 : i32
    %scan3A_823 = arith.constant 1 : i32
    %scan3A_824 = scf.for %scan3A_862 = %scan3A_820 to %scan3A_822 step %scan3A_823 iter_args(%scan3A_863 = %scan3A) -> (i32)  : i32 {
      %iota3A = tpu.iota {dimensions = array<i32: 0>} : vector<16xi32>
      %add3A_864 = arith.constant 0 : i32
      %add3A_865 = vector.broadcast %add3A_864 : i32 to vector<16xi32>
      %add3A_866 = arith.addi %iota3A, %add3A_865 : vector<16xi32>
      %get3A_867 = arith.constant 0 : index
      %get3A_868 = tpu.vector_load %arg7[%get3A_867] {strides = array<i32>} : memref<512xi32, #tpu.memory_space<vmem>>, vector<16xi32>,
      %add3A_869 = vector.broadcast %scan3A_862 : i32 to vector<16xi32>
      %add3A_870 = arith.addi %get3A_868, %add3A_869 : vector<16xi32>
      %gather3A = tpu.vector_load_idx %arg8[%add3A_866, %add3A_870] : memref<128x128xf32, #tpu.memory_space<vmem>>[vector<16xi32>, vector<16xi32>], vector<16xf32>,
      %swap3A_871 = arith.index_cast %scan3A_862 : i32 to index
      %swap3A_872 = arith.constant 0 : index
      %swap3A_873 = tpu.vector_load %arg12[%swap3A_871, %swap3A_872] {strides = array<i32>} : memref<32x512xf32, #tpu.memory_space<vmem>>, vector<16xf32>,
      tpu.vector_store %arg12[%swap3A_871, %swap3A_872], %gather3A {strides = array<i32>} : memref<32x512xf32, #tpu.memory_space<vmem>>, vector<16xf32>,
      %iota3A_874 = tpu.iota {dimensions = array<i32: 0>} : vector<16xi32>
      %add3A_875 = arith.constant 16 : i32
      %add3A_876 = vector.broadcast %add3A_875 : i32 to vector<16xi32>
      %add3A_877 = arith.addi %iota3A_874, %add3A_876 : vector<16xi32>
      %get3A_878 = arith.constant 16 : index
      %get3A_879 = tpu.vector_load %arg7[%get3A_878] {strides = array<i32>} : memref<512xi32, #tpu.memory_space<vmem>>, vector<16xi32>,
      %add3A_880 = vector.broadcast %scan3A_862 : i32 to vector<16xi32>
      %add3A_881 = arith.addi %get3A_879, %add3A_880 : vector<16xi32>
      %gather3A_882 = tpu.vector_load_idx %arg8[%add3A_877, %add3A_881] : memref<128x128xf32, #tpu.memory_space<vmem>>[vector<16xi32>, vector<16xi32>], vector<16xf32>,
      %swap3A_883 = arith.index_cast %scan3A_862 : i32 to index
      %swap3A_884 = arith.constant 16 : index
      %swap3A_885 = tpu.vector_load %arg12[%swap3A_883, %swap3A_884] {strides = array<i32>} : memref<32x512xf32, #tpu.memory_space<vmem>>, vector<16xf32>,
      tpu.vector_store %arg12[%swap3A_883, %swap3A_884], %gather3A_882 {strides = array<i32>} : memref<32x512xf32, #tpu.memory_space<vmem>>, vector<16xf32>,
      %iota3A_886 = tpu.iota {dimensions = array<i32: 0>} : vector<16xi32>
      %add3A_887 = arith.constant 32 : i32
      %add3A_888 = vector.broadcast %add3A_887 : i32 to vector<16xi32>
      %add3A_889 = arith.addi %iota3A_886, %add3A_888 : vector<16xi32>
      %get3A_890 = arith.constant 32 : index
      %get3A_891 = tpu.vector_load %arg7[%get3A_890] {strides = array<i32>} : memref<512xi32, #tpu.memory_space<vmem>>, vector<16xi32>,
      %add3A_892 = vector.broadcast %scan3A_862 : i32 to vector<16xi32>
      %add3A_893 = arith.addi %get3A_891, %add3A_892 : vector<16xi32>
      %gather3A_894 = tpu.vector_load_idx %arg8[%add3A_889, %add3A_893] : memref<128x128xf32, #tpu.memory_space<vmem>>[vector<16xi32>, vector<16xi32>], vector<16xf32>,
      %swap3A_895 = arith.index_cast %scan3A_862 : i32 to index
      %swap3A_896 = arith.constant 32 : index
      %swap3A_897 = tpu.vector_load %arg12[%swap3A_895, %swap3A_896] {strides = array<i32>} : memref<32x512xf32, #tpu.memory_space<vmem>>, vector<16xf32>,
      tpu.vector_store %arg12[%swap3A_895, %swap3A_896], %gather3A_894 {strides = array<i32>} : memref<32x512xf32, #tpu.memory_space<vmem>>, vector<16xf32>,
      %iota3A_898 = tpu.iota {dimensions = array<i32: 0>} : vector<16xi32>
      %add3A_899 = arith.constant 48 : i32
      %add3A_900 = vector.broadcast %add3A_899 : i32 to vector<16xi32>
      %add3A_901 = arith.addi %iota3A_898, %add3A_900 : vector<16xi32>
      %get3A_902 = arith.constant 48 : index
      %get3A_903 = tpu.vector_load %arg7[%get3A_902] {strides = array<i32>} : memref<512xi32, #tpu.memory_space<vmem>>, vector<16xi32>,
      %add3A_904 = vector.broadcast %scan3A_862 : i32 to vector<16xi32>
      %add3A_905 = arith.addi %get3A_903, %add3A_904 : vector<16xi32>
      %gather3A_906 = tpu.vector_load_idx %arg8[%add3A_901, %add3A_905] : memref<128x128xf32, #tpu.memory_space<vmem>>[vector<16xi32>, vector<16xi32>], vector<16xf32>,
      %swap3A_907 = arith.index_cast %scan3A_862 : i32 to index
      %swap3A_908 = arith.constant 48 : index
      %swap3A_909 = tpu.vector_load %arg12[%swap3A_907, %swap3A_908] {strides = array<i32>} : memref<32x512xf32, #tpu.memory_space<vmem>>, vector<16xf32>,
      tpu.vector_store %arg12[%swap3A_907, %swap3A_908], %gather3A_906 {strides = array<i32>} : memref<32x512xf32, #tpu.memory_space<vmem>>, vector<16xf32>,
      %iota3A_910 = tpu.iota {dimensions = array<i32: 0>} : vector<16xi32>
      %add3A_911 = arith.constant 64 : i32
      %add3A_912 = vector.broadcast %add3A_911 : i32 to vector<16xi32>
      %add3A_913 = arith.addi %iota3A_910, %add3A_912 : vector<16xi32>
      %get3A_914 = arith.constant 64 : index
      %get3A_915 = tpu.vector_load %arg7[%get3A_914] {strides = array<i32>} : memref<512xi32, #tpu.memory_space<vmem>>, vector<16xi32>,
      %add3A_916 = vector.broadcast %scan3A_862 : i32 to vector<16xi32>
      %add3A_917 = arith.addi %get3A_915, %add3A_916 : vector<16xi32>
      %gather3A_918 = tpu.vector_load_idx %arg8[%add3A_913, %add3A_917] : memref<128x128xf32, #tpu.memory_space<vmem>>[vector<16xi32>, vector<16xi32>], vector<16xf32>,
      %swap3A_919 = arith.index_cast %scan3A_862 : i32 to index
      %swap3A_920 = arith.constant 64 : index
      %swap3A_921 = tpu.vector_load %arg12[%swap3A_919, %swap3A_920] {strides = array<i32>} : memref<32x512xf32, #tpu.memory_space<vmem>>, vector<16xf32>,
      tpu.vector_store %arg12[%swap3A_919, %swap3A_920], %gather3A_918 {strides = array<i32>} : memref<32x512xf32, #tpu.memory_space<vmem>>, vector<16xf32>,
      %iota3A_922 = tpu.iota {dimensions = array<i32: 0>} : vector<16xi32>
      %add3A_923 = arith.constant 80 : i32
      %add3A_924 = vector.broadcast %add3A_923 : i32 to vector<16xi32>
      %add3A_925 = arith.addi %iota3A_922, %add3A_924 : vector<16xi32>
      %get3A_926 = arith.constant 80 : index
      %get3A_927 = tpu.vector_load %arg7[%get3A_926] {strides = array<i32>} : memref<512xi32, #tpu.memory_space<vmem>>, vector<16xi32>,
      %add3A_928 = vector.broadcast %scan3A_862 : i32 to vector<16xi32>
      %add3A_929 = arith.addi %get3A_927, %add3A_928 : vector<16xi32>
      %gather3A_930 = tpu.vector_load_idx %arg8[%add3A_925, %add3A_929] : memref<128x128xf32, #tpu.memory_space<vmem>>[vector<16xi32>, vector<16xi32>], vector<16xf32>,
      %swap3A_931 = arith.index_cast %scan3A_862 : i32 to index
      %swap3A_932 = arith.constant 80 : index
      %swap3A_933 = tpu.vector_load %arg12[%swap3A_931, %swap3A_932] {strides = array<i32>} : memref<32x512xf32, #tpu.memory_space<vmem>>, vector<16xf32>,
      tpu.vector_store %arg12[%swap3A_931, %swap3A_932], %gather3A_930 {strides = array<i32>} : memref<32x512xf32, #tpu.memory_space<vmem>>, vector<16xf32>,
      %iota3A_934 = tpu.iota {dimensions = array<i32: 0>} : vector<16xi32>
      %add3A_935 = arith.constant 96 : i32
      %add3A_936 = vector.broadcast %add3A_935 : i32 to vector<16xi32>
      %add3A_937 = arith.addi %iota3A_934, %add3A_936 : vector<16xi32>
      %get3A_938 = arith.constant 96 : index
      %get3A_939 = tpu.vector_load %arg7[%get3A_938] {strides = array<i32>} : memref<512xi32, #tpu.memory_space<vmem>>, vector<16xi32>,
      %add3A_940 = vector.broadcast %scan3A_862 : i32 to vector<16xi32>
      %add3A_941 = arith.addi %get3A_939, %add3A_940 : vector<16xi32>
      %gather3A_942 = tpu.vector_load_idx %arg8[%add3A_937, %add3A_941] : memref<128x128xf32, #tpu.memory_space<vmem>>[vector<16xi32>, vector<16xi32>], vector<16xf32>,
      %swap3A_943 = arith.index_cast %scan3A_862 : i32 to index
      %swap3A_944 = arith.constant 96 : index
      %swap3A_945 = tpu.vector_load %arg12[%swap3A_943, %swap3A_944] {strides = array<i32>} : memref<32x512xf32, #tpu.memory_space<vmem>>, vector<16xf32>,
      tpu.vector_store %arg12[%swap3A_943, %swap3A_944], %gather3A_942 {strides = array<i32>} : memref<32x512xf32, #tpu.memory_space<vmem>>, vector<16xf32>,
      %iota3A_946 = tpu.iota {dimensions = array<i32: 0>} : vector<16xi32>
      %add3A_947 = arith.constant 112 : i32
      %add3A_948 = vector.broadcast %add3A_947 : i32 to vector<16xi32>
      %add3A_949 = arith.addi %iota3A_946, %add3A_948 : vector<16xi32>
      %get3A_950 = arith.constant 112 : index
      %get3A_951 = tpu.vector_load %arg7[%get3A_950] {strides = array<i32>} : memref<512xi32, #tpu.memory_space<vmem>>, vector<16xi32>,
      %add3A_952 = vector.broadcast %scan3A_862 : i32 to vector<16xi32>
      %add3A_953 = arith.addi %get3A_951, %add3A_952 : vector<16xi32>
      %gather3A_954 = tpu.vector_load_idx %arg8[%add3A_949, %add3A_953] : memref<128x128xf32, #tpu.memory_space<vmem>>[vector<16xi32>, vector<16xi32>], vector<16xf32>,
      %swap3A_955 = arith.index_cast %scan3A_862 : i32 to index
      %swap3A_956 = arith.constant 112 : index
      %swap3A_957 = tpu.vector_load %arg12[%swap3A_955, %swap3A_956] {strides = array<i32>} : memref<32x512xf32, #tpu.memory_space<vmem>>, vector<16xf32>,
      tpu.vector_store %arg12[%swap3A_955, %swap3A_956], %gather3A_954 {strides = array<i32>} : memref<32x512xf32, #tpu.memory_space<vmem>>, vector<16xf32>,
      %scan3A_958 = arith.constant 0 : i32
      scf.yield %scan3A_958 : i32
    }
    %scan3A_825 = arith.constant 32 : i32
    %dma_wait3A_826 = arith.constant 128 : i32
    %dma_wait3A_827 = tpu.memref_slice %arg6[%dma_wait3A_826] : memref<512xi32, #tpu.memory_space<vmem>> -> memref<128xi32, #tpu.memory_space<vmem>>
    %dma_wait3A_828 = arith.constant 0 : i32
    %dma_wait3A_829 = arith.constant 0 : i32
    %dma_wait3A_830 = tpu.memref_slice %arg3[%dma_wait3A_828, %dma_wait3A_829] : memref<253952x128xf32, #tpu.memory_space<hbm>> -> memref<253952x128xf32, #tpu.memory_space<hbm>>
    tpu.wait_indirect_dma semaphore(%arg13 : memref<!tpu.dma_semaphore, #tpu.memory_space<semaphore_mem>>) src(%dma_wait3A_830 : memref<253952x128xf32, #tpu.memory_space<hbm>>) dst(%arg9 : memref<128x128xf32, #tpu.memory_space<vmem>>)
    %scan3A_831 = arith.constant 0 : i32
    %scan3A_832 = arith.constant 0 : i32
    %scan3A_833 = arith.constant 32 : i32
    %scan3A_834 = arith.addi %scan3A_832, %scan3A_833 : i32
    %scan3A_835 = arith.constant 1 : i32
    %scan3A_836 = scf.for %scan3A_862 = %scan3A_832 to %scan3A_834 step %scan3A_835 iter_args(%scan3A_863 = %scan3A_831) -> (i32)  : i32 {
      %iota3A = tpu.iota {dimensions = array<i32: 0>} : vector<16xi32>
      %add3A_864 = arith.constant 0 : i32
      %add3A_865 = vector.broadcast %add3A_864 : i32 to vector<16xi32>
      %add3A_866 = arith.addi %iota3A, %add3A_865 : vector<16xi32>
      %get3A_867 = arith.constant 128 : index
      %get3A_868 = tpu.vector_load %arg7[%get3A_867] {strides = array<i32>} : memref<512xi32, #tpu.memory_space<vmem>>, vector<16xi32>,
      %add3A_869 = vector.broadcast %scan3A_862 : i32 to vector<16xi32>
      %add3A_870 = arith.addi %get3A_868, %add3A_869 : vector<16xi32>
      %gather3A = tpu.vector_load_idx %arg9[%add3A_866, %add3A_870] : memref<128x128xf32, #tpu.memory_space<vmem>>[vector<16xi32>, vector<16xi32>], vector<16xf32>,
      %swap3A_871 = arith.index_cast %scan3A_862 : i32 to index
      %swap3A_872 = arith.constant 128 : index
      %swap3A_873 = tpu.vector_load %arg12[%swap3A_871, %swap3A_872] {strides = array<i32>} : memref<32x512xf32, #tpu.memory_space<vmem>>, vector<16xf32>,
      tpu.vector_store %arg12[%swap3A_871, %swap3A_872], %gather3A {strides = array<i32>} : memref<32x512xf32, #tpu.memory_space<vmem>>, vector<16xf32>,
      %iota3A_874 = tpu.iota {dimensions = array<i32: 0>} : vector<16xi32>
      %add3A_875 = arith.constant 16 : i32
      %add3A_876 = vector.broadcast %add3A_875 : i32 to vector<16xi32>
      %add3A_877 = arith.addi %iota3A_874, %add3A_876 : vector<16xi32>
      %get3A_878 = arith.constant 144 : index
      %get3A_879 = tpu.vector_load %arg7[%get3A_878] {strides = array<i32>} : memref<512xi32, #tpu.memory_space<vmem>>, vector<16xi32>,
      %add3A_880 = vector.broadcast %scan3A_862 : i32 to vector<16xi32>
      %add3A_881 = arith.addi %get3A_879, %add3A_880 : vector<16xi32>
      %gather3A_882 = tpu.vector_load_idx %arg9[%add3A_877, %add3A_881] : memref<128x128xf32, #tpu.memory_space<vmem>>[vector<16xi32>, vector<16xi32>], vector<16xf32>,
      %swap3A_883 = arith.index_cast %scan3A_862 : i32 to index
      %swap3A_884 = arith.constant 144 : index
      %swap3A_885 = tpu.vector_load %arg12[%swap3A_883, %swap3A_884] {strides = array<i32>} : memref<32x512xf32, #tpu.memory_space<vmem>>, vector<16xf32>,
      tpu.vector_store %arg12[%swap3A_883, %swap3A_884], %gather3A_882 {strides = array<i32>} : memref<32x512xf32, #tpu.memory_space<vmem>>, vector<16xf32>,
      %iota3A_886 = tpu.iota {dimensions = array<i32: 0>} : vector<16xi32>
      %add3A_887 = arith.constant 32 : i32
      %add3A_888 = vector.broadcast %add3A_887 : i32 to vector<16xi32>
      %add3A_889 = arith.addi %iota3A_886, %add3A_888 : vector<16xi32>
      %get3A_890 = arith.constant 160 : index
      %get3A_891 = tpu.vector_load %arg7[%get3A_890] {strides = array<i32>} : memref<512xi32, #tpu.memory_space<vmem>>, vector<16xi32>,
      %add3A_892 = vector.broadcast %scan3A_862 : i32 to vector<16xi32>
      %add3A_893 = arith.addi %get3A_891, %add3A_892 : vector<16xi32>
      %gather3A_894 = tpu.vector_load_idx %arg9[%add3A_889, %add3A_893] : memref<128x128xf32, #tpu.memory_space<vmem>>[vector<16xi32>, vector<16xi32>], vector<16xf32>,
      %swap3A_895 = arith.index_cast %scan3A_862 : i32 to index
      %swap3A_896 = arith.constant 160 : index
      %swap3A_897 = tpu.vector_load %arg12[%swap3A_895, %swap3A_896] {strides = array<i32>} : memref<32x512xf32, #tpu.memory_space<vmem>>, vector<16xf32>,
      tpu.vector_store %arg12[%swap3A_895, %swap3A_896], %gather3A_894 {strides = array<i32>} : memref<32x512xf32, #tpu.memory_space<vmem>>, vector<16xf32>,
      %iota3A_898 = tpu.iota {dimensions = array<i32: 0>} : vector<16xi32>
      %add3A_899 = arith.constant 48 : i32
      %add3A_900 = vector.broadcast %add3A_899 : i32 to vector<16xi32>
      %add3A_901 = arith.addi %iota3A_898, %add3A_900 : vector<16xi32>
      %get3A_902 = arith.constant 176 : index
      %get3A_903 = tpu.vector_load %arg7[%get3A_902] {strides = array<i32>} : memref<512xi32, #tpu.memory_space<vmem>>, vector<16xi32>,
      %add3A_904 = vector.broadcast %scan3A_862 : i32 to vector<16xi32>
      %add3A_905 = arith.addi %get3A_903, %add3A_904 : vector<16xi32>
      %gather3A_906 = tpu.vector_load_idx %arg9[%add3A_901, %add3A_905] : memref<128x128xf32, #tpu.memory_space<vmem>>[vector<16xi32>, vector<16xi32>], vector<16xf32>,
      %swap3A_907 = arith.index_cast %scan3A_862 : i32 to index
      %swap3A_908 = arith.constant 176 : index
      %swap3A_909 = tpu.vector_load %arg12[%swap3A_907, %swap3A_908] {strides = array<i32>} : memref<32x512xf32, #tpu.memory_space<vmem>>, vector<16xf32>,
      tpu.vector_store %arg12[%swap3A_907, %swap3A_908], %gather3A_906 {strides = array<i32>} : memref<32x512xf32, #tpu.memory_space<vmem>>, vector<16xf32>,
      %iota3A_910 = tpu.iota {dimensions = array<i32: 0>} : vector<16xi32>
      %add3A_911 = arith.constant 64 : i32
      %add3A_912 = vector.broadcast %add3A_911 : i32 to vector<16xi32>
      %add3A_913 = arith.addi %iota3A_910, %add3A_912 : vector<16xi32>
      %get3A_914 = arith.constant 192 : index
      %get3A_915 = tpu.vector_load %arg7[%get3A_914] {strides = array<i32>} : memref<512xi32, #tpu.memory_space<vmem>>, vector<16xi32>,
      %add3A_916 = vector.broadcast %scan3A_862 : i32 to vector<16xi32>
      %add3A_917 = arith.addi %get3A_915, %add3A_916 : vector<16xi32>
      %gather3A_918 = tpu.vector_load_idx %arg9[%add3A_913, %add3A_917] : memref<128x128xf32, #tpu.memory_space<vmem>>[vector<16xi32>, vector<16xi32>], vector<16xf32>,
      %swap3A_919 = arith.index_cast %scan3A_862 : i32 to index
      %swap3A_920 = arith.constant 192 : index
      %swap3A_921 = tpu.vector_load %arg12[%swap3A_919, %swap3A_920] {strides = array<i32>} : memref<32x512xf32, #tpu.memory_space<vmem>>, vector<16xf32>,
      tpu.vector_store %arg12[%swap3A_919, %swap3A_920], %gather3A_918 {strides = array<i32>} : memref<32x512xf32, #tpu.memory_space<vmem>>, vector<16xf32>,
      %iota3A_922 = tpu.iota {dimensions = array<i32: 0>} : vector<16xi32>
      %add3A_923 = arith.constant 80 : i32
      %add3A_924 = vector.broadcast %add3A_923 : i32 to vector<16xi32>
      %add3A_925 = arith.addi %iota3A_922, %add3A_924 : vector<16xi32>
      %get3A_926 = arith.constant 208 : index
      %get3A_927 = tpu.vector_load %arg7[%get3A_926] {strides = array<i32>} : memref<512xi32, #tpu.memory_space<vmem>>, vector<16xi32>,
      %add3A_928 = vector.broadcast %scan3A_862 : i32 to vector<16xi32>
      %add3A_929 = arith.addi %get3A_927, %add3A_928 : vector<16xi32>
      %gather3A_930 = tpu.vector_load_idx %arg9[%add3A_925, %add3A_929] : memref<128x128xf32, #tpu.memory_space<vmem>>[vector<16xi32>, vector<16xi32>], vector<16xf32>,
      %swap3A_931 = arith.index_cast %scan3A_862 : i32 to index
      %swap3A_932 = arith.constant 208 : index
      %swap3A_933 = tpu.vector_load %arg12[%swap3A_931, %swap3A_932] {strides = array<i32>} : memref<32x512xf32, #tpu.memory_space<vmem>>, vector<16xf32>,
      tpu.vector_store %arg12[%swap3A_931, %swap3A_932], %gather3A_930 {strides = array<i32>} : memref<32x512xf32, #tpu.memory_space<vmem>>, vector<16xf32>,
      %iota3A_934 = tpu.iota {dimensions = array<i32: 0>} : vector<16xi32>
      %add3A_935 = arith.constant 96 : i32
      %add3A_936 = vector.broadcast %add3A_935 : i32 to vector<16xi32>
      %add3A_937 = arith.addi %iota3A_934, %add3A_936 : vector<16xi32>
      %get3A_938 = arith.constant 224 : index
      %get3A_939 = tpu.vector_load %arg7[%get3A_938] {strides = array<i32>} : memref<512xi32, #tpu.memory_space<vmem>>, vector<16xi32>,
      %add3A_940 = vector.broadcast %scan3A_862 : i32 to vector<16xi32>
      %add3A_941 = arith.addi %get3A_939, %add3A_940 : vector<16xi32>
      %gather3A_942 = tpu.vector_load_idx %arg9[%add3A_937, %add3A_941] : memref<128x128xf32, #tpu.memory_space<vmem>>[vector<16xi32>, vector<16xi32>], vector<16xf32>,
      %swap3A_943 = arith.index_cast %scan3A_862 : i32 to index
      %swap3A_944 = arith.constant 224 : index
      %swap3A_945 = tpu.vector_load %arg12[%swap3A_943, %swap3A_944] {strides = array<i32>} : memref<32x512xf32, #tpu.memory_space<vmem>>, vector<16xf32>,
      tpu.vector_store %arg12[%swap3A_943, %swap3A_944], %gather3A_942 {strides = array<i32>} : memref<32x512xf32, #tpu.memory_space<vmem>>, vector<16xf32>,
      %iota3A_946 = tpu.iota {dimensions = array<i32: 0>} : vector<16xi32>
      %add3A_947 = arith.constant 112 : i32
      %add3A_948 = vector.broadcast %add3A_947 : i32 to vector<16xi32>
      %add3A_949 = arith.addi %iota3A_946, %add3A_948 : vector<16xi32>
      %get3A_950 = arith.constant 240 : index
      %get3A_951 = tpu.vector_load %arg7[%get3A_950] {strides = array<i32>} : memref<512xi32, #tpu.memory_space<vmem>>, vector<16xi32>,
      %add3A_952 = vector.broadcast %scan3A_862 : i32 to vector<16xi32>
      %add3A_953 = arith.addi %get3A_951, %add3A_952 : vector<16xi32>
      %gather3A_954 = tpu.vector_load_idx %arg9[%add3A_949, %add3A_953] : memref<128x128xf32, #tpu.memory_space<vmem>>[vector<16xi32>, vector<16xi32>], vector<16xf32>,
      %swap3A_955 = arith.index_cast %scan3A_862 : i32 to index
      %swap3A_956 = arith.constant 240 : index
      %swap3A_957 = tpu.vector_load %arg12[%swap3A_955, %swap3A_956] {strides = array<i32>} : memref<32x512xf32, #tpu.memory_space<vmem>>, vector<16xf32>,
      tpu.vector_store %arg12[%swap3A_955, %swap3A_956], %gather3A_954 {strides = array<i32>} : memref<32x512xf32, #tpu.memory_space<vmem>>, vector<16xf32>,
      %scan3A_958 = arith.constant 0 : i32
      scf.yield %scan3A_958 : i32
    }
    %scan3A_837 = arith.constant 32 : i32
    %dma_wait3A_838 = arith.constant 256 : i32
    %dma_wait3A_839 = tpu.memref_slice %arg6[%dma_wait3A_838] : memref<512xi32, #tpu.memory_space<vmem>> -> memref<128xi32, #tpu.memory_space<vmem>>
    %dma_wait3A_840 = arith.constant 0 : i32
    %dma_wait3A_841 = arith.constant 0 : i32
    %dma_wait3A_842 = tpu.memref_slice %arg3[%dma_wait3A_840, %dma_wait3A_841] : memref<253952x128xf32, #tpu.memory_space<hbm>> -> memref<253952x128xf32, #tpu.memory_space<hbm>>
    tpu.wait_indirect_dma semaphore(%arg13 : memref<!tpu.dma_semaphore, #tpu.memory_space<semaphore_mem>>) src(%dma_wait3A_842 : memref<253952x128xf32, #tpu.memory_space<hbm>>) dst(%arg10 : memref<128x128xf32, #tpu.memory_space<vmem>>)
    %scan3A_843 = arith.constant 0 : i32
    %scan3A_844 = arith.constant 0 : i32
    %scan3A_845 = arith.constant 32 : i32
    %scan3A_846 = arith.addi %scan3A_844, %scan3A_845 : i32
    %scan3A_847 = arith.constant 1 : i32
    %scan3A_848 = scf.for %scan3A_862 = %scan3A_844 to %scan3A_846 step %scan3A_847 iter_args(%scan3A_863 = %scan3A_843) -> (i32)  : i32 {
      %iota3A = tpu.iota {dimensions = array<i32: 0>} : vector<16xi32>
      %add3A_864 = arith.constant 0 : i32
      %add3A_865 = vector.broadcast %add3A_864 : i32 to vector<16xi32>
      %add3A_866 = arith.addi %iota3A, %add3A_865 : vector<16xi32>
      %get3A_867 = arith.constant 256 : index
      %get3A_868 = tpu.vector_load %arg7[%get3A_867] {strides = array<i32>} : memref<512xi32, #tpu.memory_space<vmem>>, vector<16xi32>,
      %add3A_869 = vector.broadcast %scan3A_862 : i32 to vector<16xi32>
      %add3A_870 = arith.addi %get3A_868, %add3A_869 : vector<16xi32>
      %gather3A = tpu.vector_load_idx %arg10[%add3A_866, %add3A_870] : memref<128x128xf32, #tpu.memory_space<vmem>>[vector<16xi32>, vector<16xi32>], vector<16xf32>,
      %swap3A_871 = arith.index_cast %scan3A_862 : i32 to index
      %swap3A_872 = arith.constant 256 : index
      %swap3A_873 = tpu.vector_load %arg12[%swap3A_871, %swap3A_872] {strides = array<i32>} : memref<32x512xf32, #tpu.memory_space<vmem>>, vector<16xf32>,
      tpu.vector_store %arg12[%swap3A_871, %swap3A_872], %gather3A {strides = array<i32>} : memref<32x512xf32, #tpu.memory_space<vmem>>, vector<16xf32>,
      %iota3A_874 = tpu.iota {dimensions = array<i32: 0>} : vector<16xi32>
      %add3A_875 = arith.constant 16 : i32
      %add3A_876 = vector.broadcast %add3A_875 : i32 to vector<16xi32>
      %add3A_877 = arith.addi %iota3A_874, %add3A_876 : vector<16xi32>
      %get3A_878 = arith.constant 272 : index
      %get3A_879 = tpu.vector_load %arg7[%get3A_878] {strides = array<i32>} : memref<512xi32, #tpu.memory_space<vmem>>, vector<16xi32>,
      %add3A_880 = vector.broadcast %scan3A_862 : i32 to vector<16xi32>
      %add3A_881 = arith.addi %get3A_879, %add3A_880 : vector<16xi32>
      %gather3A_882 = tpu.vector_load_idx %arg10[%add3A_877, %add3A_881] : memref<128x128xf32, #tpu.memory_space<vmem>>[vector<16xi32>, vector<16xi32>], vector<16xf32>,
      %swap3A_883 = arith.index_cast %scan3A_862 : i32 to index
      %swap3A_884 = arith.constant 272 : index
      %swap3A_885 = tpu.vector_load %arg12[%swap3A_883, %swap3A_884] {strides = array<i32>} : memref<32x512xf32, #tpu.memory_space<vmem>>, vector<16xf32>,
      tpu.vector_store %arg12[%swap3A_883, %swap3A_884], %gather3A_882 {strides = array<i32>} : memref<32x512xf32, #tpu.memory_space<vmem>>, vector<16xf32>,
      %iota3A_886 = tpu.iota {dimensions = array<i32: 0>} : vector<16xi32>
      %add3A_887 = arith.constant 32 : i32
      %add3A_888 = vector.broadcast %add3A_887 : i32 to vector<16xi32>
      %add3A_889 = arith.addi %iota3A_886, %add3A_888 : vector<16xi32>
      %get3A_890 = arith.constant 288 : index
      %get3A_891 = tpu.vector_load %arg7[%get3A_890] {strides = array<i32>} : memref<512xi32, #tpu.memory_space<vmem>>, vector<16xi32>,
      %add3A_892 = vector.broadcast %scan3A_862 : i32 to vector<16xi32>
      %add3A_893 = arith.addi %get3A_891, %add3A_892 : vector<16xi32>
      %gather3A_894 = tpu.vector_load_idx %arg10[%add3A_889, %add3A_893] : memref<128x128xf32, #tpu.memory_space<vmem>>[vector<16xi32>, vector<16xi32>], vector<16xf32>,
      %swap3A_895 = arith.index_cast %scan3A_862 : i32 to index
      %swap3A_896 = arith.constant 288 : index
      %swap3A_897 = tpu.vector_load %arg12[%swap3A_895, %swap3A_896] {strides = array<i32>} : memref<32x512xf32, #tpu.memory_space<vmem>>, vector<16xf32>,
      tpu.vector_store %arg12[%swap3A_895, %swap3A_896], %gather3A_894 {strides = array<i32>} : memref<32x512xf32, #tpu.memory_space<vmem>>, vector<16xf32>,
      %iota3A_898 = tpu.iota {dimensions = array<i32: 0>} : vector<16xi32>
      %add3A_899 = arith.constant 48 : i32
      %add3A_900 = vector.broadcast %add3A_899 : i32 to vector<16xi32>
      %add3A_901 = arith.addi %iota3A_898, %add3A_900 : vector<16xi32>
      %get3A_902 = arith.constant 304 : index
      %get3A_903 = tpu.vector_load %arg7[%get3A_902] {strides = array<i32>} : memref<512xi32, #tpu.memory_space<vmem>>, vector<16xi32>,
      %add3A_904 = vector.broadcast %scan3A_862 : i32 to vector<16xi32>
      %add3A_905 = arith.addi %get3A_903, %add3A_904 : vector<16xi32>
      %gather3A_906 = tpu.vector_load_idx %arg10[%add3A_901, %add3A_905] : memref<128x128xf32, #tpu.memory_space<vmem>>[vector<16xi32>, vector<16xi32>], vector<16xf32>,
      %swap3A_907 = arith.index_cast %scan3A_862 : i32 to index
      %swap3A_908 = arith.constant 304 : index
      %swap3A_909 = tpu.vector_load %arg12[%swap3A_907, %swap3A_908] {strides = array<i32>} : memref<32x512xf32, #tpu.memory_space<vmem>>, vector<16xf32>,
      tpu.vector_store %arg12[%swap3A_907, %swap3A_908], %gather3A_906 {strides = array<i32>} : memref<32x512xf32, #tpu.memory_space<vmem>>, vector<16xf32>,
      %iota3A_910 = tpu.iota {dimensions = array<i32: 0>} : vector<16xi32>
      %add3A_911 = arith.constant 64 : i32
      %add3A_912 = vector.broadcast %add3A_911 : i32 to vector<16xi32>
      %add3A_913 = arith.addi %iota3A_910, %add3A_912 : vector<16xi32>
      %get3A_914 = arith.constant 320 : index
      %get3A_915 = tpu.vector_load %arg7[%get3A_914] {strides = array<i32>} : memref<512xi32, #tpu.memory_space<vmem>>, vector<16xi32>,
      %add3A_916 = vector.broadcast %scan3A_862 : i32 to vector<16xi32>
      %add3A_917 = arith.addi %get3A_915, %add3A_916 : vector<16xi32>
      %gather3A_918 = tpu.vector_load_idx %arg10[%add3A_913, %add3A_917] : memref<128x128xf32, #tpu.memory_space<vmem>>[vector<16xi32>, vector<16xi32>], vector<16xf32>,
      %swap3A_919 = arith.index_cast %scan3A_862 : i32 to index
      %swap3A_920 = arith.constant 320 : index
      %swap3A_921 = tpu.vector_load %arg12[%swap3A_919, %swap3A_920] {strides = array<i32>} : memref<32x512xf32, #tpu.memory_space<vmem>>, vector<16xf32>,
      tpu.vector_store %arg12[%swap3A_919, %swap3A_920], %gather3A_918 {strides = array<i32>} : memref<32x512xf32, #tpu.memory_space<vmem>>, vector<16xf32>,
      %iota3A_922 = tpu.iota {dimensions = array<i32: 0>} : vector<16xi32>
      %add3A_923 = arith.constant 80 : i32
      %add3A_924 = vector.broadcast %add3A_923 : i32 to vector<16xi32>
      %add3A_925 = arith.addi %iota3A_922, %add3A_924 : vector<16xi32>
      %get3A_926 = arith.constant 336 : index
      %get3A_927 = tpu.vector_load %arg7[%get3A_926] {strides = array<i32>} : memref<512xi32, #tpu.memory_space<vmem>>, vector<16xi32>,
      %add3A_928 = vector.broadcast %scan3A_862 : i32 to vector<16xi32>
      %add3A_929 = arith.addi %get3A_927, %add3A_928 : vector<16xi32>
      %gather3A_930 = tpu.vector_load_idx %arg10[%add3A_925, %add3A_929] : memref<128x128xf32, #tpu.memory_space<vmem>>[vector<16xi32>, vector<16xi32>], vector<16xf32>,
      %swap3A_931 = arith.index_cast %scan3A_862 : i32 to index
      %swap3A_932 = arith.constant 336 : index
      %swap3A_933 = tpu.vector_load %arg12[%swap3A_931, %swap3A_932] {strides = array<i32>} : memref<32x512xf32, #tpu.memory_space<vmem>>, vector<16xf32>,
      tpu.vector_store %arg12[%swap3A_931, %swap3A_932], %gather3A_930 {strides = array<i32>} : memref<32x512xf32, #tpu.memory_space<vmem>>, vector<16xf32>,
      %iota3A_934 = tpu.iota {dimensions = array<i32: 0>} : vector<16xi32>
      %add3A_935 = arith.constant 96 : i32
      %add3A_936 = vector.broadcast %add3A_935 : i32 to vector<16xi32>
      %add3A_937 = arith.addi %iota3A_934, %add3A_936 : vector<16xi32>
      %get3A_938 = arith.constant 352 : index
      %get3A_939 = tpu.vector_load %arg7[%get3A_938] {strides = array<i32>} : memref<512xi32, #tpu.memory_space<vmem>>, vector<16xi32>,
      %add3A_940 = vector.broadcast %scan3A_862 : i32 to vector<16xi32>
      %add3A_941 = arith.addi %get3A_939, %add3A_940 : vector<16xi32>
      %gather3A_942 = tpu.vector_load_idx %arg10[%add3A_937, %add3A_941] : memref<128x128xf32, #tpu.memory_space<vmem>>[vector<16xi32>, vector<16xi32>], vector<16xf32>,
      %swap3A_943 = arith.index_cast %scan3A_862 : i32 to index
      %swap3A_944 = arith.constant 352 : index
      %swap3A_945 = tpu.vector_load %arg12[%swap3A_943, %swap3A_944] {strides = array<i32>} : memref<32x512xf32, #tpu.memory_space<vmem>>, vector<16xf32>,
      tpu.vector_store %arg12[%swap3A_943, %swap3A_944], %gather3A_942 {strides = array<i32>} : memref<32x512xf32, #tpu.memory_space<vmem>>, vector<16xf32>,
      %iota3A_946 = tpu.iota {dimensions = array<i32: 0>} : vector<16xi32>
      %add3A_947 = arith.constant 112 : i32
      %add3A_948 = vector.broadcast %add3A_947 : i32 to vector<16xi32>
      %add3A_949 = arith.addi %iota3A_946, %add3A_948 : vector<16xi32>
      %get3A_950 = arith.constant 368 : index
      %get3A_951 = tpu.vector_load %arg7[%get3A_950] {strides = array<i32>} : memref<512xi32, #tpu.memory_space<vmem>>, vector<16xi32>,
      %add3A_952 = vector.broadcast %scan3A_862 : i32 to vector<16xi32>
      %add3A_953 = arith.addi %get3A_951, %add3A_952 : vector<16xi32>
      %gather3A_954 = tpu.vector_load_idx %arg10[%add3A_949, %add3A_953] : memref<128x128xf32, #tpu.memory_space<vmem>>[vector<16xi32>, vector<16xi32>], vector<16xf32>,
      %swap3A_955 = arith.index_cast %scan3A_862 : i32 to index
      %swap3A_956 = arith.constant 368 : index
      %swap3A_957 = tpu.vector_load %arg12[%swap3A_955, %swap3A_956] {strides = array<i32>} : memref<32x512xf32, #tpu.memory_space<vmem>>, vector<16xf32>,
      tpu.vector_store %arg12[%swap3A_955, %swap3A_956], %gather3A_954 {strides = array<i32>} : memref<32x512xf32, #tpu.memory_space<vmem>>, vector<16xf32>,
      %scan3A_958 = arith.constant 0 : i32
      scf.yield %scan3A_958 : i32
    }
    %scan3A_849 = arith.constant 32 : i32
    %dma_wait3A_850 = arith.constant 384 : i32
    %dma_wait3A_851 = tpu.memref_slice %arg6[%dma_wait3A_850] : memref<512xi32, #tpu.memory_space<vmem>> -> memref<128xi32, #tpu.memory_space<vmem>>
    %dma_wait3A_852 = arith.constant 0 : i32
    %dma_wait3A_853 = arith.constant 0 : i32
    %dma_wait3A_854 = tpu.memref_slice %arg3[%dma_wait3A_852, %dma_wait3A_853] : memref<253952x128xf32, #tpu.memory_space<hbm>> -> memref<253952x128xf32, #tpu.memory_space<hbm>>
    tpu.wait_indirect_dma semaphore(%arg13 : memref<!tpu.dma_semaphore, #tpu.memory_space<semaphore_mem>>) src(%dma_wait3A_854 : memref<253952x128xf32, #tpu.memory_space<hbm>>) dst(%arg11 : memref<128x128xf32, #tpu.memory_space<vmem>>)
    %scan3A_855 = arith.constant 0 : i32
    %scan3A_856 = arith.constant 0 : i32
    %scan3A_857 = arith.constant 32 : i32
    %scan3A_858 = arith.addi %scan3A_856, %scan3A_857 : i32
    %scan3A_859 = arith.constant 1 : i32
    %scan3A_860 = scf.for %scan3A_862 = %scan3A_856 to %scan3A_858 step %scan3A_859 iter_args(%scan3A_863 = %scan3A_855) -> (i32)  : i32 {
      %iota3A = tpu.iota {dimensions = array<i32: 0>} : vector<16xi32>
      %add3A_864 = arith.constant 0 : i32
      %add3A_865 = vector.broadcast %add3A_864 : i32 to vector<16xi32>
      %add3A_866 = arith.addi %iota3A, %add3A_865 : vector<16xi32>
      %get3A_867 = arith.constant 384 : index
      %get3A_868 = tpu.vector_load %arg7[%get3A_867] {strides = array<i32>} : memref<512xi32, #tpu.memory_space<vmem>>, vector<16xi32>,
      %add3A_869 = vector.broadcast %scan3A_862 : i32 to vector<16xi32>
      %add3A_870 = arith.addi %get3A_868, %add3A_869 : vector<16xi32>
      %gather3A = tpu.vector_load_idx %arg11[%add3A_866, %add3A_870] : memref<128x128xf32, #tpu.memory_space<vmem>>[vector<16xi32>, vector<16xi32>], vector<16xf32>,
      %swap3A_871 = arith.index_cast %scan3A_862 : i32 to index
      %swap3A_872 = arith.constant 384 : index
      %swap3A_873 = tpu.vector_load %arg12[%swap3A_871, %swap3A_872] {strides = array<i32>} : memref<32x512xf32, #tpu.memory_space<vmem>>, vector<16xf32>,
      tpu.vector_store %arg12[%swap3A_871, %swap3A_872], %gather3A {strides = array<i32>} : memref<32x512xf32, #tpu.memory_space<vmem>>, vector<16xf32>,
      %iota3A_874 = tpu.iota {dimensions = array<i32: 0>} : vector<16xi32>
      %add3A_875 = arith.constant 16 : i32
      %add3A_876 = vector.broadcast %add3A_875 : i32 to vector<16xi32>
      %add3A_877 = arith.addi %iota3A_874, %add3A_876 : vector<16xi32>
      %get3A_878 = arith.constant 400 : index
      %get3A_879 = tpu.vector_load %arg7[%get3A_878] {strides = array<i32>} : memref<512xi32, #tpu.memory_space<vmem>>, vector<16xi32>,
      %add3A_880 = vector.broadcast %scan3A_862 : i32 to vector<16xi32>
      %add3A_881 = arith.addi %get3A_879, %add3A_880 : vector<16xi32>
      %gather3A_882 = tpu.vector_load_idx %arg11[%add3A_877, %add3A_881] : memref<128x128xf32, #tpu.memory_space<vmem>>[vector<16xi32>, vector<16xi32>], vector<16xf32>,
      %swap3A_883 = arith.index_cast %scan3A_862 : i32 to index
      %swap3A_884 = arith.constant 400 : index
      %swap3A_885 = tpu.vector_load %arg12[%swap3A_883, %swap3A_884] {strides = array<i32>} : memref<32x512xf32, #tpu.memory_space<vmem>>, vector<16xf32>,
      tpu.vector_store %arg12[%swap3A_883, %swap3A_884], %gather3A_882 {strides = array<i32>} : memref<32x512xf32, #tpu.memory_space<vmem>>, vector<16xf32>,
      %iota3A_886 = tpu.iota {dimensions = array<i32: 0>} : vector<16xi32>
      %add3A_887 = arith.constant 32 : i32
      %add3A_888 = vector.broadcast %add3A_887 : i32 to vector<16xi32>
      %add3A_889 = arith.addi %iota3A_886, %add3A_888 : vector<16xi32>
      %get3A_890 = arith.constant 416 : index
      %get3A_891 = tpu.vector_load %arg7[%get3A_890] {strides = array<i32>} : memref<512xi32, #tpu.memory_space<vmem>>, vector<16xi32>,
      %add3A_892 = vector.broadcast %scan3A_862 : i32 to vector<16xi32>
      %add3A_893 = arith.addi %get3A_891, %add3A_892 : vector<16xi32>
      %gather3A_894 = tpu.vector_load_idx %arg11[%add3A_889, %add3A_893] : memref<128x128xf32, #tpu.memory_space<vmem>>[vector<16xi32>, vector<16xi32>], vector<16xf32>,
      %swap3A_895 = arith.index_cast %scan3A_862 : i32 to index
      %swap3A_896 = arith.constant 416 : index
      %swap3A_897 = tpu.vector_load %arg12[%swap3A_895, %swap3A_896] {strides = array<i32>} : memref<32x512xf32, #tpu.memory_space<vmem>>, vector<16xf32>,
      tpu.vector_store %arg12[%swap3A_895, %swap3A_896], %gather3A_894 {strides = array<i32>} : memref<32x512xf32, #tpu.memory_space<vmem>>, vector<16xf32>,
      %iota3A_898 = tpu.iota {dimensions = array<i32: 0>} : vector<16xi32>
      %add3A_899 = arith.constant 48 : i32
      %add3A_900 = vector.broadcast %add3A_899 : i32 to vector<16xi32>
      %add3A_901 = arith.addi %iota3A_898, %add3A_900 : vector<16xi32>
      %get3A_902 = arith.constant 432 : index
      %get3A_903 = tpu.vector_load %arg7[%get3A_902] {strides = array<i32>} : memref<512xi32, #tpu.memory_space<vmem>>, vector<16xi32>,
      %add3A_904 = vector.broadcast %scan3A_862 : i32 to vector<16xi32>
      %add3A_905 = arith.addi %get3A_903, %add3A_904 : vector<16xi32>
      %gather3A_906 = tpu.vector_load_idx %arg11[%add3A_901, %add3A_905] : memref<128x128xf32, #tpu.memory_space<vmem>>[vector<16xi32>, vector<16xi32>], vector<16xf32>,
      %swap3A_907 = arith.index_cast %scan3A_862 : i32 to index
      %swap3A_908 = arith.constant 432 : index
      %swap3A_909 = tpu.vector_load %arg12[%swap3A_907, %swap3A_908] {strides = array<i32>} : memref<32x512xf32, #tpu.memory_space<vmem>>, vector<16xf32>,
      tpu.vector_store %arg12[%swap3A_907, %swap3A_908], %gather3A_906 {strides = array<i32>} : memref<32x512xf32, #tpu.memory_space<vmem>>, vector<16xf32>,
      %iota3A_910 = tpu.iota {dimensions = array<i32: 0>} : vector<16xi32>
      %add3A_911 = arith.constant 64 : i32
      %add3A_912 = vector.broadcast %add3A_911 : i32 to vector<16xi32>
      %add3A_913 = arith.addi %iota3A_910, %add3A_912 : vector<16xi32>
      %get3A_914 = arith.constant 448 : index
      %get3A_915 = tpu.vector_load %arg7[%get3A_914] {strides = array<i32>} : memref<512xi32, #tpu.memory_space<vmem>>, vector<16xi32>,
      %add3A_916 = vector.broadcast %scan3A_862 : i32 to vector<16xi32>
      %add3A_917 = arith.addi %get3A_915, %add3A_916 : vector<16xi32>
      %gather3A_918 = tpu.vector_load_idx %arg11[%add3A_913, %add3A_917] : memref<128x128xf32, #tpu.memory_space<vmem>>[vector<16xi32>, vector<16xi32>], vector<16xf32>,
      %swap3A_919 = arith.index_cast %scan3A_862 : i32 to index
      %swap3A_920 = arith.constant 448 : index
      %swap3A_921 = tpu.vector_load %arg12[%swap3A_919, %swap3A_920] {strides = array<i32>} : memref<32x512xf32, #tpu.memory_space<vmem>>, vector<16xf32>,
      tpu.vector_store %arg12[%swap3A_919, %swap3A_920], %gather3A_918 {strides = array<i32>} : memref<32x512xf32, #tpu.memory_space<vmem>>, vector<16xf32>,
      %iota3A_922 = tpu.iota {dimensions = array<i32: 0>} : vector<16xi32>
      %add3A_923 = arith.constant 80 : i32
      %add3A_924 = vector.broadcast %add3A_923 : i32 to vector<16xi32>
      %add3A_925 = arith.addi %iota3A_922, %add3A_924 : vector<16xi32>
      %get3A_926 = arith.constant 464 : index
      %get3A_927 = tpu.vector_load %arg7[%get3A_926] {strides = array<i32>} : memref<512xi32, #tpu.memory_space<vmem>>, vector<16xi32>,
      %add3A_928 = vector.broadcast %scan3A_862 : i32 to vector<16xi32>
      %add3A_929 = arith.addi %get3A_927, %add3A_928 : vector<16xi32>
      %gather3A_930 = tpu.vector_load_idx %arg11[%add3A_925, %add3A_929] : memref<128x128xf32, #tpu.memory_space<vmem>>[vector<16xi32>, vector<16xi32>], vector<16xf32>,
      %swap3A_931 = arith.index_cast %scan3A_862 : i32 to index
      %swap3A_932 = arith.constant 464 : index
      %swap3A_933 = tpu.vector_load %arg12[%swap3A_931, %swap3A_932] {strides = array<i32>} : memref<32x512xf32, #tpu.memory_space<vmem>>, vector<16xf32>,
      tpu.vector_store %arg12[%swap3A_931, %swap3A_932], %gather3A_930 {strides = array<i32>} : memref<32x512xf32, #tpu.memory_space<vmem>>, vector<16xf32>,
      %iota3A_934 = tpu.iota {dimensions = array<i32: 0>} : vector<16xi32>
      %add3A_935 = arith.constant 96 : i32
      %add3A_936 = vector.broadcast %add3A_935 : i32 to vector<16xi32>
      %add3A_937 = arith.addi %iota3A_934, %add3A_936 : vector<16xi32>
      %get3A_938 = arith.constant 480 : index
      %get3A_939 = tpu.vector_load %arg7[%get3A_938] {strides = array<i32>} : memref<512xi32, #tpu.memory_space<vmem>>, vector<16xi32>,
      %add3A_940 = vector.broadcast %scan3A_862 : i32 to vector<16xi32>
      %add3A_941 = arith.addi %get3A_939, %add3A_940 : vector<16xi32>
      %gather3A_942 = tpu.vector_load_idx %arg11[%add3A_937, %add3A_941] : memref<128x128xf32, #tpu.memory_space<vmem>>[vector<16xi32>, vector<16xi32>], vector<16xf32>,
      %swap3A_943 = arith.index_cast %scan3A_862 : i32 to index
      %swap3A_944 = arith.constant 480 : index
      %swap3A_945 = tpu.vector_load %arg12[%swap3A_943, %swap3A_944] {strides = array<i32>} : memref<32x512xf32, #tpu.memory_space<vmem>>, vector<16xf32>,
      tpu.vector_store %arg12[%swap3A_943, %swap3A_944], %gather3A_942 {strides = array<i32>} : memref<32x512xf32, #tpu.memory_space<vmem>>, vector<16xf32>,
      %iota3A_946 = tpu.iota {dimensions = array<i32: 0>} : vector<16xi32>
      %add3A_947 = arith.constant 112 : i32
      %add3A_948 = vector.broadcast %add3A_947 : i32 to vector<16xi32>
      %add3A_949 = arith.addi %iota3A_946, %add3A_948 : vector<16xi32>
      %get3A_950 = arith.constant 496 : index
      %get3A_951 = tpu.vector_load %arg7[%get3A_950] {strides = array<i32>} : memref<512xi32, #tpu.memory_space<vmem>>, vector<16xi32>,
      %add3A_952 = vector.broadcast %scan3A_862 : i32 to vector<16xi32>
      %add3A_953 = arith.addi %get3A_951, %add3A_952 : vector<16xi32>
      %gather3A_954 = tpu.vector_load_idx %arg11[%add3A_949, %add3A_953] : memref<128x128xf32, #tpu.memory_space<vmem>>[vector<16xi32>, vector<16xi32>], vector<16xf32>,
      %swap3A_955 = arith.index_cast %scan3A_862 : i32 to index
      %swap3A_956 = arith.constant 496 : index
      %swap3A_957 = tpu.vector_load %arg12[%swap3A_955, %swap3A_956] {strides = array<i32>} : memref<32x512xf32, #tpu.memory_space<vmem>>, vector<16xf32>,
      tpu.vector_store %arg12[%swap3A_955, %swap3A_956], %gather3A_954 {strides = array<i32>} : memref<32x512xf32, #tpu.memory_space<vmem>>, vector<16xf32>,
      %scan3A_958 = arith.constant 0 : i32
      scf.yield %scan3A_958 : i32
    }
    %scan3A_861 = arith.constant 32 : i32
    "tpu.region"() ({
      %run_scoped3A = tpu.sem_alloc : memref<!tpu.dma_semaphore, #tpu.memory_space<semaphore_mem>>
      %dma_start3A_862 = arith.constant 0 : i32
      %dma_start3A_863 = tpu.memref_slice %arg4[%dma_start3A_862, %mul3A_2] : memref<32x16384xf32, #tpu.memory_space<hbm>> -> memref<32x512xf32, #tpu.memory_space<hbm>>
      %dma_start3A_864 = arith.constant 0 : i32
      %dma_start3A_865 = tpu.memref_slice %arg4[%dma_start3A_864, %mul3A_2] : memref<32x16384xf32, #tpu.memory_space<hbm>> -> memref<32x512xf32, #tpu.memory_space<hbm>>
      tpu.enqueue_dma source(%arg12 : memref<32x512xf32, #tpu.memory_space<vmem>>) target(%dma_start3A_865 : memref<32x512xf32, #tpu.memory_space<hbm>>) target_semaphore(%run_scoped3A : memref<!tpu.dma_semaphore, #tpu.memory_space<semaphore_mem>>)
      %dma_wait3A_866 = arith.constant 0 : i32
      %dma_wait3A_867 = tpu.memref_slice %arg4[%dma_wait3A_866, %mul3A_2] : memref<32x16384xf32, #tpu.memory_space<hbm>> -> memref<32x512xf32, #tpu.memory_space<hbm>>
      %dma_wait3A_868 = arith.constant 0 : i32
      %dma_wait3A_869 = tpu.memref_slice %arg4[%dma_wait3A_868, %mul3A_2] : memref<32x16384xf32, #tpu.memory_space<hbm>> -> memref<32x512xf32, #tpu.memory_space<hbm>>
      tpu.wait_dma2 semaphore(%run_scoped3A : memref<!tpu.dma_semaphore, #tpu.memory_space<semaphore_mem>>) src(%arg12 : memref<32x512xf32, #tpu.memory_space<vmem>>) dst(%dma_wait3A_869 : memref<32x512xf32, #tpu.memory_space<hbm>>)
      tpu.yield
    }) : () -> ()
    return
  }
}

#map = affine_map<(d0, d1) -> (0)>
#map1 = affine_map<(d0, d1) -> (0, 0)>
module attributes {stable_mosaic.version = 14 : i64} {
  func.func @_gather_body(%arg0: i32, %arg1: i32, %arg2: memref<16384xi32, #tpu.memory_space<hbm>>, %arg3: memref<253952x128xf32, #tpu.memory_space<hbm>>, %arg4: memref<32x16384xf32, #tpu.memory_space<hbm>>, %arg5: memref<512xi32, #tpu.memory_space<vmem>>, %arg6: memref<512xi32, #tpu.memory_space<vmem>>, %arg7: memref<512xi32, #tpu.memory_space<vmem>>, %arg8: memref<128x128xf32, #tpu.memory_space<vmem>>, %arg9: memref<128x128xf32, #tpu.memory_space<vmem>>, %arg10: memref<128x128xf32, #tpu.memory_space<vmem>>, %arg11: memref<128x128xf32, #tpu.memory_space<vmem>>, %arg12: memref<32x512xf32, #tpu.memory_space<vmem>>, %arg13: memref<!tpu.dma_semaphore, #tpu.memory_space<semaphore_mem>>) attributes {dimension_semantics = [#tpu.dimension_semantics<core_parallel>, #tpu.dimension_semantics<subcore_parallel>], iteration_bounds = array<i64: 2, 16>, scalar_prefetch = 0 : i64, scratch_operands = 9 : i64, tpu.core_type = #tpu.core_type<sc_vector_subcore>, window_params = [{transform_indices = #map}, {transform_indices = #map1}, {transform_indices = #map1}]} {
    %mul3A = arith.constant 2 : i32
    %mul3A_0 = arith.muli %arg1, %mul3A : i32
    %add3A = arith.addi %mul3A_0, %arg0 : i32
    %mul3A_1 = arith.constant 512 : i32
    %mul3A_2 = arith.muli %add3A, %mul3A_1 : i32
    "tpu.region"() ({
      %run_scoped3A = tpu.sem_alloc : memref<!tpu.dma_semaphore, #tpu.memory_space<semaphore_mem>>
      %dma_start3A_862 = tpu.memref_slice %arg2[%mul3A_2] : memref<16384xi32, #tpu.memory_space<hbm>> -> memref<512xi32, #tpu.memory_space<hbm>>
      %dma_start3A_863 = tpu.memref_slice %arg2[%mul3A_2] : memref<16384xi32, #tpu.memory_space<hbm>> -> memref<512xi32, #tpu.memory_space<hbm>>
      tpu.enqueue_dma source(%dma_start3A_863 : memref<512xi32, #tpu.memory_space<hbm>>) target(%arg5 : memref<512xi32, #tpu.memory_space<vmem>>) target_semaphore(%run_scoped3A : memref<!tpu.dma_semaphore, #tpu.memory_space<semaphore_mem>>)
      %dma_wait3A_864 = tpu.memref_slice %arg2[%mul3A_2] : memref<16384xi32, #tpu.memory_space<hbm>> -> memref<512xi32, #tpu.memory_space<hbm>>
      %dma_wait3A_865 = tpu.memref_slice %arg2[%mul3A_2] : memref<16384xi32, #tpu.memory_space<hbm>> -> memref<512xi32, #tpu.memory_space<hbm>>
      tpu.wait_dma2 semaphore(%run_scoped3A : memref<!tpu.dma_semaphore, #tpu.memory_space<semaphore_mem>>) src(%dma_wait3A_865 : memref<512xi32, #tpu.memory_space<hbm>>) dst(%arg5 : memref<512xi32, #tpu.memory_space<vmem>>)
      tpu.yield
    }) : () -> ()
    %get3A = arith.constant 0 : index
    %get3A_3 = tpu.vector_load %arg5[%get3A] {strides = array<i32>} : memref<512xi32, #tpu.memory_space<vmem>>, vector<16xi32>,
    %shift_right_arithmetic3A = arith.constant 15 : i32
    %shift_right_arithmetic3A_4 = vector.broadcast %shift_right_arithmetic3A : i32 to vector<16xi32>
    %shift_right_arithmetic3A_5 = arith.shrsi %get3A_3, %shift_right_arithmetic3A_4 : vector<16xi32>
    %shift_left3A = arith.constant 13 : i32
    %shift_left3A_6 = vector.broadcast %shift_left3A : i32 to vector<16xi32>
    %shift_left3A_7 = arith.shli %shift_right_arithmetic3A_5, %shift_left3A_6 : vector<16xi32>
    %and3A = arith.constant 8191 : i32
    %and3A_8 = vector.broadcast %and3A : i32 to vector<16xi32>
    %and3A_9 = arith.andi %get3A_3, %and3A_8 : vector<16xi32>
    %or3A = arith.ori %shift_left3A_7, %and3A_9 : vector<16xi32>
    %swap3A = arith.constant 0 : index
    %swap3A_10 = tpu.vector_load %arg6[%swap3A] {strides = array<i32>} : memref<512xi32, #tpu.memory_space<vmem>>, vector<16xi32>,
    tpu.vector_store %arg6[%swap3A], %or3A {strides = array<i32>} : memref<512xi32, #tpu.memory_space<vmem>>, vector<16xi32>,
    %shift_right_arithmetic3A_11 = arith.constant 13 : i32
    %shift_right_arithmetic3A_12 = vector.broadcast %shift_right_arithmetic3A_11 : i32 to vector<16xi32>
    %shift_right_arithmetic3A_13 = arith.shrsi %get3A_3, %shift_right_arithmetic3A_12 : vector<16xi32>
    %and3A_14 = arith.constant 3 : i32
    %and3A_15 = vector.broadcast %and3A_14 : i32 to vector<16xi32>
    %and3A_16 = arith.andi %shift_right_arithmetic3A_13, %and3A_15 : vector<16xi32>
    %mul3A_17 = arith.constant 32 : i32
    %mul3A_18 = vector.broadcast %mul3A_17 : i32 to vector<16xi32>
    %mul3A_19 = arith.muli %and3A_16, %mul3A_18 : vector<16xi32>
    %swap3A_20 = arith.constant 0 : index
    %swap3A_21 = tpu.vector_load %arg7[%swap3A_20] {strides = array<i32>} : memref<512xi32, #tpu.memory_space<vmem>>, vector<16xi32>,
    tpu.vector_store %arg7[%swap3A_20], %mul3A_19 {strides = array<i32>} : memref<512xi32, #tpu.memory_space<vmem>>, vector<16xi32>,
    %get3A_22 = arith.constant 16 : index
    %get3A_23 = tpu.vector_load %arg5[%get3A_22] {strides = array<i32>} : memref<512xi32, #tpu.memory_space<vmem>>, vector<16xi32>,
    %shift_right_arithmetic3A_24 = arith.constant 15 : i32
    %shift_right_arithmetic3A_25 = vector.broadcast %shift_right_arithmetic3A_24 : i32 to vector<16xi32>
    %shift_right_arithmetic3A_26 = arith.shrsi %get3A_23, %shift_right_arithmetic3A_25 : vector<16xi32>
    %shift_left3A_27 = arith.constant 13 : i32
    %shift_left3A_28 = vector.broadcast %shift_left3A_27 : i32 to vector<16xi32>
    %shift_left3A_29 = arith.shli %shift_right_arithmetic3A_26, %shift_left3A_28 : vector<16xi32>
    %and3A_30 = arith.constant 8191 : i32
    %and3A_31 = vector.broadcast %and3A_30 : i32 to vector<16xi32>
    %and3A_32 = arith.andi %get3A_23, %and3A_31 : vector<16xi32>
    %or3A_33 = arith.ori %shift_left3A_29, %and3A_32 : vector<16xi32>
    %swap3A_34 = arith.constant 16 : index
    %swap3A_35 = tpu.vector_load %arg6[%swap3A_34] {strides = array<i32>} : memref<512xi32, #tpu.memory_space<vmem>>, vector<16xi32>,
    tpu.vector_store %arg6[%swap3A_34], %or3A_33 {strides = array<i32>} : memref<512xi32, #tpu.memory_space<vmem>>, vector<16xi32>,
    %shift_right_arithmetic3A_36 = arith.constant 13 : i32
    %shift_right_arithmetic3A_37 = vector.broadcast %shift_right_arithmetic3A_36 : i32 to vector<16xi32>
    %shift_right_arithmetic3A_38 = arith.shrsi %get3A_23, %shift_right_arithmetic3A_37 : vector<16xi32>
    %and3A_39 = arith.constant 3 : i32
    %and3A_40 = vector.broadcast %and3A_39 : i32 to vector<16xi32>
    %and3A_41 = arith.andi %shift_right_arithmetic3A_38, %and3A_40 : vector<16xi32>
    %mul3A_42 = arith.constant 32 : i32
    %mul3A_43 = vector.broadcast %mul3A_42 : i32 to vector<16xi32>
    %mul3A_44 = arith.muli %and3A_41, %mul3A_43 : vector<16xi32>
    %swap3A_45 = arith.constant 16 : index
    %swap3A_46 = tpu.vector_load %arg7[%swap3A_45] {strides = array<i32>} : memref<512xi32, #tpu.memory_space<vmem>>, vector<16xi32>,
    tpu.vector_store %arg7[%swap3A_45], %mul3A_44 {strides = array<i32>} : memref<512xi32, #tpu.memory_space<vmem>>, vector<16xi32>,
    %get3A_47 = arith.constant 32 : index
    %get3A_48 = tpu.vector_load %arg5[%get3A_47] {strides = array<i32>} : memref<512xi32, #tpu.memory_space<vmem>>, vector<16xi32>,
    %shift_right_arithmetic3A_49 = arith.constant 15 : i32
    %shift_right_arithmetic3A_50 = vector.broadcast %shift_right_arithmetic3A_49 : i32 to vector<16xi32>
    %shift_right_arithmetic3A_51 = arith.shrsi %get3A_48, %shift_right_arithmetic3A_50 : vector<16xi32>
    %shift_left3A_52 = arith.constant 13 : i32
    %shift_left3A_53 = vector.broadcast %shift_left3A_52 : i32 to vector<16xi32>
    %shift_left3A_54 = arith.shli %shift_right_arithmetic3A_51, %shift_left3A_53 : vector<16xi32>
    %and3A_55 = arith.constant 8191 : i32
    %and3A_56 = vector.broadcast %and3A_55 : i32 to vector<16xi32>
    %and3A_57 = arith.andi %get3A_48, %and3A_56 : vector<16xi32>
    %or3A_58 = arith.ori %shift_left3A_54, %and3A_57 : vector<16xi32>
    %swap3A_59 = arith.constant 32 : index
    %swap3A_60 = tpu.vector_load %arg6[%swap3A_59] {strides = array<i32>} : memref<512xi32, #tpu.memory_space<vmem>>, vector<16xi32>,
    tpu.vector_store %arg6[%swap3A_59], %or3A_58 {strides = array<i32>} : memref<512xi32, #tpu.memory_space<vmem>>, vector<16xi32>,
    %shift_right_arithmetic3A_61 = arith.constant 13 : i32
    %shift_right_arithmetic3A_62 = vector.broadcast %shift_right_arithmetic3A_61 : i32 to vector<16xi32>
    %shift_right_arithmetic3A_63 = arith.shrsi %get3A_48, %shift_right_arithmetic3A_62 : vector<16xi32>
    %and3A_64 = arith.constant 3 : i32
    %and3A_65 = vector.broadcast %and3A_64 : i32 to vector<16xi32>
    %and3A_66 = arith.andi %shift_right_arithmetic3A_63, %and3A_65 : vector<16xi32>
    %mul3A_67 = arith.constant 32 : i32
    %mul3A_68 = vector.broadcast %mul3A_67 : i32 to vector<16xi32>
    %mul3A_69 = arith.muli %and3A_66, %mul3A_68 : vector<16xi32>
    %swap3A_70 = arith.constant 32 : index
    %swap3A_71 = tpu.vector_load %arg7[%swap3A_70] {strides = array<i32>} : memref<512xi32, #tpu.memory_space<vmem>>, vector<16xi32>,
    tpu.vector_store %arg7[%swap3A_70], %mul3A_69 {strides = array<i32>} : memref<512xi32, #tpu.memory_space<vmem>>, vector<16xi32>,
    %get3A_72 = arith.constant 48 : index
    %get3A_73 = tpu.vector_load %arg5[%get3A_72] {strides = array<i32>} : memref<512xi32, #tpu.memory_space<vmem>>, vector<16xi32>,
    %shift_right_arithmetic3A_74 = arith.constant 15 : i32
    %shift_right_arithmetic3A_75 = vector.broadcast %shift_right_arithmetic3A_74 : i32 to vector<16xi32>
    %shift_right_arithmetic3A_76 = arith.shrsi %get3A_73, %shift_right_arithmetic3A_75 : vector<16xi32>
    %shift_left3A_77 = arith.constant 13 : i32
    %shift_left3A_78 = vector.broadcast %shift_left3A_77 : i32 to vector<16xi32>
    %shift_left3A_79 = arith.shli %shift_right_arithmetic3A_76, %shift_left3A_78 : vector<16xi32>
    %and3A_80 = arith.constant 8191 : i32
    %and3A_81 = vector.broadcast %and3A_80 : i32 to vector<16xi32>
    %and3A_82 = arith.andi %get3A_73, %and3A_81 : vector<16xi32>
    %or3A_83 = arith.ori %shift_left3A_79, %and3A_82 : vector<16xi32>
    %swap3A_84 = arith.constant 48 : index
    %swap3A_85 = tpu.vector_load %arg6[%swap3A_84] {strides = array<i32>} : memref<512xi32, #tpu.memory_space<vmem>>, vector<16xi32>,
    tpu.vector_store %arg6[%swap3A_84], %or3A_83 {strides = array<i32>} : memref<512xi32, #tpu.memory_space<vmem>>, vector<16xi32>,
    %shift_right_arithmetic3A_86 = arith.constant 13 : i32
    %shift_right_arithmetic3A_87 = vector.broadcast %shift_right_arithmetic3A_86 : i32 to vector<16xi32>
    %shift_right_arithmetic3A_88 = arith.shrsi %get3A_73, %shift_right_arithmetic3A_87 : vector<16xi32>
    %and3A_89 = arith.constant 3 : i32
    %and3A_90 = vector.broadcast %and3A_89 : i32 to vector<16xi32>
    %and3A_91 = arith.andi %shift_right_arithmetic3A_88, %and3A_90 : vector<16xi32>
    %mul3A_92 = arith.constant 32 : i32
    %mul3A_93 = vector.broadcast %mul3A_92 : i32 to vector<16xi32>
    %mul3A_94 = arith.muli %and3A_91, %mul3A_93 : vector<16xi32>
    %swap3A_95 = arith.constant 48 : index
    %swap3A_96 = tpu.vector_load %arg7[%swap3A_95] {strides = array<i32>} : memref<512xi32, #tpu.memory_space<vmem>>, vector<16xi32>,
    tpu.vector_store %arg7[%swap3A_95], %mul3A_94 {strides = array<i32>} : memref<512xi32, #tpu.memory_space<vmem>>, vector<16xi32>,
    %get3A_97 = arith.constant 64 : index
    %get3A_98 = tpu.vector_load %arg5[%get3A_97] {strides = array<i32>} : memref<512xi32, #tpu.memory_space<vmem>>, vector<16xi32>,
    %shift_right_arithmetic3A_99 = arith.constant 15 : i32
    %shift_right_arithmetic3A_100 = vector.broadcast %shift_right_arithmetic3A_99 : i32 to vector<16xi32>
    %shift_right_arithmetic3A_101 = arith.shrsi %get3A_98, %shift_right_arithmetic3A_100 : vector<16xi32>
    %shift_left3A_102 = arith.constant 13 : i32
    %shift_left3A_103 = vector.broadcast %shift_left3A_102 : i32 to vector<16xi32>
    %shift_left3A_104 = arith.shli %shift_right_arithmetic3A_101, %shift_left3A_103 : vector<16xi32>
    %and3A_105 = arith.constant 8191 : i32
    %and3A_106 = vector.broadcast %and3A_105 : i32 to vector<16xi32>
    %and3A_107 = arith.andi %get3A_98, %and3A_106 : vector<16xi32>
    %or3A_108 = arith.ori %shift_left3A_104, %and3A_107 : vector<16xi32>
    %swap3A_109 = arith.constant 64 : index
    %swap3A_110 = tpu.vector_load %arg6[%swap3A_109] {strides = array<i32>} : memref<512xi32, #tpu.memory_space<vmem>>, vector<16xi32>,
    tpu.vector_store %arg6[%swap3A_109], %or3A_108 {strides = array<i32>} : memref<512xi32, #tpu.memory_space<vmem>>, vector<16xi32>,
    %shift_right_arithmetic3A_111 = arith.constant 13 : i32
    %shift_right_arithmetic3A_112 = vector.broadcast %shift_right_arithmetic3A_111 : i32 to vector<16xi32>
    %shift_right_arithmetic3A_113 = arith.shrsi %get3A_98, %shift_right_arithmetic3A_112 : vector<16xi32>
    %and3A_114 = arith.constant 3 : i32
    %and3A_115 = vector.broadcast %and3A_114 : i32 to vector<16xi32>
    %and3A_116 = arith.andi %shift_right_arithmetic3A_113, %and3A_115 : vector<16xi32>
    %mul3A_117 = arith.constant 32 : i32
    %mul3A_118 = vector.broadcast %mul3A_117 : i32 to vector<16xi32>
    %mul3A_119 = arith.muli %and3A_116, %mul3A_118 : vector<16xi32>
    %swap3A_120 = arith.constant 64 : index
    %swap3A_121 = tpu.vector_load %arg7[%swap3A_120] {strides = array<i32>} : memref<512xi32, #tpu.memory_space<vmem>>, vector<16xi32>,
    tpu.vector_store %arg7[%swap3A_120], %mul3A_119 {strides = array<i32>} : memref<512xi32, #tpu.memory_space<vmem>>, vector<16xi32>,
    %get3A_122 = arith.constant 80 : index
    %get3A_123 = tpu.vector_load %arg5[%get3A_122] {strides = array<i32>} : memref<512xi32, #tpu.memory_space<vmem>>, vector<16xi32>,
    %shift_right_arithmetic3A_124 = arith.constant 15 : i32
    %shift_right_arithmetic3A_125 = vector.broadcast %shift_right_arithmetic3A_124 : i32 to vector<16xi32>
    %shift_right_arithmetic3A_126 = arith.shrsi %get3A_123, %shift_right_arithmetic3A_125 : vector<16xi32>
    %shift_left3A_127 = arith.constant 13 : i32
    %shift_left3A_128 = vector.broadcast %shift_left3A_127 : i32 to vector<16xi32>
    %shift_left3A_129 = arith.shli %shift_right_arithmetic3A_126, %shift_left3A_128 : vector<16xi32>
    %and3A_130 = arith.constant 8191 : i32
    %and3A_131 = vector.broadcast %and3A_130 : i32 to vector<16xi32>
    %and3A_132 = arith.andi %get3A_123, %and3A_131 : vector<16xi32>
    %or3A_133 = arith.ori %shift_left3A_129, %and3A_132 : vector<16xi32>
    %swap3A_134 = arith.constant 80 : index
    %swap3A_135 = tpu.vector_load %arg6[%swap3A_134] {strides = array<i32>} : memref<512xi32, #tpu.memory_space<vmem>>, vector<16xi32>,
    tpu.vector_store %arg6[%swap3A_134], %or3A_133 {strides = array<i32>} : memref<512xi32, #tpu.memory_space<vmem>>, vector<16xi32>,
    %shift_right_arithmetic3A_136 = arith.constant 13 : i32
    %shift_right_arithmetic3A_137 = vector.broadcast %shift_right_arithmetic3A_136 : i32 to vector<16xi32>
    %shift_right_arithmetic3A_138 = arith.shrsi %get3A_123, %shift_right_arithmetic3A_137 : vector<16xi32>
    %and3A_139 = arith.constant 3 : i32
    %and3A_140 = vector.broadcast %and3A_139 : i32 to vector<16xi32>
    %and3A_141 = arith.andi %shift_right_arithmetic3A_138, %and3A_140 : vector<16xi32>
    %mul3A_142 = arith.constant 32 : i32
    %mul3A_143 = vector.broadcast %mul3A_142 : i32 to vector<16xi32>
    %mul3A_144 = arith.muli %and3A_141, %mul3A_143 : vector<16xi32>
    %swap3A_145 = arith.constant 80 : index
    %swap3A_146 = tpu.vector_load %arg7[%swap3A_145] {strides = array<i32>} : memref<512xi32, #tpu.memory_space<vmem>>, vector<16xi32>,
    tpu.vector_store %arg7[%swap3A_145], %mul3A_144 {strides = array<i32>} : memref<512xi32, #tpu.memory_space<vmem>>, vector<16xi32>,
    %get3A_147 = arith.constant 96 : index
    %get3A_148 = tpu.vector_load %arg5[%get3A_147] {strides = array<i32>} : memref<512xi32, #tpu.memory_space<vmem>>, vector<16xi32>,
    %shift_right_arithmetic3A_149 = arith.constant 15 : i32
    %shift_right_arithmetic3A_150 = vector.broadcast %shift_right_arithmetic3A_149 : i32 to vector<16xi32>
    %shift_right_arithmetic3A_151 = arith.shrsi %get3A_148, %shift_right_arithmetic3A_150 : vector<16xi32>
    %shift_left3A_152 = arith.constant 13 : i32
    %shift_left3A_153 = vector.broadcast %shift_left3A_152 : i32 to vector<16xi32>
    %shift_left3A_154 = arith.shli %shift_right_arithmetic3A_151, %shift_left3A_153 : vector<16xi32>
    %and3A_155 = arith.constant 8191 : i32
    %and3A_156 = vector.broadcast %and3A_155 : i32 to vector<16xi32>
    %and3A_157 = arith.andi %get3A_148, %and3A_156 : vector<16xi32>
    %or3A_158 = arith.ori %shift_left3A_154, %and3A_157 : vector<16xi32>
    %swap3A_159 = arith.constant 96 : index
    %swap3A_160 = tpu.vector_load %arg6[%swap3A_159] {strides = array<i32>} : memref<512xi32, #tpu.memory_space<vmem>>, vector<16xi32>,
    tpu.vector_store %arg6[%swap3A_159], %or3A_158 {strides = array<i32>} : memref<512xi32, #tpu.memory_space<vmem>>, vector<16xi32>,
    %shift_right_arithmetic3A_161 = arith.constant 13 : i32
    %shift_right_arithmetic3A_162 = vector.broadcast %shift_right_arithmetic3A_161 : i32 to vector<16xi32>
    %shift_right_arithmetic3A_163 = arith.shrsi %get3A_148, %shift_right_arithmetic3A_162 : vector<16xi32>
    %and3A_164 = arith.constant 3 : i32
    %and3A_165 = vector.broadcast %and3A_164 : i32 to vector<16xi32>
    %and3A_166 = arith.andi %shift_right_arithmetic3A_163, %and3A_165 : vector<16xi32>
    %mul3A_167 = arith.constant 32 : i32
    %mul3A_168 = vector.broadcast %mul3A_167 : i32 to vector<16xi32>
    %mul3A_169 = arith.muli %and3A_166, %mul3A_168 : vector<16xi32>
    %swap3A_170 = arith.constant 96 : index
    %swap3A_171 = tpu.vector_load %arg7[%swap3A_170] {strides = array<i32>} : memref<512xi32, #tpu.memory_space<vmem>>, vector<16xi32>,
    tpu.vector_store %arg7[%swap3A_170], %mul3A_169 {strides = array<i32>} : memref<512xi32, #tpu.memory_space<vmem>>, vector<16xi32>,
    %get3A_172 = arith.constant 112 : index
    %get3A_173 = tpu.vector_load %arg5[%get3A_172] {strides = array<i32>} : memref<512xi32, #tpu.memory_space<vmem>>, vector<16xi32>,
    %shift_right_arithmetic3A_174 = arith.constant 15 : i32
    %shift_right_arithmetic3A_175 = vector.broadcast %shift_right_arithmetic3A_174 : i32 to vector<16xi32>
    %shift_right_arithmetic3A_176 = arith.shrsi %get3A_173, %shift_right_arithmetic3A_175 : vector<16xi32>
    %shift_left3A_177 = arith.constant 13 : i32
    %shift_left3A_178 = vector.broadcast %shift_left3A_177 : i32 to vector<16xi32>
    %shift_left3A_179 = arith.shli %shift_right_arithmetic3A_176, %shift_left3A_178 : vector<16xi32>
    %and3A_180 = arith.constant 8191 : i32
    %and3A_181 = vector.broadcast %and3A_180 : i32 to vector<16xi32>
    %and3A_182 = arith.andi %get3A_173, %and3A_181 : vector<16xi32>
    %or3A_183 = arith.ori %shift_left3A_179, %and3A_182 : vector<16xi32>
    %swap3A_184 = arith.constant 112 : index
    %swap3A_185 = tpu.vector_load %arg6[%swap3A_184] {strides = array<i32>} : memref<512xi32, #tpu.memory_space<vmem>>, vector<16xi32>,
    tpu.vector_store %arg6[%swap3A_184], %or3A_183 {strides = array<i32>} : memref<512xi32, #tpu.memory_space<vmem>>, vector<16xi32>,
    %shift_right_arithmetic3A_186 = arith.constant 13 : i32
    %shift_right_arithmetic3A_187 = vector.broadcast %shift_right_arithmetic3A_186 : i32 to vector<16xi32>
    %shift_right_arithmetic3A_188 = arith.shrsi %get3A_173, %shift_right_arithmetic3A_187 : vector<16xi32>
    %and3A_189 = arith.constant 3 : i32
    %and3A_190 = vector.broadcast %and3A_189 : i32 to vector<16xi32>
    %and3A_191 = arith.andi %shift_right_arithmetic3A_188, %and3A_190 : vector<16xi32>
    %mul3A_192 = arith.constant 32 : i32
    %mul3A_193 = vector.broadcast %mul3A_192 : i32 to vector<16xi32>
    %mul3A_194 = arith.muli %and3A_191, %mul3A_193 : vector<16xi32>
    %swap3A_195 = arith.constant 112 : index
    %swap3A_196 = tpu.vector_load %arg7[%swap3A_195] {strides = array<i32>} : memref<512xi32, #tpu.memory_space<vmem>>, vector<16xi32>,
    tpu.vector_store %arg7[%swap3A_195], %mul3A_194 {strides = array<i32>} : memref<512xi32, #tpu.memory_space<vmem>>, vector<16xi32>,
    %get3A_197 = arith.constant 128 : index
    %get3A_198 = tpu.vector_load %arg5[%get3A_197] {strides = array<i32>} : memref<512xi32, #tpu.memory_space<vmem>>, vector<16xi32>,
    %shift_right_arithmetic3A_199 = arith.constant 15 : i32
    %shift_right_arithmetic3A_200 = vector.broadcast %shift_right_arithmetic3A_199 : i32 to vector<16xi32>
    %shift_right_arithmetic3A_201 = arith.shrsi %get3A_198, %shift_right_arithmetic3A_200 : vector<16xi32>
    %shift_left3A_202 = arith.constant 13 : i32
    %shift_left3A_203 = vector.broadcast %shift_left3A_202 : i32 to vector<16xi32>
    %shift_left3A_204 = arith.shli %shift_right_arithmetic3A_201, %shift_left3A_203 : vector<16xi32>
    %and3A_205 = arith.constant 8191 : i32
    %and3A_206 = vector.broadcast %and3A_205 : i32 to vector<16xi32>
    %and3A_207 = arith.andi %get3A_198, %and3A_206 : vector<16xi32>
    %or3A_208 = arith.ori %shift_left3A_204, %and3A_207 : vector<16xi32>
    %swap3A_209 = arith.constant 128 : index
    %swap3A_210 = tpu.vector_load %arg6[%swap3A_209] {strides = array<i32>} : memref<512xi32, #tpu.memory_space<vmem>>, vector<16xi32>,
    tpu.vector_store %arg6[%swap3A_209], %or3A_208 {strides = array<i32>} : memref<512xi32, #tpu.memory_space<vmem>>, vector<16xi32>,
    %shift_right_arithmetic3A_211 = arith.constant 13 : i32
    %shift_right_arithmetic3A_212 = vector.broadcast %shift_right_arithmetic3A_211 : i32 to vector<16xi32>
    %shift_right_arithmetic3A_213 = arith.shrsi %get3A_198, %shift_right_arithmetic3A_212 : vector<16xi32>
    %and3A_214 = arith.constant 3 : i32
    %and3A_215 = vector.broadcast %and3A_214 : i32 to vector<16xi32>
    %and3A_216 = arith.andi %shift_right_arithmetic3A_213, %and3A_215 : vector<16xi32>
    %mul3A_217 = arith.constant 32 : i32
    %mul3A_218 = vector.broadcast %mul3A_217 : i32 to vector<16xi32>
    %mul3A_219 = arith.muli %and3A_216, %mul3A_218 : vector<16xi32>
    %swap3A_220 = arith.constant 128 : index
    %swap3A_221 = tpu.vector_load %arg7[%swap3A_220] {strides = array<i32>} : memref<512xi32, #tpu.memory_space<vmem>>, vector<16xi32>,
    tpu.vector_store %arg7[%swap3A_220], %mul3A_219 {strides = array<i32>} : memref<512xi32, #tpu.memory_space<vmem>>, vector<16xi32>,
    %get3A_222 = arith.constant 144 : index
    %get3A_223 = tpu.vector_load %arg5[%get3A_222] {strides = array<i32>} : memref<512xi32, #tpu.memory_space<vmem>>, vector<16xi32>,
    %shift_right_arithmetic3A_224 = arith.constant 15 : i32
    %shift_right_arithmetic3A_225 = vector.broadcast %shift_right_arithmetic3A_224 : i32 to vector<16xi32>
    %shift_right_arithmetic3A_226 = arith.shrsi %get3A_223, %shift_right_arithmetic3A_225 : vector<16xi32>
    %shift_left3A_227 = arith.constant 13 : i32
    %shift_left3A_228 = vector.broadcast %shift_left3A_227 : i32 to vector<16xi32>
    %shift_left3A_229 = arith.shli %shift_right_arithmetic3A_226, %shift_left3A_228 : vector<16xi32>
    %and3A_230 = arith.constant 8191 : i32
    %and3A_231 = vector.broadcast %and3A_230 : i32 to vector<16xi32>
    %and3A_232 = arith.andi %get3A_223, %and3A_231 : vector<16xi32>
    %or3A_233 = arith.ori %shift_left3A_229, %and3A_232 : vector<16xi32>
    %swap3A_234 = arith.constant 144 : index
    %swap3A_235 = tpu.vector_load %arg6[%swap3A_234] {strides = array<i32>} : memref<512xi32, #tpu.memory_space<vmem>>, vector<16xi32>,
    tpu.vector_store %arg6[%swap3A_234], %or3A_233 {strides = array<i32>} : memref<512xi32, #tpu.memory_space<vmem>>, vector<16xi32>,
    %shift_right_arithmetic3A_236 = arith.constant 13 : i32
    %shift_right_arithmetic3A_237 = vector.broadcast %shift_right_arithmetic3A_236 : i32 to vector<16xi32>
    %shift_right_arithmetic3A_238 = arith.shrsi %get3A_223, %shift_right_arithmetic3A_237 : vector<16xi32>
    %and3A_239 = arith.constant 3 : i32
    %and3A_240 = vector.broadcast %and3A_239 : i32 to vector<16xi32>
    %and3A_241 = arith.andi %shift_right_arithmetic3A_238, %and3A_240 : vector<16xi32>
    %mul3A_242 = arith.constant 32 : i32
    %mul3A_243 = vector.broadcast %mul3A_242 : i32 to vector<16xi32>
    %mul3A_244 = arith.muli %and3A_241, %mul3A_243 : vector<16xi32>
    %swap3A_245 = arith.constant 144 : index
    %swap3A_246 = tpu.vector_load %arg7[%swap3A_245] {strides = array<i32>} : memref<512xi32, #tpu.memory_space<vmem>>, vector<16xi32>,
    tpu.vector_store %arg7[%swap3A_245], %mul3A_244 {strides = array<i32>} : memref<512xi32, #tpu.memory_space<vmem>>, vector<16xi32>,
    %get3A_247 = arith.constant 160 : index
    %get3A_248 = tpu.vector_load %arg5[%get3A_247] {strides = array<i32>} : memref<512xi32, #tpu.memory_space<vmem>>, vector<16xi32>,
    %shift_right_arithmetic3A_249 = arith.constant 15 : i32
    %shift_right_arithmetic3A_250 = vector.broadcast %shift_right_arithmetic3A_249 : i32 to vector<16xi32>
    %shift_right_arithmetic3A_251 = arith.shrsi %get3A_248, %shift_right_arithmetic3A_250 : vector<16xi32>
    %shift_left3A_252 = arith.constant 13 : i32
    %shift_left3A_253 = vector.broadcast %shift_left3A_252 : i32 to vector<16xi32>
    %shift_left3A_254 = arith.shli %shift_right_arithmetic3A_251, %shift_left3A_253 : vector<16xi32>
    %and3A_255 = arith.constant 8191 : i32
    %and3A_256 = vector.broadcast %and3A_255 : i32 to vector<16xi32>
    %and3A_257 = arith.andi %get3A_248, %and3A_256 : vector<16xi32>
    %or3A_258 = arith.ori %shift_left3A_254, %and3A_257 : vector<16xi32>
    %swap3A_259 = arith.constant 160 : index
    %swap3A_260 = tpu.vector_load %arg6[%swap3A_259] {strides = array<i32>} : memref<512xi32, #tpu.memory_space<vmem>>, vector<16xi32>,
    tpu.vector_store %arg6[%swap3A_259], %or3A_258 {strides = array<i32>} : memref<512xi32, #tpu.memory_space<vmem>>, vector<16xi32>,
    %shift_right_arithmetic3A_261 = arith.constant 13 : i32
    %shift_right_arithmetic3A_262 = vector.broadcast %shift_right_arithmetic3A_261 : i32 to vector<16xi32>
    %shift_right_arithmetic3A_263 = arith.shrsi %get3A_248, %shift_right_arithmetic3A_262 : vector<16xi32>
    %and3A_264 = arith.constant 3 : i32
    %and3A_265 = vector.broadcast %and3A_264 : i32 to vector<16xi32>
    %and3A_266 = arith.andi %shift_right_arithmetic3A_263, %and3A_265 : vector<16xi32>
    %mul3A_267 = arith.constant 32 : i32
    %mul3A_268 = vector.broadcast %mul3A_267 : i32 to vector<16xi32>
    %mul3A_269 = arith.muli %and3A_266, %mul3A_268 : vector<16xi32>
    %swap3A_270 = arith.constant 160 : index
    %swap3A_271 = tpu.vector_load %arg7[%swap3A_270] {strides = array<i32>} : memref<512xi32, #tpu.memory_space<vmem>>, vector<16xi32>,
    tpu.vector_store %arg7[%swap3A_270], %mul3A_269 {strides = array<i32>} : memref<512xi32, #tpu.memory_space<vmem>>, vector<16xi32>,
    %get3A_272 = arith.constant 176 : index
    %get3A_273 = tpu.vector_load %arg5[%get3A_272] {strides = array<i32>} : memref<512xi32, #tpu.memory_space<vmem>>, vector<16xi32>,
    %shift_right_arithmetic3A_274 = arith.constant 15 : i32
    %shift_right_arithmetic3A_275 = vector.broadcast %shift_right_arithmetic3A_274 : i32 to vector<16xi32>
    %shift_right_arithmetic3A_276 = arith.shrsi %get3A_273, %shift_right_arithmetic3A_275 : vector<16xi32>
    %shift_left3A_277 = arith.constant 13 : i32
    %shift_left3A_278 = vector.broadcast %shift_left3A_277 : i32 to vector<16xi32>
    %shift_left3A_279 = arith.shli %shift_right_arithmetic3A_276, %shift_left3A_278 : vector<16xi32>
    %and3A_280 = arith.constant 8191 : i32
    %and3A_281 = vector.broadcast %and3A_280 : i32 to vector<16xi32>
    %and3A_282 = arith.andi %get3A_273, %and3A_281 : vector<16xi32>
    %or3A_283 = arith.ori %shift_left3A_279, %and3A_282 : vector<16xi32>
    %swap3A_284 = arith.constant 176 : index
    %swap3A_285 = tpu.vector_load %arg6[%swap3A_284] {strides = array<i32>} : memref<512xi32, #tpu.memory_space<vmem>>, vector<16xi32>,
    tpu.vector_store %arg6[%swap3A_284], %or3A_283 {strides = array<i32>} : memref<512xi32, #tpu.memory_space<vmem>>, vector<16xi32>,
    %shift_right_arithmetic3A_286 = arith.constant 13 : i32
    %shift_right_arithmetic3A_287 = vector.broadcast %shift_right_arithmetic3A_286 : i32 to vector<16xi32>
    %shift_right_arithmetic3A_288 = arith.shrsi %get3A_273, %shift_right_arithmetic3A_287 : vector<16xi32>
    %and3A_289 = arith.constant 3 : i32
    %and3A_290 = vector.broadcast %and3A_289 : i32 to vector<16xi32>
    %and3A_291 = arith.andi %shift_right_arithmetic3A_288, %and3A_290 : vector<16xi32>
    %mul3A_292 = arith.constant 32 : i32
    %mul3A_293 = vector.broadcast %mul3A_292 : i32 to vector<16xi32>
    %mul3A_294 = arith.muli %and3A_291, %mul3A_293 : vector<16xi32>
    %swap3A_295 = arith.constant 176 : index
    %swap3A_296 = tpu.vector_load %arg7[%swap3A_295] {strides = array<i32>} : memref<512xi32, #tpu.memory_space<vmem>>, vector<16xi32>,
    tpu.vector_store %arg7[%swap3A_295], %mul3A_294 {strides = array<i32>} : memref<512xi32, #tpu.memory_space<vmem>>, vector<16xi32>,
    %get3A_297 = arith.constant 192 : index
    %get3A_298 = tpu.vector_load %arg5[%get3A_297] {strides = array<i32>} : memref<512xi32, #tpu.memory_space<vmem>>, vector<16xi32>,
    %shift_right_arithmetic3A_299 = arith.constant 15 : i32
    %shift_right_arithmetic3A_300 = vector.broadcast %shift_right_arithmetic3A_299 : i32 to vector<16xi32>
    %shift_right_arithmetic3A_301 = arith.shrsi %get3A_298, %shift_right_arithmetic3A_300 : vector<16xi32>
    %shift_left3A_302 = arith.constant 13 : i32
    %shift_left3A_303 = vector.broadcast %shift_left3A_302 : i32 to vector<16xi32>
    %shift_left3A_304 = arith.shli %shift_right_arithmetic3A_301, %shift_left3A_303 : vector<16xi32>
    %and3A_305 = arith.constant 8191 : i32
    %and3A_306 = vector.broadcast %and3A_305 : i32 to vector<16xi32>
    %and3A_307 = arith.andi %get3A_298, %and3A_306 : vector<16xi32>
    %or3A_308 = arith.ori %shift_left3A_304, %and3A_307 : vector<16xi32>
    %swap3A_309 = arith.constant 192 : index
    %swap3A_310 = tpu.vector_load %arg6[%swap3A_309] {strides = array<i32>} : memref<512xi32, #tpu.memory_space<vmem>>, vector<16xi32>,
    tpu.vector_store %arg6[%swap3A_309], %or3A_308 {strides = array<i32>} : memref<512xi32, #tpu.memory_space<vmem>>, vector<16xi32>,
    %shift_right_arithmetic3A_311 = arith.constant 13 : i32
    %shift_right_arithmetic3A_312 = vector.broadcast %shift_right_arithmetic3A_311 : i32 to vector<16xi32>
    %shift_right_arithmetic3A_313 = arith.shrsi %get3A_298, %shift_right_arithmetic3A_312 : vector<16xi32>
    %and3A_314 = arith.constant 3 : i32
    %and3A_315 = vector.broadcast %and3A_314 : i32 to vector<16xi32>
    %and3A_316 = arith.andi %shift_right_arithmetic3A_313, %and3A_315 : vector<16xi32>
    %mul3A_317 = arith.constant 32 : i32
    %mul3A_318 = vector.broadcast %mul3A_317 : i32 to vector<16xi32>
    %mul3A_319 = arith.muli %and3A_316, %mul3A_318 : vector<16xi32>
    %swap3A_320 = arith.constant 192 : index
    %swap3A_321 = tpu.vector_load %arg7[%swap3A_320] {strides = array<i32>} : memref<512xi32, #tpu.memory_space<vmem>>, vector<16xi32>,
    tpu.vector_store %arg7[%swap3A_320], %mul3A_319 {strides = array<i32>} : memref<512xi32, #tpu.memory_space<vmem>>, vector<16xi32>,
    %get3A_322 = arith.constant 208 : index
    %get3A_323 = tpu.vector_load %arg5[%get3A_322] {strides = array<i32>} : memref<512xi32, #tpu.memory_space<vmem>>, vector<16xi32>,
    %shift_right_arithmetic3A_324 = arith.constant 15 : i32
    %shift_right_arithmetic3A_325 = vector.broadcast %shift_right_arithmetic3A_324 : i32 to vector<16xi32>
    %shift_right_arithmetic3A_326 = arith.shrsi %get3A_323, %shift_right_arithmetic3A_325 : vector<16xi32>
    %shift_left3A_327 = arith.constant 13 : i32
    %shift_left3A_328 = vector.broadcast %shift_left3A_327 : i32 to vector<16xi32>
    %shift_left3A_329 = arith.shli %shift_right_arithmetic3A_326, %shift_left3A_328 : vector<16xi32>
    %and3A_330 = arith.constant 8191 : i32
    %and3A_331 = vector.broadcast %and3A_330 : i32 to vector<16xi32>
    %and3A_332 = arith.andi %get3A_323, %and3A_331 : vector<16xi32>
    %or3A_333 = arith.ori %shift_left3A_329, %and3A_332 : vector<16xi32>
    %swap3A_334 = arith.constant 208 : index
    %swap3A_335 = tpu.vector_load %arg6[%swap3A_334] {strides = array<i32>} : memref<512xi32, #tpu.memory_space<vmem>>, vector<16xi32>,
    tpu.vector_store %arg6[%swap3A_334], %or3A_333 {strides = array<i32>} : memref<512xi32, #tpu.memory_space<vmem>>, vector<16xi32>,
    %shift_right_arithmetic3A_336 = arith.constant 13 : i32
    %shift_right_arithmetic3A_337 = vector.broadcast %shift_right_arithmetic3A_336 : i32 to vector<16xi32>
    %shift_right_arithmetic3A_338 = arith.shrsi %get3A_323, %shift_right_arithmetic3A_337 : vector<16xi32>
    %and3A_339 = arith.constant 3 : i32
    %and3A_340 = vector.broadcast %and3A_339 : i32 to vector<16xi32>
    %and3A_341 = arith.andi %shift_right_arithmetic3A_338, %and3A_340 : vector<16xi32>
    %mul3A_342 = arith.constant 32 : i32
    %mul3A_343 = vector.broadcast %mul3A_342 : i32 to vector<16xi32>
    %mul3A_344 = arith.muli %and3A_341, %mul3A_343 : vector<16xi32>
    %swap3A_345 = arith.constant 208 : index
    %swap3A_346 = tpu.vector_load %arg7[%swap3A_345] {strides = array<i32>} : memref<512xi32, #tpu.memory_space<vmem>>, vector<16xi32>,
    tpu.vector_store %arg7[%swap3A_345], %mul3A_344 {strides = array<i32>} : memref<512xi32, #tpu.memory_space<vmem>>, vector<16xi32>,
    %get3A_347 = arith.constant 224 : index
    %get3A_348 = tpu.vector_load %arg5[%get3A_347] {strides = array<i32>} : memref<512xi32, #tpu.memory_space<vmem>>, vector<16xi32>,
    %shift_right_arithmetic3A_349 = arith.constant 15 : i32
    %shift_right_arithmetic3A_350 = vector.broadcast %shift_right_arithmetic3A_349 : i32 to vector<16xi32>
    %shift_right_arithmetic3A_351 = arith.shrsi %get3A_348, %shift_right_arithmetic3A_350 : vector<16xi32>
    %shift_left3A_352 = arith.constant 13 : i32
    %shift_left3A_353 = vector.broadcast %shift_left3A_352 : i32 to vector<16xi32>
    %shift_left3A_354 = arith.shli %shift_right_arithmetic3A_351, %shift_left3A_353 : vector<16xi32>
    %and3A_355 = arith.constant 8191 : i32
    %and3A_356 = vector.broadcast %and3A_355 : i32 to vector<16xi32>
    %and3A_357 = arith.andi %get3A_348, %and3A_356 : vector<16xi32>
    %or3A_358 = arith.ori %shift_left3A_354, %and3A_357 : vector<16xi32>
    %swap3A_359 = arith.constant 224 : index
    %swap3A_360 = tpu.vector_load %arg6[%swap3A_359] {strides = array<i32>} : memref<512xi32, #tpu.memory_space<vmem>>, vector<16xi32>,
    tpu.vector_store %arg6[%swap3A_359], %or3A_358 {strides = array<i32>} : memref<512xi32, #tpu.memory_space<vmem>>, vector<16xi32>,
    %shift_right_arithmetic3A_361 = arith.constant 13 : i32
    %shift_right_arithmetic3A_362 = vector.broadcast %shift_right_arithmetic3A_361 : i32 to vector<16xi32>
    %shift_right_arithmetic3A_363 = arith.shrsi %get3A_348, %shift_right_arithmetic3A_362 : vector<16xi32>
    %and3A_364 = arith.constant 3 : i32
    %and3A_365 = vector.broadcast %and3A_364 : i32 to vector<16xi32>
    %and3A_366 = arith.andi %shift_right_arithmetic3A_363, %and3A_365 : vector<16xi32>
    %mul3A_367 = arith.constant 32 : i32
    %mul3A_368 = vector.broadcast %mul3A_367 : i32 to vector<16xi32>
    %mul3A_369 = arith.muli %and3A_366, %mul3A_368 : vector<16xi32>
    %swap3A_370 = arith.constant 224 : index
    %swap3A_371 = tpu.vector_load %arg7[%swap3A_370] {strides = array<i32>} : memref<512xi32, #tpu.memory_space<vmem>>, vector<16xi32>,
    tpu.vector_store %arg7[%swap3A_370], %mul3A_369 {strides = array<i32>} : memref<512xi32, #tpu.memory_space<vmem>>, vector<16xi32>,
    %get3A_372 = arith.constant 240 : index
    %get3A_373 = tpu.vector_load %arg5[%get3A_372] {strides = array<i32>} : memref<512xi32, #tpu.memory_space<vmem>>, vector<16xi32>,
    %shift_right_arithmetic3A_374 = arith.constant 15 : i32
    %shift_right_arithmetic3A_375 = vector.broadcast %shift_right_arithmetic3A_374 : i32 to vector<16xi32>
    %shift_right_arithmetic3A_376 = arith.shrsi %get3A_373, %shift_right_arithmetic3A_375 : vector<16xi32>
    %shift_left3A_377 = arith.constant 13 : i32
    %shift_left3A_378 = vector.broadcast %shift_left3A_377 : i32 to vector<16xi32>
    %shift_left3A_379 = arith.shli %shift_right_arithmetic3A_376, %shift_left3A_378 : vector<16xi32>
    %and3A_380 = arith.constant 8191 : i32
    %and3A_381 = vector.broadcast %and3A_380 : i32 to vector<16xi32>
    %and3A_382 = arith.andi %get3A_373, %and3A_381 : vector<16xi32>
    %or3A_383 = arith.ori %shift_left3A_379, %and3A_382 : vector<16xi32>
    %swap3A_384 = arith.constant 240 : index
    %swap3A_385 = tpu.vector_load %arg6[%swap3A_384] {strides = array<i32>} : memref<512xi32, #tpu.memory_space<vmem>>, vector<16xi32>,
    tpu.vector_store %arg6[%swap3A_384], %or3A_383 {strides = array<i32>} : memref<512xi32, #tpu.memory_space<vmem>>, vector<16xi32>,
    %shift_right_arithmetic3A_386 = arith.constant 13 : i32
    %shift_right_arithmetic3A_387 = vector.broadcast %shift_right_arithmetic3A_386 : i32 to vector<16xi32>
    %shift_right_arithmetic3A_388 = arith.shrsi %get3A_373, %shift_right_arithmetic3A_387 : vector<16xi32>
    %and3A_389 = arith.constant 3 : i32
    %and3A_390 = vector.broadcast %and3A_389 : i32 to vector<16xi32>
    %and3A_391 = arith.andi %shift_right_arithmetic3A_388, %and3A_390 : vector<16xi32>
    %mul3A_392 = arith.constant 32 : i32
    %mul3A_393 = vector.broadcast %mul3A_392 : i32 to vector<16xi32>
    %mul3A_394 = arith.muli %and3A_391, %mul3A_393 : vector<16xi32>
    %swap3A_395 = arith.constant 240 : index
    %swap3A_396 = tpu.vector_load %arg7[%swap3A_395] {strides = array<i32>} : memref<512xi32, #tpu.memory_space<vmem>>, vector<16xi32>,
    tpu.vector_store %arg7[%swap3A_395], %mul3A_394 {strides = array<i32>} : memref<512xi32, #tpu.memory_space<vmem>>, vector<16xi32>,
    %get3A_397 = arith.constant 256 : index
    %get3A_398 = tpu.vector_load %arg5[%get3A_397] {strides = array<i32>} : memref<512xi32, #tpu.memory_space<vmem>>, vector<16xi32>,
    %shift_right_arithmetic3A_399 = arith.constant 15 : i32
    %shift_right_arithmetic3A_400 = vector.broadcast %shift_right_arithmetic3A_399 : i32 to vector<16xi32>
    %shift_right_arithmetic3A_401 = arith.shrsi %get3A_398, %shift_right_arithmetic3A_400 : vector<16xi32>
    %shift_left3A_402 = arith.constant 13 : i32
    %shift_left3A_403 = vector.broadcast %shift_left3A_402 : i32 to vector<16xi32>
    %shift_left3A_404 = arith.shli %shift_right_arithmetic3A_401, %shift_left3A_403 : vector<16xi32>
    %and3A_405 = arith.constant 8191 : i32
    %and3A_406 = vector.broadcast %and3A_405 : i32 to vector<16xi32>
    %and3A_407 = arith.andi %get3A_398, %and3A_406 : vector<16xi32>
    %or3A_408 = arith.ori %shift_left3A_404, %and3A_407 : vector<16xi32>
    %swap3A_409 = arith.constant 256 : index
    %swap3A_410 = tpu.vector_load %arg6[%swap3A_409] {strides = array<i32>} : memref<512xi32, #tpu.memory_space<vmem>>, vector<16xi32>,
    tpu.vector_store %arg6[%swap3A_409], %or3A_408 {strides = array<i32>} : memref<512xi32, #tpu.memory_space<vmem>>, vector<16xi32>,
    %shift_right_arithmetic3A_411 = arith.constant 13 : i32
    %shift_right_arithmetic3A_412 = vector.broadcast %shift_right_arithmetic3A_411 : i32 to vector<16xi32>
    %shift_right_arithmetic3A_413 = arith.shrsi %get3A_398, %shift_right_arithmetic3A_412 : vector<16xi32>
    %and3A_414 = arith.constant 3 : i32
    %and3A_415 = vector.broadcast %and3A_414 : i32 to vector<16xi32>
    %and3A_416 = arith.andi %shift_right_arithmetic3A_413, %and3A_415 : vector<16xi32>
    %mul3A_417 = arith.constant 32 : i32
    %mul3A_418 = vector.broadcast %mul3A_417 : i32 to vector<16xi32>
    %mul3A_419 = arith.muli %and3A_416, %mul3A_418 : vector<16xi32>
    %swap3A_420 = arith.constant 256 : index
    %swap3A_421 = tpu.vector_load %arg7[%swap3A_420] {strides = array<i32>} : memref<512xi32, #tpu.memory_space<vmem>>, vector<16xi32>,
    tpu.vector_store %arg7[%swap3A_420], %mul3A_419 {strides = array<i32>} : memref<512xi32, #tpu.memory_space<vmem>>, vector<16xi32>,
    %get3A_422 = arith.constant 272 : index
    %get3A_423 = tpu.vector_load %arg5[%get3A_422] {strides = array<i32>} : memref<512xi32, #tpu.memory_space<vmem>>, vector<16xi32>,
    %shift_right_arithmetic3A_424 = arith.constant 15 : i32
    %shift_right_arithmetic3A_425 = vector.broadcast %shift_right_arithmetic3A_424 : i32 to vector<16xi32>
    %shift_right_arithmetic3A_426 = arith.shrsi %get3A_423, %shift_right_arithmetic3A_425 : vector<16xi32>
    %shift_left3A_427 = arith.constant 13 : i32
    %shift_left3A_428 = vector.broadcast %shift_left3A_427 : i32 to vector<16xi32>
    %shift_left3A_429 = arith.shli %shift_right_arithmetic3A_426, %shift_left3A_428 : vector<16xi32>
    %and3A_430 = arith.constant 8191 : i32
    %and3A_431 = vector.broadcast %and3A_430 : i32 to vector<16xi32>
    %and3A_432 = arith.andi %get3A_423, %and3A_431 : vector<16xi32>
    %or3A_433 = arith.ori %shift_left3A_429, %and3A_432 : vector<16xi32>
    %swap3A_434 = arith.constant 272 : index
    %swap3A_435 = tpu.vector_load %arg6[%swap3A_434] {strides = array<i32>} : memref<512xi32, #tpu.memory_space<vmem>>, vector<16xi32>,
    tpu.vector_store %arg6[%swap3A_434], %or3A_433 {strides = array<i32>} : memref<512xi32, #tpu.memory_space<vmem>>, vector<16xi32>,
    %shift_right_arithmetic3A_436 = arith.constant 13 : i32
    %shift_right_arithmetic3A_437 = vector.broadcast %shift_right_arithmetic3A_436 : i32 to vector<16xi32>
    %shift_right_arithmetic3A_438 = arith.shrsi %get3A_423, %shift_right_arithmetic3A_437 : vector<16xi32>
    %and3A_439 = arith.constant 3 : i32
    %and3A_440 = vector.broadcast %and3A_439 : i32 to vector<16xi32>
    %and3A_441 = arith.andi %shift_right_arithmetic3A_438, %and3A_440 : vector<16xi32>
    %mul3A_442 = arith.constant 32 : i32
    %mul3A_443 = vector.broadcast %mul3A_442 : i32 to vector<16xi32>
    %mul3A_444 = arith.muli %and3A_441, %mul3A_443 : vector<16xi32>
    %swap3A_445 = arith.constant 272 : index
    %swap3A_446 = tpu.vector_load %arg7[%swap3A_445] {strides = array<i32>} : memref<512xi32, #tpu.memory_space<vmem>>, vector<16xi32>,
    tpu.vector_store %arg7[%swap3A_445], %mul3A_444 {strides = array<i32>} : memref<512xi32, #tpu.memory_space<vmem>>, vector<16xi32>,
    %get3A_447 = arith.constant 288 : index
    %get3A_448 = tpu.vector_load %arg5[%get3A_447] {strides = array<i32>} : memref<512xi32, #tpu.memory_space<vmem>>, vector<16xi32>,
    %shift_right_arithmetic3A_449 = arith.constant 15 : i32
    %shift_right_arithmetic3A_450 = vector.broadcast %shift_right_arithmetic3A_449 : i32 to vector<16xi32>
    %shift_right_arithmetic3A_451 = arith.shrsi %get3A_448, %shift_right_arithmetic3A_450 : vector<16xi32>
    %shift_left3A_452 = arith.constant 13 : i32
    %shift_left3A_453 = vector.broadcast %shift_left3A_452 : i32 to vector<16xi32>
    %shift_left3A_454 = arith.shli %shift_right_arithmetic3A_451, %shift_left3A_453 : vector<16xi32>
    %and3A_455 = arith.constant 8191 : i32
    %and3A_456 = vector.broadcast %and3A_455 : i32 to vector<16xi32>
    %and3A_457 = arith.andi %get3A_448, %and3A_456 : vector<16xi32>
    %or3A_458 = arith.ori %shift_left3A_454, %and3A_457 : vector<16xi32>
    %swap3A_459 = arith.constant 288 : index
    %swap3A_460 = tpu.vector_load %arg6[%swap3A_459] {strides = array<i32>} : memref<512xi32, #tpu.memory_space<vmem>>, vector<16xi32>,
    tpu.vector_store %arg6[%swap3A_459], %or3A_458 {strides = array<i32>} : memref<512xi32, #tpu.memory_space<vmem>>, vector<16xi32>,
    %shift_right_arithmetic3A_461 = arith.constant 13 : i32
    %shift_right_arithmetic3A_462 = vector.broadcast %shift_right_arithmetic3A_461 : i32 to vector<16xi32>
    %shift_right_arithmetic3A_463 = arith.shrsi %get3A_448, %shift_right_arithmetic3A_462 : vector<16xi32>
    %and3A_464 = arith.constant 3 : i32
    %and3A_465 = vector.broadcast %and3A_464 : i32 to vector<16xi32>
    %and3A_466 = arith.andi %shift_right_arithmetic3A_463, %and3A_465 : vector<16xi32>
    %mul3A_467 = arith.constant 32 : i32
    %mul3A_468 = vector.broadcast %mul3A_467 : i32 to vector<16xi32>
    %mul3A_469 = arith.muli %and3A_466, %mul3A_468 : vector<16xi32>
    %swap3A_470 = arith.constant 288 : index
    %swap3A_471 = tpu.vector_load %arg7[%swap3A_470] {strides = array<i32>} : memref<512xi32, #tpu.memory_space<vmem>>, vector<16xi32>,
    tpu.vector_store %arg7[%swap3A_470], %mul3A_469 {strides = array<i32>} : memref<512xi32, #tpu.memory_space<vmem>>, vector<16xi32>,
    %get3A_472 = arith.constant 304 : index
    %get3A_473 = tpu.vector_load %arg5[%get3A_472] {strides = array<i32>} : memref<512xi32, #tpu.memory_space<vmem>>, vector<16xi32>,
    %shift_right_arithmetic3A_474 = arith.constant 15 : i32
    %shift_right_arithmetic3A_475 = vector.broadcast %shift_right_arithmetic3A_474 : i32 to vector<16xi32>
    %shift_right_arithmetic3A_476 = arith.shrsi %get3A_473, %shift_right_arithmetic3A_475 : vector<16xi32>
    %shift_left3A_477 = arith.constant 13 : i32
    %shift_left3A_478 = vector.broadcast %shift_left3A_477 : i32 to vector<16xi32>
    %shift_left3A_479 = arith.shli %shift_right_arithmetic3A_476, %shift_left3A_478 : vector<16xi32>
    %and3A_480 = arith.constant 8191 : i32
    %and3A_481 = vector.broadcast %and3A_480 : i32 to vector<16xi32>
    %and3A_482 = arith.andi %get3A_473, %and3A_481 : vector<16xi32>
    %or3A_483 = arith.ori %shift_left3A_479, %and3A_482 : vector<16xi32>
    %swap3A_484 = arith.constant 304 : index
    %swap3A_485 = tpu.vector_load %arg6[%swap3A_484] {strides = array<i32>} : memref<512xi32, #tpu.memory_space<vmem>>, vector<16xi32>,
    tpu.vector_store %arg6[%swap3A_484], %or3A_483 {strides = array<i32>} : memref<512xi32, #tpu.memory_space<vmem>>, vector<16xi32>,
    %shift_right_arithmetic3A_486 = arith.constant 13 : i32
    %shift_right_arithmetic3A_487 = vector.broadcast %shift_right_arithmetic3A_486 : i32 to vector<16xi32>
    %shift_right_arithmetic3A_488 = arith.shrsi %get3A_473, %shift_right_arithmetic3A_487 : vector<16xi32>
    %and3A_489 = arith.constant 3 : i32
    %and3A_490 = vector.broadcast %and3A_489 : i32 to vector<16xi32>
    %and3A_491 = arith.andi %shift_right_arithmetic3A_488, %and3A_490 : vector<16xi32>
    %mul3A_492 = arith.constant 32 : i32
    %mul3A_493 = vector.broadcast %mul3A_492 : i32 to vector<16xi32>
    %mul3A_494 = arith.muli %and3A_491, %mul3A_493 : vector<16xi32>
    %swap3A_495 = arith.constant 304 : index
    %swap3A_496 = tpu.vector_load %arg7[%swap3A_495] {strides = array<i32>} : memref<512xi32, #tpu.memory_space<vmem>>, vector<16xi32>,
    tpu.vector_store %arg7[%swap3A_495], %mul3A_494 {strides = array<i32>} : memref<512xi32, #tpu.memory_space<vmem>>, vector<16xi32>,
    %get3A_497 = arith.constant 320 : index
    %get3A_498 = tpu.vector_load %arg5[%get3A_497] {strides = array<i32>} : memref<512xi32, #tpu.memory_space<vmem>>, vector<16xi32>,
    %shift_right_arithmetic3A_499 = arith.constant 15 : i32
    %shift_right_arithmetic3A_500 = vector.broadcast %shift_right_arithmetic3A_499 : i32 to vector<16xi32>
    %shift_right_arithmetic3A_501 = arith.shrsi %get3A_498, %shift_right_arithmetic3A_500 : vector<16xi32>
    %shift_left3A_502 = arith.constant 13 : i32
    %shift_left3A_503 = vector.broadcast %shift_left3A_502 : i32 to vector<16xi32>
    %shift_left3A_504 = arith.shli %shift_right_arithmetic3A_501, %shift_left3A_503 : vector<16xi32>
    %and3A_505 = arith.constant 8191 : i32
    %and3A_506 = vector.broadcast %and3A_505 : i32 to vector<16xi32>
    %and3A_507 = arith.andi %get3A_498, %and3A_506 : vector<16xi32>
    %or3A_508 = arith.ori %shift_left3A_504, %and3A_507 : vector<16xi32>
    %swap3A_509 = arith.constant 320 : index
    %swap3A_510 = tpu.vector_load %arg6[%swap3A_509] {strides = array<i32>} : memref<512xi32, #tpu.memory_space<vmem>>, vector<16xi32>,
    tpu.vector_store %arg6[%swap3A_509], %or3A_508 {strides = array<i32>} : memref<512xi32, #tpu.memory_space<vmem>>, vector<16xi32>,
    %shift_right_arithmetic3A_511 = arith.constant 13 : i32
    %shift_right_arithmetic3A_512 = vector.broadcast %shift_right_arithmetic3A_511 : i32 to vector<16xi32>
    %shift_right_arithmetic3A_513 = arith.shrsi %get3A_498, %shift_right_arithmetic3A_512 : vector<16xi32>
    %and3A_514 = arith.constant 3 : i32
    %and3A_515 = vector.broadcast %and3A_514 : i32 to vector<16xi32>
    %and3A_516 = arith.andi %shift_right_arithmetic3A_513, %and3A_515 : vector<16xi32>
    %mul3A_517 = arith.constant 32 : i32
    %mul3A_518 = vector.broadcast %mul3A_517 : i32 to vector<16xi32>
    %mul3A_519 = arith.muli %and3A_516, %mul3A_518 : vector<16xi32>
    %swap3A_520 = arith.constant 320 : index
    %swap3A_521 = tpu.vector_load %arg7[%swap3A_520] {strides = array<i32>} : memref<512xi32, #tpu.memory_space<vmem>>, vector<16xi32>,
    tpu.vector_store %arg7[%swap3A_520], %mul3A_519 {strides = array<i32>} : memref<512xi32, #tpu.memory_space<vmem>>, vector<16xi32>,
    %get3A_522 = arith.constant 336 : index
    %get3A_523 = tpu.vector_load %arg5[%get3A_522] {strides = array<i32>} : memref<512xi32, #tpu.memory_space<vmem>>, vector<16xi32>,
    %shift_right_arithmetic3A_524 = arith.constant 15 : i32
    %shift_right_arithmetic3A_525 = vector.broadcast %shift_right_arithmetic3A_524 : i32 to vector<16xi32>
    %shift_right_arithmetic3A_526 = arith.shrsi %get3A_523, %shift_right_arithmetic3A_525 : vector<16xi32>
    %shift_left3A_527 = arith.constant 13 : i32
    %shift_left3A_528 = vector.broadcast %shift_left3A_527 : i32 to vector<16xi32>
    %shift_left3A_529 = arith.shli %shift_right_arithmetic3A_526, %shift_left3A_528 : vector<16xi32>
    %and3A_530 = arith.constant 8191 : i32
    %and3A_531 = vector.broadcast %and3A_530 : i32 to vector<16xi32>
    %and3A_532 = arith.andi %get3A_523, %and3A_531 : vector<16xi32>
    %or3A_533 = arith.ori %shift_left3A_529, %and3A_532 : vector<16xi32>
    %swap3A_534 = arith.constant 336 : index
    %swap3A_535 = tpu.vector_load %arg6[%swap3A_534] {strides = array<i32>} : memref<512xi32, #tpu.memory_space<vmem>>, vector<16xi32>,
    tpu.vector_store %arg6[%swap3A_534], %or3A_533 {strides = array<i32>} : memref<512xi32, #tpu.memory_space<vmem>>, vector<16xi32>,
    %shift_right_arithmetic3A_536 = arith.constant 13 : i32
    %shift_right_arithmetic3A_537 = vector.broadcast %shift_right_arithmetic3A_536 : i32 to vector<16xi32>
    %shift_right_arithmetic3A_538 = arith.shrsi %get3A_523, %shift_right_arithmetic3A_537 : vector<16xi32>
    %and3A_539 = arith.constant 3 : i32
    %and3A_540 = vector.broadcast %and3A_539 : i32 to vector<16xi32>
    %and3A_541 = arith.andi %shift_right_arithmetic3A_538, %and3A_540 : vector<16xi32>
    %mul3A_542 = arith.constant 32 : i32
    %mul3A_543 = vector.broadcast %mul3A_542 : i32 to vector<16xi32>
    %mul3A_544 = arith.muli %and3A_541, %mul3A_543 : vector<16xi32>
    %swap3A_545 = arith.constant 336 : index
    %swap3A_546 = tpu.vector_load %arg7[%swap3A_545] {strides = array<i32>} : memref<512xi32, #tpu.memory_space<vmem>>, vector<16xi32>,
    tpu.vector_store %arg7[%swap3A_545], %mul3A_544 {strides = array<i32>} : memref<512xi32, #tpu.memory_space<vmem>>, vector<16xi32>,
    %get3A_547 = arith.constant 352 : index
    %get3A_548 = tpu.vector_load %arg5[%get3A_547] {strides = array<i32>} : memref<512xi32, #tpu.memory_space<vmem>>, vector<16xi32>,
    %shift_right_arithmetic3A_549 = arith.constant 15 : i32
    %shift_right_arithmetic3A_550 = vector.broadcast %shift_right_arithmetic3A_549 : i32 to vector<16xi32>
    %shift_right_arithmetic3A_551 = arith.shrsi %get3A_548, %shift_right_arithmetic3A_550 : vector<16xi32>
    %shift_left3A_552 = arith.constant 13 : i32
    %shift_left3A_553 = vector.broadcast %shift_left3A_552 : i32 to vector<16xi32>
    %shift_left3A_554 = arith.shli %shift_right_arithmetic3A_551, %shift_left3A_553 : vector<16xi32>
    %and3A_555 = arith.constant 8191 : i32
    %and3A_556 = vector.broadcast %and3A_555 : i32 to vector<16xi32>
    %and3A_557 = arith.andi %get3A_548, %and3A_556 : vector<16xi32>
    %or3A_558 = arith.ori %shift_left3A_554, %and3A_557 : vector<16xi32>
    %swap3A_559 = arith.constant 352 : index
    %swap3A_560 = tpu.vector_load %arg6[%swap3A_559] {strides = array<i32>} : memref<512xi32, #tpu.memory_space<vmem>>, vector<16xi32>,
    tpu.vector_store %arg6[%swap3A_559], %or3A_558 {strides = array<i32>} : memref<512xi32, #tpu.memory_space<vmem>>, vector<16xi32>,
    %shift_right_arithmetic3A_561 = arith.constant 13 : i32
    %shift_right_arithmetic3A_562 = vector.broadcast %shift_right_arithmetic3A_561 : i32 to vector<16xi32>
    %shift_right_arithmetic3A_563 = arith.shrsi %get3A_548, %shift_right_arithmetic3A_562 : vector<16xi32>
    %and3A_564 = arith.constant 3 : i32
    %and3A_565 = vector.broadcast %and3A_564 : i32 to vector<16xi32>
    %and3A_566 = arith.andi %shift_right_arithmetic3A_563, %and3A_565 : vector<16xi32>
    %mul3A_567 = arith.constant 32 : i32
    %mul3A_568 = vector.broadcast %mul3A_567 : i32 to vector<16xi32>
    %mul3A_569 = arith.muli %and3A_566, %mul3A_568 : vector<16xi32>
    %swap3A_570 = arith.constant 352 : index
    %swap3A_571 = tpu.vector_load %arg7[%swap3A_570] {strides = array<i32>} : memref<512xi32, #tpu.memory_space<vmem>>, vector<16xi32>,
    tpu.vector_store %arg7[%swap3A_570], %mul3A_569 {strides = array<i32>} : memref<512xi32, #tpu.memory_space<vmem>>, vector<16xi32>,
    %get3A_572 = arith.constant 368 : index
    %get3A_573 = tpu.vector_load %arg5[%get3A_572] {strides = array<i32>} : memref<512xi32, #tpu.memory_space<vmem>>, vector<16xi32>,
    %shift_right_arithmetic3A_574 = arith.constant 15 : i32
    %shift_right_arithmetic3A_575 = vector.broadcast %shift_right_arithmetic3A_574 : i32 to vector<16xi32>
    %shift_right_arithmetic3A_576 = arith.shrsi %get3A_573, %shift_right_arithmetic3A_575 : vector<16xi32>
    %shift_left3A_577 = arith.constant 13 : i32
    %shift_left3A_578 = vector.broadcast %shift_left3A_577 : i32 to vector<16xi32>
    %shift_left3A_579 = arith.shli %shift_right_arithmetic3A_576, %shift_left3A_578 : vector<16xi32>
    %and3A_580 = arith.constant 8191 : i32
    %and3A_581 = vector.broadcast %and3A_580 : i32 to vector<16xi32>
    %and3A_582 = arith.andi %get3A_573, %and3A_581 : vector<16xi32>
    %or3A_583 = arith.ori %shift_left3A_579, %and3A_582 : vector<16xi32>
    %swap3A_584 = arith.constant 368 : index
    %swap3A_585 = tpu.vector_load %arg6[%swap3A_584] {strides = array<i32>} : memref<512xi32, #tpu.memory_space<vmem>>, vector<16xi32>,
    tpu.vector_store %arg6[%swap3A_584], %or3A_583 {strides = array<i32>} : memref<512xi32, #tpu.memory_space<vmem>>, vector<16xi32>,
    %shift_right_arithmetic3A_586 = arith.constant 13 : i32
    %shift_right_arithmetic3A_587 = vector.broadcast %shift_right_arithmetic3A_586 : i32 to vector<16xi32>
    %shift_right_arithmetic3A_588 = arith.shrsi %get3A_573, %shift_right_arithmetic3A_587 : vector<16xi32>
    %and3A_589 = arith.constant 3 : i32
    %and3A_590 = vector.broadcast %and3A_589 : i32 to vector<16xi32>
    %and3A_591 = arith.andi %shift_right_arithmetic3A_588, %and3A_590 : vector<16xi32>
    %mul3A_592 = arith.constant 32 : i32
    %mul3A_593 = vector.broadcast %mul3A_592 : i32 to vector<16xi32>
    %mul3A_594 = arith.muli %and3A_591, %mul3A_593 : vector<16xi32>
    %swap3A_595 = arith.constant 368 : index
    %swap3A_596 = tpu.vector_load %arg7[%swap3A_595] {strides = array<i32>} : memref<512xi32, #tpu.memory_space<vmem>>, vector<16xi32>,
    tpu.vector_store %arg7[%swap3A_595], %mul3A_594 {strides = array<i32>} : memref<512xi32, #tpu.memory_space<vmem>>, vector<16xi32>,
    %get3A_597 = arith.constant 384 : index
    %get3A_598 = tpu.vector_load %arg5[%get3A_597] {strides = array<i32>} : memref<512xi32, #tpu.memory_space<vmem>>, vector<16xi32>,
    %shift_right_arithmetic3A_599 = arith.constant 15 : i32
    %shift_right_arithmetic3A_600 = vector.broadcast %shift_right_arithmetic3A_599 : i32 to vector<16xi32>
    %shift_right_arithmetic3A_601 = arith.shrsi %get3A_598, %shift_right_arithmetic3A_600 : vector<16xi32>
    %shift_left3A_602 = arith.constant 13 : i32
    %shift_left3A_603 = vector.broadcast %shift_left3A_602 : i32 to vector<16xi32>
    %shift_left3A_604 = arith.shli %shift_right_arithmetic3A_601, %shift_left3A_603 : vector<16xi32>
    %and3A_605 = arith.constant 8191 : i32
    %and3A_606 = vector.broadcast %and3A_605 : i32 to vector<16xi32>
    %and3A_607 = arith.andi %get3A_598, %and3A_606 : vector<16xi32>
    %or3A_608 = arith.ori %shift_left3A_604, %and3A_607 : vector<16xi32>
    %swap3A_609 = arith.constant 384 : index
    %swap3A_610 = tpu.vector_load %arg6[%swap3A_609] {strides = array<i32>} : memref<512xi32, #tpu.memory_space<vmem>>, vector<16xi32>,
    tpu.vector_store %arg6[%swap3A_609], %or3A_608 {strides = array<i32>} : memref<512xi32, #tpu.memory_space<vmem>>, vector<16xi32>,
    %shift_right_arithmetic3A_611 = arith.constant 13 : i32
    %shift_right_arithmetic3A_612 = vector.broadcast %shift_right_arithmetic3A_611 : i32 to vector<16xi32>
    %shift_right_arithmetic3A_613 = arith.shrsi %get3A_598, %shift_right_arithmetic3A_612 : vector<16xi32>
    %and3A_614 = arith.constant 3 : i32
    %and3A_615 = vector.broadcast %and3A_614 : i32 to vector<16xi32>
    %and3A_616 = arith.andi %shift_right_arithmetic3A_613, %and3A_615 : vector<16xi32>
    %mul3A_617 = arith.constant 32 : i32
    %mul3A_618 = vector.broadcast %mul3A_617 : i32 to vector<16xi32>
    %mul3A_619 = arith.muli %and3A_616, %mul3A_618 : vector<16xi32>
    %swap3A_620 = arith.constant 384 : index
    %swap3A_621 = tpu.vector_load %arg7[%swap3A_620] {strides = array<i32>} : memref<512xi32, #tpu.memory_space<vmem>>, vector<16xi32>,
    tpu.vector_store %arg7[%swap3A_620], %mul3A_619 {strides = array<i32>} : memref<512xi32, #tpu.memory_space<vmem>>, vector<16xi32>,
    %get3A_622 = arith.constant 400 : index
    %get3A_623 = tpu.vector_load %arg5[%get3A_622] {strides = array<i32>} : memref<512xi32, #tpu.memory_space<vmem>>, vector<16xi32>,
    %shift_right_arithmetic3A_624 = arith.constant 15 : i32
    %shift_right_arithmetic3A_625 = vector.broadcast %shift_right_arithmetic3A_624 : i32 to vector<16xi32>
    %shift_right_arithmetic3A_626 = arith.shrsi %get3A_623, %shift_right_arithmetic3A_625 : vector<16xi32>
    %shift_left3A_627 = arith.constant 13 : i32
    %shift_left3A_628 = vector.broadcast %shift_left3A_627 : i32 to vector<16xi32>
    %shift_left3A_629 = arith.shli %shift_right_arithmetic3A_626, %shift_left3A_628 : vector<16xi32>
    %and3A_630 = arith.constant 8191 : i32
    %and3A_631 = vector.broadcast %and3A_630 : i32 to vector<16xi32>
    %and3A_632 = arith.andi %get3A_623, %and3A_631 : vector<16xi32>
    %or3A_633 = arith.ori %shift_left3A_629, %and3A_632 : vector<16xi32>
    %swap3A_634 = arith.constant 400 : index
    %swap3A_635 = tpu.vector_load %arg6[%swap3A_634] {strides = array<i32>} : memref<512xi32, #tpu.memory_space<vmem>>, vector<16xi32>,
    tpu.vector_store %arg6[%swap3A_634], %or3A_633 {strides = array<i32>} : memref<512xi32, #tpu.memory_space<vmem>>, vector<16xi32>,
    %shift_right_arithmetic3A_636 = arith.constant 13 : i32
    %shift_right_arithmetic3A_637 = vector.broadcast %shift_right_arithmetic3A_636 : i32 to vector<16xi32>
    %shift_right_arithmetic3A_638 = arith.shrsi %get3A_623, %shift_right_arithmetic3A_637 : vector<16xi32>
    %and3A_639 = arith.constant 3 : i32
    %and3A_640 = vector.broadcast %and3A_639 : i32 to vector<16xi32>
    %and3A_641 = arith.andi %shift_right_arithmetic3A_638, %and3A_640 : vector<16xi32>
    %mul3A_642 = arith.constant 32 : i32
    %mul3A_643 = vector.broadcast %mul3A_642 : i32 to vector<16xi32>
    %mul3A_644 = arith.muli %and3A_641, %mul3A_643 : vector<16xi32>
    %swap3A_645 = arith.constant 400 : index
    %swap3A_646 = tpu.vector_load %arg7[%swap3A_645] {strides = array<i32>} : memref<512xi32, #tpu.memory_space<vmem>>, vector<16xi32>,
    tpu.vector_store %arg7[%swap3A_645], %mul3A_644 {strides = array<i32>} : memref<512xi32, #tpu.memory_space<vmem>>, vector<16xi32>,
    %get3A_647 = arith.constant 416 : index
    %get3A_648 = tpu.vector_load %arg5[%get3A_647] {strides = array<i32>} : memref<512xi32, #tpu.memory_space<vmem>>, vector<16xi32>,
    %shift_right_arithmetic3A_649 = arith.constant 15 : i32
    %shift_right_arithmetic3A_650 = vector.broadcast %shift_right_arithmetic3A_649 : i32 to vector<16xi32>
    %shift_right_arithmetic3A_651 = arith.shrsi %get3A_648, %shift_right_arithmetic3A_650 : vector<16xi32>
    %shift_left3A_652 = arith.constant 13 : i32
    %shift_left3A_653 = vector.broadcast %shift_left3A_652 : i32 to vector<16xi32>
    %shift_left3A_654 = arith.shli %shift_right_arithmetic3A_651, %shift_left3A_653 : vector<16xi32>
    %and3A_655 = arith.constant 8191 : i32
    %and3A_656 = vector.broadcast %and3A_655 : i32 to vector<16xi32>
    %and3A_657 = arith.andi %get3A_648, %and3A_656 : vector<16xi32>
    %or3A_658 = arith.ori %shift_left3A_654, %and3A_657 : vector<16xi32>
    %swap3A_659 = arith.constant 416 : index
    %swap3A_660 = tpu.vector_load %arg6[%swap3A_659] {strides = array<i32>} : memref<512xi32, #tpu.memory_space<vmem>>, vector<16xi32>,
    tpu.vector_store %arg6[%swap3A_659], %or3A_658 {strides = array<i32>} : memref<512xi32, #tpu.memory_space<vmem>>, vector<16xi32>,
    %shift_right_arithmetic3A_661 = arith.constant 13 : i32
    %shift_right_arithmetic3A_662 = vector.broadcast %shift_right_arithmetic3A_661 : i32 to vector<16xi32>
    %shift_right_arithmetic3A_663 = arith.shrsi %get3A_648, %shift_right_arithmetic3A_662 : vector<16xi32>
    %and3A_664 = arith.constant 3 : i32
    %and3A_665 = vector.broadcast %and3A_664 : i32 to vector<16xi32>
    %and3A_666 = arith.andi %shift_right_arithmetic3A_663, %and3A_665 : vector<16xi32>
    %mul3A_667 = arith.constant 32 : i32
    %mul3A_668 = vector.broadcast %mul3A_667 : i32 to vector<16xi32>
    %mul3A_669 = arith.muli %and3A_666, %mul3A_668 : vector<16xi32>
    %swap3A_670 = arith.constant 416 : index
    %swap3A_671 = tpu.vector_load %arg7[%swap3A_670] {strides = array<i32>} : memref<512xi32, #tpu.memory_space<vmem>>, vector<16xi32>,
    tpu.vector_store %arg7[%swap3A_670], %mul3A_669 {strides = array<i32>} : memref<512xi32, #tpu.memory_space<vmem>>, vector<16xi32>,
    %get3A_672 = arith.constant 432 : index
    %get3A_673 = tpu.vector_load %arg5[%get3A_672] {strides = array<i32>} : memref<512xi32, #tpu.memory_space<vmem>>, vector<16xi32>,
    %shift_right_arithmetic3A_674 = arith.constant 15 : i32
    %shift_right_arithmetic3A_675 = vector.broadcast %shift_right_arithmetic3A_674 : i32 to vector<16xi32>
    %shift_right_arithmetic3A_676 = arith.shrsi %get3A_673, %shift_right_arithmetic3A_675 : vector<16xi32>
    %shift_left3A_677 = arith.constant 13 : i32
    %shift_left3A_678 = vector.broadcast %shift_left3A_677 : i32 to vector<16xi32>
    %shift_left3A_679 = arith.shli %shift_right_arithmetic3A_676, %shift_left3A_678 : vector<16xi32>
    %and3A_680 = arith.constant 8191 : i32
    %and3A_681 = vector.broadcast %and3A_680 : i32 to vector<16xi32>
    %and3A_682 = arith.andi %get3A_673, %and3A_681 : vector<16xi32>
    %or3A_683 = arith.ori %shift_left3A_679, %and3A_682 : vector<16xi32>
    %swap3A_684 = arith.constant 432 : index
    %swap3A_685 = tpu.vector_load %arg6[%swap3A_684] {strides = array<i32>} : memref<512xi32, #tpu.memory_space<vmem>>, vector<16xi32>,
    tpu.vector_store %arg6[%swap3A_684], %or3A_683 {strides = array<i32>} : memref<512xi32, #tpu.memory_space<vmem>>, vector<16xi32>,
    %shift_right_arithmetic3A_686 = arith.constant 13 : i32
    %shift_right_arithmetic3A_687 = vector.broadcast %shift_right_arithmetic3A_686 : i32 to vector<16xi32>
    %shift_right_arithmetic3A_688 = arith.shrsi %get3A_673, %shift_right_arithmetic3A_687 : vector<16xi32>
    %and3A_689 = arith.constant 3 : i32
    %and3A_690 = vector.broadcast %and3A_689 : i32 to vector<16xi32>
    %and3A_691 = arith.andi %shift_right_arithmetic3A_688, %and3A_690 : vector<16xi32>
    %mul3A_692 = arith.constant 32 : i32
    %mul3A_693 = vector.broadcast %mul3A_692 : i32 to vector<16xi32>
    %mul3A_694 = arith.muli %and3A_691, %mul3A_693 : vector<16xi32>
    %swap3A_695 = arith.constant 432 : index
    %swap3A_696 = tpu.vector_load %arg7[%swap3A_695] {strides = array<i32>} : memref<512xi32, #tpu.memory_space<vmem>>, vector<16xi32>,
    tpu.vector_store %arg7[%swap3A_695], %mul3A_694 {strides = array<i32>} : memref<512xi32, #tpu.memory_space<vmem>>, vector<16xi32>,
    %get3A_697 = arith.constant 448 : index
    %get3A_698 = tpu.vector_load %arg5[%get3A_697] {strides = array<i32>} : memref<512xi32, #tpu.memory_space<vmem>>, vector<16xi32>,
    %shift_right_arithmetic3A_699 = arith.constant 15 : i32
    %shift_right_arithmetic3A_700 = vector.broadcast %shift_right_arithmetic3A_699 : i32 to vector<16xi32>
    %shift_right_arithmetic3A_701 = arith.shrsi %get3A_698, %shift_right_arithmetic3A_700 : vector<16xi32>
    %shift_left3A_702 = arith.constant 13 : i32
    %shift_left3A_703 = vector.broadcast %shift_left3A_702 : i32 to vector<16xi32>
    %shift_left3A_704 = arith.shli %shift_right_arithmetic3A_701, %shift_left3A_703 : vector<16xi32>
    %and3A_705 = arith.constant 8191 : i32
    %and3A_706 = vector.broadcast %and3A_705 : i32 to vector<16xi32>
    %and3A_707 = arith.andi %get3A_698, %and3A_706 : vector<16xi32>
    %or3A_708 = arith.ori %shift_left3A_704, %and3A_707 : vector<16xi32>
    %swap3A_709 = arith.constant 448 : index
    %swap3A_710 = tpu.vector_load %arg6[%swap3A_709] {strides = array<i32>} : memref<512xi32, #tpu.memory_space<vmem>>, vector<16xi32>,
    tpu.vector_store %arg6[%swap3A_709], %or3A_708 {strides = array<i32>} : memref<512xi32, #tpu.memory_space<vmem>>, vector<16xi32>,
    %shift_right_arithmetic3A_711 = arith.constant 13 : i32
    %shift_right_arithmetic3A_712 = vector.broadcast %shift_right_arithmetic3A_711 : i32 to vector<16xi32>
    %shift_right_arithmetic3A_713 = arith.shrsi %get3A_698, %shift_right_arithmetic3A_712 : vector<16xi32>
    %and3A_714 = arith.constant 3 : i32
    %and3A_715 = vector.broadcast %and3A_714 : i32 to vector<16xi32>
    %and3A_716 = arith.andi %shift_right_arithmetic3A_713, %and3A_715 : vector<16xi32>
    %mul3A_717 = arith.constant 32 : i32
    %mul3A_718 = vector.broadcast %mul3A_717 : i32 to vector<16xi32>
    %mul3A_719 = arith.muli %and3A_716, %mul3A_718 : vector<16xi32>
    %swap3A_720 = arith.constant 448 : index
    %swap3A_721 = tpu.vector_load %arg7[%swap3A_720] {strides = array<i32>} : memref<512xi32, #tpu.memory_space<vmem>>, vector<16xi32>,
    tpu.vector_store %arg7[%swap3A_720], %mul3A_719 {strides = array<i32>} : memref<512xi32, #tpu.memory_space<vmem>>, vector<16xi32>,
    %get3A_722 = arith.constant 464 : index
    %get3A_723 = tpu.vector_load %arg5[%get3A_722] {strides = array<i32>} : memref<512xi32, #tpu.memory_space<vmem>>, vector<16xi32>,
    %shift_right_arithmetic3A_724 = arith.constant 15 : i32
    %shift_right_arithmetic3A_725 = vector.broadcast %shift_right_arithmetic3A_724 : i32 to vector<16xi32>
    %shift_right_arithmetic3A_726 = arith.shrsi %get3A_723, %shift_right_arithmetic3A_725 : vector<16xi32>
    %shift_left3A_727 = arith.constant 13 : i32
    %shift_left3A_728 = vector.broadcast %shift_left3A_727 : i32 to vector<16xi32>
    %shift_left3A_729 = arith.shli %shift_right_arithmetic3A_726, %shift_left3A_728 : vector<16xi32>
    %and3A_730 = arith.constant 8191 : i32
    %and3A_731 = vector.broadcast %and3A_730 : i32 to vector<16xi32>
    %and3A_732 = arith.andi %get3A_723, %and3A_731 : vector<16xi32>
    %or3A_733 = arith.ori %shift_left3A_729, %and3A_732 : vector<16xi32>
    %swap3A_734 = arith.constant 464 : index
    %swap3A_735 = tpu.vector_load %arg6[%swap3A_734] {strides = array<i32>} : memref<512xi32, #tpu.memory_space<vmem>>, vector<16xi32>,
    tpu.vector_store %arg6[%swap3A_734], %or3A_733 {strides = array<i32>} : memref<512xi32, #tpu.memory_space<vmem>>, vector<16xi32>,
    %shift_right_arithmetic3A_736 = arith.constant 13 : i32
    %shift_right_arithmetic3A_737 = vector.broadcast %shift_right_arithmetic3A_736 : i32 to vector<16xi32>
    %shift_right_arithmetic3A_738 = arith.shrsi %get3A_723, %shift_right_arithmetic3A_737 : vector<16xi32>
    %and3A_739 = arith.constant 3 : i32
    %and3A_740 = vector.broadcast %and3A_739 : i32 to vector<16xi32>
    %and3A_741 = arith.andi %shift_right_arithmetic3A_738, %and3A_740 : vector<16xi32>
    %mul3A_742 = arith.constant 32 : i32
    %mul3A_743 = vector.broadcast %mul3A_742 : i32 to vector<16xi32>
    %mul3A_744 = arith.muli %and3A_741, %mul3A_743 : vector<16xi32>
    %swap3A_745 = arith.constant 464 : index
    %swap3A_746 = tpu.vector_load %arg7[%swap3A_745] {strides = array<i32>} : memref<512xi32, #tpu.memory_space<vmem>>, vector<16xi32>,
    tpu.vector_store %arg7[%swap3A_745], %mul3A_744 {strides = array<i32>} : memref<512xi32, #tpu.memory_space<vmem>>, vector<16xi32>,
    %get3A_747 = arith.constant 480 : index
    %get3A_748 = tpu.vector_load %arg5[%get3A_747] {strides = array<i32>} : memref<512xi32, #tpu.memory_space<vmem>>, vector<16xi32>,
    %shift_right_arithmetic3A_749 = arith.constant 15 : i32
    %shift_right_arithmetic3A_750 = vector.broadcast %shift_right_arithmetic3A_749 : i32 to vector<16xi32>
    %shift_right_arithmetic3A_751 = arith.shrsi %get3A_748, %shift_right_arithmetic3A_750 : vector<16xi32>
    %shift_left3A_752 = arith.constant 13 : i32
    %shift_left3A_753 = vector.broadcast %shift_left3A_752 : i32 to vector<16xi32>
    %shift_left3A_754 = arith.shli %shift_right_arithmetic3A_751, %shift_left3A_753 : vector<16xi32>
    %and3A_755 = arith.constant 8191 : i32
    %and3A_756 = vector.broadcast %and3A_755 : i32 to vector<16xi32>
    %and3A_757 = arith.andi %get3A_748, %and3A_756 : vector<16xi32>
    %or3A_758 = arith.ori %shift_left3A_754, %and3A_757 : vector<16xi32>
    %swap3A_759 = arith.constant 480 : index
    %swap3A_760 = tpu.vector_load %arg6[%swap3A_759] {strides = array<i32>} : memref<512xi32, #tpu.memory_space<vmem>>, vector<16xi32>,
    tpu.vector_store %arg6[%swap3A_759], %or3A_758 {strides = array<i32>} : memref<512xi32, #tpu.memory_space<vmem>>, vector<16xi32>,
    %shift_right_arithmetic3A_761 = arith.constant 13 : i32
    %shift_right_arithmetic3A_762 = vector.broadcast %shift_right_arithmetic3A_761 : i32 to vector<16xi32>
    %shift_right_arithmetic3A_763 = arith.shrsi %get3A_748, %shift_right_arithmetic3A_762 : vector<16xi32>
    %and3A_764 = arith.constant 3 : i32
    %and3A_765 = vector.broadcast %and3A_764 : i32 to vector<16xi32>
    %and3A_766 = arith.andi %shift_right_arithmetic3A_763, %and3A_765 : vector<16xi32>
    %mul3A_767 = arith.constant 32 : i32
    %mul3A_768 = vector.broadcast %mul3A_767 : i32 to vector<16xi32>
    %mul3A_769 = arith.muli %and3A_766, %mul3A_768 : vector<16xi32>
    %swap3A_770 = arith.constant 480 : index
    %swap3A_771 = tpu.vector_load %arg7[%swap3A_770] {strides = array<i32>} : memref<512xi32, #tpu.memory_space<vmem>>, vector<16xi32>,
    tpu.vector_store %arg7[%swap3A_770], %mul3A_769 {strides = array<i32>} : memref<512xi32, #tpu.memory_space<vmem>>, vector<16xi32>,
    %get3A_772 = arith.constant 496 : index
    %get3A_773 = tpu.vector_load %arg5[%get3A_772] {strides = array<i32>} : memref<512xi32, #tpu.memory_space<vmem>>, vector<16xi32>,
    %shift_right_arithmetic3A_774 = arith.constant 15 : i32
    %shift_right_arithmetic3A_775 = vector.broadcast %shift_right_arithmetic3A_774 : i32 to vector<16xi32>
    %shift_right_arithmetic3A_776 = arith.shrsi %get3A_773, %shift_right_arithmetic3A_775 : vector<16xi32>
    %shift_left3A_777 = arith.constant 13 : i32
    %shift_left3A_778 = vector.broadcast %shift_left3A_777 : i32 to vector<16xi32>
    %shift_left3A_779 = arith.shli %shift_right_arithmetic3A_776, %shift_left3A_778 : vector<16xi32>
    %and3A_780 = arith.constant 8191 : i32
    %and3A_781 = vector.broadcast %and3A_780 : i32 to vector<16xi32>
    %and3A_782 = arith.andi %get3A_773, %and3A_781 : vector<16xi32>
    %or3A_783 = arith.ori %shift_left3A_779, %and3A_782 : vector<16xi32>
    %swap3A_784 = arith.constant 496 : index
    %swap3A_785 = tpu.vector_load %arg6[%swap3A_784] {strides = array<i32>} : memref<512xi32, #tpu.memory_space<vmem>>, vector<16xi32>,
    tpu.vector_store %arg6[%swap3A_784], %or3A_783 {strides = array<i32>} : memref<512xi32, #tpu.memory_space<vmem>>, vector<16xi32>,
    %shift_right_arithmetic3A_786 = arith.constant 13 : i32
    %shift_right_arithmetic3A_787 = vector.broadcast %shift_right_arithmetic3A_786 : i32 to vector<16xi32>
    %shift_right_arithmetic3A_788 = arith.shrsi %get3A_773, %shift_right_arithmetic3A_787 : vector<16xi32>
    %and3A_789 = arith.constant 3 : i32
    %and3A_790 = vector.broadcast %and3A_789 : i32 to vector<16xi32>
    %and3A_791 = arith.andi %shift_right_arithmetic3A_788, %and3A_790 : vector<16xi32>
    %mul3A_792 = arith.constant 32 : i32
    %mul3A_793 = vector.broadcast %mul3A_792 : i32 to vector<16xi32>
    %mul3A_794 = arith.muli %and3A_791, %mul3A_793 : vector<16xi32>
    %swap3A_795 = arith.constant 496 : index
    %swap3A_796 = tpu.vector_load %arg7[%swap3A_795] {strides = array<i32>} : memref<512xi32, #tpu.memory_space<vmem>>, vector<16xi32>,
    tpu.vector_store %arg7[%swap3A_795], %mul3A_794 {strides = array<i32>} : memref<512xi32, #tpu.memory_space<vmem>>, vector<16xi32>,
    %dma_start3A = arith.constant 0 : i32
    %dma_start3A_797 = tpu.memref_slice %arg6[%dma_start3A] : memref<512xi32, #tpu.memory_space<vmem>> -> memref<128xi32, #tpu.memory_space<vmem>>
    %dma_start3A_798 = arith.constant 0 : i32
    %dma_start3A_799 = arith.constant 0 : i32
    %dma_start3A_800 = tpu.memref_slice %arg3[%dma_start3A_798, %dma_start3A_799] : memref<253952x128xf32, #tpu.memory_space<hbm>> -> memref<253952x128xf32, #tpu.memory_space<hbm>>
    tpu.enqueue_indirect_dma source(%dma_start3A_800 : memref<253952x128xf32, #tpu.memory_space<hbm>>) target(%arg8 : memref<128x128xf32, #tpu.memory_space<vmem>>) offsets(%dma_start3A_797 : memref<128xi32, #tpu.memory_space<vmem>>) semaphore(%arg13 : memref<!tpu.dma_semaphore, #tpu.memory_space<semaphore_mem>>)
    %dma_start3A_801 = arith.constant 128 : i32
    %dma_start3A_802 = tpu.memref_slice %arg6[%dma_start3A_801] : memref<512xi32, #tpu.memory_space<vmem>> -> memref<128xi32, #tpu.memory_space<vmem>>
    %dma_start3A_803 = arith.constant 0 : i32
    %dma_start3A_804 = arith.constant 0 : i32
    %dma_start3A_805 = tpu.memref_slice %arg3[%dma_start3A_803, %dma_start3A_804] : memref<253952x128xf32, #tpu.memory_space<hbm>> -> memref<253952x128xf32, #tpu.memory_space<hbm>>
    tpu.enqueue_indirect_dma source(%dma_start3A_805 : memref<253952x128xf32, #tpu.memory_space<hbm>>) target(%arg9 : memref<128x128xf32, #tpu.memory_space<vmem>>) offsets(%dma_start3A_802 : memref<128xi32, #tpu.memory_space<vmem>>) semaphore(%arg13 : memref<!tpu.dma_semaphore, #tpu.memory_space<semaphore_mem>>)
    %dma_start3A_806 = arith.constant 256 : i32
    %dma_start3A_807 = tpu.memref_slice %arg6[%dma_start3A_806] : memref<512xi32, #tpu.memory_space<vmem>> -> memref<128xi32, #tpu.memory_space<vmem>>
    %dma_start3A_808 = arith.constant 0 : i32
    %dma_start3A_809 = arith.constant 0 : i32
    %dma_start3A_810 = tpu.memref_slice %arg3[%dma_start3A_808, %dma_start3A_809] : memref<253952x128xf32, #tpu.memory_space<hbm>> -> memref<253952x128xf32, #tpu.memory_space<hbm>>
    tpu.enqueue_indirect_dma source(%dma_start3A_810 : memref<253952x128xf32, #tpu.memory_space<hbm>>) target(%arg10 : memref<128x128xf32, #tpu.memory_space<vmem>>) offsets(%dma_start3A_807 : memref<128xi32, #tpu.memory_space<vmem>>) semaphore(%arg13 : memref<!tpu.dma_semaphore, #tpu.memory_space<semaphore_mem>>)
    %dma_start3A_811 = arith.constant 384 : i32
    %dma_start3A_812 = tpu.memref_slice %arg6[%dma_start3A_811] : memref<512xi32, #tpu.memory_space<vmem>> -> memref<128xi32, #tpu.memory_space<vmem>>
    %dma_start3A_813 = arith.constant 0 : i32
    %dma_start3A_814 = arith.constant 0 : i32
    %dma_start3A_815 = tpu.memref_slice %arg3[%dma_start3A_813, %dma_start3A_814] : memref<253952x128xf32, #tpu.memory_space<hbm>> -> memref<253952x128xf32, #tpu.memory_space<hbm>>
    tpu.enqueue_indirect_dma source(%dma_start3A_815 : memref<253952x128xf32, #tpu.memory_space<hbm>>) target(%arg11 : memref<128x128xf32, #tpu.memory_space<vmem>>) offsets(%dma_start3A_812 : memref<128xi32, #tpu.memory_space<vmem>>) semaphore(%arg13 : memref<!tpu.dma_semaphore, #tpu.memory_space<semaphore_mem>>)
    %dma_wait3A = arith.constant 0 : i32
    %dma_wait3A_816 = tpu.memref_slice %arg6[%dma_wait3A] : memref<512xi32, #tpu.memory_space<vmem>> -> memref<128xi32, #tpu.memory_space<vmem>>
    %dma_wait3A_817 = arith.constant 0 : i32
    %dma_wait3A_818 = arith.constant 0 : i32
    %dma_wait3A_819 = tpu.memref_slice %arg3[%dma_wait3A_817, %dma_wait3A_818] : memref<253952x128xf32, #tpu.memory_space<hbm>> -> memref<253952x128xf32, #tpu.memory_space<hbm>>
    tpu.wait_indirect_dma semaphore(%arg13 : memref<!tpu.dma_semaphore, #tpu.memory_space<semaphore_mem>>) src(%dma_wait3A_819 : memref<253952x128xf32, #tpu.memory_space<hbm>>) dst(%arg8 : memref<128x128xf32, #tpu.memory_space<vmem>>)
    %scan3A = arith.constant 0 : i32
    %scan3A_820 = arith.constant 0 : i32
    %scan3A_821 = arith.constant 32 : i32
    %scan3A_822 = arith.addi %scan3A_820, %scan3A_821 : i32
    %scan3A_823 = arith.constant 1 : i32
    %scan3A_824 = scf.for %scan3A_862 = %scan3A_820 to %scan3A_822 step %scan3A_823 iter_args(%scan3A_863 = %scan3A) -> (i32)  : i32 {
      %iota3A = tpu.iota {dimensions = array<i32: 0>} : vector<16xi32>
      %add3A_864 = arith.constant 0 : i32
      %add3A_865 = vector.broadcast %add3A_864 : i32 to vector<16xi32>
      %add3A_866 = arith.addi %iota3A, %add3A_865 : vector<16xi32>
      %get3A_867 = arith.constant 0 : index
      %get3A_868 = tpu.vector_load %arg7[%get3A_867] {strides = array<i32>} : memref<512xi32, #tpu.memory_space<vmem>>, vector<16xi32>,
      %add3A_869 = vector.broadcast %scan3A_862 : i32 to vector<16xi32>
      %add3A_870 = arith.addi %get3A_868, %add3A_869 : vector<16xi32>
      %gather3A = tpu.vector_load_idx %arg8[%add3A_866, %add3A_870] : memref<128x128xf32, #tpu.memory_space<vmem>>[vector<16xi32>, vector<16xi32>], vector<16xf32>,
      %swap3A_871 = arith.index_cast %scan3A_862 : i32 to index
      %swap3A_872 = arith.constant 0 : index
      %swap3A_873 = tpu.vector_load %arg12[%swap3A_871, %swap3A_872] {strides = array<i32>} : memref<32x512xf32, #tpu.memory_space<vmem>>, vector<16xf32>,
      tpu.vector_store %arg12[%swap3A_871, %swap3A_872], %gather3A {strides = array<i32>} : memref<32x512xf32, #tpu.memory_space<vmem>>, vector<16xf32>,
      %iota3A_874 = tpu.iota {dimensions = array<i32: 0>} : vector<16xi32>
      %add3A_875 = arith.constant 16 : i32
      %add3A_876 = vector.broadcast %add3A_875 : i32 to vector<16xi32>
      %add3A_877 = arith.addi %iota3A_874, %add3A_876 : vector<16xi32>
      %get3A_878 = arith.constant 16 : index
      %get3A_879 = tpu.vector_load %arg7[%get3A_878] {strides = array<i32>} : memref<512xi32, #tpu.memory_space<vmem>>, vector<16xi32>,
      %add3A_880 = vector.broadcast %scan3A_862 : i32 to vector<16xi32>
      %add3A_881 = arith.addi %get3A_879, %add3A_880 : vector<16xi32>
      %gather3A_882 = tpu.vector_load_idx %arg8[%add3A_877, %add3A_881] : memref<128x128xf32, #tpu.memory_space<vmem>>[vector<16xi32>, vector<16xi32>], vector<16xf32>,
      %swap3A_883 = arith.index_cast %scan3A_862 : i32 to index
      %swap3A_884 = arith.constant 16 : index
      %swap3A_885 = tpu.vector_load %arg12[%swap3A_883, %swap3A_884] {strides = array<i32>} : memref<32x512xf32, #tpu.memory_space<vmem>>, vector<16xf32>,
      tpu.vector_store %arg12[%swap3A_883, %swap3A_884], %gather3A_882 {strides = array<i32>} : memref<32x512xf32, #tpu.memory_space<vmem>>, vector<16xf32>,
      %iota3A_886 = tpu.iota {dimensions = array<i32: 0>} : vector<16xi32>
      %add3A_887 = arith.constant 32 : i32
      %add3A_888 = vector.broadcast %add3A_887 : i32 to vector<16xi32>
      %add3A_889 = arith.addi %iota3A_886, %add3A_888 : vector<16xi32>
      %get3A_890 = arith.constant 32 : index
      %get3A_891 = tpu.vector_load %arg7[%get3A_890] {strides = array<i32>} : memref<512xi32, #tpu.memory_space<vmem>>, vector<16xi32>,
      %add3A_892 = vector.broadcast %scan3A_862 : i32 to vector<16xi32>
      %add3A_893 = arith.addi %get3A_891, %add3A_892 : vector<16xi32>
      %gather3A_894 = tpu.vector_load_idx %arg8[%add3A_889, %add3A_893] : memref<128x128xf32, #tpu.memory_space<vmem>>[vector<16xi32>, vector<16xi32>], vector<16xf32>,
      %swap3A_895 = arith.index_cast %scan3A_862 : i32 to index
      %swap3A_896 = arith.constant 32 : index
      %swap3A_897 = tpu.vector_load %arg12[%swap3A_895, %swap3A_896] {strides = array<i32>} : memref<32x512xf32, #tpu.memory_space<vmem>>, vector<16xf32>,
      tpu.vector_store %arg12[%swap3A_895, %swap3A_896], %gather3A_894 {strides = array<i32>} : memref<32x512xf32, #tpu.memory_space<vmem>>, vector<16xf32>,
      %iota3A_898 = tpu.iota {dimensions = array<i32: 0>} : vector<16xi32>
      %add3A_899 = arith.constant 48 : i32
      %add3A_900 = vector.broadcast %add3A_899 : i32 to vector<16xi32>
      %add3A_901 = arith.addi %iota3A_898, %add3A_900 : vector<16xi32>
      %get3A_902 = arith.constant 48 : index
      %get3A_903 = tpu.vector_load %arg7[%get3A_902] {strides = array<i32>} : memref<512xi32, #tpu.memory_space<vmem>>, vector<16xi32>,
      %add3A_904 = vector.broadcast %scan3A_862 : i32 to vector<16xi32>
      %add3A_905 = arith.addi %get3A_903, %add3A_904 : vector<16xi32>
      %gather3A_906 = tpu.vector_load_idx %arg8[%add3A_901, %add3A_905] : memref<128x128xf32, #tpu.memory_space<vmem>>[vector<16xi32>, vector<16xi32>], vector<16xf32>,
      %swap3A_907 = arith.index_cast %scan3A_862 : i32 to index
      %swap3A_908 = arith.constant 48 : index
      %swap3A_909 = tpu.vector_load %arg12[%swap3A_907, %swap3A_908] {strides = array<i32>} : memref<32x512xf32, #tpu.memory_space<vmem>>, vector<16xf32>,
      tpu.vector_store %arg12[%swap3A_907, %swap3A_908], %gather3A_906 {strides = array<i32>} : memref<32x512xf32, #tpu.memory_space<vmem>>, vector<16xf32>,
      %iota3A_910 = tpu.iota {dimensions = array<i32: 0>} : vector<16xi32>
      %add3A_911 = arith.constant 64 : i32
      %add3A_912 = vector.broadcast %add3A_911 : i32 to vector<16xi32>
      %add3A_913 = arith.addi %iota3A_910, %add3A_912 : vector<16xi32>
      %get3A_914 = arith.constant 64 : index
      %get3A_915 = tpu.vector_load %arg7[%get3A_914] {strides = array<i32>} : memref<512xi32, #tpu.memory_space<vmem>>, vector<16xi32>,
      %add3A_916 = vector.broadcast %scan3A_862 : i32 to vector<16xi32>
      %add3A_917 = arith.addi %get3A_915, %add3A_916 : vector<16xi32>
      %gather3A_918 = tpu.vector_load_idx %arg8[%add3A_913, %add3A_917] : memref<128x128xf32, #tpu.memory_space<vmem>>[vector<16xi32>, vector<16xi32>], vector<16xf32>,
      %swap3A_919 = arith.index_cast %scan3A_862 : i32 to index
      %swap3A_920 = arith.constant 64 : index
      %swap3A_921 = tpu.vector_load %arg12[%swap3A_919, %swap3A_920] {strides = array<i32>} : memref<32x512xf32, #tpu.memory_space<vmem>>, vector<16xf32>,
      tpu.vector_store %arg12[%swap3A_919, %swap3A_920], %gather3A_918 {strides = array<i32>} : memref<32x512xf32, #tpu.memory_space<vmem>>, vector<16xf32>,
      %iota3A_922 = tpu.iota {dimensions = array<i32: 0>} : vector<16xi32>
      %add3A_923 = arith.constant 80 : i32
      %add3A_924 = vector.broadcast %add3A_923 : i32 to vector<16xi32>
      %add3A_925 = arith.addi %iota3A_922, %add3A_924 : vector<16xi32>
      %get3A_926 = arith.constant 80 : index
      %get3A_927 = tpu.vector_load %arg7[%get3A_926] {strides = array<i32>} : memref<512xi32, #tpu.memory_space<vmem>>, vector<16xi32>,
      %add3A_928 = vector.broadcast %scan3A_862 : i32 to vector<16xi32>
      %add3A_929 = arith.addi %get3A_927, %add3A_928 : vector<16xi32>
      %gather3A_930 = tpu.vector_load_idx %arg8[%add3A_925, %add3A_929] : memref<128x128xf32, #tpu.memory_space<vmem>>[vector<16xi32>, vector<16xi32>], vector<16xf32>,
      %swap3A_931 = arith.index_cast %scan3A_862 : i32 to index
      %swap3A_932 = arith.constant 80 : index
      %swap3A_933 = tpu.vector_load %arg12[%swap3A_931, %swap3A_932] {strides = array<i32>} : memref<32x512xf32, #tpu.memory_space<vmem>>, vector<16xf32>,
      tpu.vector_store %arg12[%swap3A_931, %swap3A_932], %gather3A_930 {strides = array<i32>} : memref<32x512xf32, #tpu.memory_space<vmem>>, vector<16xf32>,
      %iota3A_934 = tpu.iota {dimensions = array<i32: 0>} : vector<16xi32>
      %add3A_935 = arith.constant 96 : i32
      %add3A_936 = vector.broadcast %add3A_935 : i32 to vector<16xi32>
      %add3A_937 = arith.addi %iota3A_934, %add3A_936 : vector<16xi32>
      %get3A_938 = arith.constant 96 : index
      %get3A_939 = tpu.vector_load %arg7[%get3A_938] {strides = array<i32>} : memref<512xi32, #tpu.memory_space<vmem>>, vector<16xi32>,
      %add3A_940 = vector.broadcast %scan3A_862 : i32 to vector<16xi32>
      %add3A_941 = arith.addi %get3A_939, %add3A_940 : vector<16xi32>
      %gather3A_942 = tpu.vector_load_idx %arg8[%add3A_937, %add3A_941] : memref<128x128xf32, #tpu.memory_space<vmem>>[vector<16xi32>, vector<16xi32>], vector<16xf32>,
      %swap3A_943 = arith.index_cast %scan3A_862 : i32 to index
      %swap3A_944 = arith.constant 96 : index
      %swap3A_945 = tpu.vector_load %arg12[%swap3A_943, %swap3A_944] {strides = array<i32>} : memref<32x512xf32, #tpu.memory_space<vmem>>, vector<16xf32>,
      tpu.vector_store %arg12[%swap3A_943, %swap3A_944], %gather3A_942 {strides = array<i32>} : memref<32x512xf32, #tpu.memory_space<vmem>>, vector<16xf32>,
      %iota3A_946 = tpu.iota {dimensions = array<i32: 0>} : vector<16xi32>
      %add3A_947 = arith.constant 112 : i32
      %add3A_948 = vector.broadcast %add3A_947 : i32 to vector<16xi32>
      %add3A_949 = arith.addi %iota3A_946, %add3A_948 : vector<16xi32>
      %get3A_950 = arith.constant 112 : index
      %get3A_951 = tpu.vector_load %arg7[%get3A_950] {strides = array<i32>} : memref<512xi32, #tpu.memory_space<vmem>>, vector<16xi32>,
      %add3A_952 = vector.broadcast %scan3A_862 : i32 to vector<16xi32>
      %add3A_953 = arith.addi %get3A_951, %add3A_952 : vector<16xi32>
      %gather3A_954 = tpu.vector_load_idx %arg8[%add3A_949, %add3A_953] : memref<128x128xf32, #tpu.memory_space<vmem>>[vector<16xi32>, vector<16xi32>], vector<16xf32>,
      %swap3A_955 = arith.index_cast %scan3A_862 : i32 to index
      %swap3A_956 = arith.constant 112 : index
      %swap3A_957 = tpu.vector_load %arg12[%swap3A_955, %swap3A_956] {strides = array<i32>} : memref<32x512xf32, #tpu.memory_space<vmem>>, vector<16xf32>,
      tpu.vector_store %arg12[%swap3A_955, %swap3A_956], %gather3A_954 {strides = array<i32>} : memref<32x512xf32, #tpu.memory_space<vmem>>, vector<16xf32>,
      %scan3A_958 = arith.constant 0 : i32
      scf.yield %scan3A_958 : i32
    }
    %scan3A_825 = arith.constant 32 : i32
    %dma_wait3A_826 = arith.constant 128 : i32
    %dma_wait3A_827 = tpu.memref_slice %arg6[%dma_wait3A_826] : memref<512xi32, #tpu.memory_space<vmem>> -> memref<128xi32, #tpu.memory_space<vmem>>
    %dma_wait3A_828 = arith.constant 0 : i32
    %dma_wait3A_829 = arith.constant 0 : i32
    %dma_wait3A_830 = tpu.memref_slice %arg3[%dma_wait3A_828, %dma_wait3A_829] : memref<253952x128xf32, #tpu.memory_space<hbm>> -> memref<253952x128xf32, #tpu.memory_space<hbm>>
    tpu.wait_indirect_dma semaphore(%arg13 : memref<!tpu.dma_semaphore, #tpu.memory_space<semaphore_mem>>) src(%dma_wait3A_830 : memref<253952x128xf32, #tpu.memory_space<hbm>>) dst(%arg9 : memref<128x128xf32, #tpu.memory_space<vmem>>)
    %scan3A_831 = arith.constant 0 : i32
    %scan3A_832 = arith.constant 0 : i32
    %scan3A_833 = arith.constant 32 : i32
    %scan3A_834 = arith.addi %scan3A_832, %scan3A_833 : i32
    %scan3A_835 = arith.constant 1 : i32
    %scan3A_836 = scf.for %scan3A_862 = %scan3A_832 to %scan3A_834 step %scan3A_835 iter_args(%scan3A_863 = %scan3A_831) -> (i32)  : i32 {
      %iota3A = tpu.iota {dimensions = array<i32: 0>} : vector<16xi32>
      %add3A_864 = arith.constant 0 : i32
      %add3A_865 = vector.broadcast %add3A_864 : i32 to vector<16xi32>
      %add3A_866 = arith.addi %iota3A, %add3A_865 : vector<16xi32>
      %get3A_867 = arith.constant 128 : index
      %get3A_868 = tpu.vector_load %arg7[%get3A_867] {strides = array<i32>} : memref<512xi32, #tpu.memory_space<vmem>>, vector<16xi32>,
      %add3A_869 = vector.broadcast %scan3A_862 : i32 to vector<16xi32>
      %add3A_870 = arith.addi %get3A_868, %add3A_869 : vector<16xi32>
      %gather3A = tpu.vector_load_idx %arg9[%add3A_866, %add3A_870] : memref<128x128xf32, #tpu.memory_space<vmem>>[vector<16xi32>, vector<16xi32>], vector<16xf32>,
      %swap3A_871 = arith.index_cast %scan3A_862 : i32 to index
      %swap3A_872 = arith.constant 128 : index
      %swap3A_873 = tpu.vector_load %arg12[%swap3A_871, %swap3A_872] {strides = array<i32>} : memref<32x512xf32, #tpu.memory_space<vmem>>, vector<16xf32>,
      tpu.vector_store %arg12[%swap3A_871, %swap3A_872], %gather3A {strides = array<i32>} : memref<32x512xf32, #tpu.memory_space<vmem>>, vector<16xf32>,
      %iota3A_874 = tpu.iota {dimensions = array<i32: 0>} : vector<16xi32>
      %add3A_875 = arith.constant 16 : i32
      %add3A_876 = vector.broadcast %add3A_875 : i32 to vector<16xi32>
      %add3A_877 = arith.addi %iota3A_874, %add3A_876 : vector<16xi32>
      %get3A_878 = arith.constant 144 : index
      %get3A_879 = tpu.vector_load %arg7[%get3A_878] {strides = array<i32>} : memref<512xi32, #tpu.memory_space<vmem>>, vector<16xi32>,
      %add3A_880 = vector.broadcast %scan3A_862 : i32 to vector<16xi32>
      %add3A_881 = arith.addi %get3A_879, %add3A_880 : vector<16xi32>
      %gather3A_882 = tpu.vector_load_idx %arg9[%add3A_877, %add3A_881] : memref<128x128xf32, #tpu.memory_space<vmem>>[vector<16xi32>, vector<16xi32>], vector<16xf32>,
      %swap3A_883 = arith.index_cast %scan3A_862 : i32 to index
      %swap3A_884 = arith.constant 144 : index
      %swap3A_885 = tpu.vector_load %arg12[%swap3A_883, %swap3A_884] {strides = array<i32>} : memref<32x512xf32, #tpu.memory_space<vmem>>, vector<16xf32>,
      tpu.vector_store %arg12[%swap3A_883, %swap3A_884], %gather3A_882 {strides = array<i32>} : memref<32x512xf32, #tpu.memory_space<vmem>>, vector<16xf32>,
      %iota3A_886 = tpu.iota {dimensions = array<i32: 0>} : vector<16xi32>
      %add3A_887 = arith.constant 32 : i32
      %add3A_888 = vector.broadcast %add3A_887 : i32 to vector<16xi32>
      %add3A_889 = arith.addi %iota3A_886, %add3A_888 : vector<16xi32>
      %get3A_890 = arith.constant 160 : index
      %get3A_891 = tpu.vector_load %arg7[%get3A_890] {strides = array<i32>} : memref<512xi32, #tpu.memory_space<vmem>>, vector<16xi32>,
      %add3A_892 = vector.broadcast %scan3A_862 : i32 to vector<16xi32>
      %add3A_893 = arith.addi %get3A_891, %add3A_892 : vector<16xi32>
      %gather3A_894 = tpu.vector_load_idx %arg9[%add3A_889, %add3A_893] : memref<128x128xf32, #tpu.memory_space<vmem>>[vector<16xi32>, vector<16xi32>], vector<16xf32>,
      %swap3A_895 = arith.index_cast %scan3A_862 : i32 to index
      %swap3A_896 = arith.constant 160 : index
      %swap3A_897 = tpu.vector_load %arg12[%swap3A_895, %swap3A_896] {strides = array<i32>} : memref<32x512xf32, #tpu.memory_space<vmem>>, vector<16xf32>,
      tpu.vector_store %arg12[%swap3A_895, %swap3A_896], %gather3A_894 {strides = array<i32>} : memref<32x512xf32, #tpu.memory_space<vmem>>, vector<16xf32>,
      %iota3A_898 = tpu.iota {dimensions = array<i32: 0>} : vector<16xi32>
      %add3A_899 = arith.constant 48 : i32
      %add3A_900 = vector.broadcast %add3A_899 : i32 to vector<16xi32>
      %add3A_901 = arith.addi %iota3A_898, %add3A_900 : vector<16xi32>
      %get3A_902 = arith.constant 176 : index
      %get3A_903 = tpu.vector_load %arg7[%get3A_902] {strides = array<i32>} : memref<512xi32, #tpu.memory_space<vmem>>, vector<16xi32>,
      %add3A_904 = vector.broadcast %scan3A_862 : i32 to vector<16xi32>
      %add3A_905 = arith.addi %get3A_903, %add3A_904 : vector<16xi32>
      %gather3A_906 = tpu.vector_load_idx %arg9[%add3A_901, %add3A_905] : memref<128x128xf32, #tpu.memory_space<vmem>>[vector<16xi32>, vector<16xi32>], vector<16xf32>,
      %swap3A_907 = arith.index_cast %scan3A_862 : i32 to index
      %swap3A_908 = arith.constant 176 : index
      %swap3A_909 = tpu.vector_load %arg12[%swap3A_907, %swap3A_908] {strides = array<i32>} : memref<32x512xf32, #tpu.memory_space<vmem>>, vector<16xf32>,
      tpu.vector_store %arg12[%swap3A_907, %swap3A_908], %gather3A_906 {strides = array<i32>} : memref<32x512xf32, #tpu.memory_space<vmem>>, vector<16xf32>,
      %iota3A_910 = tpu.iota {dimensions = array<i32: 0>} : vector<16xi32>
      %add3A_911 = arith.constant 64 : i32
      %add3A_912 = vector.broadcast %add3A_911 : i32 to vector<16xi32>
      %add3A_913 = arith.addi %iota3A_910, %add3A_912 : vector<16xi32>
      %get3A_914 = arith.constant 192 : index
      %get3A_915 = tpu.vector_load %arg7[%get3A_914] {strides = array<i32>} : memref<512xi32, #tpu.memory_space<vmem>>, vector<16xi32>,
      %add3A_916 = vector.broadcast %scan3A_862 : i32 to vector<16xi32>
      %add3A_917 = arith.addi %get3A_915, %add3A_916 : vector<16xi32>
      %gather3A_918 = tpu.vector_load_idx %arg9[%add3A_913, %add3A_917] : memref<128x128xf32, #tpu.memory_space<vmem>>[vector<16xi32>, vector<16xi32>], vector<16xf32>,
      %swap3A_919 = arith.index_cast %scan3A_862 : i32 to index
      %swap3A_920 = arith.constant 192 : index
      %swap3A_921 = tpu.vector_load %arg12[%swap3A_919, %swap3A_920] {strides = array<i32>} : memref<32x512xf32, #tpu.memory_space<vmem>>, vector<16xf32>,
      tpu.vector_store %arg12[%swap3A_919, %swap3A_920], %gather3A_918 {strides = array<i32>} : memref<32x512xf32, #tpu.memory_space<vmem>>, vector<16xf32>,
      %iota3A_922 = tpu.iota {dimensions = array<i32: 0>} : vector<16xi32>
      %add3A_923 = arith.constant 80 : i32
      %add3A_924 = vector.broadcast %add3A_923 : i32 to vector<16xi32>
      %add3A_925 = arith.addi %iota3A_922, %add3A_924 : vector<16xi32>
      %get3A_926 = arith.constant 208 : index
      %get3A_927 = tpu.vector_load %arg7[%get3A_926] {strides = array<i32>} : memref<512xi32, #tpu.memory_space<vmem>>, vector<16xi32>,
      %add3A_928 = vector.broadcast %scan3A_862 : i32 to vector<16xi32>
      %add3A_929 = arith.addi %get3A_927, %add3A_928 : vector<16xi32>
      %gather3A_930 = tpu.vector_load_idx %arg9[%add3A_925, %add3A_929] : memref<128x128xf32, #tpu.memory_space<vmem>>[vector<16xi32>, vector<16xi32>], vector<16xf32>,
      %swap3A_931 = arith.index_cast %scan3A_862 : i32 to index
      %swap3A_932 = arith.constant 208 : index
      %swap3A_933 = tpu.vector_load %arg12[%swap3A_931, %swap3A_932] {strides = array<i32>} : memref<32x512xf32, #tpu.memory_space<vmem>>, vector<16xf32>,
      tpu.vector_store %arg12[%swap3A_931, %swap3A_932], %gather3A_930 {strides = array<i32>} : memref<32x512xf32, #tpu.memory_space<vmem>>, vector<16xf32>,
      %iota3A_934 = tpu.iota {dimensions = array<i32: 0>} : vector<16xi32>
      %add3A_935 = arith.constant 96 : i32
      %add3A_936 = vector.broadcast %add3A_935 : i32 to vector<16xi32>
      %add3A_937 = arith.addi %iota3A_934, %add3A_936 : vector<16xi32>
      %get3A_938 = arith.constant 224 : index
      %get3A_939 = tpu.vector_load %arg7[%get3A_938] {strides = array<i32>} : memref<512xi32, #tpu.memory_space<vmem>>, vector<16xi32>,
      %add3A_940 = vector.broadcast %scan3A_862 : i32 to vector<16xi32>
      %add3A_941 = arith.addi %get3A_939, %add3A_940 : vector<16xi32>
      %gather3A_942 = tpu.vector_load_idx %arg9[%add3A_937, %add3A_941] : memref<128x128xf32, #tpu.memory_space<vmem>>[vector<16xi32>, vector<16xi32>], vector<16xf32>,
      %swap3A_943 = arith.index_cast %scan3A_862 : i32 to index
      %swap3A_944 = arith.constant 224 : index
      %swap3A_945 = tpu.vector_load %arg12[%swap3A_943, %swap3A_944] {strides = array<i32>} : memref<32x512xf32, #tpu.memory_space<vmem>>, vector<16xf32>,
      tpu.vector_store %arg12[%swap3A_943, %swap3A_944], %gather3A_942 {strides = array<i32>} : memref<32x512xf32, #tpu.memory_space<vmem>>, vector<16xf32>,
      %iota3A_946 = tpu.iota {dimensions = array<i32: 0>} : vector<16xi32>
      %add3A_947 = arith.constant 112 : i32
      %add3A_948 = vector.broadcast %add3A_947 : i32 to vector<16xi32>
      %add3A_949 = arith.addi %iota3A_946, %add3A_948 : vector<16xi32>
      %get3A_950 = arith.constant 240 : index
      %get3A_951 = tpu.vector_load %arg7[%get3A_950] {strides = array<i32>} : memref<512xi32, #tpu.memory_space<vmem>>, vector<16xi32>,
      %add3A_952 = vector.broadcast %scan3A_862 : i32 to vector<16xi32>
      %add3A_953 = arith.addi %get3A_951, %add3A_952 : vector<16xi32>
      %gather3A_954 = tpu.vector_load_idx %arg9[%add3A_949, %add3A_953] : memref<128x128xf32, #tpu.memory_space<vmem>>[vector<16xi32>, vector<16xi32>], vector<16xf32>,
      %swap3A_955 = arith.index_cast %scan3A_862 : i32 to index
      %swap3A_956 = arith.constant 240 : index
      %swap3A_957 = tpu.vector_load %arg12[%swap3A_955, %swap3A_956] {strides = array<i32>} : memref<32x512xf32, #tpu.memory_space<vmem>>, vector<16xf32>,
      tpu.vector_store %arg12[%swap3A_955, %swap3A_956], %gather3A_954 {strides = array<i32>} : memref<32x512xf32, #tpu.memory_space<vmem>>, vector<16xf32>,
      %scan3A_958 = arith.constant 0 : i32
      scf.yield %scan3A_958 : i32
    }
    %scan3A_837 = arith.constant 32 : i32
    %dma_wait3A_838 = arith.constant 256 : i32
    %dma_wait3A_839 = tpu.memref_slice %arg6[%dma_wait3A_838] : memref<512xi32, #tpu.memory_space<vmem>> -> memref<128xi32, #tpu.memory_space<vmem>>
    %dma_wait3A_840 = arith.constant 0 : i32
    %dma_wait3A_841 = arith.constant 0 : i32
    %dma_wait3A_842 = tpu.memref_slice %arg3[%dma_wait3A_840, %dma_wait3A_841] : memref<253952x128xf32, #tpu.memory_space<hbm>> -> memref<253952x128xf32, #tpu.memory_space<hbm>>
    tpu.wait_indirect_dma semaphore(%arg13 : memref<!tpu.dma_semaphore, #tpu.memory_space<semaphore_mem>>) src(%dma_wait3A_842 : memref<253952x128xf32, #tpu.memory_space<hbm>>) dst(%arg10 : memref<128x128xf32, #tpu.memory_space<vmem>>)
    %scan3A_843 = arith.constant 0 : i32
    %scan3A_844 = arith.constant 0 : i32
    %scan3A_845 = arith.constant 32 : i32
    %scan3A_846 = arith.addi %scan3A_844, %scan3A_845 : i32
    %scan3A_847 = arith.constant 1 : i32
    %scan3A_848 = scf.for %scan3A_862 = %scan3A_844 to %scan3A_846 step %scan3A_847 iter_args(%scan3A_863 = %scan3A_843) -> (i32)  : i32 {
      %iota3A = tpu.iota {dimensions = array<i32: 0>} : vector<16xi32>
      %add3A_864 = arith.constant 0 : i32
      %add3A_865 = vector.broadcast %add3A_864 : i32 to vector<16xi32>
      %add3A_866 = arith.addi %iota3A, %add3A_865 : vector<16xi32>
      %get3A_867 = arith.constant 256 : index
      %get3A_868 = tpu.vector_load %arg7[%get3A_867] {strides = array<i32>} : memref<512xi32, #tpu.memory_space<vmem>>, vector<16xi32>,
      %add3A_869 = vector.broadcast %scan3A_862 : i32 to vector<16xi32>
      %add3A_870 = arith.addi %get3A_868, %add3A_869 : vector<16xi32>
      %gather3A = tpu.vector_load_idx %arg10[%add3A_866, %add3A_870] : memref<128x128xf32, #tpu.memory_space<vmem>>[vector<16xi32>, vector<16xi32>], vector<16xf32>,
      %swap3A_871 = arith.index_cast %scan3A_862 : i32 to index
      %swap3A_872 = arith.constant 256 : index
      %swap3A_873 = tpu.vector_load %arg12[%swap3A_871, %swap3A_872] {strides = array<i32>} : memref<32x512xf32, #tpu.memory_space<vmem>>, vector<16xf32>,
      tpu.vector_store %arg12[%swap3A_871, %swap3A_872], %gather3A {strides = array<i32>} : memref<32x512xf32, #tpu.memory_space<vmem>>, vector<16xf32>,
      %iota3A_874 = tpu.iota {dimensions = array<i32: 0>} : vector<16xi32>
      %add3A_875 = arith.constant 16 : i32
      %add3A_876 = vector.broadcast %add3A_875 : i32 to vector<16xi32>
      %add3A_877 = arith.addi %iota3A_874, %add3A_876 : vector<16xi32>
      %get3A_878 = arith.constant 272 : index
      %get3A_879 = tpu.vector_load %arg7[%get3A_878] {strides = array<i32>} : memref<512xi32, #tpu.memory_space<vmem>>, vector<16xi32>,
      %add3A_880 = vector.broadcast %scan3A_862 : i32 to vector<16xi32>
      %add3A_881 = arith.addi %get3A_879, %add3A_880 : vector<16xi32>
      %gather3A_882 = tpu.vector_load_idx %arg10[%add3A_877, %add3A_881] : memref<128x128xf32, #tpu.memory_space<vmem>>[vector<16xi32>, vector<16xi32>], vector<16xf32>,
      %swap3A_883 = arith.index_cast %scan3A_862 : i32 to index
      %swap3A_884 = arith.constant 272 : index
      %swap3A_885 = tpu.vector_load %arg12[%swap3A_883, %swap3A_884] {strides = array<i32>} : memref<32x512xf32, #tpu.memory_space<vmem>>, vector<16xf32>,
      tpu.vector_store %arg12[%swap3A_883, %swap3A_884], %gather3A_882 {strides = array<i32>} : memref<32x512xf32, #tpu.memory_space<vmem>>, vector<16xf32>,
      %iota3A_886 = tpu.iota {dimensions = array<i32: 0>} : vector<16xi32>
      %add3A_887 = arith.constant 32 : i32
      %add3A_888 = vector.broadcast %add3A_887 : i32 to vector<16xi32>
      %add3A_889 = arith.addi %iota3A_886, %add3A_888 : vector<16xi32>
      %get3A_890 = arith.constant 288 : index
      %get3A_891 = tpu.vector_load %arg7[%get3A_890] {strides = array<i32>} : memref<512xi32, #tpu.memory_space<vmem>>, vector<16xi32>,
      %add3A_892 = vector.broadcast %scan3A_862 : i32 to vector<16xi32>
      %add3A_893 = arith.addi %get3A_891, %add3A_892 : vector<16xi32>
      %gather3A_894 = tpu.vector_load_idx %arg10[%add3A_889, %add3A_893] : memref<128x128xf32, #tpu.memory_space<vmem>>[vector<16xi32>, vector<16xi32>], vector<16xf32>,
      %swap3A_895 = arith.index_cast %scan3A_862 : i32 to index
      %swap3A_896 = arith.constant 288 : index
      %swap3A_897 = tpu.vector_load %arg12[%swap3A_895, %swap3A_896] {strides = array<i32>} : memref<32x512xf32, #tpu.memory_space<vmem>>, vector<16xf32>,
      tpu.vector_store %arg12[%swap3A_895, %swap3A_896], %gather3A_894 {strides = array<i32>} : memref<32x512xf32, #tpu.memory_space<vmem>>, vector<16xf32>,
      %iota3A_898 = tpu.iota {dimensions = array<i32: 0>} : vector<16xi32>
      %add3A_899 = arith.constant 48 : i32
      %add3A_900 = vector.broadcast %add3A_899 : i32 to vector<16xi32>
      %add3A_901 = arith.addi %iota3A_898, %add3A_900 : vector<16xi32>
      %get3A_902 = arith.constant 304 : index
      %get3A_903 = tpu.vector_load %arg7[%get3A_902] {strides = array<i32>} : memref<512xi32, #tpu.memory_space<vmem>>, vector<16xi32>,
      %add3A_904 = vector.broadcast %scan3A_862 : i32 to vector<16xi32>
      %add3A_905 = arith.addi %get3A_903, %add3A_904 : vector<16xi32>
      %gather3A_906 = tpu.vector_load_idx %arg10[%add3A_901, %add3A_905] : memref<128x128xf32, #tpu.memory_space<vmem>>[vector<16xi32>, vector<16xi32>], vector<16xf32>,
      %swap3A_907 = arith.index_cast %scan3A_862 : i32 to index
      %swap3A_908 = arith.constant 304 : index
      %swap3A_909 = tpu.vector_load %arg12[%swap3A_907, %swap3A_908] {strides = array<i32>} : memref<32x512xf32, #tpu.memory_space<vmem>>, vector<16xf32>,
      tpu.vector_store %arg12[%swap3A_907, %swap3A_908], %gather3A_906 {strides = array<i32>} : memref<32x512xf32, #tpu.memory_space<vmem>>, vector<16xf32>,
      %iota3A_910 = tpu.iota {dimensions = array<i32: 0>} : vector<16xi32>
      %add3A_911 = arith.constant 64 : i32
      %add3A_912 = vector.broadcast %add3A_911 : i32 to vector<16xi32>
      %add3A_913 = arith.addi %iota3A_910, %add3A_912 : vector<16xi32>
      %get3A_914 = arith.constant 320 : index
      %get3A_915 = tpu.vector_load %arg7[%get3A_914] {strides = array<i32>} : memref<512xi32, #tpu.memory_space<vmem>>, vector<16xi32>,
      %add3A_916 = vector.broadcast %scan3A_862 : i32 to vector<16xi32>
      %add3A_917 = arith.addi %get3A_915, %add3A_916 : vector<16xi32>
      %gather3A_918 = tpu.vector_load_idx %arg10[%add3A_913, %add3A_917] : memref<128x128xf32, #tpu.memory_space<vmem>>[vector<16xi32>, vector<16xi32>], vector<16xf32>,
      %swap3A_919 = arith.index_cast %scan3A_862 : i32 to index
      %swap3A_920 = arith.constant 320 : index
      %swap3A_921 = tpu.vector_load %arg12[%swap3A_919, %swap3A_920] {strides = array<i32>} : memref<32x512xf32, #tpu.memory_space<vmem>>, vector<16xf32>,
      tpu.vector_store %arg12[%swap3A_919, %swap3A_920], %gather3A_918 {strides = array<i32>} : memref<32x512xf32, #tpu.memory_space<vmem>>, vector<16xf32>,
      %iota3A_922 = tpu.iota {dimensions = array<i32: 0>} : vector<16xi32>
      %add3A_923 = arith.constant 80 : i32
      %add3A_924 = vector.broadcast %add3A_923 : i32 to vector<16xi32>
      %add3A_925 = arith.addi %iota3A_922, %add3A_924 : vector<16xi32>
      %get3A_926 = arith.constant 336 : index
      %get3A_927 = tpu.vector_load %arg7[%get3A_926] {strides = array<i32>} : memref<512xi32, #tpu.memory_space<vmem>>, vector<16xi32>,
      %add3A_928 = vector.broadcast %scan3A_862 : i32 to vector<16xi32>
      %add3A_929 = arith.addi %get3A_927, %add3A_928 : vector<16xi32>
      %gather3A_930 = tpu.vector_load_idx %arg10[%add3A_925, %add3A_929] : memref<128x128xf32, #tpu.memory_space<vmem>>[vector<16xi32>, vector<16xi32>], vector<16xf32>,
      %swap3A_931 = arith.index_cast %scan3A_862 : i32 to index
      %swap3A_932 = arith.constant 336 : index
      %swap3A_933 = tpu.vector_load %arg12[%swap3A_931, %swap3A_932] {strides = array<i32>} : memref<32x512xf32, #tpu.memory_space<vmem>>, vector<16xf32>,
      tpu.vector_store %arg12[%swap3A_931, %swap3A_932], %gather3A_930 {strides = array<i32>} : memref<32x512xf32, #tpu.memory_space<vmem>>, vector<16xf32>,
      %iota3A_934 = tpu.iota {dimensions = array<i32: 0>} : vector<16xi32>
      %add3A_935 = arith.constant 96 : i32
      %add3A_936 = vector.broadcast %add3A_935 : i32 to vector<16xi32>
      %add3A_937 = arith.addi %iota3A_934, %add3A_936 : vector<16xi32>
      %get3A_938 = arith.constant 352 : index
      %get3A_939 = tpu.vector_load %arg7[%get3A_938] {strides = array<i32>} : memref<512xi32, #tpu.memory_space<vmem>>, vector<16xi32>,
      %add3A_940 = vector.broadcast %scan3A_862 : i32 to vector<16xi32>
      %add3A_941 = arith.addi %get3A_939, %add3A_940 : vector<16xi32>
      %gather3A_942 = tpu.vector_load_idx %arg10[%add3A_937, %add3A_941] : memref<128x128xf32, #tpu.memory_space<vmem>>[vector<16xi32>, vector<16xi32>], vector<16xf32>,
      %swap3A_943 = arith.index_cast %scan3A_862 : i32 to index
      %swap3A_944 = arith.constant 352 : index
      %swap3A_945 = tpu.vector_load %arg12[%swap3A_943, %swap3A_944] {strides = array<i32>} : memref<32x512xf32, #tpu.memory_space<vmem>>, vector<16xf32>,
      tpu.vector_store %arg12[%swap3A_943, %swap3A_944], %gather3A_942 {strides = array<i32>} : memref<32x512xf32, #tpu.memory_space<vmem>>, vector<16xf32>,
      %iota3A_946 = tpu.iota {dimensions = array<i32: 0>} : vector<16xi32>
      %add3A_947 = arith.constant 112 : i32
      %add3A_948 = vector.broadcast %add3A_947 : i32 to vector<16xi32>
      %add3A_949 = arith.addi %iota3A_946, %add3A_948 : vector<16xi32>
      %get3A_950 = arith.constant 368 : index
      %get3A_951 = tpu.vector_load %arg7[%get3A_950] {strides = array<i32>} : memref<512xi32, #tpu.memory_space<vmem>>, vector<16xi32>,
      %add3A_952 = vector.broadcast %scan3A_862 : i32 to vector<16xi32>
      %add3A_953 = arith.addi %get3A_951, %add3A_952 : vector<16xi32>
      %gather3A_954 = tpu.vector_load_idx %arg10[%add3A_949, %add3A_953] : memref<128x128xf32, #tpu.memory_space<vmem>>[vector<16xi32>, vector<16xi32>], vector<16xf32>,
      %swap3A_955 = arith.index_cast %scan3A_862 : i32 to index
      %swap3A_956 = arith.constant 368 : index
      %swap3A_957 = tpu.vector_load %arg12[%swap3A_955, %swap3A_956] {strides = array<i32>} : memref<32x512xf32, #tpu.memory_space<vmem>>, vector<16xf32>,
      tpu.vector_store %arg12[%swap3A_955, %swap3A_956], %gather3A_954 {strides = array<i32>} : memref<32x512xf32, #tpu.memory_space<vmem>>, vector<16xf32>,
      %scan3A_958 = arith.constant 0 : i32
      scf.yield %scan3A_958 : i32
    }
    %scan3A_849 = arith.constant 32 : i32
    %dma_wait3A_850 = arith.constant 384 : i32
    %dma_wait3A_851 = tpu.memref_slice %arg6[%dma_wait3A_850] : memref<512xi32, #tpu.memory_space<vmem>> -> memref<128xi32, #tpu.memory_space<vmem>>
    %dma_wait3A_852 = arith.constant 0 : i32
    %dma_wait3A_853 = arith.constant 0 : i32
    %dma_wait3A_854 = tpu.memref_slice %arg3[%dma_wait3A_852, %dma_wait3A_853] : memref<253952x128xf32, #tpu.memory_space<hbm>> -> memref<253952x128xf32, #tpu.memory_space<hbm>>
    tpu.wait_indirect_dma semaphore(%arg13 : memref<!tpu.dma_semaphore, #tpu.memory_space<semaphore_mem>>) src(%dma_wait3A_854 : memref<253952x128xf32, #tpu.memory_space<hbm>>) dst(%arg11 : memref<128x128xf32, #tpu.memory_space<vmem>>)
    %scan3A_855 = arith.constant 0 : i32
    %scan3A_856 = arith.constant 0 : i32
    %scan3A_857 = arith.constant 32 : i32
    %scan3A_858 = arith.addi %scan3A_856, %scan3A_857 : i32
    %scan3A_859 = arith.constant 1 : i32
    %scan3A_860 = scf.for %scan3A_862 = %scan3A_856 to %scan3A_858 step %scan3A_859 iter_args(%scan3A_863 = %scan3A_855) -> (i32)  : i32 {
      %iota3A = tpu.iota {dimensions = array<i32: 0>} : vector<16xi32>
      %add3A_864 = arith.constant 0 : i32
      %add3A_865 = vector.broadcast %add3A_864 : i32 to vector<16xi32>
      %add3A_866 = arith.addi %iota3A, %add3A_865 : vector<16xi32>
      %get3A_867 = arith.constant 384 : index
      %get3A_868 = tpu.vector_load %arg7[%get3A_867] {strides = array<i32>} : memref<512xi32, #tpu.memory_space<vmem>>, vector<16xi32>,
      %add3A_869 = vector.broadcast %scan3A_862 : i32 to vector<16xi32>
      %add3A_870 = arith.addi %get3A_868, %add3A_869 : vector<16xi32>
      %gather3A = tpu.vector_load_idx %arg11[%add3A_866, %add3A_870] : memref<128x128xf32, #tpu.memory_space<vmem>>[vector<16xi32>, vector<16xi32>], vector<16xf32>,
      %swap3A_871 = arith.index_cast %scan3A_862 : i32 to index
      %swap3A_872 = arith.constant 384 : index
      %swap3A_873 = tpu.vector_load %arg12[%swap3A_871, %swap3A_872] {strides = array<i32>} : memref<32x512xf32, #tpu.memory_space<vmem>>, vector<16xf32>,
      tpu.vector_store %arg12[%swap3A_871, %swap3A_872], %gather3A {strides = array<i32>} : memref<32x512xf32, #tpu.memory_space<vmem>>, vector<16xf32>,
      %iota3A_874 = tpu.iota {dimensions = array<i32: 0>} : vector<16xi32>
      %add3A_875 = arith.constant 16 : i32
      %add3A_876 = vector.broadcast %add3A_875 : i32 to vector<16xi32>
      %add3A_877 = arith.addi %iota3A_874, %add3A_876 : vector<16xi32>
      %get3A_878 = arith.constant 400 : index
      %get3A_879 = tpu.vector_load %arg7[%get3A_878] {strides = array<i32>} : memref<512xi32, #tpu.memory_space<vmem>>, vector<16xi32>,
      %add3A_880 = vector.broadcast %scan3A_862 : i32 to vector<16xi32>
      %add3A_881 = arith.addi %get3A_879, %add3A_880 : vector<16xi32>
      %gather3A_882 = tpu.vector_load_idx %arg11[%add3A_877, %add3A_881] : memref<128x128xf32, #tpu.memory_space<vmem>>[vector<16xi32>, vector<16xi32>], vector<16xf32>,
      %swap3A_883 = arith.index_cast %scan3A_862 : i32 to index
      %swap3A_884 = arith.constant 400 : index
      %swap3A_885 = tpu.vector_load %arg12[%swap3A_883, %swap3A_884] {strides = array<i32>} : memref<32x512xf32, #tpu.memory_space<vmem>>, vector<16xf32>,
      tpu.vector_store %arg12[%swap3A_883, %swap3A_884], %gather3A_882 {strides = array<i32>} : memref<32x512xf32, #tpu.memory_space<vmem>>, vector<16xf32>,
      %iota3A_886 = tpu.iota {dimensions = array<i32: 0>} : vector<16xi32>
      %add3A_887 = arith.constant 32 : i32
      %add3A_888 = vector.broadcast %add3A_887 : i32 to vector<16xi32>
      %add3A_889 = arith.addi %iota3A_886, %add3A_888 : vector<16xi32>
      %get3A_890 = arith.constant 416 : index
      %get3A_891 = tpu.vector_load %arg7[%get3A_890] {strides = array<i32>} : memref<512xi32, #tpu.memory_space<vmem>>, vector<16xi32>,
      %add3A_892 = vector.broadcast %scan3A_862 : i32 to vector<16xi32>
      %add3A_893 = arith.addi %get3A_891, %add3A_892 : vector<16xi32>
      %gather3A_894 = tpu.vector_load_idx %arg11[%add3A_889, %add3A_893] : memref<128x128xf32, #tpu.memory_space<vmem>>[vector<16xi32>, vector<16xi32>], vector<16xf32>,
      %swap3A_895 = arith.index_cast %scan3A_862 : i32 to index
      %swap3A_896 = arith.constant 416 : index
      %swap3A_897 = tpu.vector_load %arg12[%swap3A_895, %swap3A_896] {strides = array<i32>} : memref<32x512xf32, #tpu.memory_space<vmem>>, vector<16xf32>,
      tpu.vector_store %arg12[%swap3A_895, %swap3A_896], %gather3A_894 {strides = array<i32>} : memref<32x512xf32, #tpu.memory_space<vmem>>, vector<16xf32>,
      %iota3A_898 = tpu.iota {dimensions = array<i32: 0>} : vector<16xi32>
      %add3A_899 = arith.constant 48 : i32
      %add3A_900 = vector.broadcast %add3A_899 : i32 to vector<16xi32>
      %add3A_901 = arith.addi %iota3A_898, %add3A_900 : vector<16xi32>
      %get3A_902 = arith.constant 432 : index
      %get3A_903 = tpu.vector_load %arg7[%get3A_902] {strides = array<i32>} : memref<512xi32, #tpu.memory_space<vmem>>, vector<16xi32>,
      %add3A_904 = vector.broadcast %scan3A_862 : i32 to vector<16xi32>
      %add3A_905 = arith.addi %get3A_903, %add3A_904 : vector<16xi32>
      %gather3A_906 = tpu.vector_load_idx %arg11[%add3A_901, %add3A_905] : memref<128x128xf32, #tpu.memory_space<vmem>>[vector<16xi32>, vector<16xi32>], vector<16xf32>,
      %swap3A_907 = arith.index_cast %scan3A_862 : i32 to index
      %swap3A_908 = arith.constant 432 : index
      %swap3A_909 = tpu.vector_load %arg12[%swap3A_907, %swap3A_908] {strides = array<i32>} : memref<32x512xf32, #tpu.memory_space<vmem>>, vector<16xf32>,
      tpu.vector_store %arg12[%swap3A_907, %swap3A_908], %gather3A_906 {strides = array<i32>} : memref<32x512xf32, #tpu.memory_space<vmem>>, vector<16xf32>,
      %iota3A_910 = tpu.iota {dimensions = array<i32: 0>} : vector<16xi32>
      %add3A_911 = arith.constant 64 : i32
      %add3A_912 = vector.broadcast %add3A_911 : i32 to vector<16xi32>
      %add3A_913 = arith.addi %iota3A_910, %add3A_912 : vector<16xi32>
      %get3A_914 = arith.constant 448 : index
      %get3A_915 = tpu.vector_load %arg7[%get3A_914] {strides = array<i32>} : memref<512xi32, #tpu.memory_space<vmem>>, vector<16xi32>,
      %add3A_916 = vector.broadcast %scan3A_862 : i32 to vector<16xi32>
      %add3A_917 = arith.addi %get3A_915, %add3A_916 : vector<16xi32>
      %gather3A_918 = tpu.vector_load_idx %arg11[%add3A_913, %add3A_917] : memref<128x128xf32, #tpu.memory_space<vmem>>[vector<16xi32>, vector<16xi32>], vector<16xf32>,
      %swap3A_919 = arith.index_cast %scan3A_862 : i32 to index
      %swap3A_920 = arith.constant 448 : index
      %swap3A_921 = tpu.vector_load %arg12[%swap3A_919, %swap3A_920] {strides = array<i32>} : memref<32x512xf32, #tpu.memory_space<vmem>>, vector<16xf32>,
      tpu.vector_store %arg12[%swap3A_919, %swap3A_920], %gather3A_918 {strides = array<i32>} : memref<32x512xf32, #tpu.memory_space<vmem>>, vector<16xf32>,
      %iota3A_922 = tpu.iota {dimensions = array<i32: 0>} : vector<16xi32>
      %add3A_923 = arith.constant 80 : i32
      %add3A_924 = vector.broadcast %add3A_923 : i32 to vector<16xi32>
      %add3A_925 = arith.addi %iota3A_922, %add3A_924 : vector<16xi32>
      %get3A_926 = arith.constant 464 : index
      %get3A_927 = tpu.vector_load %arg7[%get3A_926] {strides = array<i32>} : memref<512xi32, #tpu.memory_space<vmem>>, vector<16xi32>,
      %add3A_928 = vector.broadcast %scan3A_862 : i32 to vector<16xi32>
      %add3A_929 = arith.addi %get3A_927, %add3A_928 : vector<16xi32>
      %gather3A_930 = tpu.vector_load_idx %arg11[%add3A_925, %add3A_929] : memref<128x128xf32, #tpu.memory_space<vmem>>[vector<16xi32>, vector<16xi32>], vector<16xf32>,
      %swap3A_931 = arith.index_cast %scan3A_862 : i32 to index
      %swap3A_932 = arith.constant 464 : index
      %swap3A_933 = tpu.vector_load %arg12[%swap3A_931, %swap3A_932] {strides = array<i32>} : memref<32x512xf32, #tpu.memory_space<vmem>>, vector<16xf32>,
      tpu.vector_store %arg12[%swap3A_931, %swap3A_932], %gather3A_930 {strides = array<i32>} : memref<32x512xf32, #tpu.memory_space<vmem>>, vector<16xf32>,
      %iota3A_934 = tpu.iota {dimensions = array<i32: 0>} : vector<16xi32>
      %add3A_935 = arith.constant 96 : i32
      %add3A_936 = vector.broadcast %add3A_935 : i32 to vector<16xi32>
      %add3A_937 = arith.addi %iota3A_934, %add3A_936 : vector<16xi32>
      %get3A_938 = arith.constant 480 : index
      %get3A_939 = tpu.vector_load %arg7[%get3A_938] {strides = array<i32>} : memref<512xi32, #tpu.memory_space<vmem>>, vector<16xi32>,
      %add3A_940 = vector.broadcast %scan3A_862 : i32 to vector<16xi32>
      %add3A_941 = arith.addi %get3A_939, %add3A_940 : vector<16xi32>
      %gather3A_942 = tpu.vector_load_idx %arg11[%add3A_937, %add3A_941] : memref<128x128xf32, #tpu.memory_space<vmem>>[vector<16xi32>, vector<16xi32>], vector<16xf32>,
      %swap3A_943 = arith.index_cast %scan3A_862 : i32 to index
      %swap3A_944 = arith.constant 480 : index
      %swap3A_945 = tpu.vector_load %arg12[%swap3A_943, %swap3A_944] {strides = array<i32>} : memref<32x512xf32, #tpu.memory_space<vmem>>, vector<16xf32>,
      tpu.vector_store %arg12[%swap3A_943, %swap3A_944], %gather3A_942 {strides = array<i32>} : memref<32x512xf32, #tpu.memory_space<vmem>>, vector<16xf32>,
      %iota3A_946 = tpu.iota {dimensions = array<i32: 0>} : vector<16xi32>
      %add3A_947 = arith.constant 112 : i32
      %add3A_948 = vector.broadcast %add3A_947 : i32 to vector<16xi32>
      %add3A_949 = arith.addi %iota3A_946, %add3A_948 : vector<16xi32>
      %get3A_950 = arith.constant 496 : index
      %get3A_951 = tpu.vector_load %arg7[%get3A_950] {strides = array<i32>} : memref<512xi32, #tpu.memory_space<vmem>>, vector<16xi32>,
      %add3A_952 = vector.broadcast %scan3A_862 : i32 to vector<16xi32>
      %add3A_953 = arith.addi %get3A_951, %add3A_952 : vector<16xi32>
      %gather3A_954 = tpu.vector_load_idx %arg11[%add3A_949, %add3A_953] : memref<128x128xf32, #tpu.memory_space<vmem>>[vector<16xi32>, vector<16xi32>], vector<16xf32>,
      %swap3A_955 = arith.index_cast %scan3A_862 : i32 to index
      %swap3A_956 = arith.constant 496 : index
      %swap3A_957 = tpu.vector_load %arg12[%swap3A_955, %swap3A_956] {strides = array<i32>} : memref<32x512xf32, #tpu.memory_space<vmem>>, vector<16xf32>,
      tpu.vector_store %arg12[%swap3A_955, %swap3A_956], %gather3A_954 {strides = array<i32>} : memref<32x512xf32, #tpu.memory_space<vmem>>, vector<16xf32>,
      %scan3A_958 = arith.constant 0 : i32
      scf.yield %scan3A_958 : i32
    }
    %scan3A_861 = arith.constant 32 : i32
    "tpu.region"() ({
      %run_scoped3A = tpu.sem_alloc : memref<!tpu.dma_semaphore, #tpu.memory_space<semaphore_mem>>
      %dma_start3A_862 = arith.constant 0 : i32
      %dma_start3A_863 = tpu.memref_slice %arg4[%dma_start3A_862, %mul3A_2] : memref<32x16384xf32, #tpu.memory_space<hbm>> -> memref<32x512xf32, #tpu.memory_space<hbm>>
      %dma_start3A_864 = arith.constant 0 : i32
      %dma_start3A_865 = tpu.memref_slice %arg4[%dma_start3A_864, %mul3A_2] : memref<32x16384xf32, #tpu.memory_space<hbm>> -> memref<32x512xf32, #tpu.memory_space<hbm>>
      tpu.enqueue_dma source(%arg12 : memref<32x512xf32, #tpu.memory_space<vmem>>) target(%dma_start3A_865 : memref<32x512xf32, #tpu.memory_space<hbm>>) target_semaphore(%run_scoped3A : memref<!tpu.dma_semaphore, #tpu.memory_space<semaphore_mem>>)
      %dma_wait3A_866 = arith.constant 0 : i32
      %dma_wait3A_867 = tpu.memref_slice %arg4[%dma_wait3A_866, %mul3A_2] : memref<32x16384xf32, #tpu.memory_space<hbm>> -> memref<32x512xf32, #tpu.memory_space<hbm>>
      %dma_wait3A_868 = arith.constant 0 : i32
      %dma_wait3A_869 = tpu.memref_slice %arg4[%dma_wait3A_868, %mul3A_2] : memref<32x16384xf32, #tpu.memory_space<hbm>> -> memref<32x512xf32, #tpu.memory_space<hbm>>
      tpu.wait_dma2 semaphore(%run_scoped3A : memref<!tpu.dma_semaphore, #tpu.memory_space<semaphore_mem>>) src(%arg12 : memref<32x512xf32, #tpu.memory_space<vmem>>) dst(%dma_wait3A_869 : memref<32x512xf32, #tpu.memory_space<hbm>>)
      tpu.yield
    }) : () -> ()
    return
  }
}

module attributes {stable_mosaic.version = 14 : i64} {
  func.func @_pack_body(%arg0: i32, %arg1: memref<32x32768xf32, #tpu.memory_space<vmem>>, %arg2: memref<8192x128xf32, #tpu.memory_space<vmem>>) attributes {dimension_semantics = [#tpu.dimension_semantics<arbitrary>], iteration_bounds = array<i64: 31>, scalar_prefetch = 0 : i64, scratch_operands = 0 : i64, tpu.core_type = #tpu.core_type<tc>, window_params = [{transform_indices = @transform_0, window_bounds = array<i64: 32, 32768>}, {transform_indices = @transform_1, window_bounds = array<i64: 8192, 128>}]} {
    %get3A = arith.constant 0 : index
    %get3A_0 = arith.constant 0 : index
    %get3A_1 = vector.load %arg1[%get3A, %get3A_0] : memref<32x32768xf32, #tpu.memory_space<vmem>>, vector<32x8192xf32>
    %convert_element_type3A = arith.truncf %get3A_1 : vector<32x8192xf32> to vector<32x8192xbf16>
    %transpose3A = tpu.transpose %convert_element_type3A, [1, 0] : vector<32x8192xbf16> -> vector<8192x32xbf16>
    %convert_element_type3A_2 = arith.extf %transpose3A : vector<8192x32xbf16> to vector<8192x32xf32>
    %get3A_3 = arith.constant 0 : index
    %get3A_4 = arith.constant 8192 : index
    %get3A_5 = vector.load %arg1[%get3A_3, %get3A_4] : memref<32x32768xf32, #tpu.memory_space<vmem>>, vector<32x8192xf32>
    %convert_element_type3A_6 = arith.truncf %get3A_5 : vector<32x8192xf32> to vector<32x8192xbf16>
    %transpose3A_7 = tpu.transpose %convert_element_type3A_6, [1, 0] : vector<32x8192xbf16> -> vector<8192x32xbf16>
    %convert_element_type3A_8 = arith.extf %transpose3A_7 : vector<8192x32xbf16> to vector<8192x32xf32>
    %get3A_9 = arith.constant 0 : index
    %get3A_10 = arith.constant 16384 : index
    %get3A_11 = vector.load %arg1[%get3A_9, %get3A_10] : memref<32x32768xf32, #tpu.memory_space<vmem>>, vector<32x8192xf32>
    %convert_element_type3A_12 = arith.truncf %get3A_11 : vector<32x8192xf32> to vector<32x8192xbf16>
    %transpose3A_13 = tpu.transpose %convert_element_type3A_12, [1, 0] : vector<32x8192xbf16> -> vector<8192x32xbf16>
    %convert_element_type3A_14 = arith.extf %transpose3A_13 : vector<8192x32xbf16> to vector<8192x32xf32>
    %get3A_15 = arith.constant 0 : index
    %get3A_16 = arith.constant 24576 : index
    %get3A_17 = vector.load %arg1[%get3A_15, %get3A_16] : memref<32x32768xf32, #tpu.memory_space<vmem>>, vector<32x8192xf32>
    %convert_element_type3A_18 = arith.truncf %get3A_17 : vector<32x8192xf32> to vector<32x8192xbf16>
    %transpose3A_19 = tpu.transpose %convert_element_type3A_18, [1, 0] : vector<32x8192xbf16> -> vector<8192x32xbf16>
    %convert_element_type3A_20 = arith.extf %transpose3A_19 : vector<8192x32xbf16> to vector<8192x32xf32>
    %concatenate3A = tpu.concatenate %convert_element_type3A_2, %convert_element_type3A_8, %convert_element_type3A_14, %convert_element_type3A_20 in 1 : vector<8192x32xf32>, vector<8192x32xf32>, vector<8192x32xf32>, vector<8192x32xf32> -> vector<8192x128xf32>
    %swap3A = arith.constant 0 : index
    %swap3A_21 = arith.constant 0 : index
    %swap3A_22 = vector.load %arg2[%swap3A, %swap3A_21] : memref<8192x128xf32, #tpu.memory_space<vmem>>, vector<8192x128xf32>
    tpu.vector_store %arg2[%swap3A, %swap3A_21], %concatenate3A {strides = array<i32>} : memref<8192x128xf32, #tpu.memory_space<vmem>>, vector<8192x128xf32>,
    return
  }
  func.func @transform_0(%arg0: i32) -> (i32, i32) {
    %c0_i32 = arith.constant 0 : i32
    %c0_i32_0 = arith.constant 0 : i32
    return %c0_i32, %arg0 : i32, i32
  }
  func.func @transform_1(%arg0: i32) -> (i32, i32) {
    %c0_i32 = arith.constant 0 : i32
    %c0_i32_0 = arith.constant 0 : i32
    return %arg0, %c0_i32 : i32, i32
  }
}

module attributes {stable_mosaic.version = 14 : i64} {
  func.func @_mlp_body(%arg0: i32, %arg1: memref<32x2048xf32, #tpu.memory_space<vmem>>, %arg2: memref<32x2048xf32, #tpu.memory_space<vmem>>, %arg3: memref<256x32xf32, #tpu.memory_space<vmem>>, %arg4: memref<256x32xf32, #tpu.memory_space<vmem>>, %arg5: memref<256x1xf32, #tpu.memory_space<vmem>>, %arg6: memref<64x256xf32, #tpu.memory_space<vmem>>, %arg7: memref<64x1xf32, #tpu.memory_space<vmem>>, %arg8: memref<1x64xf32, #tpu.memory_space<vmem>>, %arg9: memref<1x1xf32, #tpu.memory_space<vmem>>, %arg10: memref<1x2048xf32, #tpu.memory_space<vmem>>) attributes {dimension_semantics = [#tpu.dimension_semantics<arbitrary>], iteration_bounds = array<i64: 8>, scalar_prefetch = 0 : i64, scratch_operands = 0 : i64, tpu.core_type = #tpu.core_type<tc>, window_params = [{transform_indices = @transform_0, window_bounds = array<i64: 32, 2048>}, {transform_indices = @transform_1, window_bounds = array<i64: 32, 2048>}, {pipeline_mode = #tpu.pipeline_mode<synchronous>, transform_indices = @transform_2, window_bounds = array<i64: 256, 32>}, {pipeline_mode = #tpu.pipeline_mode<synchronous>, transform_indices = @transform_3, window_bounds = array<i64: 256, 32>}, {pipeline_mode = #tpu.pipeline_mode<synchronous>, transform_indices = @transform_4, window_bounds = array<i64: 256, 1>}, {pipeline_mode = #tpu.pipeline_mode<synchronous>, transform_indices = @transform_5, window_bounds = array<i64: 64, 256>}, {pipeline_mode = #tpu.pipeline_mode<synchronous>, transform_indices = @transform_6, window_bounds = array<i64: 64, 1>}, {pipeline_mode = #tpu.pipeline_mode<synchronous>, transform_indices = @transform_7, window_bounds = array<i64: 1, 64>}, {pipeline_mode = #tpu.pipeline_mode<synchronous>, transform_indices = @transform_8, window_bounds = array<i64: 1, 1>}, {transform_indices = @transform_9, window_bounds = array<i64: 1, 2048>}]} {
    %get3A = arith.constant 0 : index
    %get3A_0 = arith.constant 0 : index
    %get3A_1 = vector.load %arg3[%get3A, %get3A_0] : memref<256x32xf32, #tpu.memory_space<vmem>>, vector<256x32xf32>
    %get3A_2 = arith.constant 0 : index
    %get3A_3 = arith.constant 0 : index
    %get3A_4 = vector.load %arg1[%get3A_2, %get3A_3] : memref<32x2048xf32, #tpu.memory_space<vmem>>, vector<32x2048xf32>
    %dot_general3A = arith.constant dense<0.000000e+00> : vector<256x2048xf32>
    %dot_general3A_5 = tpu.matmul %get3A_1, %get3A_4, %dot_general3A {dimension_numbers = #tpu.dot_dimension_numbers<[1], [0], [0], [1], [0, 0, 1, 1], [], []>, transpose_lhs_hint = false} : vector<256x32xf32>, vector<32x2048xf32>, vector<256x2048xf32> -> vector<256x2048xf32>
    %get3A_6 = arith.constant 0 : index
    %get3A_7 = arith.constant 0 : index
    %get3A_8 = vector.load %arg4[%get3A_6, %get3A_7] : memref<256x32xf32, #tpu.memory_space<vmem>>, vector<256x32xf32>
    %get3A_9 = arith.constant 0 : index
    %get3A_10 = arith.constant 0 : index
    %get3A_11 = vector.load %arg2[%get3A_9, %get3A_10] : memref<32x2048xf32, #tpu.memory_space<vmem>>, vector<32x2048xf32>
    %dot_general3A_12 = arith.constant dense<0.000000e+00> : vector<256x2048xf32>
    %dot_general3A_13 = tpu.matmul %get3A_8, %get3A_11, %dot_general3A_12 {dimension_numbers = #tpu.dot_dimension_numbers<[1], [0], [0], [1], [0, 0, 1, 1], [], []>, transpose_lhs_hint = false} : vector<256x32xf32>, vector<32x2048xf32>, vector<256x2048xf32> -> vector<256x2048xf32>
    %add3A = arith.addf %dot_general3A_5, %dot_general3A_13 : vector<256x2048xf32>
    %get3A_14 = arith.constant 0 : index
    %get3A_15 = arith.constant 0 : index
    %get3A_16 = vector.load %arg5[%get3A_14, %get3A_15] : memref<256x1xf32, #tpu.memory_space<vmem>>, vector<256x1xf32>
    %add3A_17 = vector.broadcast %get3A_16 : vector<256x1xf32> to vector<256x2048xf32>
    %add3A_18 = arith.addf %add3A, %add3A_17 : vector<256x2048xf32>
    %max3A = arith.constant 0.000000e+00 : f32
    %max3A_19 = vector.broadcast %max3A : f32 to vector<256x2048xf32>
    %max3A_20 = arith.maximumf %add3A_18, %max3A_19 : vector<256x2048xf32>
    %get3A_21 = arith.constant 0 : index
    %get3A_22 = arith.constant 0 : index
    %get3A_23 = vector.load %arg6[%get3A_21, %get3A_22] : memref<64x256xf32, #tpu.memory_space<vmem>>, vector<64x256xf32>
    %dot_general3A_24 = arith.constant dense<0.000000e+00> : vector<64x2048xf32>
    %dot_general3A_25 = tpu.matmul %get3A_23, %max3A_20, %dot_general3A_24 {dimension_numbers = #tpu.dot_dimension_numbers<[1], [0], [0], [1], [0, 0, 1, 1], [], []>, transpose_lhs_hint = false} : vector<64x256xf32>, vector<256x2048xf32>, vector<64x2048xf32> -> vector<64x2048xf32>
    %get3A_26 = arith.constant 0 : index
    %get3A_27 = arith.constant 0 : index
    %get3A_28 = vector.load %arg7[%get3A_26, %get3A_27] : memref<64x1xf32, #tpu.memory_space<vmem>>, vector<64x1xf32>
    %add3A_29 = vector.broadcast %get3A_28 : vector<64x1xf32> to vector<64x2048xf32>
    %add3A_30 = arith.addf %dot_general3A_25, %add3A_29 : vector<64x2048xf32>
    %max3A_31 = arith.constant 0.000000e+00 : f32
    %max3A_32 = vector.broadcast %max3A_31 : f32 to vector<64x2048xf32>
    %max3A_33 = arith.maximumf %add3A_30, %max3A_32 : vector<64x2048xf32>
    %get3A_34 = arith.constant 0 : index
    %get3A_35 = arith.constant 0 : index
    %get3A_36 = vector.load %arg8[%get3A_34, %get3A_35] : memref<1x64xf32, #tpu.memory_space<vmem>>, vector<1x64xf32>
    %dot_general3A_37 = arith.constant dense<0.000000e+00> : vector<1x2048xf32>
    %dot_general3A_38 = tpu.matmul %get3A_36, %max3A_33, %dot_general3A_37 {dimension_numbers = #tpu.dot_dimension_numbers<[1], [0], [0], [1], [0, 0, 1, 1], [], []>, transpose_lhs_hint = false} : vector<1x64xf32>, vector<64x2048xf32>, vector<1x2048xf32> -> vector<1x2048xf32>
    %get3A_39 = arith.constant 0 : index
    %get3A_40 = arith.constant 0 : index
    %get3A_41 = vector.load %arg9[%get3A_39, %get3A_40] : memref<1x1xf32, #tpu.memory_space<vmem>>, vector<1x1xf32>
    %add3A_42 = vector.broadcast %get3A_41 : vector<1x1xf32> to vector<1x2048xf32>
    %add3A_43 = arith.addf %dot_general3A_38, %add3A_42 : vector<1x2048xf32>
    %swap3A = arith.constant 0 : index
    %swap3A_44 = arith.constant 0 : index
    %swap3A_45 = vector.load %arg10[%swap3A, %swap3A_44] : memref<1x2048xf32, #tpu.memory_space<vmem>>, vector<1x2048xf32>
    tpu.vector_store %arg10[%swap3A, %swap3A_44], %add3A_43 {strides = array<i32>} : memref<1x2048xf32, #tpu.memory_space<vmem>>, vector<1x2048xf32>,
    return
  }
  func.func @transform_0(%arg0: i32) -> (i32, i32) {
    %c0_i32 = arith.constant 0 : i32
    %c0_i32_0 = arith.constant 0 : i32
    return %c0_i32, %arg0 : i32, i32
  }
  func.func @transform_1(%arg0: i32) -> (i32, i32) {
    %c0_i32 = arith.constant 0 : i32
    %c0_i32_0 = arith.constant 0 : i32
    return %c0_i32, %arg0 : i32, i32
  }
  func.func @transform_2(%arg0: i32) -> (i32, i32) {
    %c0_i32 = arith.constant 0 : i32
    %c0_i32_0 = arith.constant 0 : i32
    %c0_i32_1 = arith.constant 0 : i32
    return %c0_i32, %c0_i32_0 : i32, i32
  }
  func.func @transform_3(%arg0: i32) -> (i32, i32) {
    %c0_i32 = arith.constant 0 : i32
    %c0_i32_0 = arith.constant 0 : i32
    %c0_i32_1 = arith.constant 0 : i32
    return %c0_i32, %c0_i32_0 : i32, i32
  }
  func.func @transform_4(%arg0: i32) -> (i32, i32) {
    %c0_i32 = arith.constant 0 : i32
    %c0_i32_0 = arith.constant 0 : i32
    %c0_i32_1 = arith.constant 0 : i32
    return %c0_i32, %c0_i32_0 : i32, i32
  }
  func.func @transform_5(%arg0: i32) -> (i32, i32) {
    %c0_i32 = arith.constant 0 : i32
    %c0_i32_0 = arith.constant 0 : i32
    %c0_i32_1 = arith.constant 0 : i32
    return %c0_i32, %c0_i32_0 : i32, i32
  }
  func.func @transform_6(%arg0: i32) -> (i32, i32) {
    %c0_i32 = arith.constant 0 : i32
    %c0_i32_0 = arith.constant 0 : i32
    %c0_i32_1 = arith.constant 0 : i32
    return %c0_i32, %c0_i32_0 : i32, i32
  }
  func.func @transform_7(%arg0: i32) -> (i32, i32) {
    %c0_i32 = arith.constant 0 : i32
    %c0_i32_0 = arith.constant 0 : i32
    %c0_i32_1 = arith.constant 0 : i32
    return %c0_i32, %c0_i32_0 : i32, i32
  }
  func.func @transform_8(%arg0: i32) -> (i32, i32) {
    %c0_i32 = arith.constant 0 : i32
    %c0_i32_0 = arith.constant 0 : i32
    %c0_i32_1 = arith.constant 0 : i32
    return %c0_i32, %c0_i32_0 : i32, i32
  }
  func.func @transform_9(%arg0: i32) -> (i32, i32) {
    %c0_i32 = arith.constant 0 : i32
    %c0_i32_0 = arith.constant 0 : i32
    return %c0_i32, %arg0 : i32, i32
  }
}

</mosaic_0001>

<sc_bundles>
// kernel: kernel.10.cloned.1.call-start
scs
__scs_entry_jumppad:
0x0: {  	(pc) =	sbr.rel $0x88, $3  }
0x1: {  	(tag) =	ssettag $0x0;
	lr =	simm.s32 $0x1  }
0x2: {  	[smem:$0x3F97] =	sst lr;
	_ =	strace $0xD0000000  }
0x3: {  	_ = 	snop  }
0x4: {  	_ = 	snop  }
0x5: {  	_ = 	snop  }
0x6: {  	_ = 	snop  }
0x7: {  	_ = 	snop  }
__scs_overlays_trampoline_lowered:
0x8: {  	[smem:$0x3FA6] =	sst s0  }
0x9: {  	[smem:$0x3FA7] =	sst s1  }
0xa: {  	[smem:$0x3FA8] =	sst s2  }
0xb: {  	[smem:$0x3FA9] =	sst s3  }
0xc: {  	[smem:$0x3FAA] =	sst s4  }
0xd: {  	[smem:$0x3FAB] =	sst s5  }
0xe: {  	[smem:$0x3FAC] =	sst s6  }
0xf: {  	[smem:$0x3FAD] =	sst s7  }
0x10: {  	[smem:$0x3FAE] =	sst s8  }
0x11: {  	[smem:$0x3FAF] =	sst s9;
	s0 =	simm.s32 @!p0 $0x0  }
0x12: {  	s1 =	sld [smem:$0x3F95];
	s0 =	simm.s32 @p0 $0x1  }
0x13: {  	[smem:$0x3FB0] =	sst s0;
	s0 =	simm.s32 @!p1 $0x0  }
0x14: {  	s2 =	sld [smem:$0x3F94];
	s0 =	simm.s32 @p1 $0x1  }
0x15: {  	[smem:$0x3FB1] =	sst s0;
	s0 =	simm.s32 @!p2 $0x0  }
0x16: {  	s3 =	sld [smem:$0x3FDB];
	s0 =	simm.s32 @p2 $0x1  }
0x17: {  	s4 =	simm.s32 $0x1BF5;
	[smem:$0x3FB3] =	sst s0  }
0x18: {  	s0 =	sld [smem:$0x3F96];
	_ =	swait.ge [sflag:s4], $0x0  }
0x19: {  	s7 =	sld [smem:$0x3F97]  }
0x1a: {  	s8 =	sadd.s32 $0xFFFFE003, lr  }
0x1b: {  	s9 =	sadd.s32 $0xFFFFFEF7, lr;
	s5 =	simm.s32 $0xFFFFFFFF;
	p2 =	slt.u32 s8, $0xFFFFF086  }
0x1c: {  	p1 =	slt.u32 s9, $0xF7A;
	s5 =	simm.s32 @!p2 $0x0  }
0x1d: {  	s5 =	simm.s32 @p1 $0x1;
	p0 =	seq.s32 s7, s2  }
0x1e: {  	s7 =	smul.u32 @!p0 $0xF7A, s2;
	p2 =	seq.s32 @!p0 s5, $0x0  }
0x1f: {  	s9 =	smul.u32 $0xF7A, s1;
	s8 =	simm.s32 @!p0 $0x1BF5;
	p2 =	por !p2, p0  }
0x20: {  	[sflag:s8] =	ssyncset.s32 @!p0 $0xFFFFF086;
	s6 =	sadd.s32 @!p0 s3, s7;
	s7 =	simm.s32 @!p0 $0x108  }
0x21: {  	s3 =	sadd.s32 s3, s9;
	s6 =	sadd.s32 @!p0 $0x88, s6;
	s7 =	simm.s32 @p2 $0x1082  }
0x22: {  	[simem:s7], [sflag:s8] =	dma.local @!p0 [hbm:s6], $0xF7A  }
0x23: {  	s9 =	sor.u32 $0xD0000000, s2;
	s6 =	simm.s32 $0x108;
	_ =	swait.ge @!p0 [sflag:s8], $0x0  }
0x24: {  	s3 =	sadd.s32 $0x88, s3;
	s6 =	simm.s32 @!p1 $0x1082;
	[sflag:s4] =	ssyncset.s32 $0xFFFFF086  }
0x25: {  	[simem:s6], [sflag:s4] =	dma.local [hbm:s3], $0xF7A  }
0x26: {  	[smem:$0x3F97] =	sst s1;
	(tag) =	ssettag s2;
	_ =	strace s9  }
0x27: {  	s1 =	sld [smem:$0x3FA7]  }
0x28: {  	s2 =	sld [smem:$0x3FA8]  }
0x29: {  	s4 =	sld [smem:$0x3FAA]  }
0x2a: {  	p0 =	seq.s32 s5, $0x0;
	s5 =	sld [smem:$0x3FAB]  }
0x2b: {  	s6 =	sld [smem:$0x3FAC]  }
0x2c: {  	s7 =	sld [smem:$0x3FAD]  }
0x2d: {  	s3 =	simm.s32 $0x108;
	s8 =	sld [smem:$0x3FAE]  }
0x2e: {  	s3 =	simm.s32 @!p0 $0x1082;
	s9 =	sld [smem:$0x3FAF]  }
0x2f: {  	lr =	sadd.s32 s0, s3;
	s0 =	sld [smem:$0x3FA6]  }
0x30: {  	s3 =	sld [smem:$0x3FA9]  }
0x31: {  	[smem:$0x3FB2] =	sst s10  }
0x32: {  	s10 =	sld [smem:$0x3FB0];
	_ =	sdelay $0x3  }
0x33: {  	p0 =	seq.s32 s10, $0x1;
	s10 =	sld [smem:$0x3FB2];
	_ =	sdelay $0x3  }
0x34: {  	[smem:$0x3FB2] =	sst s10  }
0x35: {  	s10 =	sld [smem:$0x3FB1];
	_ =	sdelay $0x3  }
0x36: {  	p1 =	seq.s32 s10, $0x1;
	s10 =	sld [smem:$0x3FB2];
	_ =	sdelay $0x3  }
0x37: {  	[smem:$0x3FB2] =	sst s10  }
0x38: {  	s10 =	sld [smem:$0x3FB3]  }
0x39: {  	_ = 	snop;
	(pc) =	sbr.ind lr, $3  }
0x3a: {  	_ = 	snop  }
0x3b: {  	_ = 	snop  }
0x3c: {  	p2 =	seq.s32 s10, $0x1;
	s10 =	sld [smem:$0x3FB2]  }
0x3d: {  	_ =	shalt  }
0x3e: {  	_ =	shalt  }
0x3f: {  	_ =	shalt  }
0x40: {  	_ =	shalt  }
0x41: {  	_ =	shalt  }
0x42: {  	_ =	shalt  }
0x43: {  	_ =	shalt  }
0x44: {  	_ =	shalt  }
0x45: {  	_ =	shalt  }
0x46: {  	_ =	shalt  }
0x47: {  	_ =	shalt  }
0x48: {  	_ =	shalt  }
0x49: {  	_ =	shalt  }
0x4a: {  	_ =	shalt  }
0x4b: {  	_ =	shalt  }
0x4c: {  	_ =	shalt  }
0x4d: {  	_ =	shalt  }
0x4e: {  	_ =	shalt  }
0x4f: {  	_ =	shalt  }
0x50: {  	_ =	shalt  }
0x51: {  	_ =	shalt  }
0x52: {  	_ =	shalt  }
0x53: {  	_ =	shalt  }
0x54: {  	_ =	shalt  }
0x55: {  	_ =	shalt  }
0x56: {  	_ =	shalt  }
0x57: {  	_ =	shalt  }
0x58: {  	_ =	shalt  }
0x59: {  	_ =	shalt  }
0x5a: {  	_ =	shalt  }
0x5b: {  	_ =	shalt  }
0x5c: {  	_ =	shalt  }
0x5d: {  	_ =	shalt  }
0x5e: {  	_ =	shalt  }
0x5f: {  	_ =	shalt  }
0x60: {  	_ =	shalt  }
0x61: {  	_ =	shalt  }
0x62: {  	_ =	shalt  }
0x63: {  	_ =	shalt  }
0x64: {  	_ =	shalt  }
0x65: {  	_ =	shalt  }
0x66: {  	_ =	shalt  }
0x67: {  	_ =	shalt  }
0x68: {  	_ =	shalt  }
0x69: {  	_ =	shalt  }
0x6a: {  	_ =	shalt  }
0x6b: {  	_ =	shalt  }
0x6c: {  	_ =	shalt  }
0x6d: {  	_ =	shalt  }
0x6e: {  	_ =	shalt  }
0x6f: {  	_ =	shalt  }
0x70: {  	_ =	shalt  }
0x71: {  	_ =	shalt  }
0x72: {  	_ =	shalt  }
0x73: {  	_ =	shalt  }
0x74: {  	_ =	shalt  }
0x75: {  	_ =	shalt  }
0x76: {  	_ =	shalt  }
0x77: {  	_ =	shalt  }
0x78: {  	_ =	shalt  }
0x79: {  	_ =	shalt  }
0x7a: {  	_ =	shalt  }
0x7b: {  	_ =	shalt  }
0x7c: {  	_ =	shalt  }
0x7d: {  	_ =	shalt  }
0x7e: {  	_ =	shalt  }
0x7f: {  	_ =	shalt  }
0x80: {  	_ =	shalt  }
0x81: {  	_ =	shalt  }
0x82: {  	_ =	shalt  }
0x83: {  	_ =	shalt  }
0x84: {  	_ =	shalt  }
0x85: {  	_ =	shalt  }
0x86: {  	_ =	shalt  }
0x87: {  	_ =	shalt  }
.Lfunc_end0:
.L_simem_size_0:
called_computation.1_lowered:
.L_overlay_start_0:
0x88: {  	s2 =	sld [smem:$0x3FD9]  }
0x89: {  	s3 =	sld [smem:$0x3FFE];
	_ =	sdelay $0x1  }
0x8a: {  	s1 =	srdreg.scid  }
0x8b: {  	s0 =	sand.u32 $0x1, s1  }
0x8c: {  	s17 =	sshll.u32 s0, $0xA;
	s2 =	sadd.s32 s3, s2  }
0x8d: {  	s2 =	sadd.s32 s2, s17  }
0x8e: {  	[smem:$0x3FBE] =	sst s2  }
0x8f: {  	_ = 	snop  }
0x90: {  	s18 =	sld [smem:$0x3FC8];
	(tm) =	ssettm $0x1  }
0x91: {  	s19 =	sld [smem:$0x3FFB];
	_ =	sdelay $0x3  }
0x92: {  	_ =	strace s19  }
0x93: {  	s2 =	sld [smem:$0x3FFC];
	_ =	sdelay $0x3  }
0x94: {  	_ =	strace s2  }
0x95: {  	s2 =	sld [smem:$0x3FFD];
	_ =	sdelay $0x3  }
0x96: {  	_ =	strace s2  }
0x97: {  	_ =	strace $0x8FFFFFFF  }
0x98: {  	s20 =	sld [smem:$0x3FDB];
	_ =	sdelay $0x1  }
0x99: {  	s4 =	simm.s32 $_scs_section_size  }
0x9a: {  	s5 =	simm.s32 $_size__tile_overlayer_lowered;
	s6 =	simm.s32 $_tile_overlayer_lowered  }
0x9b: {  	s7 =	simm.s32 $0x1BFF;
	s21 =	sshll.u32 s6, $0x1;
	s4 =	sadd.s32 s4, s20  }
0x9c: {  	s22 =	simm.s32 $0x0;
	s5 =	sshll.u32 s5, $0x1;
	s6 =	sadd.s32 s21, s4  }
0x9d: {  	[timem:s22], [sflag:s7] =	dma.local [hbm:s6], s5  }
0x9e: {  	_ =	swait.ge [sflag:s7], s5  }
0x9f: {  	s5 =	ssub.s32 $0x0, s5;
	[sflag:s7] =	ssyncset.done $0x0  }
0xa0: {  	[sflag:s7] =	ssyncadd.s32 s5;
	_ =	sdelay $0x1  }
0xa1: {  	s23 =	simm.s32 $0x1B8B  }
0xa2: {  	_ =	swait.ge [sflag:s23], $0x1  }
0xa3: {  	[sflag:s23] =	ssyncset.done $0x0  }
0xa4: {  	[sflag:s23] =	ssyncadd.s32 $0xFFFFFFFF  }
0xa5: {  	s5 =	sld [smem:$0x0]  }
0xa6: {  	s6 =	sand.u32 $0xFFFFFFFE, s1  }
0xa7: {  	p0 =	sne.s32 s1, s6  }
0xa8: {  	s6 =	sshll.u32 @p0 s6, $0xE  }
0xa9: {  	s6 =	sadd.s32 @p0 $0x11B8D, s6;
	s7 =	sshll.u32 @p0 s5, $0x11  }
0xaa: {  	s6 =	sor.u32 @p0 s7, s6  }
0xab: {  	[sflag:s6] =	ssyncadd.remote.s32 @p0 $0x1;
	_ =	sdelay $0x1  }
0xac: {  	s6 =	simm.s32 @p0 $0x1B8D  }
0xad: {  	_ =	swait.eq @p0 [sflag:s6], $0x1  }
0xae: {  	[sflag:s6] =	ssyncadd.s32 @p0 $0xFFFFFFFF  }
0xaf: {  	s7 =	sshll.u32 @!p0 s1, $0xE  }
0xb0: {  	s7 =	sor.u32 @!p0 $0x4000, s7;
	s6 =	simm.s32 @!p0 $0x1B8D  }
0xb1: {  	s5 =	sshll.u32 @!p0 s5, $0x11;
	s7 =	sadd.s32 @!p0 $0x11B8D, s7;
	_ =	swait.eq @!p0 [sflag:s6], $0x1  }
0xb2: {  	s5 =	sor.u32 @!p0 s5, s7;
	[sflag:s6] =	ssyncadd.s32 @!p0 $0xFFFFFFFF  }
0xb3: {  	s25 =	simm.s32 $0x1B8E;
	s24 =	sld [smem:$0x3FFE];
	[sflag:s5] =	ssyncadd.remote.s32 @!p0 $0x1  }
0xb4: {  	s26 =	simm.s32 $execute0_lowered;
	[smem:$0x3FD2] =	sst s25  }
0xb5: {  	s6 =	sshll.u32 s26, $0x1;
	_ =	strace $0x80000049;
	[dreg:$0x1] =	wrdreg $0xFFFFFFFF  }
0xb6: {  	s28 =	simm.s32 $_size_execute0_lowered;
	s4 =	sadd.s32 s4, s6;
	[dreg:$0x0] =	wrdreg $0x0  }
0xb7: {  	s6 =	sshll.u32 s28, $0x1;
	[dreg:$0x2] =	wrdreg s4  }
0xb8: {  	[dreg:$0x3] =	wrdreg s6  }
0xb9: {  	[dreg:$0x4] =	wrdreg $0xC0  }
0xba: {  	_ =	task [dreg:s22], $0x5FFFF  }
0xbb: {  	[dreg:$0x1] =	wrdreg $0xFFFFFFFF  }
0xbc: {  	[dreg:$0x0] =	wrdreg $0x60  }
0xbd: {  	[dreg:$0x2] =	wrdreg s18  }
0xbe: {  	[dreg:$0x3] =	wrdreg s24  }
0xbf: {  	[dreg:$0x4] =	wrdreg $0xA  }
0xc0: {  	_ =	task.clear_ibuf [dreg:s22], $0x5FFFF;
	_ =	strace $0x90000049  }
0xc1: {  	s29 =	simm.s32 $0xA;
	_ =	strace $0x8000004B  }
0xc2: {  	_ =	swait.ge [sflag:s29], $0x1  }
0xc3: {  	[sflag:s29] =	ssyncadd.s32 $0xFFFFFFFF  }
0xc4: {  	_ =	strace $0x9000004B  }
0xc5: {  	_ =	sfence  }
0xc6: {  	s30 =	sld [smem:$0x0];
	_ =	sdelay $0x2  }
0xc7: {  	s31 =	sshll.u32 s1, $0xD;
	s1 =	sshrl.u32 s1, $0x2  }
0xc8: {  	s4 =	sand.u32 $0x4000, s31;
	s1 =	sadd.s32 s1, s30  }
0xc9: {  	s0 =	sor.u32 s4, s0;
	s1 =	sshll.u32 s1, $0x11  }
0xca: {  	s0 =	sor.u32 s1, s0  }
0xcb: {  	s0 =	sadd.s32 $0x8F2B, s0  }
0xcc: {  	[sflag:s0] =	ssyncadd.remote.s32 $0x1  }
0xcd: {  	_ =	sfence.sel $0xFFFF  }
0xce: {  	[dreg:$0x0] =	wrdreg $0xFFFFFFFF;
	(pc) =	sbr.abs _section_cstart, $3  }
0xcf: {  	[dreg:$0x1] =	wrdreg $0xFFFFFFFF  }
0xd0: {  	_ =	task.clear_ibuf [dreg:s22], $0x2FFFF;
	_ =	strace $0x9FFFFFFF  }
0xd1: {  	(tm) =	ssettm $0x7FFFFFFF  }
tec
execute0_lowered:
.L_overlay_start_1:
0x0: {  	(tag) =	ssettag $0x1  }
0x1: {  	s4 =	rddreg [dreg:$0x0]  }
0x2: {  	s5 =	rddreg [dreg:$0x1]  }
0x3: {  	s0 =	rddreg [dreg:$0x2]  }
0x4: {  	s2 =	simm.s32 $0x0;
	s3 =	srdreg.scid;
	s1 =	stileid.u32  }
0x5: {  	s9 =	simm.s32 $0x200;
	s10 =	simm.s32 $0x600;
	s11 =	simm.s32 $0x280  }
0x6: {  	s12 =	simm.s32 $0x4600;
	s13 =	simm.s32 $0x300;
	s14 =	simm.s32 $0x8600  }
0x7: {  	s15 =	simm.s32 $0x380;
	s16 =	simm.s32 $0xC600;
	s17 =	simm.s32 $0x1  }
0x8: {  	s18 =	simm.s32 $0x1000;
	s19 =	simm.s32 $0x20000;
	s20 =	simm.s32 $0x10600  }
0x9: {  	v0 =	vlaneseq.u32;
	s21 =	simm.s32 $0x0;
	[smem:$0x7FF] =	sst s2;
	s3 =	sand.u32 $0x1, s3  }
0xa: {  	s6 =	sshll.u32 s1, $0xA;
	v0 =	vmul.u32 $0x80, v0;
	_ =	strace $0x8000004A;
	s7 =	sshll.u32 s3, $0x9  }
0xb: {  	s8 =	ssub.s32 $0x2, s3;
	s3 =	sadd.s32 $0x3F1800, s5;
	s6 =	sor.u32 s7, s6  }
0xc: {  	s31 =	sshrl.u32 s8, $0x1;
	v1 =	vor.u32 $0x800, v0;
	s5 =	sadd.s32 s6, s5;
	s6 =	sshrl.u32 s6, $0x3  }
0xd: {  	v2 =	vor.u32 $0x1000, v0;
	v3 =	vor.u32 $0x1800, v0;
	v4 =	vor.u32 $0x2000, v0;
	s7 =	ssub.s32 s8, s31;
	s8 =	simm.s32 $0x80;
	s4 =	sadd.s32 s4, s6  }
0xe: {  	v5 =	vor.u32 $0x2800, v0;
	v6 =	vor.u32 $0x3000, v0;
	v7 =	vor.u32 $0x3800, v0;
	s5 =	sadd.s32 $0x7D1800, s5;
	s6 =	smax.u32 s7, $0x1;
	s7 =	simm.s32 $0x2  }
.LBB2_1:
0xf: {  	[tilespmem:s2], [sflag:$0x2] =	stream.linear.gather [hbm4b:s4+s2], $0x200, $0x38;
	[tilespmem:$0x14600] =	vst v63  }
0x10: {  	_ =	swait.ge [sflag:s7], $0x200  }
0x11: {  	[sflag:s7] =	ssyncset.done $0x0  }
0x12: {  	[sflag:s7] =	ssyncadd.s32 $0xFFFFFE00  }
0x13: {  	v8 =	vld [tilespmem:$0x0]  }
0x14: {  	v9 =	vld [tilespmem:$0x10];
	_ =	sdelay $0x1  }
0x15: {  	v10 =	vld [tilespmem:$0x20];
	_ =	sdelay $0x1  }
0x16: {  	v13 =	vld [tilespmem:$0x30];
	v11 =	vshra.s32 v8, $0x2;
	v12 =	vand.u32 $0x1FFF, v8;
	v8 =	vshrl.u32 v8, $0x8  }
0x17: {  	v61 =	vshra.s32 v9, $0x2;
	v11 =	vand.u32 $0xFFFFE000, v11;
	v8 =	vand.u32 $0x60, v8  }
0x18: {  	v14 =	vld [tilespmem:$0x40];
	v63 =	vand.u32 $0x1FFF, v9;
	v62 =	vand.u32 $0xFFFFE000, v61;
	v11 =	vor.u32 v12, v11;
	[tilespmem:$0x400] =	vst v8  }
0x19: {  	v9 =	vshrl.u32 v9, $0x8;
	v15 =	vshra.s32 v10, $0x2;
	v8 =	vor.u32 v63, v62;
	[tilespmem:$0x200] =	vst v11  }
0x1a: {  	v18 =	vld [tilespmem:$0x50];
	v17 =	vand.u32 $0x1FFF, v10;
	v16 =	vand.u32 $0xFFFFE000, v15;
	[tilespmem:$0x210] =	vst v8;
	v8 =	vand.u32 $0x60, v9  }
0x1b: {  	v19 =	vshrl.u32 v10, $0x8;
	v20 =	vshra.s32 v13, $0x2;
	[tilespmem:$0x410] =	vst v8;
	v8 =	vor.u32 v17, v16  }
0x1c: {  	v23 =	vld [tilespmem:$0x60];
	v22 =	vand.u32 $0x1FFF, v13;
	v21 =	vand.u32 $0xFFFFE000, v20;
	[tilespmem:$0x220] =	vst v8;
	v8 =	vand.u32 $0x60, v19  }
0x1d: {  	v24 =	vshrl.u32 v13, $0x8;
	v25 =	vshra.s32 v14, $0x2;
	[tilespmem:$0x420] =	vst v8;
	v8 =	vor.u32 v22, v21  }
0x1e: {  	v28 =	vld [tilespmem:$0x70];
	v27 =	vand.u32 $0x1FFF, v14;
	v26 =	vand.u32 $0xFFFFE000, v25;
	[tilespmem:$0x230] =	vst v8;
	v8 =	vand.u32 $0x60, v24  }
0x1f: {  	v29 =	vshrl.u32 v14, $0x8;
	v30 =	vshra.s32 v18, $0x2;
	[tilespmem:$0x430] =	vst v8;
	v8 =	vor.u32 v27, v26  }
0x20: {  	v33 =	vld [tilespmem:$0x80];
	v32 =	vand.u32 $0x1FFF, v18;
	v31 =	vand.u32 $0xFFFFE000, v30;
	[tilespmem:$0x240] =	vst v8;
	v8 =	vand.u32 $0x60, v29  }
0x21: {  	v34 =	vshrl.u32 v18, $0x8;
	v35 =	vshra.s32 v23, $0x2;
	[tilespmem:$0x440] =	vst v8;
	v8 =	vor.u32 v32, v31  }
0x22: {  	v38 =	vld [tilespmem:$0x90];
	v37 =	vand.u32 $0x1FFF, v23;
	v36 =	vand.u32 $0xFFFFE000, v35;
	[tilespmem:$0x250] =	vst v8;
	v8 =	vand.u32 $0x60, v34  }
0x23: {  	v39 =	vshrl.u32 v23, $0x8;
	v40 =	vshra.s32 v28, $0x2;
	[tilespmem:$0x450] =	vst v8;
	v8 =	vor.u32 v37, v36  }
0x24: {  	v43 =	vld [tilespmem:$0xA0];
	v42 =	vand.u32 $0x1FFF, v28;
	v41 =	vand.u32 $0xFFFFE000, v40;
	[tilespmem:$0x260] =	vst v8;
	v8 =	vand.u32 $0x60, v39  }
0x25: {  	v44 =	vshrl.u32 v28, $0x8;
	v45 =	vshra.s32 v33, $0x2;
	[tilespmem:$0x460] =	vst v8;
	v8 =	vor.u32 v42, v41  }
0x26: {  	v48 =	vld [tilespmem:$0xB0];
	v47 =	vand.u32 $0x1FFF, v33;
	v46 =	vand.u32 $0xFFFFE000, v45;
	[tilespmem:$0x270] =	vst v8;
	v8 =	vand.u32 $0x60, v44  }
0x27: {  	v49 =	vshrl.u32 v33, $0x8;
	v50 =	vshra.s32 v38, $0x2;
	[tilespmem:$0x470] =	vst v8;
	v8 =	vor.u32 v47, v46  }
0x28: {  	v53 =	vld [tilespmem:$0xC0];
	v52 =	vand.u32 $0x1FFF, v38;
	v51 =	vand.u32 $0xFFFFE000, v50;
	[tilespmem:$0x280] =	vst v8;
	v8 =	vand.u32 $0x60, v49  }
0x29: {  	v54 =	vshrl.u32 v38, $0x8;
	v55 =	vshra.s32 v43, $0x2;
	[tilespmem:$0x480] =	vst v8;
	v8 =	vor.u32 v52, v51  }
0x2a: {  	v58 =	vld [tilespmem:$0xD0];
	v57 =	vand.u32 $0x1FFF, v43;
	v56 =	vand.u32 $0xFFFFE000, v55;
	[tilespmem:$0x290] =	vst v8;
	v8 =	vand.u32 $0x60, v54  }
0x2b: {  	v59 =	vshrl.u32 v43, $0x8;
	v60 =	vshra.s32 v48, $0x2;
	[tilespmem:$0x490] =	vst v8;
	v8 =	vor.u32 v57, v56  }
0x2c: {  	v61 =	vand.u32 $0xFFFFE000, v60;
	v62 =	vand.u32 $0x1FFF, v48;
	v63 =	vld [tilespmem:$0xE0];
	[tilespmem:$0x2A0] =	vst v8;
	v8 =	vand.u32 $0x60, v59  }
0x2d: {  	v13 =	vshrl.u32 v48, $0x8;
	v15 =	vshra.s32 v53, $0x2;
	[tilespmem:$0x4A0] =	vst v8;
	v8 =	vor.u32 v62, v61  }
0x2e: {  	v18 =	vld [tilespmem:$0xF0];
	v16 =	vand.u32 $0xFFFFE000, v15;
	v17 =	vand.u32 $0x1FFF, v53;
	[tilespmem:$0x2B0] =	vst v8;
	v8 =	vand.u32 $0x60, v13  }
0x2f: {  	v20 =	vshra.s32 v58, $0x2;
	v19 =	vshrl.u32 v53, $0x8;
	[tilespmem:$0x4B0] =	vst v8;
	v8 =	vor.u32 v17, v16  }
0x30: {  	v23 =	vld [tilespmem:$0x100];
	v21 =	vand.u32 $0xFFFFE000, v20;
	v22 =	vand.u32 $0x1FFF, v58;
	[tilespmem:$0x2C0] =	vst v8;
	v8 =	vand.u32 $0x60, v19  }
0x31: {  	v24 =	vshrl.u32 v58, $0x8;
	v25 =	vshra.s32 v63, $0x2;
	[tilespmem:$0x4C0] =	vst v8;
	v8 =	vor.u32 v22, v21  }
0x32: {  	v28 =	vld [tilespmem:$0x110];
	v26 =	vand.u32 $0xFFFFE000, v25;
	v27 =	vand.u32 $0x1FFF, v63;
	[tilespmem:$0x2D0] =	vst v8;
	v8 =	vand.u32 $0x60, v24  }
0x33: {  	v30 =	vshra.s32 v18, $0x2;
	v29 =	vshrl.u32 v63, $0x8;
	[tilespmem:$0x4D0] =	vst v8;
	v8 =	vor.u32 v27, v26  }
0x34: {  	v33 =	vld [tilespmem:$0x120];
	v31 =	vand.u32 $0xFFFFE000, v30;
	v32 =	vand.u32 $0x1FFF, v18;
	[tilespmem:$0x2E0] =	vst v8;
	v8 =	vand.u32 $0x60, v29  }
0x35: {  	v35 =	vshra.s32 v23, $0x2;
	v34 =	vshrl.u32 v18, $0x8;
	[tilespmem:$0x4E0] =	vst v8;
	v8 =	vor.u32 v32, v31  }
0x36: {  	v38 =	vld [tilespmem:$0x130];
	v36 =	vand.u32 $0xFFFFE000, v35;
	v37 =	vand.u32 $0x1FFF, v23;
	[tilespmem:$0x2F0] =	vst v8;
	v8 =	vand.u32 $0x60, v34  }
0x37: {  	v40 =	vshra.s32 v28, $0x2;
	v39 =	vshrl.u32 v23, $0x8;
	[tilespmem:$0x4F0] =	vst v8;
	v8 =	vor.u32 v37, v36  }
0x38: {  	v43 =	vld [tilespmem:$0x140];
	v41 =	vand.u32 $0xFFFFE000, v40;
	v42 =	vand.u32 $0x1FFF, v28;
	[tilespmem:$0x300] =	vst v8;
	v8 =	vand.u32 $0x60, v39  }
0x39: {  	v45 =	vshra.s32 v33, $0x2;
	v44 =	vshrl.u32 v28, $0x8;
	[tilespmem:$0x500] =	vst v8;
	v8 =	vor.u32 v42, v41  }
0x3a: {  	v48 =	vld [tilespmem:$0x150];
	v46 =	vand.u32 $0xFFFFE000, v45;
	v47 =	vand.u32 $0x1FFF, v33;
	[tilespmem:$0x310] =	vst v8;
	v8 =	vand.u32 $0x60, v44  }
0x3b: {  	v50 =	vshra.s32 v38, $0x2;
	v49 =	vshrl.u32 v33, $0x8;
	[tilespmem:$0x510] =	vst v8;
	v8 =	vor.u32 v47, v46  }
0x3c: {  	v53 =	vld [tilespmem:$0x160];
	v51 =	vand.u32 $0xFFFFE000, v50;
	v52 =	vand.u32 $0x1FFF, v38;
	[tilespmem:$0x320] =	vst v8;
	v8 =	vand.u32 $0x60, v49  }
0x3d: {  	v55 =	vshra.s32 v43, $0x2;
	v54 =	vshrl.u32 v38, $0x8;
	[tilespmem:$0x520] =	vst v8;
	v8 =	vor.u32 v52, v51  }
0x3e: {  	v58 =	vld [tilespmem:$0x170];
	v56 =	vand.u32 $0xFFFFE000, v55;
	v57 =	vand.u32 $0x1FFF, v43;
	[tilespmem:$0x330] =	vst v8;
	v8 =	vand.u32 $0x60, v54  }
0x3f: {  	v60 =	vshra.s32 v48, $0x2;
	v59 =	vshrl.u32 v43, $0x8;
	[tilespmem:$0x530] =	vst v8;
	v8 =	vor.u32 v57, v56  }
0x40: {  	v63 =	vld [tilespmem:$0x180];
	v61 =	vand.u32 $0xFFFFE000, v60;
	v62 =	vand.u32 $0x1FFF, v48;
	[tilespmem:$0x340] =	vst v8;
	v8 =	vand.u32 $0x60, v59  }
0x41: {  	v16 =	vshrl.u32 v48, $0x8;
	v17 =	vshra.s32 v53, $0x2;
	[tilespmem:$0x540] =	vst v8;
	v8 =	vor.u32 v62, v61  }
0x42: {  	v20 =	vld [tilespmem:$0x190];
	v18 =	vand.u32 $0xFFFFE000, v17;
	v19 =	vand.u32 $0x1FFF, v53;
	[tilespmem:$0x350] =	vst v8;
	v8 =	vand.u32 $0x60, v16  }
0x43: {  	v21 =	vshrl.u32 v53, $0x8;
	v22 =	vshra.s32 v58, $0x2;
	[tilespmem:$0x550] =	vst v8;
	v8 =	vor.u32 v19, v18  }
0x44: {  	v25 =	vld [tilespmem:$0x1A0];
	v23 =	vand.u32 $0xFFFFE000, v22;
	v24 =	vand.u32 $0x1FFF, v58;
	[tilespmem:$0x360] =	vst v8;
	v8 =	vand.u32 $0x60, v21  }
0x45: {  	v26 =	vshrl.u32 v58, $0x8;
	v27 =	vshra.s32 v63, $0x2;
	[tilespmem:$0x560] =	vst v8;
	v8 =	vor.u32 v24, v23  }
0x46: {  	v30 =	vld [tilespmem:$0x1B0];
	v28 =	vand.u32 $0xFFFFE000, v27;
	v29 =	vand.u32 $0x1FFF, v63;
	[tilespmem:$0x370] =	vst v8;
	v8 =	vand.u32 $0x60, v26  }
0x47: {  	v31 =	vshrl.u32 v63, $0x8;
	v32 =	vshra.s32 v20, $0x2;
	[tilespmem:$0x570] =	vst v8;
	v8 =	vor.u32 v29, v28  }
0x48: {  	v35 =	vld [tilespmem:$0x1C0];
	v33 =	vand.u32 $0xFFFFE000, v32;
	v34 =	vand.u32 $0x1FFF, v20;
	[tilespmem:$0x380] =	vst v8;
	v8 =	vand.u32 $0x60, v31  }
0x49: {  	v36 =	vshrl.u32 v20, $0x8;
	v37 =	vshra.s32 v25, $0x2;
	[tilespmem:$0x580] =	vst v8;
	v8 =	vor.u32 v34, v33  }
0x4a: {  	v40 =	vld [tilespmem:$0x1D0];
	v38 =	vand.u32 $0xFFFFE000, v37;
	v39 =	vand.u32 $0x1FFF, v25;
	[tilespmem:$0x390] =	vst v8;
	v8 =	vand.u32 $0x60, v36  }
0x4b: {  	v41 =	vshrl.u32 v25, $0x8;
	v42 =	vshra.s32 v30, $0x2;
	[tilespmem:$0x590] =	vst v8;
	v8 =	vor.u32 v39, v38  }
0x4c: {  	v45 =	vld [tilespmem:$0x1E0];
	v43 =	vand.u32 $0xFFFFE000, v42;
	v44 =	vand.u32 $0x1FFF, v30;
	[tilespmem:$0x3A0] =	vst v8;
	v8 =	vand.u32 $0x60, v41  }
0x4d: {  	v46 =	vshrl.u32 v30, $0x8;
	v47 =	vshra.s32 v35, $0x2;
	[tilespmem:$0x5A0] =	vst v8;
	v8 =	vor.u32 v44, v43  }
0x4e: {  	v50 =	vld [tilespmem:$0x1F0];
	v48 =	vand.u32 $0xFFFFE000, v47;
	v49 =	vand.u32 $0x1FFF, v35;
	[tilespmem:$0x3B0] =	vst v8;
	v8 =	vand.u32 $0x60, v46  }
0x4f: {  	v51 =	vshrl.u32 v35, $0x8;
	v52 =	vshra.s32 v40, $0x2;
	[tilespmem:$0x5B0] =	vst v8;
	v8 =	vor.u32 v49, v48  }
0x50: {  	v53 =	vand.u32 $0xFFFFE000, v52;
	v54 =	vand.u32 $0x1FFF, v40;
	[tilespmem:$0x3C0] =	vst v8;
	v8 =	vand.u32 $0x60, v51  }
0x51: {  	v55 =	vshrl.u32 v40, $0x8;
	v56 =	vshra.s32 v45, $0x2;
	[tilespmem:$0x5C0] =	vst v8;
	v8 =	vor.u32 v54, v53  }
0x52: {  	v58 =	vand.u32 $0x1FFF, v45;
	v57 =	vand.u32 $0xFFFFE000, v56;
	[tilespmem:$0x3D0] =	vst v8;
	v8 =	vand.u32 $0x60, v55  }
0x53: {  	v60 =	vshra.s32 v50, $0x2;
	v59 =	vshrl.u32 v45, $0x8;
	[tilespmem:$0x5D0] =	vst v8;
	v8 =	vor.u32 v58, v57  }
0x54: {  	v61 =	vand.u32 $0xFFFFE000, v60;
	v62 =	vand.u32 $0x1FFF, v50;
	[tilespmem:$0x3E0] =	vst v8;
	v8 =	vand.u32 $0x60, v59  }
0x55: {  	v63 =	vshrl.u32 v50, $0x8;
	[tilespmem:$0x5E0] =	vst v8;
	v8 =	vor.u32 v62, v61  }
0x56: {  	[tilespmem:$0x3F0] =	vst v8;
	v8 =	vand.u32 $0x60, v63  }
0x57: {  	[tilespmem:$0x5F0] =	vst v8  }
0x58: {  	[tilespmem:s10], [sflag:$0x1] =	stream.indirect.gather [hbm4b:s3+s8], $0x80, s9, s8, $0xb8;
	[tilespmem:$0x14600] =	vst v63  }
0x59: {  	_ = 	snop  }
0x5a: {  	[tilespmem:s12], [sflag:$0x1] =	stream.indirect.gather [hbm4b:s3+s8], $0x80, s11, s8, $0xb8;
	[tilespmem:$0x14600] =	vst v63  }
0x5b: {  	_ = 	snop  }
0x5c: {  	[tilespmem:s14], [sflag:$0x1] =	stream.indirect.gather [hbm4b:s3+s8], $0x80, s13, s8, $0xb8;
	[tilespmem:$0x14600] =	vst v63  }
0x5d: {  	_ = 	snop  }
0x5e: {  	[tilespmem:s16], [sflag:$0x1] =	stream.indirect.gather [hbm4b:s3+s8], $0x80, s15, s8, $0xb8;
	[tilespmem:$0x14600] =	vst v63  }
0x5f: {  	_ =	swait.ge [sflag:s17], $0x4000  }
0x60: {  	s22 =	simm.s32 $0x0;
	[sflag:s17] =	ssyncset.done $0x0  }
0x61: {  	s23 =	simm.s32 $0x0;
	s24 =	simm.s32 $0x0;
	[sflag:s17] =	ssyncadd.s32 $0xFFFFC000  }
.LBB2_2:
0x62: {  	v8 =	vld [tilespmem:$0x400];
	_ =	sdelay $0x4  }
0x63: {  	v8 =	vadd.s32 s24, v8  }
0x64: {  	v8 =	vadd.s32 v0, v8;
	_ =	sdelay $0x4  }
0x65: {  	v8 =	vld.idx.msk [tilespmem:v8+s10+$0x0], $0xffff;
	_ =	sdelay $0x2  }
0x66: {  	s25 =	sand.u32 $0x3000, s22;
	s26 =	sand.u32 $0x380, s23  }
0x67: {  	s25 =	sor.u32 s26, s25  }
0x68: {  	[tilespmem:s25+$0x10600] =	vst v8  }
0x69: {  	v8 =	vld [tilespmem:$0x410];
	_ =	sdelay $0x4  }
0x6a: {  	v8 =	vadd.s32 s24, v8  }
0x6b: {  	v8 =	vadd.s32 v1, v8;
	_ =	sdelay $0x4  }
0x6c: {  	v8 =	vld.idx.msk [tilespmem:v8+s10+$0x0], $0xffff;
	_ =	sdelay $0x3  }
0x6d: {  	s25 =	sadd.s32 $0x10600, s25  }
0x6e: {  	[tilespmem:s25+$0x10] =	vst v8  }
0x6f: {  	v8 =	vld [tilespmem:$0x420];
	_ =	sdelay $0x4  }
0x70: {  	v8 =	vadd.s32 s24, v8  }
0x71: {  	v8 =	vadd.s32 v2, v8;
	_ =	sdelay $0x4  }
0x72: {  	v8 =	vld.idx.msk [tilespmem:v8+s10+$0x0], $0xffff;
	_ =	sdelay $0x4  }
0x73: {  	[tilespmem:s25+$0x20] =	vst v8  }
0x74: {  	v8 =	vld [tilespmem:$0x430];
	_ =	sdelay $0x4  }
0x75: {  	v8 =	vadd.s32 s24, v8  }
0x76: {  	v8 =	vadd.s32 v3, v8;
	_ =	sdelay $0x4  }
0x77: {  	v8 =	vld.idx.msk [tilespmem:v8+s10+$0x0], $0xffff;
	_ =	sdelay $0x4  }
0x78: {  	[tilespmem:s25+$0x30] =	vst v8  }
0x79: {  	v8 =	vld [tilespmem:$0x440];
	_ =	sdelay $0x4  }
0x7a: {  	v8 =	vadd.s32 s24, v8  }
0x7b: {  	v8 =	vadd.s32 v4, v8;
	_ =	sdelay $0x4  }
0x7c: {  	v8 =	vld.idx.msk [tilespmem:v8+s10+$0x0], $0xffff;
	_ =	sdelay $0x4  }
0x7d: {  	[tilespmem:s25+$0x40] =	vst v8  }
0x7e: {  	v8 =	vld [tilespmem:$0x450];
	_ =	sdelay $0x4  }
0x7f: {  	v8 =	vadd.s32 s24, v8  }
0x80: {  	v8 =	vadd.s32 v5, v8;
	_ =	sdelay $0x4  }
0x81: {  	v8 =	vld.idx.msk [tilespmem:v8+s10+$0x0], $0xffff;
	_ =	sdelay $0x4  }
0x82: {  	[tilespmem:s25+$0x50] =	vst v8  }
0x83: {  	v8 =	vld [tilespmem:$0x460];
	_ =	sdelay $0x4  }
0x84: {  	v8 =	vadd.s32 s24, v8  }
0x85: {  	v8 =	vadd.s32 v6, v8;
	_ =	sdelay $0x4  }
0x86: {  	v8 =	vld.idx.msk [tilespmem:v8+s10+$0x0], $0xffff;
	_ =	sdelay $0x4  }
0x87: {  	[tilespmem:s25+$0x60] =	vst v8  }
0x88: {  	v8 =	vld [tilespmem:$0x470];
	_ =	sdelay $0x4  }
0x89: {  	v8 =	vadd.s32 s24, v8  }
0x8a: {  	v8 =	vadd.s32 v7, v8;
	_ =	sdelay $0x4  }
0x8b: {  	p0 =	sne.s32 s24, $0x1F;
	v8 =	vld.idx.msk [tilespmem:v8+s10+$0x0], $0xffff  }
.Ltmp0:
0x8c: {  	_ = 	snop;
	(pc) =	sbr.rel @p0 .LBB2_2-.Ltmp0, $2  }
0x8d: {  	_ =	sdelay $0x2  }
0x8e: {  	s23 =	sadd.s32 $0x80, s23;
	s22 =	sadd.s32 $0x200, s22;
	s24 =	sadd.s32 $0x1, s24;
	[tilespmem:s25+$0x70] =	vst v8  }
0x8f: {  	_ =	swait.ge [sflag:s17], $0x4000  }
0x90: {  	s22 =	simm.s32 $0x0;
	[sflag:s17] =	ssyncset.done $0x0  }
0x91: {  	s23 =	simm.s32 $0x0;
	s24 =	simm.s32 $0x0;
	[sflag:s17] =	ssyncadd.s32 $0xFFFFC000  }
.LBB2_4:
0x92: {  	v8 =	vld [tilespmem:$0x480];
	_ =	sdelay $0x4  }
0x93: {  	v8 =	vadd.s32 s24, v8  }
0x94: {  	v8 =	vadd.s32 v0, v8;
	_ =	sdelay $0x4  }
0x95: {  	v8 =	vld.idx.msk [tilespmem:v8+s12+$0x0], $0xffff;
	_ =	sdelay $0x1  }
0x96: {  	s25 =	sand.u32 $0x3000, s22;
	s26 =	sand.u32 $0x380, s23  }
0x97: {  	s25 =	sor.u32 s26, s25  }
0x98: {  	s25 =	sadd.s32 $0x10600, s25  }
0x99: {  	[tilespmem:s25+$0x400] =	vst v8  }
0x9a: {  	v8 =	vld [tilespmem:$0x490];
	_ =	sdelay $0x4  }
0x9b: {  	v8 =	vadd.s32 s24, v8  }
0x9c: {  	v8 =	vadd.s32 v1, v8;
	_ =	sdelay $0x4  }
0x9d: {  	v8 =	vld.idx.msk [tilespmem:v8+s12+$0x0], $0xffff;
	_ =	sdelay $0x4  }
0x9e: {  	[tilespmem:s25+$0x410] =	vst v8  }
0x9f: {  	v8 =	vld [tilespmem:$0x4A0];
	_ =	sdelay $0x4  }
0xa0: {  	v8 =	vadd.s32 s24, v8  }
0xa1: {  	v8 =	vadd.s32 v2, v8;
	_ =	sdelay $0x4  }
0xa2: {  	v8 =	vld.idx.msk [tilespmem:v8+s12+$0x0], $0xffff;
	_ =	sdelay $0x4  }
0xa3: {  	[tilespmem:s25+$0x420] =	vst v8  }
0xa4: {  	v8 =	vld [tilespmem:$0x4B0];
	_ =	sdelay $0x4  }
0xa5: {  	v8 =	vadd.s32 s24, v8  }
0xa6: {  	v8 =	vadd.s32 v3, v8;
	_ =	sdelay $0x4  }
0xa7: {  	v8 =	vld.idx.msk [tilespmem:v8+s12+$0x0], $0xffff;
	_ =	sdelay $0x4  }
0xa8: {  	[tilespmem:s25+$0x430] =	vst v8  }
0xa9: {  	v8 =	vld [tilespmem:$0x4C0];
	_ =	sdelay $0x4  }
0xaa: {  	v8 =	vadd.s32 s24, v8  }
0xab: {  	v8 =	vadd.s32 v4, v8;
	_ =	sdelay $0x4  }
0xac: {  	v8 =	vld.idx.msk [tilespmem:v8+s12+$0x0], $0xffff;
	_ =	sdelay $0x4  }
0xad: {  	[tilespmem:s25+$0x440] =	vst v8  }
0xae: {  	v8 =	vld [tilespmem:$0x4D0];
	_ =	sdelay $0x4  }
0xaf: {  	v8 =	vadd.s32 s24, v8  }
0xb0: {  	v8 =	vadd.s32 v5, v8;
	_ =	sdelay $0x4  }
0xb1: {  	v8 =	vld.idx.msk [tilespmem:v8+s12+$0x0], $0xffff;
	_ =	sdelay $0x4  }
0xb2: {  	[tilespmem:s25+$0x450] =	vst v8  }
0xb3: {  	v8 =	vld [tilespmem:$0x4E0];
	_ =	sdelay $0x4  }
0xb4: {  	v8 =	vadd.s32 s24, v8  }
0xb5: {  	v8 =	vadd.s32 v6, v8;
	_ =	sdelay $0x4  }
0xb6: {  	v8 =	vld.idx.msk [tilespmem:v8+s12+$0x0], $0xffff;
	_ =	sdelay $0x4  }
0xb7: {  	[tilespmem:s25+$0x460] =	vst v8  }
0xb8: {  	v8 =	vld [tilespmem:$0x4F0];
	_ =	sdelay $0x4  }
0xb9: {  	v8 =	vadd.s32 s24, v8  }
0xba: {  	v8 =	vadd.s32 v7, v8;
	_ =	sdelay $0x4  }
0xbb: {  	p0 =	sne.s32 s24, $0x1F;
	v8 =	vld.idx.msk [tilespmem:v8+s12+$0x0], $0xffff  }
.Ltmp1:
0xbc: {  	_ = 	snop;
	(pc) =	sbr.rel @p0 .LBB2_4-.Ltmp1, $2  }
0xbd: {  	_ =	sdelay $0x2  }
0xbe: {  	s23 =	sadd.s32 $0x80, s23;
	s22 =	sadd.s32 $0x200, s22;
	s24 =	sadd.s32 $0x1, s24;
	[tilespmem:s25+$0x470] =	vst v8  }
0xbf: {  	_ =	swait.ge [sflag:s17], $0x4000  }
0xc0: {  	s22 =	simm.s32 $0x0;
	[sflag:s17] =	ssyncset.done $0x0  }
0xc1: {  	s23 =	simm.s32 $0x0;
	s24 =	simm.s32 $0x0;
	[sflag:s17] =	ssyncadd.s32 $0xFFFFC000  }
.LBB2_6:
0xc2: {  	v8 =	vld [tilespmem:$0x500];
	_ =	sdelay $0x4  }
0xc3: {  	v8 =	vadd.s32 s24, v8  }
0xc4: {  	v8 =	vadd.s32 v0, v8;
	_ =	sdelay $0x4  }
0xc5: {  	v8 =	vld.idx.msk [tilespmem:v8+s14+$0x0], $0xffff;
	_ =	sdelay $0x1  }
0xc6: {  	s25 =	sand.u32 $0x3000, s22;
	s26 =	sand.u32 $0x380, s23  }
0xc7: {  	s25 =	sor.u32 s26, s25  }
0xc8: {  	s25 =	sadd.s32 $0x10600, s25  }
0xc9: {  	[tilespmem:s25+$0x800] =	vst v8  }
0xca: {  	v8 =	vld [tilespmem:$0x510];
	_ =	sdelay $0x4  }
0xcb: {  	v8 =	vadd.s32 s24, v8  }
0xcc: {  	v8 =	vadd.s32 v1, v8;
	_ =	sdelay $0x4  }
0xcd: {  	v8 =	vld.idx.msk [tilespmem:v8+s14+$0x0], $0xffff;
	_ =	sdelay $0x4  }
0xce: {  	[tilespmem:s25+$0x810] =	vst v8  }
0xcf: {  	v8 =	vld [tilespmem:$0x520];
	_ =	sdelay $0x4  }
0xd0: {  	v8 =	vadd.s32 s24, v8  }
0xd1: {  	v8 =	vadd.s32 v2, v8;
	_ =	sdelay $0x4  }
0xd2: {  	v8 =	vld.idx.msk [tilespmem:v8+s14+$0x0], $0xffff;
	_ =	sdelay $0x4  }
0xd3: {  	[tilespmem:s25+$0x820] =	vst v8  }
0xd4: {  	v8 =	vld [tilespmem:$0x530];
	_ =	sdelay $0x4  }
0xd5: {  	v8 =	vadd.s32 s24, v8  }
0xd6: {  	v8 =	vadd.s32 v3, v8;
	_ =	sdelay $0x4  }
0xd7: {  	v8 =	vld.idx.msk [tilespmem:v8+s14+$0x0], $0xffff;
	_ =	sdelay $0x4  }
0xd8: {  	[tilespmem:s25+$0x830] =	vst v8  }
0xd9: {  	v8 =	vld [tilespmem:$0x540];
	_ =	sdelay $0x4  }
0xda: {  	v8 =	vadd.s32 s24, v8  }
0xdb: {  	v8 =	vadd.s32 v4, v8;
	_ =	sdelay $0x4  }
0xdc: {  	v8 =	vld.idx.msk [tilespmem:v8+s14+$0x0], $0xffff;
	_ =	sdelay $0x4  }
0xdd: {  	[tilespmem:s25+$0x840] =	vst v8  }
0xde: {  	v8 =	vld [tilespmem:$0x550];
	_ =	sdelay $0x4  }
0xdf: {  	v8 =	vadd.s32 s24, v8  }
0xe0: {  	v8 =	vadd.s32 v5, v8;
	_ =	sdelay $0x4  }
0xe1: {  	v8 =	vld.idx.msk [tilespmem:v8+s14+$0x0], $0xffff;
	_ =	sdelay $0x4  }
0xe2: {  	[tilespmem:s25+$0x850] =	vst v8  }
0xe3: {  	v8 =	vld [tilespmem:$0x560];
	_ =	sdelay $0x4  }
0xe4: {  	v8 =	vadd.s32 s24, v8  }
0xe5: {  	v8 =	vadd.s32 v6, v8;
	_ =	sdelay $0x4  }
0xe6: {  	v8 =	vld.idx.msk [tilespmem:v8+s14+$0x0], $0xffff;
	_ =	sdelay $0x4  }
0xe7: {  	[tilespmem:s25+$0x860] =	vst v8  }
0xe8: {  	v8 =	vld [tilespmem:$0x570];
	_ =	sdelay $0x4  }
0xe9: {  	v8 =	vadd.s32 s24, v8  }
0xea: {  	v8 =	vadd.s32 v7, v8;
	_ =	sdelay $0x4  }
0xeb: {  	p0 =	sne.s32 s24, $0x1F;
	v8 =	vld.idx.msk [tilespmem:v8+s14+$0x0], $0xffff  }
.Ltmp2:
0xec: {  	_ = 	snop;
	(pc) =	sbr.rel @p0 .LBB2_6-.Ltmp2, $2  }
0xed: {  	_ =	sdelay $0x2  }
0xee: {  	s23 =	sadd.s32 $0x80, s23;
	s22 =	sadd.s32 $0x200, s22;
	s24 =	sadd.s32 $0x1, s24;
	[tilespmem:s25+$0x870] =	vst v8  }
0xef: {  	_ =	swait.ge [sflag:s17], $0x4000  }
0xf0: {  	s22 =	simm.s32 $0x0;
	[sflag:s17] =	ssyncset.done $0x0  }
0xf1: {  	s23 =	simm.s32 $0x0;
	s24 =	simm.s32 $0x0;
	[sflag:s17] =	ssyncadd.s32 $0xFFFFC000  }
.LBB2_8:
0xf2: {  	v8 =	vld [tilespmem:$0x580];
	_ =	sdelay $0x4  }
0xf3: {  	v8 =	vadd.s32 s24, v8  }
0xf4: {  	v8 =	vadd.s32 v0, v8;
	_ =	sdelay $0x4  }
0xf5: {  	v8 =	vld.idx.msk [tilespmem:v8+s16+$0x0], $0xffff;
	_ =	sdelay $0x1  }
0xf6: {  	s25 =	sand.u32 $0x3000, s22;
	s26 =	sand.u32 $0x380, s23  }
0xf7: {  	s25 =	sor.u32 s26, s25  }
0xf8: {  	s25 =	sadd.s32 $0x10600, s25  }
0xf9: {  	[tilespmem:s25+$0xC00] =	vst v8  }
0xfa: {  	v8 =	vld [tilespmem:$0x590];
	_ =	sdelay $0x4  }
0xfb: {  	v8 =	vadd.s32 s24, v8  }
0xfc: {  	v8 =	vadd.s32 v1, v8;
	_ =	sdelay $0x4  }
0xfd: {  	v8 =	vld.idx.msk [tilespmem:v8+s16+$0x0], $0xffff;
	_ =	sdelay $0x4  }
0xfe: {  	[tilespmem:s25+$0xC10] =	vst v8  }
0xff: {  	v8 =	vld [tilespmem:$0x5A0];
	_ =	sdelay $0x4  }
0x100: {  	v8 =	vadd.s32 s24, v8  }
0x101: {  	v8 =	vadd.s32 v2, v8;
	_ =	sdelay $0x4  }
0x102: {  	v8 =	vld.idx.msk [tilespmem:v8+s16+$0x0], $0xffff;
	_ =	sdelay $0x4  }
0x103: {  	[tilespmem:s25+$0xC20] =	vst v8  }
0x104: {  	v8 =	vld [tilespmem:$0x5B0];
	_ =	sdelay $0x4  }
0x105: {  	v8 =	vadd.s32 s24, v8  }
0x106: {  	v8 =	vadd.s32 v3, v8;
	_ =	sdelay $0x4  }
0x107: {  	v8 =	vld.idx.msk [tilespmem:v8+s16+$0x0], $0xffff;
	_ =	sdelay $0x4  }
0x108: {  	[tilespmem:s25+$0xC30] =	vst v8  }
0x109: {  	v8 =	vld [tilespmem:$0x5C0];
	_ =	sdelay $0x4  }
0x10a: {  	v8 =	vadd.s32 s24, v8  }
0x10b: {  	v8 =	vadd.s32 v4, v8;
	_ =	sdelay $0x4  }
0x10c: {  	v8 =	vld.idx.msk [tilespmem:v8+s16+$0x0], $0xffff;
	_ =	sdelay $0x4  }
0x10d: {  	[tilespmem:s25+$0xC40] =	vst v8  }
0x10e: {  	v8 =	vld [tilespmem:$0x5D0];
	_ =	sdelay $0x4  }
0x10f: {  	v8 =	vadd.s32 s24, v8  }
0x110: {  	v8 =	vadd.s32 v5, v8;
	_ =	sdelay $0x4  }
0x111: {  	v8 =	vld.idx.msk [tilespmem:v8+s16+$0x0], $0xffff;
	_ =	sdelay $0x4  }
0x112: {  	[tilespmem:s25+$0xC50] =	vst v8  }
0x113: {  	v8 =	vld [tilespmem:$0x5E0];
	_ =	sdelay $0x4  }
0x114: {  	v8 =	vadd.s32 s24, v8  }
0x115: {  	v8 =	vadd.s32 v6, v8;
	_ =	sdelay $0x4  }
0x116: {  	v8 =	vld.idx.msk [tilespmem:v8+s16+$0x0], $0xffff;
	_ =	sdelay $0x4  }
0x117: {  	[tilespmem:s25+$0xC60] =	vst v8  }
0x118: {  	v8 =	vld [tilespmem:$0x5F0];
	_ =	sdelay $0x4  }
0x119: {  	v8 =	vadd.s32 s24, v8  }
0x11a: {  	v8 =	vadd.s32 v7, v8;
	_ =	sdelay $0x4  }
0x11b: {  	p0 =	sne.s32 s24, $0x1F;
	v8 =	vld.idx.msk [tilespmem:v8+s16+$0x0], $0xffff  }
.Ltmp3:
0x11c: {  	_ = 	snop;
	(pc) =	sbr.rel @p0 .LBB2_8-.Ltmp3, $2  }
0x11d: {  	_ =	sdelay $0x2  }
0x11e: {  	s23 =	sadd.s32 $0x80, s23;
	s22 =	sadd.s32 $0x200, s22;
	s24 =	sadd.s32 $0x1, s24;
	[tilespmem:s25+$0xC70] =	vst v8  }
0x11f: {  	s21 =	sadd.s32 $0x1, s21  }
0x120: {  	p0 =	sne.s32 s21, s6  }
.Ltmp4:
0x121: {  	_ = 	snop;
	(pc) =	sbr.rel @p0 .LBB2_1-.Ltmp4, $4  }
0x122: {  	[hbm4b:s5+s18] =	stream.strided.scatter [tilespmem:s20], [sflag:$0x2], $0x4000, s19, s18, $0x38;
	[tilespmem:$0x14600] =	vst v63  }
0x123: {  	_ =	swait.ge [sflag:s7], $0x4000  }
0x124: {  	[sflag:s7] =	ssyncset.done $0x0  }
0x125: {  	[sflag:s7] =	ssyncadd.s32 $0xFFFFC000  }
0x126: {  	_ =	sfence.sel $0x180000  }
0x127: {  	[bflag:$0x0] =	sbarrier.arrive $0xFFFF  }
0x128: {  	p0 =	sne.s32 s1, $0x0;
	_ =	strace $0x9000004A  }
0x129: {  	s0 =	sadd.s32 @!p0 $0x100000, s0;
	[bflag:$0x2] =	sbarrier.arrive $0xFFFF  }
0x12a: {  	[sflag:s0] =	ssyncadd.tile.s32 @!p0 $0x1;
	_ =	shalt  }
.Lfunc_end2:
_tile_overlayer_lowered:
.L_overlay_start_2:
0x12b: {  	(tag) =	ssettag $0x2  }
0x12c: {  	s0 =	rddreg [dreg:$0x0];
	s2 =	stileid.u32  }
0x12d: {  	s1 =	rddreg [dreg:$0x1];
	p0 =	sne.s32 s2, $0x0  }
0x12e: {  	s3 =	rddreg [dreg:$0x2];
	[bflag:$0x3] =	sbarrier.arrive $0xFFFF;
	s2 =	simm.s32 @!p0 $0x1C02  }
0x12f: {  	[timem:s3], [sflag:s2] =	dma.local @!p0 [hbm:s0], s1  }
0x130: {  	s0 =	simm.s32 @!p0 $0x2  }
0x131: {  	_ =	swait.ge @!p0 [sflag:s0], s1  }
0x132: {  	s1 =	ssub.s32 @!p0 $0x0, s1;
	[sflag:s0] =	ssyncset.done @!p0 $0x0  }
0x133: {  	[sflag:s0] =	ssyncadd.s32 @!p0 s1  }
0x134: {  	[bflag:$0x3] =	sbarrier.arrive $0xFFFF  }
0x135: {  	_ =	shalt  }

// kernel: kernel.7.cloned.1.call-start
scs
__scs_entry_jumppad:
0x0: {  	(pc) =	sbr.rel $0x88, $3  }
0x1: {  	(tag) =	ssettag $0x0;
	lr =	simm.s32 $0x1  }
0x2: {  	[smem:$0x3F97] =	sst lr;
	_ =	strace $0xD0000000  }
0x3: {  	_ = 	snop  }
0x4: {  	_ = 	snop  }
0x5: {  	_ = 	snop  }
0x6: {  	_ = 	snop  }
0x7: {  	_ = 	snop  }
__scs_overlays_trampoline_lowered:
0x8: {  	[smem:$0x3FA6] =	sst s0  }
0x9: {  	[smem:$0x3FA7] =	sst s1  }
0xa: {  	[smem:$0x3FA8] =	sst s2  }
0xb: {  	[smem:$0x3FA9] =	sst s3  }
0xc: {  	[smem:$0x3FAA] =	sst s4  }
0xd: {  	[smem:$0x3FAB] =	sst s5  }
0xe: {  	[smem:$0x3FAC] =	sst s6  }
0xf: {  	[smem:$0x3FAD] =	sst s7  }
0x10: {  	[smem:$0x3FAE] =	sst s8  }
0x11: {  	[smem:$0x3FAF] =	sst s9;
	s0 =	simm.s32 @!p0 $0x0  }
0x12: {  	s1 =	sld [smem:$0x3F95];
	s0 =	simm.s32 @p0 $0x1  }
0x13: {  	[smem:$0x3FB0] =	sst s0;
	s0 =	simm.s32 @!p1 $0x0  }
0x14: {  	s2 =	sld [smem:$0x3F94];
	s0 =	simm.s32 @p1 $0x1  }
0x15: {  	[smem:$0x3FB1] =	sst s0;
	s0 =	simm.s32 @!p2 $0x0  }
0x16: {  	s3 =	sld [smem:$0x3FDB];
	s0 =	simm.s32 @p2 $0x1  }
0x17: {  	s4 =	simm.s32 $0x1BF5;
	[smem:$0x3FB3] =	sst s0  }
0x18: {  	s0 =	sld [smem:$0x3F96];
	_ =	swait.ge [sflag:s4], $0x0  }
0x19: {  	s7 =	sld [smem:$0x3F97]  }
0x1a: {  	s8 =	sadd.s32 $0xFFFFE003, lr  }
0x1b: {  	s9 =	sadd.s32 $0xFFFFFEF7, lr;
	s5 =	simm.s32 $0xFFFFFFFF;
	p2 =	slt.u32 s8, $0xFFFFF086  }
0x1c: {  	p1 =	slt.u32 s9, $0xF7A;
	s5 =	simm.s32 @!p2 $0x0  }
0x1d: {  	s5 =	simm.s32 @p1 $0x1;
	p0 =	seq.s32 s7, s2  }
0x1e: {  	s7 =	smul.u32 @!p0 $0xF7A, s2;
	p2 =	seq.s32 @!p0 s5, $0x0  }
0x1f: {  	s9 =	smul.u32 $0xF7A, s1;
	s8 =	simm.s32 @!p0 $0x1BF5;
	p2 =	por !p2, p0  }
0x20: {  	[sflag:s8] =	ssyncset.s32 @!p0 $0xFFFFF086;
	s6 =	sadd.s32 @!p0 s3, s7;
	s7 =	simm.s32 @!p0 $0x108  }
0x21: {  	s3 =	sadd.s32 s3, s9;
	s6 =	sadd.s32 @!p0 $0x88, s6;
	s7 =	simm.s32 @p2 $0x1082  }
0x22: {  	[simem:s7], [sflag:s8] =	dma.local @!p0 [hbm:s6], $0xF7A  }
0x23: {  	s9 =	sor.u32 $0xD0000000, s2;
	s6 =	simm.s32 $0x108;
	_ =	swait.ge @!p0 [sflag:s8], $0x0  }
0x24: {  	s3 =	sadd.s32 $0x88, s3;
	s6 =	simm.s32 @!p1 $0x1082;
	[sflag:s4] =	ssyncset.s32 $0xFFFFF086  }
0x25: {  	[simem:s6], [sflag:s4] =	dma.local [hbm:s3], $0xF7A  }
0x26: {  	[smem:$0x3F97] =	sst s1;
	(tag) =	ssettag s2;
	_ =	strace s9  }
0x27: {  	s1 =	sld [smem:$0x3FA7]  }
0x28: {  	s2 =	sld [smem:$0x3FA8]  }
0x29: {  	s4 =	sld [smem:$0x3FAA]  }
0x2a: {  	p0 =	seq.s32 s5, $0x0;
	s5 =	sld [smem:$0x3FAB]  }
0x2b: {  	s6 =	sld [smem:$0x3FAC]  }
0x2c: {  	s7 =	sld [smem:$0x3FAD]  }
0x2d: {  	s3 =	simm.s32 $0x108;
	s8 =	sld [smem:$0x3FAE]  }
0x2e: {  	s3 =	simm.s32 @!p0 $0x1082;
	s9 =	sld [smem:$0x3FAF]  }
0x2f: {  	lr =	sadd.s32 s0, s3;
	s0 =	sld [smem:$0x3FA6]  }
0x30: {  	s3 =	sld [smem:$0x3FA9]  }
0x31: {  	[smem:$0x3FB2] =	sst s10  }
0x32: {  	s10 =	sld [smem:$0x3FB0];
	_ =	sdelay $0x3  }
0x33: {  	p0 =	seq.s32 s10, $0x1;
	s10 =	sld [smem:$0x3FB2];
	_ =	sdelay $0x3  }
0x34: {  	[smem:$0x3FB2] =	sst s10  }
0x35: {  	s10 =	sld [smem:$0x3FB1];
	_ =	sdelay $0x3  }
0x36: {  	p1 =	seq.s32 s10, $0x1;
	s10 =	sld [smem:$0x3FB2];
	_ =	sdelay $0x3  }
0x37: {  	[smem:$0x3FB2] =	sst s10  }
0x38: {  	s10 =	sld [smem:$0x3FB3]  }
0x39: {  	_ = 	snop;
	(pc) =	sbr.ind lr, $3  }
0x3a: {  	_ = 	snop  }
0x3b: {  	_ = 	snop  }
0x3c: {  	p2 =	seq.s32 s10, $0x1;
	s10 =	sld [smem:$0x3FB2]  }
0x3d: {  	_ =	shalt  }
0x3e: {  	_ =	shalt  }
0x3f: {  	_ =	shalt  }
0x40: {  	_ =	shalt  }
0x41: {  	_ =	shalt  }
0x42: {  	_ =	shalt  }
0x43: {  	_ =	shalt  }
0x44: {  	_ =	shalt  }
0x45: {  	_ =	shalt  }
0x46: {  	_ =	shalt  }
0x47: {  	_ =	shalt  }
0x48: {  	_ =	shalt  }
0x49: {  	_ =	shalt  }
0x4a: {  	_ =	shalt  }
0x4b: {  	_ =	shalt  }
0x4c: {  	_ =	shalt  }
0x4d: {  	_ =	shalt  }
0x4e: {  	_ =	shalt  }
0x4f: {  	_ =	shalt  }
0x50: {  	_ =	shalt  }
0x51: {  	_ =	shalt  }
0x52: {  	_ =	shalt  }
0x53: {  	_ =	shalt  }
0x54: {  	_ =	shalt  }
0x55: {  	_ =	shalt  }
0x56: {  	_ =	shalt  }
0x57: {  	_ =	shalt  }
0x58: {  	_ =	shalt  }
0x59: {  	_ =	shalt  }
0x5a: {  	_ =	shalt  }
0x5b: {  	_ =	shalt  }
0x5c: {  	_ =	shalt  }
0x5d: {  	_ =	shalt  }
0x5e: {  	_ =	shalt  }
0x5f: {  	_ =	shalt  }
0x60: {  	_ =	shalt  }
0x61: {  	_ =	shalt  }
0x62: {  	_ =	shalt  }
0x63: {  	_ =	shalt  }
0x64: {  	_ =	shalt  }
0x65: {  	_ =	shalt  }
0x66: {  	_ =	shalt  }
0x67: {  	_ =	shalt  }
0x68: {  	_ =	shalt  }
0x69: {  	_ =	shalt  }
0x6a: {  	_ =	shalt  }
0x6b: {  	_ =	shalt  }
0x6c: {  	_ =	shalt  }
0x6d: {  	_ =	shalt  }
0x6e: {  	_ =	shalt  }
0x6f: {  	_ =	shalt  }
0x70: {  	_ =	shalt  }
0x71: {  	_ =	shalt  }
0x72: {  	_ =	shalt  }
0x73: {  	_ =	shalt  }
0x74: {  	_ =	shalt  }
0x75: {  	_ =	shalt  }
0x76: {  	_ =	shalt  }
0x77: {  	_ =	shalt  }
0x78: {  	_ =	shalt  }
0x79: {  	_ =	shalt  }
0x7a: {  	_ =	shalt  }
0x7b: {  	_ =	shalt  }
0x7c: {  	_ =	shalt  }
0x7d: {  	_ =	shalt  }
0x7e: {  	_ =	shalt  }
0x7f: {  	_ =	shalt  }
0x80: {  	_ =	shalt  }
0x81: {  	_ =	shalt  }
0x82: {  	_ =	shalt  }
0x83: {  	_ =	shalt  }
0x84: {  	_ =	shalt  }
0x85: {  	_ =	shalt  }
0x86: {  	_ =	shalt  }
0x87: {  	_ =	shalt  }
.Lfunc_end0:
.L_simem_size_0:
called_computation_lowered:
.L_overlay_start_0:
0x88: {  	s2 =	sld [smem:$0x3FD9]  }
0x89: {  	s3 =	sld [smem:$0x3FFE];
	_ =	sdelay $0x1  }
0x8a: {  	s1 =	srdreg.scid  }
0x8b: {  	s0 =	sand.u32 $0x1, s1  }
0x8c: {  	s17 =	sshll.u32 s0, $0xA;
	s2 =	sadd.s32 s3, s2  }
0x8d: {  	s2 =	sadd.s32 s2, s17  }
0x8e: {  	[smem:$0x3FBE] =	sst s2  }
0x8f: {  	_ = 	snop  }
0x90: {  	s2 =	sld [smem:$0x3FC9];
	(tm) =	ssettm $0x1  }
0x91: {  	s18 =	sld [smem:$0x3FFB];
	_ =	sdelay $0x3  }
0x92: {  	_ =	strace s18  }
0x93: {  	s3 =	sld [smem:$0x3FFC];
	_ =	sdelay $0x3  }
0x94: {  	_ =	strace s3  }
0x95: {  	s3 =	sld [smem:$0x3FFD];
	_ =	sdelay $0x3  }
0x96: {  	_ =	strace s3  }
0x97: {  	_ =	strace $0x8FFFFFFF  }
0x98: {  	s19 =	sld [smem:$0x3FDB];
	_ =	sdelay $0x1  }
0x99: {  	s4 =	simm.s32 $_scs_section_size  }
0x9a: {  	s5 =	simm.s32 $_size__tile_overlayer_lowered;
	s6 =	simm.s32 $_tile_overlayer_lowered  }
0x9b: {  	s22 =	simm.s32 $0x1BFF;
	s21 =	sshll.u32 s6, $0x1;
	s3 =	sadd.s32 s4, s19  }
0x9c: {  	s7 =	simm.s32 $0x0;
	s20 =	sshll.u32 s5, $0x1;
	s5 =	sadd.s32 s21, s3  }
0x9d: {  	[timem:s7], [sflag:s22] =	dma.local [hbm:s5], s20  }
0x9e: {  	_ =	swait.ge [sflag:s22], s20  }
0x9f: {  	s4 =	ssub.s32 $0x0, s20;
	[sflag:s22] =	ssyncset.done $0x0  }
0xa0: {  	[sflag:s22] =	ssyncadd.s32 s4;
	_ =	sdelay $0x1  }
0xa1: {  	s23 =	simm.s32 $0x1B8B  }
0xa2: {  	_ =	swait.ge [sflag:s23], $0x1  }
0xa3: {  	[sflag:s23] =	ssyncset.done $0x0  }
0xa4: {  	s25 =	simm.s32 $0x1B8E;
	s24 =	sld [smem:$0x3FFE];
	[sflag:s23] =	ssyncadd.s32 $0xFFFFFFFF  }
0xa5: {  	s26 =	simm.s32 $execute0_lowered;
	[smem:$0x3FD2] =	sst s25  }
0xa6: {  	s5 =	sshll.u32 s26, $0x1;
	_ =	strace $0x80000046;
	[dreg:$0x1] =	wrdreg $0xFFFFFFFF  }
0xa7: {  	s28 =	simm.s32 $_size_execute0_lowered;
	s3 =	sadd.s32 s3, s5;
	[dreg:$0x0] =	wrdreg $0x0  }
0xa8: {  	s5 =	sshll.u32 s28, $0x1;
	[dreg:$0x2] =	wrdreg s3  }
0xa9: {  	[dreg:$0x3] =	wrdreg s5  }
0xaa: {  	[dreg:$0x4] =	wrdreg $0xC0  }
0xab: {  	_ =	task [dreg:s7], $0x5FFFF  }
0xac: {  	[dreg:$0x1] =	wrdreg $0xFFFFFFFF  }
0xad: {  	[dreg:$0x0] =	wrdreg $0x60  }
0xae: {  	[dreg:$0x2] =	wrdreg s2  }
0xaf: {  	[dreg:$0x3] =	wrdreg s24  }
0xb0: {  	[dreg:$0x4] =	wrdreg $0x9  }
0xb1: {  	_ =	task.clear_ibuf [dreg:s7], $0x5FFFF;
	_ =	strace $0x90000046  }
0xb2: {  	s29 =	simm.s32 $0x9;
	_ =	strace $0x80000048  }
0xb3: {  	_ =	swait.ge [sflag:s29], $0x1  }
0xb4: {  	[sflag:s29] =	ssyncadd.s32 $0xFFFFFFFF  }
0xb5: {  	_ =	strace $0x90000048  }
0xb6: {  	_ =	sfence  }
0xb7: {  	s30 =	sld [smem:$0x0];
	_ =	sdelay $0x2  }
0xb8: {  	s31 =	sshll.u32 s1, $0xD;
	s1 =	sshrl.u32 s1, $0x2  }
0xb9: {  	s3 =	sand.u32 $0x4000, s31;
	s1 =	sadd.s32 s1, s30  }
0xba: {  	s0 =	sor.u32 s3, s0;
	s1 =	sshll.u32 s1, $0x11  }
0xbb: {  	s0 =	sor.u32 s1, s0  }
0xbc: {  	s0 =	sadd.s32 $0x8F2B, s0  }
0xbd: {  	[sflag:s0] =	ssyncadd.remote.s32 $0x1  }
0xbe: {  	_ =	sfence.sel $0xFFFF  }
0xbf: {  	[dreg:$0x0] =	wrdreg $0xFFFFFFFF;
	(pc) =	sbr.abs _section_cstart, $3  }
0xc0: {  	[dreg:$0x1] =	wrdreg $0xFFFFFFFF  }
0xc1: {  	_ =	task.clear_ibuf [dreg:s7], $0x2FFFF;
	_ =	strace $0x9FFFFFFF  }
0xc2: {  	(tm) =	ssettm $0x7FFFFFFF  }
0xc3: {  	_ =	shalt  }
tec
execute0_lowered:
.L_overlay_start_1:
0x0: {  	(tag) =	ssettag $0x1  }
0x1: {  	s4 =	rddreg [dreg:$0x0]  }
0x2: {  	s5 =	rddreg [dreg:$0x1]  }
0x3: {  	s0 =	rddreg [dreg:$0x2]  }
0x4: {  	s2 =	simm.s32 $0x0;
	s3 =	srdreg.scid;
	s1 =	stileid.u32  }
0x5: {  	s9 =	simm.s32 $0x200;
	s10 =	simm.s32 $0x600;
	s11 =	simm.s32 $0x280  }
0x6: {  	s12 =	simm.s32 $0x4600;
	s13 =	simm.s32 $0x300;
	s14 =	simm.s32 $0x8600  }
0x7: {  	s15 =	simm.s32 $0x380;
	s16 =	simm.s32 $0xC600;
	s17 =	simm.s32 $0x1  }
0x8: {  	s18 =	simm.s32 $0x1000;
	s19 =	simm.s32 $0x20000;
	s20 =	simm.s32 $0x10600  }
0x9: {  	v0 =	vlaneseq.u32;
	s21 =	simm.s32 $0x0;
	[smem:$0x7FF] =	sst s2;
	s3 =	sand.u32 $0x1, s3  }
0xa: {  	s6 =	sshll.u32 s1, $0xA;
	v0 =	vmul.u32 $0x80, v0;
	_ =	strace $0x80000047;
	s7 =	sshll.u32 s3, $0x9  }
0xb: {  	s8 =	ssub.s32 $0x2, s3;
	s3 =	sadd.s32 $0x1800, s5;
	s6 =	sor.u32 s7, s6  }
0xc: {  	s31 =	sshrl.u32 s8, $0x1;
	v1 =	vor.u32 $0x800, v0;
	s5 =	sadd.s32 s6, s5;
	s6 =	sshrl.u32 s6, $0x3  }
0xd: {  	v2 =	vor.u32 $0x1000, v0;
	v3 =	vor.u32 $0x1800, v0;
	v4 =	vor.u32 $0x2000, v0;
	s7 =	ssub.s32 s8, s31;
	s8 =	simm.s32 $0x80;
	s4 =	sadd.s32 s4, s6  }
0xe: {  	v5 =	vor.u32 $0x2800, v0;
	v6 =	vor.u32 $0x3000, v0;
	v7 =	vor.u32 $0x3800, v0;
	s5 =	sadd.s32 $0x3E1800, s5;
	s6 =	smax.u32 s7, $0x1;
	s7 =	simm.s32 $0x2  }
.LBB2_1:
0xf: {  	[tilespmem:s2], [sflag:$0x2] =	stream.linear.gather [hbm4b:s4+s2], $0x200, $0x38;
	[tilespmem:$0x14600] =	vst v63  }
0x10: {  	_ =	swait.ge [sflag:s7], $0x200  }
0x11: {  	[sflag:s7] =	ssyncset.done $0x0  }
0x12: {  	[sflag:s7] =	ssyncadd.s32 $0xFFFFFE00  }
0x13: {  	v8 =	vld [tilespmem:$0x0]  }
0x14: {  	v9 =	vld [tilespmem:$0x10];
	_ =	sdelay $0x1  }
0x15: {  	v10 =	vld [tilespmem:$0x20];
	_ =	sdelay $0x1  }
0x16: {  	v13 =	vld [tilespmem:$0x30];
	v11 =	vshra.s32 v8, $0x2;
	v12 =	vand.u32 $0x1FFF, v8;
	v8 =	vshrl.u32 v8, $0x8  }
0x17: {  	v61 =	vshra.s32 v9, $0x2;
	v11 =	vand.u32 $0xFFFFE000, v11;
	v8 =	vand.u32 $0x60, v8  }
0x18: {  	v14 =	vld [tilespmem:$0x40];
	v63 =	vand.u32 $0x1FFF, v9;
	v62 =	vand.u32 $0xFFFFE000, v61;
	v11 =	vor.u32 v12, v11;
	[tilespmem:$0x400] =	vst v8  }
0x19: {  	v9 =	vshrl.u32 v9, $0x8;
	v15 =	vshra.s32 v10, $0x2;
	v8 =	vor.u32 v63, v62;
	[tilespmem:$0x200] =	vst v11  }
0x1a: {  	v18 =	vld [tilespmem:$0x50];
	v17 =	vand.u32 $0x1FFF, v10;
	v16 =	vand.u32 $0xFFFFE000, v15;
	[tilespmem:$0x210] =	vst v8;
	v8 =	vand.u32 $0x60, v9  }
0x1b: {  	v19 =	vshrl.u32 v10, $0x8;
	v20 =	vshra.s32 v13, $0x2;
	[tilespmem:$0x410] =	vst v8;
	v8 =	vor.u32 v17, v16  }
0x1c: {  	v23 =	vld [tilespmem:$0x60];
	v22 =	vand.u32 $0x1FFF, v13;
	v21 =	vand.u32 $0xFFFFE000, v20;
	[tilespmem:$0x220] =	vst v8;
	v8 =	vand.u32 $0x60, v19  }
0x1d: {  	v24 =	vshrl.u32 v13, $0x8;
	v25 =	vshra.s32 v14, $0x2;
	[tilespmem:$0x420] =	vst v8;
	v8 =	vor.u32 v22, v21  }
0x1e: {  	v28 =	vld [tilespmem:$0x70];
	v27 =	vand.u32 $0x1FFF, v14;
	v26 =	vand.u32 $0xFFFFE000, v25;
	[tilespmem:$0x230] =	vst v8;
	v8 =	vand.u32 $0x60, v24  }
0x1f: {  	v29 =	vshrl.u32 v14, $0x8;
	v30 =	vshra.s32 v18, $0x2;
	[tilespmem:$0x430] =	vst v8;
	v8 =	vor.u32 v27, v26  }
0x20: {  	v33 =	vld [tilespmem:$0x80];
	v32 =	vand.u32 $0x1FFF, v18;
	v31 =	vand.u32 $0xFFFFE000, v30;
	[tilespmem:$0x240] =	vst v8;
	v8 =	vand.u32 $0x60, v29  }
0x21: {  	v34 =	vshrl.u32 v18, $0x8;
	v35 =	vshra.s32 v23, $0x2;
	[tilespmem:$0x440] =	vst v8;
	v8 =	vor.u32 v32, v31  }
0x22: {  	v38 =	vld [tilespmem:$0x90];
	v37 =	vand.u32 $0x1FFF, v23;
	v36 =	vand.u32 $0xFFFFE000, v35;
	[tilespmem:$0x250] =	vst v8;
	v8 =	vand.u32 $0x60, v34  }
0x23: {  	v39 =	vshrl.u32 v23, $0x8;
	v40 =	vshra.s32 v28, $0x2;
	[tilespmem:$0x450] =	vst v8;
	v8 =	vor.u32 v37, v36  }
0x24: {  	v43 =	vld [tilespmem:$0xA0];
	v42 =	vand.u32 $0x1FFF, v28;
	v41 =	vand.u32 $0xFFFFE000, v40;
	[tilespmem:$0x260] =	vst v8;
	v8 =	vand.u32 $0x60, v39  }
0x25: {  	v44 =	vshrl.u32 v28, $0x8;
	v45 =	vshra.s32 v33, $0x2;
	[tilespmem:$0x460] =	vst v8;
	v8 =	vor.u32 v42, v41  }
0x26: {  	v48 =	vld [tilespmem:$0xB0];
	v47 =	vand.u32 $0x1FFF, v33;
	v46 =	vand.u32 $0xFFFFE000, v45;
	[tilespmem:$0x270] =	vst v8;
	v8 =	vand.u32 $0x60, v44  }
0x27: {  	v49 =	vshrl.u32 v33, $0x8;
	v50 =	vshra.s32 v38, $0x2;
	[tilespmem:$0x470] =	vst v8;
	v8 =	vor.u32 v47, v46  }
0x28: {  	v53 =	vld [tilespmem:$0xC0];
	v52 =	vand.u32 $0x1FFF, v38;
	v51 =	vand.u32 $0xFFFFE000, v50;
	[tilespmem:$0x280] =	vst v8;
	v8 =	vand.u32 $0x60, v49  }
0x29: {  	v54 =	vshrl.u32 v38, $0x8;
	v55 =	vshra.s32 v43, $0x2;
	[tilespmem:$0x480] =	vst v8;
	v8 =	vor.u32 v52, v51  }
0x2a: {  	v58 =	vld [tilespmem:$0xD0];
	v57 =	vand.u32 $0x1FFF, v43;
	v56 =	vand.u32 $0xFFFFE000, v55;
	[tilespmem:$0x290] =	vst v8;
	v8 =	vand.u32 $0x60, v54  }
0x2b: {  	v59 =	vshrl.u32 v43, $0x8;
	v60 =	vshra.s32 v48, $0x2;
	[tilespmem:$0x490] =	vst v8;
	v8 =	vor.u32 v57, v56  }
0x2c: {  	v61 =	vand.u32 $0xFFFFE000, v60;
	v62 =	vand.u32 $0x1FFF, v48;
	v63 =	vld [tilespmem:$0xE0];
	[tilespmem:$0x2A0] =	vst v8;
	v8 =	vand.u32 $0x60, v59  }
0x2d: {  	v13 =	vshrl.u32 v48, $0x8;
	v15 =	vshra.s32 v53, $0x2;
	[tilespmem:$0x4A0] =	vst v8;
	v8 =	vor.u32 v62, v61  }
0x2e: {  	v18 =	vld [tilespmem:$0xF0];
	v16 =	vand.u32 $0xFFFFE000, v15;
	v17 =	vand.u32 $0x1FFF, v53;
	[tilespmem:$0x2B0] =	vst v8;
	v8 =	vand.u32 $0x60, v13  }
0x2f: {  	v20 =	vshra.s32 v58, $0x2;
	v19 =	vshrl.u32 v53, $0x8;
	[tilespmem:$0x4B0] =	vst v8;
	v8 =	vor.u32 v17, v16  }
0x30: {  	v23 =	vld [tilespmem:$0x100];
	v21 =	vand.u32 $0xFFFFE000, v20;
	v22 =	vand.u32 $0x1FFF, v58;
	[tilespmem:$0x2C0] =	vst v8;
	v8 =	vand.u32 $0x60, v19  }
0x31: {  	v24 =	vshrl.u32 v58, $0x8;
	v25 =	vshra.s32 v63, $0x2;
	[tilespmem:$0x4C0] =	vst v8;
	v8 =	vor.u32 v22, v21  }
0x32: {  	v28 =	vld [tilespmem:$0x110];
	v26 =	vand.u32 $0xFFFFE000, v25;
	v27 =	vand.u32 $0x1FFF, v63;
	[tilespmem:$0x2D0] =	vst v8;
	v8 =	vand.u32 $0x60, v24  }
0x33: {  	v30 =	vshra.s32 v18, $0x2;
	v29 =	vshrl.u32 v63, $0x8;
	[tilespmem:$0x4D0] =	vst v8;
	v8 =	vor.u32 v27, v26  }
0x34: {  	v33 =	vld [tilespmem:$0x120];
	v31 =	vand.u32 $0xFFFFE000, v30;
	v32 =	vand.u32 $0x1FFF, v18;
	[tilespmem:$0x2E0] =	vst v8;
	v8 =	vand.u32 $0x60, v29  }
0x35: {  	v35 =	vshra.s32 v23, $0x2;
	v34 =	vshrl.u32 v18, $0x8;
	[tilespmem:$0x4E0] =	vst v8;
	v8 =	vor.u32 v32, v31  }
0x36: {  	v38 =	vld [tilespmem:$0x130];
	v36 =	vand.u32 $0xFFFFE000, v35;
	v37 =	vand.u32 $0x1FFF, v23;
	[tilespmem:$0x2F0] =	vst v8;
	v8 =	vand.u32 $0x60, v34  }
0x37: {  	v40 =	vshra.s32 v28, $0x2;
	v39 =	vshrl.u32 v23, $0x8;
	[tilespmem:$0x4F0] =	vst v8;
	v8 =	vor.u32 v37, v36  }
0x38: {  	v43 =	vld [tilespmem:$0x140];
	v41 =	vand.u32 $0xFFFFE000, v40;
	v42 =	vand.u32 $0x1FFF, v28;
	[tilespmem:$0x300] =	vst v8;
	v8 =	vand.u32 $0x60, v39  }
0x39: {  	v45 =	vshra.s32 v33, $0x2;
	v44 =	vshrl.u32 v28, $0x8;
	[tilespmem:$0x500] =	vst v8;
	v8 =	vor.u32 v42, v41  }
0x3a: {  	v48 =	vld [tilespmem:$0x150];
	v46 =	vand.u32 $0xFFFFE000, v45;
	v47 =	vand.u32 $0x1FFF, v33;
	[tilespmem:$0x310] =	vst v8;
	v8 =	vand.u32 $0x60, v44  }
0x3b: {  	v50 =	vshra.s32 v38, $0x2;
	v49 =	vshrl.u32 v33, $0x8;
	[tilespmem:$0x510] =	vst v8;
	v8 =	vor.u32 v47, v46  }
0x3c: {  	v53 =	vld [tilespmem:$0x160];
	v51 =	vand.u32 $0xFFFFE000, v50;
	v52 =	vand.u32 $0x1FFF, v38;
	[tilespmem:$0x320] =	vst v8;
	v8 =	vand.u32 $0x60, v49  }
0x3d: {  	v55 =	vshra.s32 v43, $0x2;
	v54 =	vshrl.u32 v38, $0x8;
	[tilespmem:$0x520] =	vst v8;
	v8 =	vor.u32 v52, v51  }
0x3e: {  	v58 =	vld [tilespmem:$0x170];
	v56 =	vand.u32 $0xFFFFE000, v55;
	v57 =	vand.u32 $0x1FFF, v43;
	[tilespmem:$0x330] =	vst v8;
	v8 =	vand.u32 $0x60, v54  }
0x3f: {  	v60 =	vshra.s32 v48, $0x2;
	v59 =	vshrl.u32 v43, $0x8;
	[tilespmem:$0x530] =	vst v8;
	v8 =	vor.u32 v57, v56  }
0x40: {  	v63 =	vld [tilespmem:$0x180];
	v61 =	vand.u32 $0xFFFFE000, v60;
	v62 =	vand.u32 $0x1FFF, v48;
	[tilespmem:$0x340] =	vst v8;
	v8 =	vand.u32 $0x60, v59  }
0x41: {  	v16 =	vshrl.u32 v48, $0x8;
	v17 =	vshra.s32 v53, $0x2;
	[tilespmem:$0x540] =	vst v8;
	v8 =	vor.u32 v62, v61  }
0x42: {  	v20 =	vld [tilespmem:$0x190];
	v18 =	vand.u32 $0xFFFFE000, v17;
	v19 =	vand.u32 $0x1FFF, v53;
	[tilespmem:$0x350] =	vst v8;
	v8 =	vand.u32 $0x60, v16  }
0x43: {  	v21 =	vshrl.u32 v53, $0x8;
	v22 =	vshra.s32 v58, $0x2;
	[tilespmem:$0x550] =	vst v8;
	v8 =	vor.u32 v19, v18  }
0x44: {  	v25 =	vld [tilespmem:$0x1A0];
	v23 =	vand.u32 $0xFFFFE000, v22;
	v24 =	vand.u32 $0x1FFF, v58;
	[tilespmem:$0x360] =	vst v8;
	v8 =	vand.u32 $0x60, v21  }
0x45: {  	v26 =	vshrl.u32 v58, $0x8;
	v27 =	vshra.s32 v63, $0x2;
	[tilespmem:$0x560] =	vst v8;
	v8 =	vor.u32 v24, v23  }
0x46: {  	v30 =	vld [tilespmem:$0x1B0];
	v28 =	vand.u32 $0xFFFFE000, v27;
	v29 =	vand.u32 $0x1FFF, v63;
	[tilespmem:$0x370] =	vst v8;
	v8 =	vand.u32 $0x60, v26  }
0x47: {  	v31 =	vshrl.u32 v63, $0x8;
	v32 =	vshra.s32 v20, $0x2;
	[tilespmem:$0x570] =	vst v8;
	v8 =	vor.u32 v29, v28  }
0x48: {  	v35 =	vld [tilespmem:$0x1C0];
	v33 =	vand.u32 $0xFFFFE000, v32;
	v34 =	vand.u32 $0x1FFF, v20;
	[tilespmem:$0x380] =	vst v8;
	v8 =	vand.u32 $0x60, v31  }
0x49: {  	v36 =	vshrl.u32 v20, $0x8;
	v37 =	vshra.s32 v25, $0x2;
	[tilespmem:$0x580] =	vst v8;
	v8 =	vor.u32 v34, v33  }
0x4a: {  	v40 =	vld [tilespmem:$0x1D0];
	v38 =	vand.u32 $0xFFFFE000, v37;
	v39 =	vand.u32 $0x1FFF, v25;
	[tilespmem:$0x390] =	vst v8;
	v8 =	vand.u32 $0x60, v36  }
0x4b: {  	v41 =	vshrl.u32 v25, $0x8;
	v42 =	vshra.s32 v30, $0x2;
	[tilespmem:$0x590] =	vst v8;
	v8 =	vor.u32 v39, v38  }
0x4c: {  	v45 =	vld [tilespmem:$0x1E0];
	v43 =	vand.u32 $0xFFFFE000, v42;
	v44 =	vand.u32 $0x1FFF, v30;
	[tilespmem:$0x3A0] =	vst v8;
	v8 =	vand.u32 $0x60, v41  }
0x4d: {  	v46 =	vshrl.u32 v30, $0x8;
	v47 =	vshra.s32 v35, $0x2;
	[tilespmem:$0x5A0] =	vst v8;
	v8 =	vor.u32 v44, v43  }
0x4e: {  	v50 =	vld [tilespmem:$0x1F0];
	v48 =	vand.u32 $0xFFFFE000, v47;
	v49 =	vand.u32 $0x1FFF, v35;
	[tilespmem:$0x3B0] =	vst v8;
	v8 =	vand.u32 $0x60, v46  }
0x4f: {  	v51 =	vshrl.u32 v35, $0x8;
	v52 =	vshra.s32 v40, $0x2;
	[tilespmem:$0x5B0] =	vst v8;
	v8 =	vor.u32 v49, v48  }
0x50: {  	v53 =	vand.u32 $0xFFFFE000, v52;
	v54 =	vand.u32 $0x1FFF, v40;
	[tilespmem:$0x3C0] =	vst v8;
	v8 =	vand.u32 $0x60, v51  }
0x51: {  	v55 =	vshrl.u32 v40, $0x8;
	v56 =	vshra.s32 v45, $0x2;
	[tilespmem:$0x5C0] =	vst v8;
	v8 =	vor.u32 v54, v53  }
0x52: {  	v58 =	vand.u32 $0x1FFF, v45;
	v57 =	vand.u32 $0xFFFFE000, v56;
	[tilespmem:$0x3D0] =	vst v8;
	v8 =	vand.u32 $0x60, v55  }
0x53: {  	v60 =	vshra.s32 v50, $0x2;
	v59 =	vshrl.u32 v45, $0x8;
	[tilespmem:$0x5D0] =	vst v8;
	v8 =	vor.u32 v58, v57  }
0x54: {  	v61 =	vand.u32 $0xFFFFE000, v60;
	v62 =	vand.u32 $0x1FFF, v50;
	[tilespmem:$0x3E0] =	vst v8;
	v8 =	vand.u32 $0x60, v59  }
0x55: {  	v63 =	vshrl.u32 v50, $0x8;
	[tilespmem:$0x5E0] =	vst v8;
	v8 =	vor.u32 v62, v61  }
0x56: {  	[tilespmem:$0x3F0] =	vst v8;
	v8 =	vand.u32 $0x60, v63  }
0x57: {  	[tilespmem:$0x5F0] =	vst v8  }
0x58: {  	[tilespmem:s10], [sflag:$0x1] =	stream.indirect.gather [hbm4b:s3+s8], $0x80, s9, s8, $0xb8;
	[tilespmem:$0x14600] =	vst v63  }
0x59: {  	_ = 	snop  }
0x5a: {  	[tilespmem:s12], [sflag:$0x1] =	stream.indirect.gather [hbm4b:s3+s8], $0x80, s11, s8, $0xb8;
	[tilespmem:$0x14600] =	vst v63  }
0x5b: {  	_ = 	snop  }
0x5c: {  	[tilespmem:s14], [sflag:$0x1] =	stream.indirect.gather [hbm4b:s3+s8], $0x80, s13, s8, $0xb8;
	[tilespmem:$0x14600] =	vst v63  }
0x5d: {  	_ = 	snop  }
0x5e: {  	[tilespmem:s16], [sflag:$0x1] =	stream.indirect.gather [hbm4b:s3+s8], $0x80, s15, s8, $0xb8;
	[tilespmem:$0x14600] =	vst v63  }
0x5f: {  	_ =	swait.ge [sflag:s17], $0x4000  }
0x60: {  	s22 =	simm.s32 $0x0;
	[sflag:s17] =	ssyncset.done $0x0  }
0x61: {  	s23 =	simm.s32 $0x0;
	s24 =	simm.s32 $0x0;
	[sflag:s17] =	ssyncadd.s32 $0xFFFFC000  }
.LBB2_2:
0x62: {  	v8 =	vld [tilespmem:$0x400];
	_ =	sdelay $0x4  }
0x63: {  	v8 =	vadd.s32 s24, v8  }
0x64: {  	v8 =	vadd.s32 v0, v8;
	_ =	sdelay $0x4  }
0x65: {  	v8 =	vld.idx.msk [tilespmem:v8+s10+$0x0], $0xffff;
	_ =	sdelay $0x2  }
0x66: {  	s25 =	sand.u32 $0x3000, s22;
	s26 =	sand.u32 $0x380, s23  }
0x67: {  	s25 =	sor.u32 s26, s25  }
0x68: {  	[tilespmem:s25+$0x10600] =	vst v8  }
0x69: {  	v8 =	vld [tilespmem:$0x410];
	_ =	sdelay $0x4  }
0x6a: {  	v8 =	vadd.s32 s24, v8  }
0x6b: {  	v8 =	vadd.s32 v1, v8;
	_ =	sdelay $0x4  }
0x6c: {  	v8 =	vld.idx.msk [tilespmem:v8+s10+$0x0], $0xffff;
	_ =	sdelay $0x3  }
0x6d: {  	s25 =	sadd.s32 $0x10600, s25  }
0x6e: {  	[tilespmem:s25+$0x10] =	vst v8  }
0x6f: {  	v8 =	vld [tilespmem:$0x420];
	_ =	sdelay $0x4  }
0x70: {  	v8 =	vadd.s32 s24, v8  }
0x71: {  	v8 =	vadd.s32 v2, v8;
	_ =	sdelay $0x4  }
0x72: {  	v8 =	vld.idx.msk [tilespmem:v8+s10+$0x0], $0xffff;
	_ =	sdelay $0x4  }
0x73: {  	[tilespmem:s25+$0x20] =	vst v8  }
0x74: {  	v8 =	vld [tilespmem:$0x430];
	_ =	sdelay $0x4  }
0x75: {  	v8 =	vadd.s32 s24, v8  }
0x76: {  	v8 =	vadd.s32 v3, v8;
	_ =	sdelay $0x4  }
0x77: {  	v8 =	vld.idx.msk [tilespmem:v8+s10+$0x0], $0xffff;
	_ =	sdelay $0x4  }
0x78: {  	[tilespmem:s25+$0x30] =	vst v8  }
0x79: {  	v8 =	vld [tilespmem:$0x440];
	_ =	sdelay $0x4  }
0x7a: {  	v8 =	vadd.s32 s24, v8  }
0x7b: {  	v8 =	vadd.s32 v4, v8;
	_ =	sdelay $0x4  }
0x7c: {  	v8 =	vld.idx.msk [tilespmem:v8+s10+$0x0], $0xffff;
	_ =	sdelay $0x4  }
0x7d: {  	[tilespmem:s25+$0x40] =	vst v8  }
0x7e: {  	v8 =	vld [tilespmem:$0x450];
	_ =	sdelay $0x4  }
0x7f: {  	v8 =	vadd.s32 s24, v8  }
0x80: {  	v8 =	vadd.s32 v5, v8;
	_ =	sdelay $0x4  }
0x81: {  	v8 =	vld.idx.msk [tilespmem:v8+s10+$0x0], $0xffff;
	_ =	sdelay $0x4  }
0x82: {  	[tilespmem:s25+$0x50] =	vst v8  }
0x83: {  	v8 =	vld [tilespmem:$0x460];
	_ =	sdelay $0x4  }
0x84: {  	v8 =	vadd.s32 s24, v8  }
0x85: {  	v8 =	vadd.s32 v6, v8;
	_ =	sdelay $0x4  }
0x86: {  	v8 =	vld.idx.msk [tilespmem:v8+s10+$0x0], $0xffff;
	_ =	sdelay $0x4  }
0x87: {  	[tilespmem:s25+$0x60] =	vst v8  }
0x88: {  	v8 =	vld [tilespmem:$0x470];
	_ =	sdelay $0x4  }
0x89: {  	v8 =	vadd.s32 s24, v8  }
0x8a: {  	v8 =	vadd.s32 v7, v8;
	_ =	sdelay $0x4  }
0x8b: {  	p0 =	sne.s32 s24, $0x1F;
	v8 =	vld.idx.msk [tilespmem:v8+s10+$0x0], $0xffff  }
.Ltmp0:
0x8c: {  	_ = 	snop;
	(pc) =	sbr.rel @p0 .LBB2_2-.Ltmp0, $2  }
0x8d: {  	_ =	sdelay $0x2  }
0x8e: {  	s23 =	sadd.s32 $0x80, s23;
	s22 =	sadd.s32 $0x200, s22;
	s24 =	sadd.s32 $0x1, s24;
	[tilespmem:s25+$0x70] =	vst v8  }
0x8f: {  	_ =	swait.ge [sflag:s17], $0x4000  }
0x90: {  	s22 =	simm.s32 $0x0;
	[sflag:s17] =	ssyncset.done $0x0  }
0x91: {  	s23 =	simm.s32 $0x0;
	s24 =	simm.s32 $0x0;
	[sflag:s17] =	ssyncadd.s32 $0xFFFFC000  }
.LBB2_4:
0x92: {  	v8 =	vld [tilespmem:$0x480];
	_ =	sdelay $0x4  }
0x93: {  	v8 =	vadd.s32 s24, v8  }
0x94: {  	v8 =	vadd.s32 v0, v8;
	_ =	sdelay $0x4  }
0x95: {  	v8 =	vld.idx.msk [tilespmem:v8+s12+$0x0], $0xffff;
	_ =	sdelay $0x1  }
0x96: {  	s25 =	sand.u32 $0x3000, s22;
	s26 =	sand.u32 $0x380, s23  }
0x97: {  	s25 =	sor.u32 s26, s25  }
0x98: {  	s25 =	sadd.s32 $0x10600, s25  }
0x99: {  	[tilespmem:s25+$0x400] =	vst v8  }
0x9a: {  	v8 =	vld [tilespmem:$0x490];
	_ =	sdelay $0x4  }
0x9b: {  	v8 =	vadd.s32 s24, v8  }
0x9c: {  	v8 =	vadd.s32 v1, v8;
	_ =	sdelay $0x4  }
0x9d: {  	v8 =	vld.idx.msk [tilespmem:v8+s12+$0x0], $0xffff;
	_ =	sdelay $0x4  }
0x9e: {  	[tilespmem:s25+$0x410] =	vst v8  }
0x9f: {  	v8 =	vld [tilespmem:$0x4A0];
	_ =	sdelay $0x4  }
0xa0: {  	v8 =	vadd.s32 s24, v8  }
0xa1: {  	v8 =	vadd.s32 v2, v8;
	_ =	sdelay $0x4  }
0xa2: {  	v8 =	vld.idx.msk [tilespmem:v8+s12+$0x0], $0xffff;
	_ =	sdelay $0x4  }
0xa3: {  	[tilespmem:s25+$0x420] =	vst v8  }
0xa4: {  	v8 =	vld [tilespmem:$0x4B0];
	_ =	sdelay $0x4  }
0xa5: {  	v8 =	vadd.s32 s24, v8  }
0xa6: {  	v8 =	vadd.s32 v3, v8;
	_ =	sdelay $0x4  }
0xa7: {  	v8 =	vld.idx.msk [tilespmem:v8+s12+$0x0], $0xffff;
	_ =	sdelay $0x4  }
0xa8: {  	[tilespmem:s25+$0x430] =	vst v8  }
0xa9: {  	v8 =	vld [tilespmem:$0x4C0];
	_ =	sdelay $0x4  }
0xaa: {  	v8 =	vadd.s32 s24, v8  }
0xab: {  	v8 =	vadd.s32 v4, v8;
	_ =	sdelay $0x4  }
0xac: {  	v8 =	vld.idx.msk [tilespmem:v8+s12+$0x0], $0xffff;
	_ =	sdelay $0x4  }
0xad: {  	[tilespmem:s25+$0x440] =	vst v8  }
0xae: {  	v8 =	vld [tilespmem:$0x4D0];
	_ =	sdelay $0x4  }
0xaf: {  	v8 =	vadd.s32 s24, v8  }
0xb0: {  	v8 =	vadd.s32 v5, v8;
	_ =	sdelay $0x4  }
0xb1: {  	v8 =	vld.idx.msk [tilespmem:v8+s12+$0x0], $0xffff;
	_ =	sdelay $0x4  }
0xb2: {  	[tilespmem:s25+$0x450] =	vst v8  }
0xb3: {  	v8 =	vld [tilespmem:$0x4E0];
	_ =	sdelay $0x4  }
0xb4: {  	v8 =	vadd.s32 s24, v8  }
0xb5: {  	v8 =	vadd.s32 v6, v8;
	_ =	sdelay $0x4  }
0xb6: {  	v8 =	vld.idx.msk [tilespmem:v8+s12+$0x0], $0xffff;
	_ =	sdelay $0x4  }
0xb7: {  	[tilespmem:s25+$0x460] =	vst v8  }
0xb8: {  	v8 =	vld [tilespmem:$0x4F0];
	_ =	sdelay $0x4  }
0xb9: {  	v8 =	vadd.s32 s24, v8  }
0xba: {  	v8 =	vadd.s32 v7, v8;
	_ =	sdelay $0x4  }
0xbb: {  	p0 =	sne.s32 s24, $0x1F;
	v8 =	vld.idx.msk [tilespmem:v8+s12+$0x0], $0xffff  }
.Ltmp1:
0xbc: {  	_ = 	snop;
	(pc) =	sbr.rel @p0 .LBB2_4-.Ltmp1, $2  }
0xbd: {  	_ =	sdelay $0x2  }
0xbe: {  	s23 =	sadd.s32 $0x80, s23;
	s22 =	sadd.s32 $0x200, s22;
	s24 =	sadd.s32 $0x1, s24;
	[tilespmem:s25+$0x470] =	vst v8  }
0xbf: {  	_ =	swait.ge [sflag:s17], $0x4000  }
0xc0: {  	s22 =	simm.s32 $0x0;
	[sflag:s17] =	ssyncset.done $0x0  }
0xc1: {  	s23 =	simm.s32 $0x0;
	s24 =	simm.s32 $0x0;
	[sflag:s17] =	ssyncadd.s32 $0xFFFFC000  }
.LBB2_6:
0xc2: {  	v8 =	vld [tilespmem:$0x500];
	_ =	sdelay $0x4  }
0xc3: {  	v8 =	vadd.s32 s24, v8  }
0xc4: {  	v8 =	vadd.s32 v0, v8;
	_ =	sdelay $0x4  }
0xc5: {  	v8 =	vld.idx.msk [tilespmem:v8+s14+$0x0], $0xffff;
	_ =	sdelay $0x1  }
0xc6: {  	s25 =	sand.u32 $0x3000, s22;
	s26 =	sand.u32 $0x380, s23  }
0xc7: {  	s25 =	sor.u32 s26, s25  }
0xc8: {  	s25 =	sadd.s32 $0x10600, s25  }
0xc9: {  	[tilespmem:s25+$0x800] =	vst v8  }
0xca: {  	v8 =	vld [tilespmem:$0x510];
	_ =	sdelay $0x4  }
0xcb: {  	v8 =	vadd.s32 s24, v8  }
0xcc: {  	v8 =	vadd.s32 v1, v8;
	_ =	sdelay $0x4  }
0xcd: {  	v8 =	vld.idx.msk [tilespmem:v8+s14+$0x0], $0xffff;
	_ =	sdelay $0x4  }
0xce: {  	[tilespmem:s25+$0x810] =	vst v8  }
0xcf: {  	v8 =	vld [tilespmem:$0x520];
	_ =	sdelay $0x4  }
0xd0: {  	v8 =	vadd.s32 s24, v8  }
0xd1: {  	v8 =	vadd.s32 v2, v8;
	_ =	sdelay $0x4  }
0xd2: {  	v8 =	vld.idx.msk [tilespmem:v8+s14+$0x0], $0xffff;
	_ =	sdelay $0x4  }
0xd3: {  	[tilespmem:s25+$0x820] =	vst v8  }
0xd4: {  	v8 =	vld [tilespmem:$0x530];
	_ =	sdelay $0x4  }
0xd5: {  	v8 =	vadd.s32 s24, v8  }
0xd6: {  	v8 =	vadd.s32 v3, v8;
	_ =	sdelay $0x4  }
0xd7: {  	v8 =	vld.idx.msk [tilespmem:v8+s14+$0x0], $0xffff;
	_ =	sdelay $0x4  }
0xd8: {  	[tilespmem:s25+$0x830] =	vst v8  }
0xd9: {  	v8 =	vld [tilespmem:$0x540];
	_ =	sdelay $0x4  }
0xda: {  	v8 =	vadd.s32 s24, v8  }
0xdb: {  	v8 =	vadd.s32 v4, v8;
	_ =	sdelay $0x4  }
0xdc: {  	v8 =	vld.idx.msk [tilespmem:v8+s14+$0x0], $0xffff;
	_ =	sdelay $0x4  }
0xdd: {  	[tilespmem:s25+$0x840] =	vst v8  }
0xde: {  	v8 =	vld [tilespmem:$0x550];
	_ =	sdelay $0x4  }
0xdf: {  	v8 =	vadd.s32 s24, v8  }
0xe0: {  	v8 =	vadd.s32 v5, v8;
	_ =	sdelay $0x4  }
0xe1: {  	v8 =	vld.idx.msk [tilespmem:v8+s14+$0x0], $0xffff;
	_ =	sdelay $0x4  }
0xe2: {  	[tilespmem:s25+$0x850] =	vst v8  }
0xe3: {  	v8 =	vld [tilespmem:$0x560];
	_ =	sdelay $0x4  }
0xe4: {  	v8 =	vadd.s32 s24, v8  }
0xe5: {  	v8 =	vadd.s32 v6, v8;
	_ =	sdelay $0x4  }
0xe6: {  	v8 =	vld.idx.msk [tilespmem:v8+s14+$0x0], $0xffff;
	_ =	sdelay $0x4  }
0xe7: {  	[tilespmem:s25+$0x860] =	vst v8  }
0xe8: {  	v8 =	vld [tilespmem:$0x570];
	_ =	sdelay $0x4  }
0xe9: {  	v8 =	vadd.s32 s24, v8  }
0xea: {  	v8 =	vadd.s32 v7, v8;
	_ =	sdelay $0x4  }
0xeb: {  	p0 =	sne.s32 s24, $0x1F;
	v8 =	vld.idx.msk [tilespmem:v8+s14+$0x0], $0xffff  }
.Ltmp2:
0xec: {  	_ = 	snop;
	(pc) =	sbr.rel @p0 .LBB2_6-.Ltmp2, $2  }
0xed: {  	_ =	sdelay $0x2  }
0xee: {  	s23 =	sadd.s32 $0x80, s23;
	s22 =	sadd.s32 $0x200, s22;
	s24 =	sadd.s32 $0x1, s24;
	[tilespmem:s25+$0x870] =	vst v8  }
0xef: {  	_ =	swait.ge [sflag:s17], $0x4000  }
0xf0: {  	s22 =	simm.s32 $0x0;
	[sflag:s17] =	ssyncset.done $0x0  }
0xf1: {  	s23 =	simm.s32 $0x0;
	s24 =	simm.s32 $0x0;
	[sflag:s17] =	ssyncadd.s32 $0xFFFFC000  }
.LBB2_8:
0xf2: {  	v8 =	vld [tilespmem:$0x580];
	_ =	sdelay $0x4  }
0xf3: {  	v8 =	vadd.s32 s24, v8  }
0xf4: {  	v8 =	vadd.s32 v0, v8;
	_ =	sdelay $0x4  }
0xf5: {  	v8 =	vld.idx.msk [tilespmem:v8+s16+$0x0], $0xffff;
	_ =	sdelay $0x1  }
0xf6: {  	s25 =	sand.u32 $0x3000, s22;
	s26 =	sand.u32 $0x380, s23  }
0xf7: {  	s25 =	sor.u32 s26, s25  }
0xf8: {  	s25 =	sadd.s32 $0x10600, s25  }
0xf9: {  	[tilespmem:s25+$0xC00] =	vst v8  }
0xfa: {  	v8 =	vld [tilespmem:$0x590];
	_ =	sdelay $0x4  }
0xfb: {  	v8 =	vadd.s32 s24, v8  }
0xfc: {  	v8 =	vadd.s32 v1, v8;
	_ =	sdelay $0x4  }
0xfd: {  	v8 =	vld.idx.msk [tilespmem:v8+s16+$0x0], $0xffff;
	_ =	sdelay $0x4  }
0xfe: {  	[tilespmem:s25+$0xC10] =	vst v8  }
0xff: {  	v8 =	vld [tilespmem:$0x5A0];
	_ =	sdelay $0x4  }
0x100: {  	v8 =	vadd.s32 s24, v8  }
0x101: {  	v8 =	vadd.s32 v2, v8;
	_ =	sdelay $0x4  }
0x102: {  	v8 =	vld.idx.msk [tilespmem:v8+s16+$0x0], $0xffff;
	_ =	sdelay $0x4  }
0x103: {  	[tilespmem:s25+$0xC20] =	vst v8  }
0x104: {  	v8 =	vld [tilespmem:$0x5B0];
	_ =	sdelay $0x4  }
0x105: {  	v8 =	vadd.s32 s24, v8  }
0x106: {  	v8 =	vadd.s32 v3, v8;
	_ =	sdelay $0x4  }
0x107: {  	v8 =	vld.idx.msk [tilespmem:v8+s16+$0x0], $0xffff;
	_ =	sdelay $0x4  }
0x108: {  	[tilespmem:s25+$0xC30] =	vst v8  }
0x109: {  	v8 =	vld [tilespmem:$0x5C0];
	_ =	sdelay $0x4  }
0x10a: {  	v8 =	vadd.s32 s24, v8  }
0x10b: {  	v8 =	vadd.s32 v4, v8;
	_ =	sdelay $0x4  }
0x10c: {  	v8 =	vld.idx.msk [tilespmem:v8+s16+$0x0], $0xffff;
	_ =	sdelay $0x4  }
0x10d: {  	[tilespmem:s25+$0xC40] =	vst v8  }
0x10e: {  	v8 =	vld [tilespmem:$0x5D0];
	_ =	sdelay $0x4  }
0x10f: {  	v8 =	vadd.s32 s24, v8  }
0x110: {  	v8 =	vadd.s32 v5, v8;
	_ =	sdelay $0x4  }
0x111: {  	v8 =	vld.idx.msk [tilespmem:v8+s16+$0x0], $0xffff;
	_ =	sdelay $0x4  }
0x112: {  	[tilespmem:s25+$0xC50] =	vst v8  }
0x113: {  	v8 =	vld [tilespmem:$0x5E0];
	_ =	sdelay $0x4  }
0x114: {  	v8 =	vadd.s32 s24, v8  }
0x115: {  	v8 =	vadd.s32 v6, v8;
	_ =	sdelay $0x4  }
0x116: {  	v8 =	vld.idx.msk [tilespmem:v8+s16+$0x0], $0xffff;
	_ =	sdelay $0x4  }
0x117: {  	[tilespmem:s25+$0xC60] =	vst v8  }
0x118: {  	v8 =	vld [tilespmem:$0x5F0];
	_ =	sdelay $0x4  }
0x119: {  	v8 =	vadd.s32 s24, v8  }
0x11a: {  	v8 =	vadd.s32 v7, v8;
	_ =	sdelay $0x4  }
0x11b: {  	p0 =	sne.s32 s24, $0x1F;
	v8 =	vld.idx.msk [tilespmem:v8+s16+$0x0], $0xffff  }
.Ltmp3:
0x11c: {  	_ = 	snop;
	(pc) =	sbr.rel @p0 .LBB2_8-.Ltmp3, $2  }
0x11d: {  	_ =	sdelay $0x2  }
0x11e: {  	s23 =	sadd.s32 $0x80, s23;
	s22 =	sadd.s32 $0x200, s22;
	s24 =	sadd.s32 $0x1, s24;
	[tilespmem:s25+$0xC70] =	vst v8  }
0x11f: {  	s21 =	sadd.s32 $0x1, s21  }
0x120: {  	p0 =	sne.s32 s21, s6  }
.Ltmp4:
0x121: {  	_ = 	snop;
	(pc) =	sbr.rel @p0 .LBB2_1-.Ltmp4, $4  }
0x122: {  	[hbm4b:s5+s18] =	stream.strided.scatter [tilespmem:s20], [sflag:$0x2], $0x4000, s19, s18, $0x38;
	[tilespmem:$0x14600] =	vst v63  }
0x123: {  	_ =	swait.ge [sflag:s7], $0x4000  }
0x124: {  	[sflag:s7] =	ssyncset.done $0x0  }
0x125: {  	[sflag:s7] =	ssyncadd.s32 $0xFFFFC000  }
0x126: {  	_ =	sfence.sel $0x180000  }
0x127: {  	[bflag:$0x0] =	sbarrier.arrive $0xFFFF  }
0x128: {  	p0 =	sne.s32 s1, $0x0;
	_ =	strace $0x90000047  }
0x129: {  	s0 =	sadd.s32 @!p0 $0x100000, s0;
	[bflag:$0x2] =	sbarrier.arrive $0xFFFF  }
0x12a: {  	[sflag:s0] =	ssyncadd.tile.s32 @!p0 $0x1;
	_ =	shalt  }
.Lfunc_end2:
_tile_overlayer_lowered:
.L_overlay_start_2:
0x12b: {  	(tag) =	ssettag $0x2  }
0x12c: {  	s0 =	rddreg [dreg:$0x0];
	s2 =	stileid.u32  }
0x12d: {  	s1 =	rddreg [dreg:$0x1];
	p0 =	sne.s32 s2, $0x0  }
0x12e: {  	s3 =	rddreg [dreg:$0x2];
	[bflag:$0x3] =	sbarrier.arrive $0xFFFF;
	s2 =	simm.s32 @!p0 $0x1C02  }
0x12f: {  	[timem:s3], [sflag:s2] =	dma.local @!p0 [hbm:s0], s1  }
0x130: {  	s0 =	simm.s32 @!p0 $0x2  }
0x131: {  	_ =	swait.ge @!p0 [sflag:s0], s1  }
0x132: {  	s1 =	ssub.s32 @!p0 $0x0, s1;
	[sflag:s0] =	ssyncset.done @!p0 $0x0  }
0x133: {  	[sflag:s0] =	ssyncadd.s32 @!p0 s1  }
0x134: {  	[bflag:$0x3] =	sbarrier.arrive $0xFFFF  }
0x135: {  	_ =	shalt  }

</sc_bundles>
